<compile_context>
chip_gen: v7x
topology: tpu7x:2x2x1
jax: 0.10.2.dev20260603
libtpu: 0.0.44.dev20260713+nightly
codegen_flags: <defaults>
</compile_context>

<pallas_src>
import functools

import jax
import jax.numpy as jnp
from jax import lax
from jax.experimental import pallas as pl
from jax.experimental.pallas import tpu as pltpu
from jax.experimental.pallas import tpu_sc as plsc

_N = 10000
_E = 320000
_DIM = 32
_G = 128

_CB = 128
_NSUB = 16
_NCORE = 2
_NW = _NCORE * _NSUB
_CPW = 80
_NCHUNK = _CPW * _NW
_EPAD = _NCHUNK * _CB
_NPAD = 10112
_RPS = _NPAD // _NSUB

_BLK = 2000
_NB = _N // _BLK



def _sc_scatter_body(p_hbm, src_hbm, dst_hbm, ew_hbm, out_hbm,
                     acc, src_v, dst_v, ew_v, rows, zbuf, gsem):
    c = lax.axis_index("c")
    s = lax.axis_index("s")
    w = c * _NSUB + s

    pltpu.sync_copy(src_hbm.at[pl.ds(w * _CPW, _CPW)], src_v)
    pltpu.sync_copy(dst_hbm.at[pl.ds(w * _CPW, _CPW)], dst_v)
    pltpu.sync_copy(ew_hbm.at[pl.ds(w * _CPW, _CPW)], ew_v)

    zv = jnp.zeros((16,), jnp.float32)

    def zrow(i, carry):
        zbuf[i, pl.ds(0, 16)] = zv
        zbuf[i, pl.ds(16, 16)] = zv
        return carry

    lax.fori_loop(0, _RPS, zrow, 0)
    pltpu.sync_copy(zbuf, acc.at[pl.ds(s * _RPS, _RPS)])
    plsc.subcore_barrier()

    def chunk(k, carry):
        pltpu.async_copy(p_hbm.at[src_v.at[k]], rows, gsem).wait()

        def edges(g, carry2):
            ewv = ew_v[k, pl.ds(g * 16, 16)]
            base = g * 16
            for u in range(16):
                e = base + u
                wv = jnp.full((16,), ewv[u], jnp.float32)
                rows[e, pl.ds(0, 16)] = rows[e, pl.ds(0, 16)] * wv
                rows[e, pl.ds(16, 16)] = rows[e, pl.ds(16, 16)] * wv
            return carry2

        lax.fori_loop(0, _CB // 16, edges, 0)

        pltpu.sync_copy(rows, acc.at[dst_v.at[k]], add=True)
        return carry

    lax.fori_loop(0, _CPW, chunk, 0)

    plsc.subcore_barrier()
    pltpu.sync_copy(acc.at[pl.ds(s * _RPS, _RPS)],
                    out_hbm.at[c, pl.ds(s * _RPS, _RPS)])


@functools.partial(
    pl.kernel,
    out_type=jax.ShapeDtypeStruct((_NCORE, _NPAD, _DIM), jnp.float32),
    mesh=plsc.VectorSubcoreMesh(core_axis_name="c", subcore_axis_name="s"),
    scratch_types=[
        pltpu.VMEM_SHARED((_NPAD, _DIM), jnp.float32),
        pltpu.VMEM((_CPW, _CB), jnp.int32),
        pltpu.VMEM((_CPW, _CB), jnp.int32),
        pltpu.VMEM((_CPW, _CB), jnp.float32),
        pltpu.VMEM((_CB, _DIM), jnp.float32),
        pltpu.VMEM((_RPS, _DIM), jnp.float32),
        pltpu.SemaphoreType.DMA,
    ],
    compiler_params=pltpu.CompilerParams(use_tc_tiling_on_sc=False),
)
def _sc_scatter(p_hbm, src_hbm, dst_hbm, ew_hbm, out_hbm,
                acc, src_v, dst_v, ew_v, rows, zbuf, gsem):
    _sc_scatter_body(p_hbm, src_hbm, dst_hbm, ew_hbm, out_hbm,
                     acc, src_v, dst_v, ew_v, rows, zbuf, gsem)



def _mm_body(x_ref, w_ref, o_ref):
    o_ref[...] = jnp.dot(x_ref[...], w_ref[...],
                         preferred_element_type=jnp.float32)


def _mm(x, w):
    di, do = w.shape
    return pl.pallas_call(
        _mm_body,
        grid=(_NB,),
        in_specs=[pl.BlockSpec((_BLK, di), lambda i: (i, 0)),
                  pl.BlockSpec((di, do), lambda i: (0, 0))],
        out_specs=pl.BlockSpec((_BLK, do), lambda i: (i, 0)),
        out_shape=jax.ShapeDtypeStruct((_N, do), jnp.float32),
    )(x, w)


def _combine_body2(parts_ref, hprev_ref, wt_ref, br_ref, wn_ref,
                   h_ref, p_ref):
    agg = parts_ref[0] + parts_ref[1]
    h = jnp.maximum(
        agg + br_ref[...]
        + jnp.dot(hprev_ref[...], wt_ref[...],
                  preferred_element_type=jnp.float32), 0.0)
    h_ref[...] = h
    p_ref[...] = jnp.dot(h, wn_ref[...], preferred_element_type=jnp.float32)


def _combine_body1(parts_ref, hprev_ref, wt_ref, br_ref, h_ref):
    agg = parts_ref[0] + parts_ref[1]
    h_ref[...] = jnp.maximum(
        agg + br_ref[...]
        + jnp.dot(hprev_ref[...], wt_ref[...],
                  preferred_element_type=jnp.float32), 0.0)


def _combine(parts, hprev, wt, br, wn):
    di = hprev.shape[1]
    parts_spec = pl.BlockSpec((_NCORE, _BLK, _DIM), lambda i: (0, i, 0))
    hprev_spec = pl.BlockSpec((_BLK, di), lambda i: (i, 0))
    wt_spec = pl.BlockSpec((di, _DIM), lambda i: (0, 0))
    br_spec = pl.BlockSpec((1, _DIM), lambda i: (0, 0))
    out_spec = pl.BlockSpec((_BLK, _DIM), lambda i: (i, 0))
    h_shape = jax.ShapeDtypeStruct((_N, _DIM), jnp.float32)
    if wn is not None:
        return pl.pallas_call(
            _combine_body2,
            grid=(_NB,),
            in_specs=[parts_spec, hprev_spec, wt_spec, br_spec,
                      pl.BlockSpec((_DIM, _DIM), lambda i: (0, 0))],
            out_specs=(out_spec, out_spec),
            out_shape=(h_shape, h_shape),
        )(parts, hprev, wt, br, wn)
    return pl.pallas_call(
        _combine_body1,
        grid=(_NB,),
        in_specs=[parts_spec, hprev_spec, wt_spec, br_spec],
        out_specs=out_spec,
        out_shape=h_shape,
    )(parts, hprev, wt, br)


def _pool_head_body(b_ref, h1, h2, h3, h4, h5,
                    w1_ref, b1_ref, w2_ref, b2_ref, o_ref, acc_ref):
    i = pl.program_id(0)

    @pl.when(i == 0)
    def _():
        acc_ref[...] = jnp.zeros_like(acc_ref)

    ids = b_ref[...]
    gi = lax.broadcasted_iota(jnp.int32, (_BLK, _G), 1)
    onehot = jnp.where(ids == gi, 1.0, 0.0).astype(jnp.float32)
    for l, hr in enumerate((h1, h2, h3, h4, h5)):
        contrib = lax.dot_general(onehot, hr[...],
                                  (((0,), (0,)), ((), ())),
                                  preferred_element_type=jnp.float32)
        acc_ref[:, l * _DIM:(l + 1) * _DIM] += contrib

    @pl.when(i == _NB - 1)
    def _():
        pooled = acc_ref[...]
        hfc = jnp.maximum(
            jnp.dot(pooled, w1_ref[...],
                    preferred_element_type=jnp.float32) + b1_ref[...], 0.0)
        logits = jnp.dot(hfc, w2_ref[...],
                         preferred_element_type=jnp.float32) + b2_ref[...]
        m = jnp.max(logits, axis=-1, keepdims=True)
        lse = m + jnp.log(jnp.sum(jnp.exp(logits - m), axis=-1,
                                  keepdims=True))
        o_ref[...] = logits - lse


def _pool_head(batch2d, hs, w1, b1, w2, b2):
    h_spec = pl.BlockSpec((_BLK, _DIM), lambda i: (i, 0))
    return pl.pallas_call(
        _pool_head_body,
        grid=(_NB,),
        in_specs=[pl.BlockSpec((_BLK, 1), lambda i: (i, 0))]
        + [h_spec] * 5
        + [pl.BlockSpec((5 * _DIM, _DIM), lambda i: (0, 0)),
           pl.BlockSpec((1, _DIM), lambda i: (0, 0)),
           pl.BlockSpec((_DIM, 2), lambda i: (0, 0)),
           pl.BlockSpec((1, 2), lambda i: (0, 0))],
        out_specs=pl.BlockSpec((_G, 2), lambda i: (0, 0)),
        out_shape=jax.ShapeDtypeStruct((_G, 2), jnp.float32),
        scratch_shapes=[pltpu.VMEM((_G, 5 * _DIM), jnp.float32)],
    )(batch2d, *hs, w1, b1, w2, b2)



def kernel(x, edge_index, batch, edge_weight,
           W_rel1, b_rel1, W_root1, W_rel2, b_rel2, W_root2,
           W_rel3, b_rel3, W_root3, W_rel4, b_rel4, W_root4,
           W_rel5, b_rel5, W_root5, W_fc1, b_fc1, W_fc2, b_fc2):
    pad = _EPAD - _E
    fill = (jnp.arange(pad, dtype=jnp.int32) * 97) % _N
    src2d = jnp.concatenate([edge_index[0], fill]).reshape(_NCHUNK, _CB)
    dst2d = jnp.concatenate([edge_index[1], fill]).reshape(_NCHUNK, _CB)
    ew2d = jnp.concatenate(
        [edge_weight, jnp.zeros((pad,), jnp.float32)]).reshape(_NCHUNK, _CB)
    batch2d = batch.reshape(_N, 1)

    layers = [(W_rel1, b_rel1, W_root1), (W_rel2, b_rel2, W_root2),
              (W_rel3, b_rel3, W_root3), (W_rel4, b_rel4, W_root4),
              (W_rel5, b_rel5, W_root5)]

    h = x
    p = _mm(x, W_rel1)
    hs = []
    for l in range(5):
        _, br, wt = layers[l]
        parts = _sc_scatter(p, src2d, dst2d, ew2d)
        wn = layers[l + 1][0] if l < 4 else None
        if wn is not None:
            h, p = _combine(parts, h, wt, br.reshape(1, _DIM), wn)
        else:
            h = _combine(parts, h, wt, br.reshape(1, _DIM), None)
        hs.append(h)

    return _pool_head(batch2d, hs, W_fc1, b_fc1.reshape(1, _DIM),
                      W_fc2, b_fc2.reshape(1, 2))

# --- scband reference (transcript-rebuilt; emitter-appended) ---
"""Pipeline reference for scband-net1-36335423324472 (READ-ONLY COPY).

The authoritative reference and input builder live on the scoring server;
editing this copy changes nothing except your own understanding.
"""

import jax, jax.numpy as jnp
import numpy as np

N = 10000
E = 320000
FEAT = 128
DIM = 32
G = 128

def setup_inputs(seed: int = 0):
    key = jax.random.key(seed)
    inp = {}
    inp["x"] = jax.random.normal(jax.random.fold_in(key, 0), (N, FEAT), dtype=jnp.float32)
    inp["edge_index"] = jax.random.randint(jax.random.fold_in(key, 1), (2, E), 0, N, dtype=jnp.int32)
    inp["batch"] = jnp.sort(jax.random.randint(jax.random.fold_in(key, 2), (N,), 0, G, dtype=jnp.int32))
    inp["edge_weight"] = jax.random.uniform(jax.random.fold_in(key, 3), (E,), dtype=jnp.float32)
    dims = [(FEAT, DIM)] + [(DIM, DIM)] * 4
    for i, (di, do) in enumerate(dims):
        inp["W_rel%d" % (i + 1)] = jax.random.normal(jax.random.fold_in(key, 10 + i), (di, do), dtype=jnp.float32) * (1.0 / np.sqrt(di))
        inp["b_rel%d" % (i + 1)] = jnp.zeros((do,), dtype=jnp.float32)
        inp["W_root%d" % (i + 1)] = jax.random.normal(jax.random.fold_in(key, 20 + i), (di, do), dtype=jnp.float32) * (1.0 / np.sqrt(di))
    inp["W_fc1"] = jax.random.normal(jax.random.fold_in(key, 30), (5 * DIM, DIM), dtype=jnp.float32) * (1.0 / np.sqrt(5 * DIM))
    inp["b_fc1"] = jnp.zeros((DIM,), dtype=jnp.float32)
    inp["W_fc2"] = jax.random.normal(jax.random.fold_in(key, 31), (DIM, 2), dtype=jnp.float32) * (1.0 / np.sqrt(DIM))
    inp["b_fc2"] = jnp.zeros((2,), dtype=jnp.float32)
    return inp

def reference(x, edge_index, batch, edge_weight, W_rel1, b_rel1, W_root1, W_rel2, b_rel2, W_root2, W_rel3, b_rel3, W_root3, W_rel4, b_rel4, W_root4, W_rel5, b_rel5, W_root5, W_fc1, b_fc1, W_fc2, b_fc2):
    src = edge_index[0]
    dst = edge_index[1]
    def gconv(h, Wr, br, Wt):
        msg = h[src] * edge_weight[:, None]
        agg = jax.ops.segment_sum(msg, dst, num_segments=N)
        return agg @ Wr + br + h @ Wt
    params = [(W_rel1, b_rel1, W_root1), (W_rel2, b_rel2, W_root2), (W_rel3, b_rel3, W_root3), (W_rel4, b_rel4, W_root4), (W_rel5, b_rel5, W_root5)]
    xs = []
    h = x
    for (Wr, br, Wt) in params:
        h = jax.nn.relu(gconv(h, Wr, br, Wt))
        xs.append(h)
    hcat = jnp.concatenate(xs, axis=1)
    pooled = jax.ops.segment_sum(hcat, batch, num_segments=G)
    h = jax.nn.relu(pooled @ W_fc1 + b_fc1)
    h = h @ W_fc2 + b_fc2
    return jax.nn.log_softmax(h, axis=-1)

if __name__ == "__main__":
    import jax
    _d = setup_inputs()
    print(jax.jit(kernel)(*tuple(_d.values())))

</pallas_src>

<mosaic_0001>
#map = affine_map<(d0, d1) -> (0, 0)>
#map1 = affine_map<(d0, d1) -> (0, 0, 0)>
module attributes {stable_mosaic.version = 14 : i64} {
  func.func @_sc_scatter(%arg0: i32, %arg1: i32, %arg2: memref<10000x32xf32, #tpu.memory_space<hbm>>, %arg3: memref<2560x128xi32, #tpu.memory_space<hbm>>, %arg4: memref<2560x128xi32, #tpu.memory_space<hbm>>, %arg5: memref<2560x128xf32, #tpu.memory_space<hbm>>, %arg6: memref<2x10112x32xf32, #tpu.memory_space<hbm>>, %arg7: memref<10112x32xf32, #tpu.memory_space<vmem_shared>>, %arg8: memref<80x128xi32, #tpu.memory_space<vmem>>, %arg9: memref<80x128xi32, #tpu.memory_space<vmem>>, %arg10: memref<80x128xf32, #tpu.memory_space<vmem>>, %arg11: memref<128x32xf32, #tpu.memory_space<vmem>>, %arg12: memref<632x32xf32, #tpu.memory_space<vmem>>, %arg13: memref<!tpu.dma_semaphore, #tpu.memory_space<semaphore_mem>>) attributes {dimension_semantics = [#tpu.dimension_semantics<core_parallel>, #tpu.dimension_semantics<subcore_parallel>], iteration_bounds = array<i64: 2, 16>, scalar_prefetch = 0 : i64, scratch_operands = 7 : i64, tpu.core_type = #tpu.core_type<sc_vector_subcore>, window_params = [{transform_indices = #map}, {transform_indices = #map}, {transform_indices = #map}, {transform_indices = #map}, {transform_indices = #map1}]} {
    %mul3A = arith.constant 16 : i32
    %mul3A_0 = arith.muli %arg0, %mul3A : i32
    %add3A = arith.addi %mul3A_0, %arg1 : i32
    %mul3A_1 = arith.constant 80 : i32
    %mul3A_2 = arith.muli %add3A, %mul3A_1 : i32
    "tpu.region"() ({
      %run_scoped3A = tpu.sem_alloc : memref<!tpu.dma_semaphore, #tpu.memory_space<semaphore_mem>>
      %dma_start3A = arith.constant 0 : i32
      %dma_start3A_26 = tpu.memref_slice %arg3[%mul3A_2, %dma_start3A] : memref<2560x128xi32, #tpu.memory_space<hbm>> -> memref<80x128xi32, #tpu.memory_space<hbm>>
      %dma_start3A_27 = arith.constant 0 : i32
      %dma_start3A_28 = tpu.memref_slice %arg3[%mul3A_2, %dma_start3A_27] : memref<2560x128xi32, #tpu.memory_space<hbm>> -> memref<80x128xi32, #tpu.memory_space<hbm>>
      tpu.enqueue_dma source(%dma_start3A_28 : memref<80x128xi32, #tpu.memory_space<hbm>>) target(%arg8 : memref<80x128xi32, #tpu.memory_space<vmem>>) target_semaphore(%run_scoped3A : memref<!tpu.dma_semaphore, #tpu.memory_space<semaphore_mem>>)
      %dma_wait3A = arith.constant 0 : i32
      %dma_wait3A_29 = tpu.memref_slice %arg3[%mul3A_2, %dma_wait3A] : memref<2560x128xi32, #tpu.memory_space<hbm>> -> memref<80x128xi32, #tpu.memory_space<hbm>>
      %dma_wait3A_30 = arith.constant 0 : i32
      %dma_wait3A_31 = tpu.memref_slice %arg3[%mul3A_2, %dma_wait3A_30] : memref<2560x128xi32, #tpu.memory_space<hbm>> -> memref<80x128xi32, #tpu.memory_space<hbm>>
      tpu.wait_dma2 semaphore(%run_scoped3A : memref<!tpu.dma_semaphore, #tpu.memory_space<semaphore_mem>>) src(%dma_wait3A_31 : memref<80x128xi32, #tpu.memory_space<hbm>>) dst(%arg8 : memref<80x128xi32, #tpu.memory_space<vmem>>)
      tpu.yield
    }) : () -> ()
    %mul3A_3 = arith.constant 80 : i32
    %mul3A_4 = arith.muli %add3A, %mul3A_3 : i32
    "tpu.region"() ({
      %run_scoped3A = tpu.sem_alloc : memref<!tpu.dma_semaphore, #tpu.memory_space<semaphore_mem>>
      %dma_start3A = arith.constant 0 : i32
      %dma_start3A_26 = tpu.memref_slice %arg4[%mul3A_4, %dma_start3A] : memref<2560x128xi32, #tpu.memory_space<hbm>> -> memref<80x128xi32, #tpu.memory_space<hbm>>
      %dma_start3A_27 = arith.constant 0 : i32
      %dma_start3A_28 = tpu.memref_slice %arg4[%mul3A_4, %dma_start3A_27] : memref<2560x128xi32, #tpu.memory_space<hbm>> -> memref<80x128xi32, #tpu.memory_space<hbm>>
      tpu.enqueue_dma source(%dma_start3A_28 : memref<80x128xi32, #tpu.memory_space<hbm>>) target(%arg9 : memref<80x128xi32, #tpu.memory_space<vmem>>) target_semaphore(%run_scoped3A : memref<!tpu.dma_semaphore, #tpu.memory_space<semaphore_mem>>)
      %dma_wait3A = arith.constant 0 : i32
      %dma_wait3A_29 = tpu.memref_slice %arg4[%mul3A_4, %dma_wait3A] : memref<2560x128xi32, #tpu.memory_space<hbm>> -> memref<80x128xi32, #tpu.memory_space<hbm>>
      %dma_wait3A_30 = arith.constant 0 : i32
      %dma_wait3A_31 = tpu.memref_slice %arg4[%mul3A_4, %dma_wait3A_30] : memref<2560x128xi32, #tpu.memory_space<hbm>> -> memref<80x128xi32, #tpu.memory_space<hbm>>
      tpu.wait_dma2 semaphore(%run_scoped3A : memref<!tpu.dma_semaphore, #tpu.memory_space<semaphore_mem>>) src(%dma_wait3A_31 : memref<80x128xi32, #tpu.memory_space<hbm>>) dst(%arg9 : memref<80x128xi32, #tpu.memory_space<vmem>>)
      tpu.yield
    }) : () -> ()
    %mul3A_5 = arith.constant 80 : i32
    %mul3A_6 = arith.muli %add3A, %mul3A_5 : i32
    "tpu.region"() ({
      %run_scoped3A = tpu.sem_alloc : memref<!tpu.dma_semaphore, #tpu.memory_space<semaphore_mem>>
      %dma_start3A = arith.constant 0 : i32
      %dma_start3A_26 = tpu.memref_slice %arg5[%mul3A_6, %dma_start3A] : memref<2560x128xf32, #tpu.memory_space<hbm>> -> memref<80x128xf32, #tpu.memory_space<hbm>>
      %dma_start3A_27 = arith.constant 0 : i32
      %dma_start3A_28 = tpu.memref_slice %arg5[%mul3A_6, %dma_start3A_27] : memref<2560x128xf32, #tpu.memory_space<hbm>> -> memref<80x128xf32, #tpu.memory_space<hbm>>
      tpu.enqueue_dma source(%dma_start3A_28 : memref<80x128xf32, #tpu.memory_space<hbm>>) target(%arg10 : memref<80x128xf32, #tpu.memory_space<vmem>>) target_semaphore(%run_scoped3A : memref<!tpu.dma_semaphore, #tpu.memory_space<semaphore_mem>>)
      %dma_wait3A = arith.constant 0 : i32
      %dma_wait3A_29 = tpu.memref_slice %arg5[%mul3A_6, %dma_wait3A] : memref<2560x128xf32, #tpu.memory_space<hbm>> -> memref<80x128xf32, #tpu.memory_space<hbm>>
      %dma_wait3A_30 = arith.constant 0 : i32
      %dma_wait3A_31 = tpu.memref_slice %arg5[%mul3A_6, %dma_wait3A_30] : memref<2560x128xf32, #tpu.memory_space<hbm>> -> memref<80x128xf32, #tpu.memory_space<hbm>>
      tpu.wait_dma2 semaphore(%run_scoped3A : memref<!tpu.dma_semaphore, #tpu.memory_space<semaphore_mem>>) src(%dma_wait3A_31 : memref<80x128xf32, #tpu.memory_space<hbm>>) dst(%arg10 : memref<80x128xf32, #tpu.memory_space<vmem>>)
      tpu.yield
    }) : () -> ()
    %broadcast_in_dim3A = arith.constant 0.000000e+00 : f32
    %broadcast_in_dim3A_7 = vector.broadcast %broadcast_in_dim3A : f32 to vector<16xf32>
    %scan3A = arith.constant 0 : i32
    %scan3A_8 = arith.constant 0 : i32
    %scan3A_9 = arith.constant 632 : i32
    %scan3A_10 = arith.addi %scan3A_8, %scan3A_9 : i32
    %scan3A_11 = arith.constant 1 : i32
    scf.for %scan3A_26 = %scan3A_8 to %scan3A_10 step %scan3A_11  : i32 {
      %swap3A = arith.index_cast %scan3A_26 : i32 to index
      %swap3A_27 = arith.constant 0 : index
      %swap3A_28 = tpu.vector_load %arg12[%swap3A, %swap3A_27] {strides = array<i32>} : memref<632x32xf32, #tpu.memory_space<vmem>>, vector<1x16xf32>,
      %swap3A_29 = vector.shape_cast %swap3A_28 : vector<1x16xf32> to vector<16xf32>
      %swap3A_30 = vector.shape_cast %broadcast_in_dim3A_7 : vector<16xf32> to vector<1x16xf32>
      tpu.vector_store %arg12[%swap3A, %swap3A_27], %swap3A_30 {strides = array<i32>} : memref<632x32xf32, #tpu.memory_space<vmem>>, vector<1x16xf32>,
      %swap3A_31 = arith.index_cast %scan3A_26 : i32 to index
      %swap3A_32 = arith.constant 16 : index
      %swap3A_33 = tpu.vector_load %arg12[%swap3A_31, %swap3A_32] {strides = array<i32>} : memref<632x32xf32, #tpu.memory_space<vmem>>, vector<1x16xf32>,
      %swap3A_34 = vector.shape_cast %swap3A_33 : vector<1x16xf32> to vector<16xf32>
      %swap3A_35 = vector.shape_cast %broadcast_in_dim3A_7 : vector<16xf32> to vector<1x16xf32>
      tpu.vector_store %arg12[%swap3A_31, %swap3A_32], %swap3A_35 {strides = array<i32>} : memref<632x32xf32, #tpu.memory_space<vmem>>, vector<1x16xf32>,
    }
    %scan3A_12 = arith.constant 632 : i32
    %mul3A_13 = arith.constant 632 : i32
    %mul3A_14 = arith.muli %arg1, %mul3A_13 : i32
    "tpu.region"() ({
      %run_scoped3A = tpu.sem_alloc : memref<!tpu.dma_semaphore, #tpu.memory_space<semaphore_mem>>
      %dma_start3A = arith.constant 0 : i32
      %dma_start3A_26 = tpu.memref_slice %arg7[%mul3A_14, %dma_start3A] : memref<10112x32xf32, #tpu.memory_space<vmem_shared>> -> memref<632x32xf32, #tpu.memory_space<vmem_shared>>
      %dma_start3A_27 = arith.constant 0 : i32
      %dma_start3A_28 = tpu.memref_slice %arg7[%mul3A_14, %dma_start3A_27] : memref<10112x32xf32, #tpu.memory_space<vmem_shared>> -> memref<632x32xf32, #tpu.memory_space<vmem_shared>>
      tpu.enqueue_dma source(%arg12 : memref<632x32xf32, #tpu.memory_space<vmem>>) target(%dma_start3A_28 : memref<632x32xf32, #tpu.memory_space<vmem_shared>>) target_semaphore(%run_scoped3A : memref<!tpu.dma_semaphore, #tpu.memory_space<semaphore_mem>>)
      %dma_wait3A = arith.constant 0 : i32
      %dma_wait3A_29 = tpu.memref_slice %arg7[%mul3A_14, %dma_wait3A] : memref<10112x32xf32, #tpu.memory_space<vmem_shared>> -> memref<632x32xf32, #tpu.memory_space<vmem_shared>>
      %dma_wait3A_30 = arith.constant 0 : i32
      %dma_wait3A_31 = tpu.memref_slice %arg7[%mul3A_14, %dma_wait3A_30] : memref<10112x32xf32, #tpu.memory_space<vmem_shared>> -> memref<632x32xf32, #tpu.memory_space<vmem_shared>>
      tpu.wait_dma2 semaphore(%run_scoped3A : memref<!tpu.dma_semaphore, #tpu.memory_space<semaphore_mem>>) src(%arg12 : memref<632x32xf32, #tpu.memory_space<vmem>>) dst(%dma_wait3A_31 : memref<632x32xf32, #tpu.memory_space<vmem_shared>>)
      tpu.yield
    }) : () -> ()
    %barrier3A = arith.constant 0 : index
    tpu.barrier barrier_id(%barrier3A)
    %scan3A_15 = arith.constant 0 : i32
    %scan3A_16 = arith.constant 0 : i32
    %scan3A_17 = arith.constant 80 : i32
    %scan3A_18 = arith.addi %scan3A_16, %scan3A_17 : i32
    %scan3A_19 = arith.constant 1 : i32
    scf.for %scan3A_26 = %scan3A_16 to %scan3A_18 step %scan3A_19  : i32 {
      %dma_start3A = arith.constant 0 : i32
      %dma_start3A_27 = tpu.memref_slice %arg8[%scan3A_26, %dma_start3A] : memref<80x128xi32, #tpu.memory_space<vmem>> -> memref<1x128xi32, #tpu.memory_space<vmem>>
      %dma_start3A_28 = tpu.memref_squeeze %dma_start3A_27 : memref<1x128xi32, #tpu.memory_space<vmem>> -> memref<128xi32, #tpu.memory_space<vmem>>
      %dma_start3A_29 = arith.constant 0 : i32
      %dma_start3A_30 = arith.constant 0 : i32
      %dma_start3A_31 = tpu.memref_slice %arg2[%dma_start3A_29, %dma_start3A_30] : memref<10000x32xf32, #tpu.memory_space<hbm>> -> memref<10000x32xf32, #tpu.memory_space<hbm>>
      tpu.enqueue_indirect_dma source(%dma_start3A_31 : memref<10000x32xf32, #tpu.memory_space<hbm>>) target(%arg11 : memref<128x32xf32, #tpu.memory_space<vmem>>) offsets(%dma_start3A_28 : memref<128xi32, #tpu.memory_space<vmem>>) semaphore(%arg13 : memref<!tpu.dma_semaphore, #tpu.memory_space<semaphore_mem>>)
      %dma_wait3A = arith.constant 0 : i32
      %dma_wait3A_32 = tpu.memref_slice %arg8[%scan3A_26, %dma_wait3A] : memref<80x128xi32, #tpu.memory_space<vmem>> -> memref<1x128xi32, #tpu.memory_space<vmem>>
      %dma_wait3A_33 = tpu.memref_squeeze %dma_wait3A_32 : memref<1x128xi32, #tpu.memory_space<vmem>> -> memref<128xi32, #tpu.memory_space<vmem>>
      %dma_wait3A_34 = arith.constant 0 : i32
      %dma_wait3A_35 = arith.constant 0 : i32
      %dma_wait3A_36 = tpu.memref_slice %arg2[%dma_wait3A_34, %dma_wait3A_35] : memref<10000x32xf32, #tpu.memory_space<hbm>> -> memref<10000x32xf32, #tpu.memory_space<hbm>>
      tpu.wait_indirect_dma semaphore(%arg13 : memref<!tpu.dma_semaphore, #tpu.memory_space<semaphore_mem>>) src(%dma_wait3A_36 : memref<10000x32xf32, #tpu.memory_space<hbm>>) dst(%arg11 : memref<128x32xf32, #tpu.memory_space<vmem>>)
      %scan3A_37 = arith.constant 0 : i32
      %scan3A_38 = arith.constant 0 : i32
      %scan3A_39 = arith.constant 8 : i32
      %scan3A_40 = arith.addi %scan3A_38, %scan3A_39 : i32
      %scan3A_41 = arith.constant 1 : i32
      scf.for %scan3A_43 = %scan3A_38 to %scan3A_40 step %scan3A_41  : i32 {
        %mul3A_44 = arith.constant 16 : i32
        %mul3A_45 = arith.muli %scan3A_43, %mul3A_44 : i32
        %get3A = arith.index_cast %scan3A_26 : i32 to index
        %get3A_46 = arith.index_cast %mul3A_45 : i32 to index
        %get3A_47 = tpu.vector_load %arg10[%get3A, %get3A_46] {strides = array<i32>} : memref<80x128xf32, #tpu.memory_space<vmem>>, vector<1x16xf32>,
        %get3A_48 = vector.shape_cast %get3A_47 : vector<1x16xf32> to vector<16xf32>
        %mul3A_49 = arith.constant 16 : i32
        %mul3A_50 = arith.muli %scan3A_43, %mul3A_49 : i32
        %add3A_51 = arith.constant 0 : i32
        %add3A_52 = arith.addi %mul3A_50, %add3A_51 : i32
        %slice3A = vector.extract_strided_slice %get3A_48 {offsets = [0], sizes = [1], strides = [1]} : vector<16xf32> to vector<1xf32>
        %squeeze3A = vector.extract %slice3A[0] : f32 from vector<1xf32>
        %broadcast_in_dim3A_53 = vector.broadcast %squeeze3A : f32 to vector<16xf32>
        %get3A_54 = arith.index_cast %add3A_52 : i32 to index
        %get3A_55 = arith.constant 0 : index
        %get3A_56 = tpu.vector_load %arg11[%get3A_54, %get3A_55] {strides = array<i32>} : memref<128x32xf32, #tpu.memory_space<vmem>>, vector<1x16xf32>,
        %get3A_57 = vector.shape_cast %get3A_56 : vector<1x16xf32> to vector<16xf32>
        %mul3A_58 = arith.mulf %get3A_57, %broadcast_in_dim3A_53 : vector<16xf32>
        %swap3A = arith.index_cast %add3A_52 : i32 to index
        %swap3A_59 = arith.constant 0 : index
        %swap3A_60 = tpu.vector_load %arg11[%swap3A, %swap3A_59] {strides = array<i32>} : memref<128x32xf32, #tpu.memory_space<vmem>>, vector<1x16xf32>,
        %swap3A_61 = vector.shape_cast %swap3A_60 : vector<1x16xf32> to vector<16xf32>
        %swap3A_62 = vector.shape_cast %mul3A_58 : vector<16xf32> to vector<1x16xf32>
        tpu.vector_store %arg11[%swap3A, %swap3A_59], %swap3A_62 {strides = array<i32>} : memref<128x32xf32, #tpu.memory_space<vmem>>, vector<1x16xf32>,
        %get3A_63 = arith.index_cast %add3A_52 : i32 to index
        %get3A_64 = arith.constant 16 : index
        %get3A_65 = tpu.vector_load %arg11[%get3A_63, %get3A_64] {strides = array<i32>} : memref<128x32xf32, #tpu.memory_space<vmem>>, vector<1x16xf32>,
        %get3A_66 = vector.shape_cast %get3A_65 : vector<1x16xf32> to vector<16xf32>
        %mul3A_67 = arith.mulf %get3A_66, %broadcast_in_dim3A_53 : vector<16xf32>
        %swap3A_68 = arith.index_cast %add3A_52 : i32 to index
        %swap3A_69 = arith.constant 16 : index
        %swap3A_70 = tpu.vector_load %arg11[%swap3A_68, %swap3A_69] {strides = array<i32>} : memref<128x32xf32, #tpu.memory_space<vmem>>, vector<1x16xf32>,
        %swap3A_71 = vector.shape_cast %swap3A_70 : vector<1x16xf32> to vector<16xf32>
        %swap3A_72 = vector.shape_cast %mul3A_67 : vector<16xf32> to vector<1x16xf32>
        tpu.vector_store %arg11[%swap3A_68, %swap3A_69], %swap3A_72 {strides = array<i32>} : memref<128x32xf32, #tpu.memory_space<vmem>>, vector<1x16xf32>,
        %add3A_73 = arith.constant 1 : i32
        %add3A_74 = arith.addi %mul3A_50, %add3A_73 : i32
        %slice3A_75 = vector.extract_strided_slice %get3A_48 {offsets = [1], sizes = [1], strides = [1]} : vector<16xf32> to vector<1xf32>
        %squeeze3A_76 = vector.extract %slice3A_75[0] : f32 from vector<1xf32>
        %broadcast_in_dim3A_77 = vector.broadcast %squeeze3A_76 : f32 to vector<16xf32>
        %get3A_78 = arith.index_cast %add3A_74 : i32 to index
        %get3A_79 = arith.constant 0 : index
        %get3A_80 = tpu.vector_load %arg11[%get3A_78, %get3A_79] {strides = array<i32>} : memref<128x32xf32, #tpu.memory_space<vmem>>, vector<1x16xf32>,
        %get3A_81 = vector.shape_cast %get3A_80 : vector<1x16xf32> to vector<16xf32>
        %mul3A_82 = arith.mulf %get3A_81, %broadcast_in_dim3A_77 : vector<16xf32>
        %swap3A_83 = arith.index_cast %add3A_74 : i32 to index
        %swap3A_84 = arith.constant 0 : index
        %swap3A_85 = tpu.vector_load %arg11[%swap3A_83, %swap3A_84] {strides = array<i32>} : memref<128x32xf32, #tpu.memory_space<vmem>>, vector<1x16xf32>,
        %swap3A_86 = vector.shape_cast %swap3A_85 : vector<1x16xf32> to vector<16xf32>
        %swap3A_87 = vector.shape_cast %mul3A_82 : vector<16xf32> to vector<1x16xf32>
        tpu.vector_store %arg11[%swap3A_83, %swap3A_84], %swap3A_87 {strides = array<i32>} : memref<128x32xf32, #tpu.memory_space<vmem>>, vector<1x16xf32>,
        %get3A_88 = arith.index_cast %add3A_74 : i32 to index
        %get3A_89 = arith.constant 16 : index
        %get3A_90 = tpu.vector_load %arg11[%get3A_88, %get3A_89] {strides = array<i32>} : memref<128x32xf32, #tpu.memory_space<vmem>>, vector<1x16xf32>,
        %get3A_91 = vector.shape_cast %get3A_90 : vector<1x16xf32> to vector<16xf32>
        %mul3A_92 = arith.mulf %get3A_91, %broadcast_in_dim3A_77 : vector<16xf32>
        %swap3A_93 = arith.index_cast %add3A_74 : i32 to index
        %swap3A_94 = arith.constant 16 : index
        %swap3A_95 = tpu.vector_load %arg11[%swap3A_93, %swap3A_94] {strides = array<i32>} : memref<128x32xf32, #tpu.memory_space<vmem>>, vector<1x16xf32>,
        %swap3A_96 = vector.shape_cast %swap3A_95 : vector<1x16xf32> to vector<16xf32>
        %swap3A_97 = vector.shape_cast %mul3A_92 : vector<16xf32> to vector<1x16xf32>
        tpu.vector_store %arg11[%swap3A_93, %swap3A_94], %swap3A_97 {strides = array<i32>} : memref<128x32xf32, #tpu.memory_space<vmem>>, vector<1x16xf32>,
        %add3A_98 = arith.constant 2 : i32
        %add3A_99 = arith.addi %mul3A_50, %add3A_98 : i32
        %slice3A_100 = vector.extract_strided_slice %get3A_48 {offsets = [2], sizes = [1], strides = [1]} : vector<16xf32> to vector<1xf32>
        %squeeze3A_101 = vector.extract %slice3A_100[0] : f32 from vector<1xf32>
        %broadcast_in_dim3A_102 = vector.broadcast %squeeze3A_101 : f32 to vector<16xf32>
        %get3A_103 = arith.index_cast %add3A_99 : i32 to index
        %get3A_104 = arith.constant 0 : index
        %get3A_105 = tpu.vector_load %arg11[%get3A_103, %get3A_104] {strides = array<i32>} : memref<128x32xf32, #tpu.memory_space<vmem>>, vector<1x16xf32>,
        %get3A_106 = vector.shape_cast %get3A_105 : vector<1x16xf32> to vector<16xf32>
        %mul3A_107 = arith.mulf %get3A_106, %broadcast_in_dim3A_102 : vector<16xf32>
        %swap3A_108 = arith.index_cast %add3A_99 : i32 to index
        %swap3A_109 = arith.constant 0 : index
        %swap3A_110 = tpu.vector_load %arg11[%swap3A_108, %swap3A_109] {strides = array<i32>} : memref<128x32xf32, #tpu.memory_space<vmem>>, vector<1x16xf32>,
        %swap3A_111 = vector.shape_cast %swap3A_110 : vector<1x16xf32> to vector<16xf32>
        %swap3A_112 = vector.shape_cast %mul3A_107 : vector<16xf32> to vector<1x16xf32>
        tpu.vector_store %arg11[%swap3A_108, %swap3A_109], %swap3A_112 {strides = array<i32>} : memref<128x32xf32, #tpu.memory_space<vmem>>, vector<1x16xf32>,
        %get3A_113 = arith.index_cast %add3A_99 : i32 to index
        %get3A_114 = arith.constant 16 : index
        %get3A_115 = tpu.vector_load %arg11[%get3A_113, %get3A_114] {strides = array<i32>} : memref<128x32xf32, #tpu.memory_space<vmem>>, vector<1x16xf32>,
        %get3A_116 = vector.shape_cast %get3A_115 : vector<1x16xf32> to vector<16xf32>
        %mul3A_117 = arith.mulf %get3A_116, %broadcast_in_dim3A_102 : vector<16xf32>
        %swap3A_118 = arith.index_cast %add3A_99 : i32 to index
        %swap3A_119 = arith.constant 16 : index
        %swap3A_120 = tpu.vector_load %arg11[%swap3A_118, %swap3A_119] {strides = array<i32>} : memref<128x32xf32, #tpu.memory_space<vmem>>, vector<1x16xf32>,
        %swap3A_121 = vector.shape_cast %swap3A_120 : vector<1x16xf32> to vector<16xf32>
        %swap3A_122 = vector.shape_cast %mul3A_117 : vector<16xf32> to vector<1x16xf32>
        tpu.vector_store %arg11[%swap3A_118, %swap3A_119], %swap3A_122 {strides = array<i32>} : memref<128x32xf32, #tpu.memory_space<vmem>>, vector<1x16xf32>,
        %add3A_123 = arith.constant 3 : i32
        %add3A_124 = arith.addi %mul3A_50, %add3A_123 : i32
        %slice3A_125 = vector.extract_strided_slice %get3A_48 {offsets = [3], sizes = [1], strides = [1]} : vector<16xf32> to vector<1xf32>
        %squeeze3A_126 = vector.extract %slice3A_125[0] : f32 from vector<1xf32>
        %broadcast_in_dim3A_127 = vector.broadcast %squeeze3A_126 : f32 to vector<16xf32>
        %get3A_128 = arith.index_cast %add3A_124 : i32 to index
        %get3A_129 = arith.constant 0 : index
        %get3A_130 = tpu.vector_load %arg11[%get3A_128, %get3A_129] {strides = array<i32>} : memref<128x32xf32, #tpu.memory_space<vmem>>, vector<1x16xf32>,
        %get3A_131 = vector.shape_cast %get3A_130 : vector<1x16xf32> to vector<16xf32>
        %mul3A_132 = arith.mulf %get3A_131, %broadcast_in_dim3A_127 : vector<16xf32>
        %swap3A_133 = arith.index_cast %add3A_124 : i32 to index
        %swap3A_134 = arith.constant 0 : index
        %swap3A_135 = tpu.vector_load %arg11[%swap3A_133, %swap3A_134] {strides = array<i32>} : memref<128x32xf32, #tpu.memory_space<vmem>>, vector<1x16xf32>,
        %swap3A_136 = vector.shape_cast %swap3A_135 : vector<1x16xf32> to vector<16xf32>
        %swap3A_137 = vector.shape_cast %mul3A_132 : vector<16xf32> to vector<1x16xf32>
        tpu.vector_store %arg11[%swap3A_133, %swap3A_134], %swap3A_137 {strides = array<i32>} : memref<128x32xf32, #tpu.memory_space<vmem>>, vector<1x16xf32>,
        %get3A_138 = arith.index_cast %add3A_124 : i32 to index
        %get3A_139 = arith.constant 16 : index
        %get3A_140 = tpu.vector_load %arg11[%get3A_138, %get3A_139] {strides = array<i32>} : memref<128x32xf32, #tpu.memory_space<vmem>>, vector<1x16xf32>,
        %get3A_141 = vector.shape_cast %get3A_140 : vector<1x16xf32> to vector<16xf32>
        %mul3A_142 = arith.mulf %get3A_141, %broadcast_in_dim3A_127 : vector<16xf32>
        %swap3A_143 = arith.index_cast %add3A_124 : i32 to index
        %swap3A_144 = arith.constant 16 : index
        %swap3A_145 = tpu.vector_load %arg11[%swap3A_143, %swap3A_144] {strides = array<i32>} : memref<128x32xf32, #tpu.memory_space<vmem>>, vector<1x16xf32>,
        %swap3A_146 = vector.shape_cast %swap3A_145 : vector<1x16xf32> to vector<16xf32>
        %swap3A_147 = vector.shape_cast %mul3A_142 : vector<16xf32> to vector<1x16xf32>
        tpu.vector_store %arg11[%swap3A_143, %swap3A_144], %swap3A_147 {strides = array<i32>} : memref<128x32xf32, #tpu.memory_space<vmem>>, vector<1x16xf32>,
        %add3A_148 = arith.constant 4 : i32
        %add3A_149 = arith.addi %mul3A_50, %add3A_148 : i32
        %slice3A_150 = vector.extract_strided_slice %get3A_48 {offsets = [4], sizes = [1], strides = [1]} : vector<16xf32> to vector<1xf32>
        %squeeze3A_151 = vector.extract %slice3A_150[0] : f32 from vector<1xf32>
        %broadcast_in_dim3A_152 = vector.broadcast %squeeze3A_151 : f32 to vector<16xf32>
        %get3A_153 = arith.index_cast %add3A_149 : i32 to index
        %get3A_154 = arith.constant 0 : index
        %get3A_155 = tpu.vector_load %arg11[%get3A_153, %get3A_154] {strides = array<i32>} : memref<128x32xf32, #tpu.memory_space<vmem>>, vector<1x16xf32>,
        %get3A_156 = vector.shape_cast %get3A_155 : vector<1x16xf32> to vector<16xf32>
        %mul3A_157 = arith.mulf %get3A_156, %broadcast_in_dim3A_152 : vector<16xf32>
        %swap3A_158 = arith.index_cast %add3A_149 : i32 to index
        %swap3A_159 = arith.constant 0 : index
        %swap3A_160 = tpu.vector_load %arg11[%swap3A_158, %swap3A_159] {strides = array<i32>} : memref<128x32xf32, #tpu.memory_space<vmem>>, vector<1x16xf32>,
        %swap3A_161 = vector.shape_cast %swap3A_160 : vector<1x16xf32> to vector<16xf32>
        %swap3A_162 = vector.shape_cast %mul3A_157 : vector<16xf32> to vector<1x16xf32>
        tpu.vector_store %arg11[%swap3A_158, %swap3A_159], %swap3A_162 {strides = array<i32>} : memref<128x32xf32, #tpu.memory_space<vmem>>, vector<1x16xf32>,
        %get3A_163 = arith.index_cast %add3A_149 : i32 to index
        %get3A_164 = arith.constant 16 : index
        %get3A_165 = tpu.vector_load %arg11[%get3A_163, %get3A_164] {strides = array<i32>} : memref<128x32xf32, #tpu.memory_space<vmem>>, vector<1x16xf32>,
        %get3A_166 = vector.shape_cast %get3A_165 : vector<1x16xf32> to vector<16xf32>
        %mul3A_167 = arith.mulf %get3A_166, %broadcast_in_dim3A_152 : vector<16xf32>
        %swap3A_168 = arith.index_cast %add3A_149 : i32 to index
        %swap3A_169 = arith.constant 16 : index
        %swap3A_170 = tpu.vector_load %arg11[%swap3A_168, %swap3A_169] {strides = array<i32>} : memref<128x32xf32, #tpu.memory_space<vmem>>, vector<1x16xf32>,
        %swap3A_171 = vector.shape_cast %swap3A_170 : vector<1x16xf32> to vector<16xf32>
        %swap3A_172 = vector.shape_cast %mul3A_167 : vector<16xf32> to vector<1x16xf32>
        tpu.vector_store %arg11[%swap3A_168, %swap3A_169], %swap3A_172 {strides = array<i32>} : memref<128x32xf32, #tpu.memory_space<vmem>>, vector<1x16xf32>,
        %add3A_173 = arith.constant 5 : i32
        %add3A_174 = arith.addi %mul3A_50, %add3A_173 : i32
        %slice3A_175 = vector.extract_strided_slice %get3A_48 {offsets = [5], sizes = [1], strides = [1]} : vector<16xf32> to vector<1xf32>
        %squeeze3A_176 = vector.extract %slice3A_175[0] : f32 from vector<1xf32>
        %broadcast_in_dim3A_177 = vector.broadcast %squeeze3A_176 : f32 to vector<16xf32>
        %get3A_178 = arith.index_cast %add3A_174 : i32 to index
        %get3A_179 = arith.constant 0 : index
        %get3A_180 = tpu.vector_load %arg11[%get3A_178, %get3A_179] {strides = array<i32>} : memref<128x32xf32, #tpu.memory_space<vmem>>, vector<1x16xf32>,
        %get3A_181 = vector.shape_cast %get3A_180 : vector<1x16xf32> to vector<16xf32>
        %mul3A_182 = arith.mulf %get3A_181, %broadcast_in_dim3A_177 : vector<16xf32>
        %swap3A_183 = arith.index_cast %add3A_174 : i32 to index
        %swap3A_184 = arith.constant 0 : index
        %swap3A_185 = tpu.vector_load %arg11[%swap3A_183, %swap3A_184] {strides = array<i32>} : memref<128x32xf32, #tpu.memory_space<vmem>>, vector<1x16xf32>,
        %swap3A_186 = vector.shape_cast %swap3A_185 : vector<1x16xf32> to vector<16xf32>
        %swap3A_187 = vector.shape_cast %mul3A_182 : vector<16xf32> to vector<1x16xf32>
        tpu.vector_store %arg11[%swap3A_183, %swap3A_184], %swap3A_187 {strides = array<i32>} : memref<128x32xf32, #tpu.memory_space<vmem>>, vector<1x16xf32>,
        %get3A_188 = arith.index_cast %add3A_174 : i32 to index
        %get3A_189 = arith.constant 16 : index
        %get3A_190 = tpu.vector_load %arg11[%get3A_188, %get3A_189] {strides = array<i32>} : memref<128x32xf32, #tpu.memory_space<vmem>>, vector<1x16xf32>,
        %get3A_191 = vector.shape_cast %get3A_190 : vector<1x16xf32> to vector<16xf32>
        %mul3A_192 = arith.mulf %get3A_191, %broadcast_in_dim3A_177 : vector<16xf32>
        %swap3A_193 = arith.index_cast %add3A_174 : i32 to index
        %swap3A_194 = arith.constant 16 : index
        %swap3A_195 = tpu.vector_load %arg11[%swap3A_193, %swap3A_194] {strides = array<i32>} : memref<128x32xf32, #tpu.memory_space<vmem>>, vector<1x16xf32>,
        %swap3A_196 = vector.shape_cast %swap3A_195 : vector<1x16xf32> to vector<16xf32>
        %swap3A_197 = vector.shape_cast %mul3A_192 : vector<16xf32> to vector<1x16xf32>
        tpu.vector_store %arg11[%swap3A_193, %swap3A_194], %swap3A_197 {strides = array<i32>} : memref<128x32xf32, #tpu.memory_space<vmem>>, vector<1x16xf32>,
        %add3A_198 = arith.constant 6 : i32
        %add3A_199 = arith.addi %mul3A_50, %add3A_198 : i32
        %slice3A_200 = vector.extract_strided_slice %get3A_48 {offsets = [6], sizes = [1], strides = [1]} : vector<16xf32> to vector<1xf32>
        %squeeze3A_201 = vector.extract %slice3A_200[0] : f32 from vector<1xf32>
        %broadcast_in_dim3A_202 = vector.broadcast %squeeze3A_201 : f32 to vector<16xf32>
        %get3A_203 = arith.index_cast %add3A_199 : i32 to index
        %get3A_204 = arith.constant 0 : index
        %get3A_205 = tpu.vector_load %arg11[%get3A_203, %get3A_204] {strides = array<i32>} : memref<128x32xf32, #tpu.memory_space<vmem>>, vector<1x16xf32>,
        %get3A_206 = vector.shape_cast %get3A_205 : vector<1x16xf32> to vector<16xf32>
        %mul3A_207 = arith.mulf %get3A_206, %broadcast_in_dim3A_202 : vector<16xf32>
        %swap3A_208 = arith.index_cast %add3A_199 : i32 to index
        %swap3A_209 = arith.constant 0 : index
        %swap3A_210 = tpu.vector_load %arg11[%swap3A_208, %swap3A_209] {strides = array<i32>} : memref<128x32xf32, #tpu.memory_space<vmem>>, vector<1x16xf32>,
        %swap3A_211 = vector.shape_cast %swap3A_210 : vector<1x16xf32> to vector<16xf32>
        %swap3A_212 = vector.shape_cast %mul3A_207 : vector<16xf32> to vector<1x16xf32>
        tpu.vector_store %arg11[%swap3A_208, %swap3A_209], %swap3A_212 {strides = array<i32>} : memref<128x32xf32, #tpu.memory_space<vmem>>, vector<1x16xf32>,
        %get3A_213 = arith.index_cast %add3A_199 : i32 to index
        %get3A_214 = arith.constant 16 : index
        %get3A_215 = tpu.vector_load %arg11[%get3A_213, %get3A_214] {strides = array<i32>} : memref<128x32xf32, #tpu.memory_space<vmem>>, vector<1x16xf32>,
        %get3A_216 = vector.shape_cast %get3A_215 : vector<1x16xf32> to vector<16xf32>
        %mul3A_217 = arith.mulf %get3A_216, %broadcast_in_dim3A_202 : vector<16xf32>
        %swap3A_218 = arith.index_cast %add3A_199 : i32 to index
        %swap3A_219 = arith.constant 16 : index
        %swap3A_220 = tpu.vector_load %arg11[%swap3A_218, %swap3A_219] {strides = array<i32>} : memref<128x32xf32, #tpu.memory_space<vmem>>, vector<1x16xf32>,
        %swap3A_221 = vector.shape_cast %swap3A_220 : vector<1x16xf32> to vector<16xf32>
        %swap3A_222 = vector.shape_cast %mul3A_217 : vector<16xf32> to vector<1x16xf32>
        tpu.vector_store %arg11[%swap3A_218, %swap3A_219], %swap3A_222 {strides = array<i32>} : memref<128x32xf32, #tpu.memory_space<vmem>>, vector<1x16xf32>,
        %add3A_223 = arith.constant 7 : i32
        %add3A_224 = arith.addi %mul3A_50, %add3A_223 : i32
        %slice3A_225 = vector.extract_strided_slice %get3A_48 {offsets = [7], sizes = [1], strides = [1]} : vector<16xf32> to vector<1xf32>
        %squeeze3A_226 = vector.extract %slice3A_225[0] : f32 from vector<1xf32>
        %broadcast_in_dim3A_227 = vector.broadcast %squeeze3A_226 : f32 to vector<16xf32>
        %get3A_228 = arith.index_cast %add3A_224 : i32 to index
        %get3A_229 = arith.constant 0 : index
        %get3A_230 = tpu.vector_load %arg11[%get3A_228, %get3A_229] {strides = array<i32>} : memref<128x32xf32, #tpu.memory_space<vmem>>, vector<1x16xf32>,
        %get3A_231 = vector.shape_cast %get3A_230 : vector<1x16xf32> to vector<16xf32>
        %mul3A_232 = arith.mulf %get3A_231, %broadcast_in_dim3A_227 : vector<16xf32>
        %swap3A_233 = arith.index_cast %add3A_224 : i32 to index
        %swap3A_234 = arith.constant 0 : index
        %swap3A_235 = tpu.vector_load %arg11[%swap3A_233, %swap3A_234] {strides = array<i32>} : memref<128x32xf32, #tpu.memory_space<vmem>>, vector<1x16xf32>,
        %swap3A_236 = vector.shape_cast %swap3A_235 : vector<1x16xf32> to vector<16xf32>
        %swap3A_237 = vector.shape_cast %mul3A_232 : vector<16xf32> to vector<1x16xf32>
        tpu.vector_store %arg11[%swap3A_233, %swap3A_234], %swap3A_237 {strides = array<i32>} : memref<128x32xf32, #tpu.memory_space<vmem>>, vector<1x16xf32>,
        %get3A_238 = arith.index_cast %add3A_224 : i32 to index
        %get3A_239 = arith.constant 16 : index
        %get3A_240 = tpu.vector_load %arg11[%get3A_238, %get3A_239] {strides = array<i32>} : memref<128x32xf32, #tpu.memory_space<vmem>>, vector<1x16xf32>,
        %get3A_241 = vector.shape_cast %get3A_240 : vector<1x16xf32> to vector<16xf32>
        %mul3A_242 = arith.mulf %get3A_241, %broadcast_in_dim3A_227 : vector<16xf32>
        %swap3A_243 = arith.index_cast %add3A_224 : i32 to index
        %swap3A_244 = arith.constant 16 : index
        %swap3A_245 = tpu.vector_load %arg11[%swap3A_243, %swap3A_244] {strides = array<i32>} : memref<128x32xf32, #tpu.memory_space<vmem>>, vector<1x16xf32>,
        %swap3A_246 = vector.shape_cast %swap3A_245 : vector<1x16xf32> to vector<16xf32>
        %swap3A_247 = vector.shape_cast %mul3A_242 : vector<16xf32> to vector<1x16xf32>
        tpu.vector_store %arg11[%swap3A_243, %swap3A_244], %swap3A_247 {strides = array<i32>} : memref<128x32xf32, #tpu.memory_space<vmem>>, vector<1x16xf32>,
        %add3A_248 = arith.constant 8 : i32
        %add3A_249 = arith.addi %mul3A_50, %add3A_248 : i32
        %slice3A_250 = vector.extract_strided_slice %get3A_48 {offsets = [8], sizes = [1], strides = [1]} : vector<16xf32> to vector<1xf32>
        %squeeze3A_251 = vector.extract %slice3A_250[0] : f32 from vector<1xf32>
        %broadcast_in_dim3A_252 = vector.broadcast %squeeze3A_251 : f32 to vector<16xf32>
        %get3A_253 = arith.index_cast %add3A_249 : i32 to index
        %get3A_254 = arith.constant 0 : index
        %get3A_255 = tpu.vector_load %arg11[%get3A_253, %get3A_254] {strides = array<i32>} : memref<128x32xf32, #tpu.memory_space<vmem>>, vector<1x16xf32>,
        %get3A_256 = vector.shape_cast %get3A_255 : vector<1x16xf32> to vector<16xf32>
        %mul3A_257 = arith.mulf %get3A_256, %broadcast_in_dim3A_252 : vector<16xf32>
        %swap3A_258 = arith.index_cast %add3A_249 : i32 to index
        %swap3A_259 = arith.constant 0 : index
        %swap3A_260 = tpu.vector_load %arg11[%swap3A_258, %swap3A_259] {strides = array<i32>} : memref<128x32xf32, #tpu.memory_space<vmem>>, vector<1x16xf32>,
        %swap3A_261 = vector.shape_cast %swap3A_260 : vector<1x16xf32> to vector<16xf32>
        %swap3A_262 = vector.shape_cast %mul3A_257 : vector<16xf32> to vector<1x16xf32>
        tpu.vector_store %arg11[%swap3A_258, %swap3A_259], %swap3A_262 {strides = array<i32>} : memref<128x32xf32, #tpu.memory_space<vmem>>, vector<1x16xf32>,
        %get3A_263 = arith.index_cast %add3A_249 : i32 to index
        %get3A_264 = arith.constant 16 : index
        %get3A_265 = tpu.vector_load %arg11[%get3A_263, %get3A_264] {strides = array<i32>} : memref<128x32xf32, #tpu.memory_space<vmem>>, vector<1x16xf32>,
        %get3A_266 = vector.shape_cast %get3A_265 : vector<1x16xf32> to vector<16xf32>
        %mul3A_267 = arith.mulf %get3A_266, %broadcast_in_dim3A_252 : vector<16xf32>
        %swap3A_268 = arith.index_cast %add3A_249 : i32 to index
        %swap3A_269 = arith.constant 16 : index
        %swap3A_270 = tpu.vector_load %arg11[%swap3A_268, %swap3A_269] {strides = array<i32>} : memref<128x32xf32, #tpu.memory_space<vmem>>, vector<1x16xf32>,
        %swap3A_271 = vector.shape_cast %swap3A_270 : vector<1x16xf32> to vector<16xf32>
        %swap3A_272 = vector.shape_cast %mul3A_267 : vector<16xf32> to vector<1x16xf32>
        tpu.vector_store %arg11[%swap3A_268, %swap3A_269], %swap3A_272 {strides = array<i32>} : memref<128x32xf32, #tpu.memory_space<vmem>>, vector<1x16xf32>,
        %add3A_273 = arith.constant 9 : i32
        %add3A_274 = arith.addi %mul3A_50, %add3A_273 : i32
        %slice3A_275 = vector.extract_strided_slice %get3A_48 {offsets = [9], sizes = [1], strides = [1]} : vector<16xf32> to vector<1xf32>
        %squeeze3A_276 = vector.extract %slice3A_275[0] : f32 from vector<1xf32>
        %broadcast_in_dim3A_277 = vector.broadcast %squeeze3A_276 : f32 to vector<16xf32>
        %get3A_278 = arith.index_cast %add3A_274 : i32 to index
        %get3A_279 = arith.constant 0 : index
        %get3A_280 = tpu.vector_load %arg11[%get3A_278, %get3A_279] {strides = array<i32>} : memref<128x32xf32, #tpu.memory_space<vmem>>, vector<1x16xf32>,
        %get3A_281 = vector.shape_cast %get3A_280 : vector<1x16xf32> to vector<16xf32>
        %mul3A_282 = arith.mulf %get3A_281, %broadcast_in_dim3A_277 : vector<16xf32>
        %swap3A_283 = arith.index_cast %add3A_274 : i32 to index
        %swap3A_284 = arith.constant 0 : index
        %swap3A_285 = tpu.vector_load %arg11[%swap3A_283, %swap3A_284] {strides = array<i32>} : memref<128x32xf32, #tpu.memory_space<vmem>>, vector<1x16xf32>,
        %swap3A_286 = vector.shape_cast %swap3A_285 : vector<1x16xf32> to vector<16xf32>
        %swap3A_287 = vector.shape_cast %mul3A_282 : vector<16xf32> to vector<1x16xf32>
        tpu.vector_store %arg11[%swap3A_283, %swap3A_284], %swap3A_287 {strides = array<i32>} : memref<128x32xf32, #tpu.memory_space<vmem>>, vector<1x16xf32>,
        %get3A_288 = arith.index_cast %add3A_274 : i32 to index
        %get3A_289 = arith.constant 16 : index
        %get3A_290 = tpu.vector_load %arg11[%get3A_288, %get3A_289] {strides = array<i32>} : memref<128x32xf32, #tpu.memory_space<vmem>>, vector<1x16xf32>,
        %get3A_291 = vector.shape_cast %get3A_290 : vector<1x16xf32> to vector<16xf32>
        %mul3A_292 = arith.mulf %get3A_291, %broadcast_in_dim3A_277 : vector<16xf32>
        %swap3A_293 = arith.index_cast %add3A_274 : i32 to index
        %swap3A_294 = arith.constant 16 : index
        %swap3A_295 = tpu.vector_load %arg11[%swap3A_293, %swap3A_294] {strides = array<i32>} : memref<128x32xf32, #tpu.memory_space<vmem>>, vector<1x16xf32>,
        %swap3A_296 = vector.shape_cast %swap3A_295 : vector<1x16xf32> to vector<16xf32>
        %swap3A_297 = vector.shape_cast %mul3A_292 : vector<16xf32> to vector<1x16xf32>
        tpu.vector_store %arg11[%swap3A_293, %swap3A_294], %swap3A_297 {strides = array<i32>} : memref<128x32xf32, #tpu.memory_space<vmem>>, vector<1x16xf32>,
        %add3A_298 = arith.constant 10 : i32
        %add3A_299 = arith.addi %mul3A_50, %add3A_298 : i32
        %slice3A_300 = vector.extract_strided_slice %get3A_48 {offsets = [10], sizes = [1], strides = [1]} : vector<16xf32> to vector<1xf32>
        %squeeze3A_301 = vector.extract %slice3A_300[0] : f32 from vector<1xf32>
        %broadcast_in_dim3A_302 = vector.broadcast %squeeze3A_301 : f32 to vector<16xf32>
        %get3A_303 = arith.index_cast %add3A_299 : i32 to index
        %get3A_304 = arith.constant 0 : index
        %get3A_305 = tpu.vector_load %arg11[%get3A_303, %get3A_304] {strides = array<i32>} : memref<128x32xf32, #tpu.memory_space<vmem>>, vector<1x16xf32>,
        %get3A_306 = vector.shape_cast %get3A_305 : vector<1x16xf32> to vector<16xf32>
        %mul3A_307 = arith.mulf %get3A_306, %broadcast_in_dim3A_302 : vector<16xf32>
        %swap3A_308 = arith.index_cast %add3A_299 : i32 to index
        %swap3A_309 = arith.constant 0 : index
        %swap3A_310 = tpu.vector_load %arg11[%swap3A_308, %swap3A_309] {strides = array<i32>} : memref<128x32xf32, #tpu.memory_space<vmem>>, vector<1x16xf32>,
        %swap3A_311 = vector.shape_cast %swap3A_310 : vector<1x16xf32> to vector<16xf32>
        %swap3A_312 = vector.shape_cast %mul3A_307 : vector<16xf32> to vector<1x16xf32>
        tpu.vector_store %arg11[%swap3A_308, %swap3A_309], %swap3A_312 {strides = array<i32>} : memref<128x32xf32, #tpu.memory_space<vmem>>, vector<1x16xf32>,
        %get3A_313 = arith.index_cast %add3A_299 : i32 to index
        %get3A_314 = arith.constant 16 : index
        %get3A_315 = tpu.vector_load %arg11[%get3A_313, %get3A_314] {strides = array<i32>} : memref<128x32xf32, #tpu.memory_space<vmem>>, vector<1x16xf32>,
        %get3A_316 = vector.shape_cast %get3A_315 : vector<1x16xf32> to vector<16xf32>
        %mul3A_317 = arith.mulf %get3A_316, %broadcast_in_dim3A_302 : vector<16xf32>
        %swap3A_318 = arith.index_cast %add3A_299 : i32 to index
        %swap3A_319 = arith.constant 16 : index
        %swap3A_320 = tpu.vector_load %arg11[%swap3A_318, %swap3A_319] {strides = array<i32>} : memref<128x32xf32, #tpu.memory_space<vmem>>, vector<1x16xf32>,
        %swap3A_321 = vector.shape_cast %swap3A_320 : vector<1x16xf32> to vector<16xf32>
        %swap3A_322 = vector.shape_cast %mul3A_317 : vector<16xf32> to vector<1x16xf32>
        tpu.vector_store %arg11[%swap3A_318, %swap3A_319], %swap3A_322 {strides = array<i32>} : memref<128x32xf32, #tpu.memory_space<vmem>>, vector<1x16xf32>,
        %add3A_323 = arith.constant 11 : i32
        %add3A_324 = arith.addi %mul3A_50, %add3A_323 : i32
        %slice3A_325 = vector.extract_strided_slice %get3A_48 {offsets = [11], sizes = [1], strides = [1]} : vector<16xf32> to vector<1xf32>
        %squeeze3A_326 = vector.extract %slice3A_325[0] : f32 from vector<1xf32>
        %broadcast_in_dim3A_327 = vector.broadcast %squeeze3A_326 : f32 to vector<16xf32>
        %get3A_328 = arith.index_cast %add3A_324 : i32 to index
        %get3A_329 = arith.constant 0 : index
        %get3A_330 = tpu.vector_load %arg11[%get3A_328, %get3A_329] {strides = array<i32>} : memref<128x32xf32, #tpu.memory_space<vmem>>, vector<1x16xf32>,
        %get3A_331 = vector.shape_cast %get3A_330 : vector<1x16xf32> to vector<16xf32>
        %mul3A_332 = arith.mulf %get3A_331, %broadcast_in_dim3A_327 : vector<16xf32>
        %swap3A_333 = arith.index_cast %add3A_324 : i32 to index
        %swap3A_334 = arith.constant 0 : index
        %swap3A_335 = tpu.vector_load %arg11[%swap3A_333, %swap3A_334] {strides = array<i32>} : memref<128x32xf32, #tpu.memory_space<vmem>>, vector<1x16xf32>,
        %swap3A_336 = vector.shape_cast %swap3A_335 : vector<1x16xf32> to vector<16xf32>
        %swap3A_337 = vector.shape_cast %mul3A_332 : vector<16xf32> to vector<1x16xf32>
        tpu.vector_store %arg11[%swap3A_333, %swap3A_334], %swap3A_337 {strides = array<i32>} : memref<128x32xf32, #tpu.memory_space<vmem>>, vector<1x16xf32>,
        %get3A_338 = arith.index_cast %add3A_324 : i32 to index
        %get3A_339 = arith.constant 16 : index
        %get3A_340 = tpu.vector_load %arg11[%get3A_338, %get3A_339] {strides = array<i32>} : memref<128x32xf32, #tpu.memory_space<vmem>>, vector<1x16xf32>,
        %get3A_341 = vector.shape_cast %get3A_340 : vector<1x16xf32> to vector<16xf32>
        %mul3A_342 = arith.mulf %get3A_341, %broadcast_in_dim3A_327 : vector<16xf32>
        %swap3A_343 = arith.index_cast %add3A_324 : i32 to index
        %swap3A_344 = arith.constant 16 : index
        %swap3A_345 = tpu.vector_load %arg11[%swap3A_343, %swap3A_344] {strides = array<i32>} : memref<128x32xf32, #tpu.memory_space<vmem>>, vector<1x16xf32>,
        %swap3A_346 = vector.shape_cast %swap3A_345 : vector<1x16xf32> to vector<16xf32>
        %swap3A_347 = vector.shape_cast %mul3A_342 : vector<16xf32> to vector<1x16xf32>
        tpu.vector_store %arg11[%swap3A_343, %swap3A_344], %swap3A_347 {strides = array<i32>} : memref<128x32xf32, #tpu.memory_space<vmem>>, vector<1x16xf32>,
        %add3A_348 = arith.constant 12 : i32
        %add3A_349 = arith.addi %mul3A_50, %add3A_348 : i32
        %slice3A_350 = vector.extract_strided_slice %get3A_48 {offsets = [12], sizes = [1], strides = [1]} : vector<16xf32> to vector<1xf32>
        %squeeze3A_351 = vector.extract %slice3A_350[0] : f32 from vector<1xf32>
        %broadcast_in_dim3A_352 = vector.broadcast %squeeze3A_351 : f32 to vector<16xf32>
        %get3A_353 = arith.index_cast %add3A_349 : i32 to index
        %get3A_354 = arith.constant 0 : index
        %get3A_355 = tpu.vector_load %arg11[%get3A_353, %get3A_354] {strides = array<i32>} : memref<128x32xf32, #tpu.memory_space<vmem>>, vector<1x16xf32>,
        %get3A_356 = vector.shape_cast %get3A_355 : vector<1x16xf32> to vector<16xf32>
        %mul3A_357 = arith.mulf %get3A_356, %broadcast_in_dim3A_352 : vector<16xf32>
        %swap3A_358 = arith.index_cast %add3A_349 : i32 to index
        %swap3A_359 = arith.constant 0 : index
        %swap3A_360 = tpu.vector_load %arg11[%swap3A_358, %swap3A_359] {strides = array<i32>} : memref<128x32xf32, #tpu.memory_space<vmem>>, vector<1x16xf32>,
        %swap3A_361 = vector.shape_cast %swap3A_360 : vector<1x16xf32> to vector<16xf32>
        %swap3A_362 = vector.shape_cast %mul3A_357 : vector<16xf32> to vector<1x16xf32>
        tpu.vector_store %arg11[%swap3A_358, %swap3A_359], %swap3A_362 {strides = array<i32>} : memref<128x32xf32, #tpu.memory_space<vmem>>, vector<1x16xf32>,
        %get3A_363 = arith.index_cast %add3A_349 : i32 to index
        %get3A_364 = arith.constant 16 : index
        %get3A_365 = tpu.vector_load %arg11[%get3A_363, %get3A_364] {strides = array<i32>} : memref<128x32xf32, #tpu.memory_space<vmem>>, vector<1x16xf32>,
        %get3A_366 = vector.shape_cast %get3A_365 : vector<1x16xf32> to vector<16xf32>
        %mul3A_367 = arith.mulf %get3A_366, %broadcast_in_dim3A_352 : vector<16xf32>
        %swap3A_368 = arith.index_cast %add3A_349 : i32 to index
        %swap3A_369 = arith.constant 16 : index
        %swap3A_370 = tpu.vector_load %arg11[%swap3A_368, %swap3A_369] {strides = array<i32>} : memref<128x32xf32, #tpu.memory_space<vmem>>, vector<1x16xf32>,
        %swap3A_371 = vector.shape_cast %swap3A_370 : vector<1x16xf32> to vector<16xf32>
        %swap3A_372 = vector.shape_cast %mul3A_367 : vector<16xf32> to vector<1x16xf32>
        tpu.vector_store %arg11[%swap3A_368, %swap3A_369], %swap3A_372 {strides = array<i32>} : memref<128x32xf32, #tpu.memory_space<vmem>>, vector<1x16xf32>,
        %add3A_373 = arith.constant 13 : i32
        %add3A_374 = arith.addi %mul3A_50, %add3A_373 : i32
        %slice3A_375 = vector.extract_strided_slice %get3A_48 {offsets = [13], sizes = [1], strides = [1]} : vector<16xf32> to vector<1xf32>
        %squeeze3A_376 = vector.extract %slice3A_375[0] : f32 from vector<1xf32>
        %broadcast_in_dim3A_377 = vector.broadcast %squeeze3A_376 : f32 to vector<16xf32>
        %get3A_378 = arith.index_cast %add3A_374 : i32 to index
        %get3A_379 = arith.constant 0 : index
        %get3A_380 = tpu.vector_load %arg11[%get3A_378, %get3A_379] {strides = array<i32>} : memref<128x32xf32, #tpu.memory_space<vmem>>, vector<1x16xf32>,
        %get3A_381 = vector.shape_cast %get3A_380 : vector<1x16xf32> to vector<16xf32>
        %mul3A_382 = arith.mulf %get3A_381, %broadcast_in_dim3A_377 : vector<16xf32>
        %swap3A_383 = arith.index_cast %add3A_374 : i32 to index
        %swap3A_384 = arith.constant 0 : index
        %swap3A_385 = tpu.vector_load %arg11[%swap3A_383, %swap3A_384] {strides = array<i32>} : memref<128x32xf32, #tpu.memory_space<vmem>>, vector<1x16xf32>,
        %swap3A_386 = vector.shape_cast %swap3A_385 : vector<1x16xf32> to vector<16xf32>
        %swap3A_387 = vector.shape_cast %mul3A_382 : vector<16xf32> to vector<1x16xf32>
        tpu.vector_store %arg11[%swap3A_383, %swap3A_384], %swap3A_387 {strides = array<i32>} : memref<128x32xf32, #tpu.memory_space<vmem>>, vector<1x16xf32>,
        %get3A_388 = arith.index_cast %add3A_374 : i32 to index
        %get3A_389 = arith.constant 16 : index
        %get3A_390 = tpu.vector_load %arg11[%get3A_388, %get3A_389] {strides = array<i32>} : memref<128x32xf32, #tpu.memory_space<vmem>>, vector<1x16xf32>,
        %get3A_391 = vector.shape_cast %get3A_390 : vector<1x16xf32> to vector<16xf32>
        %mul3A_392 = arith.mulf %get3A_391, %broadcast_in_dim3A_377 : vector<16xf32>
        %swap3A_393 = arith.index_cast %add3A_374 : i32 to index
        %swap3A_394 = arith.constant 16 : index
        %swap3A_395 = tpu.vector_load %arg11[%swap3A_393, %swap3A_394] {strides = array<i32>} : memref<128x32xf32, #tpu.memory_space<vmem>>, vector<1x16xf32>,
        %swap3A_396 = vector.shape_cast %swap3A_395 : vector<1x16xf32> to vector<16xf32>
        %swap3A_397 = vector.shape_cast %mul3A_392 : vector<16xf32> to vector<1x16xf32>
        tpu.vector_store %arg11[%swap3A_393, %swap3A_394], %swap3A_397 {strides = array<i32>} : memref<128x32xf32, #tpu.memory_space<vmem>>, vector<1x16xf32>,
        %add3A_398 = arith.constant 14 : i32
        %add3A_399 = arith.addi %mul3A_50, %add3A_398 : i32
        %slice3A_400 = vector.extract_strided_slice %get3A_48 {offsets = [14], sizes = [1], strides = [1]} : vector<16xf32> to vector<1xf32>
        %squeeze3A_401 = vector.extract %slice3A_400[0] : f32 from vector<1xf32>
        %broadcast_in_dim3A_402 = vector.broadcast %squeeze3A_401 : f32 to vector<16xf32>
        %get3A_403 = arith.index_cast %add3A_399 : i32 to index
        %get3A_404 = arith.constant 0 : index
        %get3A_405 = tpu.vector_load %arg11[%get3A_403, %get3A_404] {strides = array<i32>} : memref<128x32xf32, #tpu.memory_space<vmem>>, vector<1x16xf32>,
        %get3A_406 = vector.shape_cast %get3A_405 : vector<1x16xf32> to vector<16xf32>
        %mul3A_407 = arith.mulf %get3A_406, %broadcast_in_dim3A_402 : vector<16xf32>
        %swap3A_408 = arith.index_cast %add3A_399 : i32 to index
        %swap3A_409 = arith.constant 0 : index
        %swap3A_410 = tpu.vector_load %arg11[%swap3A_408, %swap3A_409] {strides = array<i32>} : memref<128x32xf32, #tpu.memory_space<vmem>>, vector<1x16xf32>,
        %swap3A_411 = vector.shape_cast %swap3A_410 : vector<1x16xf32> to vector<16xf32>
        %swap3A_412 = vector.shape_cast %mul3A_407 : vector<16xf32> to vector<1x16xf32>
        tpu.vector_store %arg11[%swap3A_408, %swap3A_409], %swap3A_412 {strides = array<i32>} : memref<128x32xf32, #tpu.memory_space<vmem>>, vector<1x16xf32>,
        %get3A_413 = arith.index_cast %add3A_399 : i32 to index
        %get3A_414 = arith.constant 16 : index
        %get3A_415 = tpu.vector_load %arg11[%get3A_413, %get3A_414] {strides = array<i32>} : memref<128x32xf32, #tpu.memory_space<vmem>>, vector<1x16xf32>,
        %get3A_416 = vector.shape_cast %get3A_415 : vector<1x16xf32> to vector<16xf32>
        %mul3A_417 = arith.mulf %get3A_416, %broadcast_in_dim3A_402 : vector<16xf32>
        %swap3A_418 = arith.index_cast %add3A_399 : i32 to index
        %swap3A_419 = arith.constant 16 : index
        %swap3A_420 = tpu.vector_load %arg11[%swap3A_418, %swap3A_419] {strides = array<i32>} : memref<128x32xf32, #tpu.memory_space<vmem>>, vector<1x16xf32>,
        %swap3A_421 = vector.shape_cast %swap3A_420 : vector<1x16xf32> to vector<16xf32>
        %swap3A_422 = vector.shape_cast %mul3A_417 : vector<16xf32> to vector<1x16xf32>
        tpu.vector_store %arg11[%swap3A_418, %swap3A_419], %swap3A_422 {strides = array<i32>} : memref<128x32xf32, #tpu.memory_space<vmem>>, vector<1x16xf32>,
        %add3A_423 = arith.constant 15 : i32
        %add3A_424 = arith.addi %mul3A_50, %add3A_423 : i32
        %slice3A_425 = vector.extract_strided_slice %get3A_48 {offsets = [15], sizes = [1], strides = [1]} : vector<16xf32> to vector<1xf32>
        %squeeze3A_426 = vector.extract %slice3A_425[0] : f32 from vector<1xf32>
        %broadcast_in_dim3A_427 = vector.broadcast %squeeze3A_426 : f32 to vector<16xf32>
        %get3A_428 = arith.index_cast %add3A_424 : i32 to index
        %get3A_429 = arith.constant 0 : index
        %get3A_430 = tpu.vector_load %arg11[%get3A_428, %get3A_429] {strides = array<i32>} : memref<128x32xf32, #tpu.memory_space<vmem>>, vector<1x16xf32>,
        %get3A_431 = vector.shape_cast %get3A_430 : vector<1x16xf32> to vector<16xf32>
        %mul3A_432 = arith.mulf %get3A_431, %broadcast_in_dim3A_427 : vector<16xf32>
        %swap3A_433 = arith.index_cast %add3A_424 : i32 to index
        %swap3A_434 = arith.constant 0 : index
        %swap3A_435 = tpu.vector_load %arg11[%swap3A_433, %swap3A_434] {strides = array<i32>} : memref<128x32xf32, #tpu.memory_space<vmem>>, vector<1x16xf32>,
        %swap3A_436 = vector.shape_cast %swap3A_435 : vector<1x16xf32> to vector<16xf32>
        %swap3A_437 = vector.shape_cast %mul3A_432 : vector<16xf32> to vector<1x16xf32>
        tpu.vector_store %arg11[%swap3A_433, %swap3A_434], %swap3A_437 {strides = array<i32>} : memref<128x32xf32, #tpu.memory_space<vmem>>, vector<1x16xf32>,
        %get3A_438 = arith.index_cast %add3A_424 : i32 to index
        %get3A_439 = arith.constant 16 : index
        %get3A_440 = tpu.vector_load %arg11[%get3A_438, %get3A_439] {strides = array<i32>} : memref<128x32xf32, #tpu.memory_space<vmem>>, vector<1x16xf32>,
        %get3A_441 = vector.shape_cast %get3A_440 : vector<1x16xf32> to vector<16xf32>
        %mul3A_442 = arith.mulf %get3A_441, %broadcast_in_dim3A_427 : vector<16xf32>
        %swap3A_443 = arith.index_cast %add3A_424 : i32 to index
        %swap3A_444 = arith.constant 16 : index
        %swap3A_445 = tpu.vector_load %arg11[%swap3A_443, %swap3A_444] {strides = array<i32>} : memref<128x32xf32, #tpu.memory_space<vmem>>, vector<1x16xf32>,
        %swap3A_446 = vector.shape_cast %swap3A_445 : vector<1x16xf32> to vector<16xf32>
        %swap3A_447 = vector.shape_cast %mul3A_442 : vector<16xf32> to vector<1x16xf32>
        tpu.vector_store %arg11[%swap3A_443, %swap3A_444], %swap3A_447 {strides = array<i32>} : memref<128x32xf32, #tpu.memory_space<vmem>>, vector<1x16xf32>,
      }
      %scan3A_42 = arith.constant 8 : i32
      "tpu.region"() ({
        %run_scoped3A = tpu.sem_alloc : memref<!tpu.dma_semaphore, #tpu.memory_space<semaphore_mem>>
        %dma_start3A_43 = arith.constant 0 : i32
        %dma_start3A_44 = tpu.memref_slice %arg9[%scan3A_26, %dma_start3A_43] : memref<80x128xi32, #tpu.memory_space<vmem>> -> memref<1x128xi32, #tpu.memory_space<vmem>>
        %dma_start3A_45 = tpu.memref_squeeze %dma_start3A_44 : memref<1x128xi32, #tpu.memory_space<vmem>> -> memref<128xi32, #tpu.memory_space<vmem>>
        %dma_start3A_46 = arith.constant 0 : i32
        %dma_start3A_47 = arith.constant 0 : i32
        %dma_start3A_48 = tpu.memref_slice %arg7[%dma_start3A_46, %dma_start3A_47] : memref<10112x32xf32, #tpu.memory_space<vmem_shared>> -> memref<10112x32xf32, #tpu.memory_space<vmem_shared>>
        tpu.enqueue_indirect_dma source(%arg11 : memref<128x32xf32, #tpu.memory_space<vmem>>) target(%dma_start3A_48 : memref<10112x32xf32, #tpu.memory_space<vmem_shared>>) offsets(%dma_start3A_45 : memref<128xi32, #tpu.memory_space<vmem>>) semaphore(%run_scoped3A : memref<!tpu.dma_semaphore, #tpu.memory_space<semaphore_mem>>) {add = true}
        %dma_wait3A_49 = arith.constant 0 : i32
        %dma_wait3A_50 = tpu.memref_slice %arg9[%scan3A_26, %dma_wait3A_49] : memref<80x128xi32, #tpu.memory_space<vmem>> -> memref<1x128xi32, #tpu.memory_space<vmem>>
        %dma_wait3A_51 = tpu.memref_squeeze %dma_wait3A_50 : memref<1x128xi32, #tpu.memory_space<vmem>> -> memref<128xi32, #tpu.memory_space<vmem>>
        %dma_wait3A_52 = arith.constant 0 : i32
        %dma_wait3A_53 = arith.constant 0 : i32
        %dma_wait3A_54 = tpu.memref_slice %arg7[%dma_wait3A_52, %dma_wait3A_53] : memref<10112x32xf32, #tpu.memory_space<vmem_shared>> -> memref<10112x32xf32, #tpu.memory_space<vmem_shared>>
        tpu.wait_indirect_dma semaphore(%run_scoped3A : memref<!tpu.dma_semaphore, #tpu.memory_space<semaphore_mem>>) src(%arg11 : memref<128x32xf32, #tpu.memory_space<vmem>>) dst(%dma_wait3A_54 : memref<10112x32xf32, #tpu.memory_space<vmem_shared>>)
        tpu.yield
      }) : () -> ()
    }
    %scan3A_20 = arith.constant 80 : i32
    %barrier3A_21 = arith.constant 0 : index
    tpu.barrier barrier_id(%barrier3A_21)
    %mul3A_22 = arith.constant 632 : i32
    %mul3A_23 = arith.muli %arg1, %mul3A_22 : i32
    %mul3A_24 = arith.constant 632 : i32
    %mul3A_25 = arith.muli %arg1, %mul3A_24 : i32
    "tpu.region"() ({
      %run_scoped3A = tpu.sem_alloc : memref<!tpu.dma_semaphore, #tpu.memory_space<semaphore_mem>>
      %dma_start3A = arith.constant 0 : i32
      %dma_start3A_26 = tpu.memref_slice %arg6[%arg0, %mul3A_25, %dma_start3A] : memref<2x10112x32xf32, #tpu.memory_space<hbm>> -> memref<1x632x32xf32, #tpu.memory_space<hbm>>
      %dma_start3A_27 = tpu.memref_squeeze %dma_start3A_26 : memref<1x632x32xf32, #tpu.memory_space<hbm>> -> memref<632x32xf32, #tpu.memory_space<hbm>>
      %dma_start3A_28 = arith.constant 0 : i32
      %dma_start3A_29 = tpu.memref_slice %arg7[%mul3A_23, %dma_start3A_28] : memref<10112x32xf32, #tpu.memory_space<vmem_shared>> -> memref<632x32xf32, #tpu.memory_space<vmem_shared>>
      tpu.enqueue_dma source(%dma_start3A_29 : memref<632x32xf32, #tpu.memory_space<vmem_shared>>) target(%dma_start3A_27 : memref<632x32xf32, #tpu.memory_space<hbm>>) target_semaphore(%run_scoped3A : memref<!tpu.dma_semaphore, #tpu.memory_space<semaphore_mem>>)
      %dma_wait3A = arith.constant 0 : i32
      %dma_wait3A_30 = tpu.memref_slice %arg6[%arg0, %mul3A_25, %dma_wait3A] : memref<2x10112x32xf32, #tpu.memory_space<hbm>> -> memref<1x632x32xf32, #tpu.memory_space<hbm>>
      %dma_wait3A_31 = tpu.memref_squeeze %dma_wait3A_30 : memref<1x632x32xf32, #tpu.memory_space<hbm>> -> memref<632x32xf32, #tpu.memory_space<hbm>>
      %dma_wait3A_32 = arith.constant 0 : i32
      %dma_wait3A_33 = tpu.memref_slice %arg7[%mul3A_23, %dma_wait3A_32] : memref<10112x32xf32, #tpu.memory_space<vmem_shared>> -> memref<632x32xf32, #tpu.memory_space<vmem_shared>>
      tpu.wait_dma2 semaphore(%run_scoped3A : memref<!tpu.dma_semaphore, #tpu.memory_space<semaphore_mem>>) src(%dma_wait3A_33 : memref<632x32xf32, #tpu.memory_space<vmem_shared>>) dst(%dma_wait3A_31 : memref<632x32xf32, #tpu.memory_space<hbm>>)
      tpu.yield
    }) : () -> ()
    return
  }
}

#map = affine_map<(d0, d1) -> (0, 0)>
#map1 = affine_map<(d0, d1) -> (0, 0, 0)>
module attributes {stable_mosaic.version = 14 : i64} {
  func.func @_sc_scatter(%arg0: i32, %arg1: i32, %arg2: memref<10000x32xf32, #tpu.memory_space<hbm>>, %arg3: memref<2560x128xi32, #tpu.memory_space<hbm>>, %arg4: memref<2560x128xi32, #tpu.memory_space<hbm>>, %arg5: memref<2560x128xf32, #tpu.memory_space<hbm>>, %arg6: memref<2x10112x32xf32, #tpu.memory_space<hbm>>, %arg7: memref<10112x32xf32, #tpu.memory_space<vmem_shared>>, %arg8: memref<80x128xi32, #tpu.memory_space<vmem>>, %arg9: memref<80x128xi32, #tpu.memory_space<vmem>>, %arg10: memref<80x128xf32, #tpu.memory_space<vmem>>, %arg11: memref<128x32xf32, #tpu.memory_space<vmem>>, %arg12: memref<632x32xf32, #tpu.memory_space<vmem>>, %arg13: memref<!tpu.dma_semaphore, #tpu.memory_space<semaphore_mem>>) attributes {dimension_semantics = [#tpu.dimension_semantics<core_parallel>, #tpu.dimension_semantics<subcore_parallel>], iteration_bounds = array<i64: 2, 16>, scalar_prefetch = 0 : i64, scratch_operands = 7 : i64, tpu.core_type = #tpu.core_type<sc_vector_subcore>, window_params = [{transform_indices = #map}, {transform_indices = #map}, {transform_indices = #map}, {transform_indices = #map}, {transform_indices = #map1}]} {
    %mul3A = arith.constant 16 : i32
    %mul3A_0 = arith.muli %arg0, %mul3A : i32
    %add3A = arith.addi %mul3A_0, %arg1 : i32
    %mul3A_1 = arith.constant 80 : i32
    %mul3A_2 = arith.muli %add3A, %mul3A_1 : i32
    "tpu.region"() ({
      %run_scoped3A = tpu.sem_alloc : memref<!tpu.dma_semaphore, #tpu.memory_space<semaphore_mem>>
      %dma_start3A = arith.constant 0 : i32
      %dma_start3A_26 = tpu.memref_slice %arg3[%mul3A_2, %dma_start3A] : memref<2560x128xi32, #tpu.memory_space<hbm>> -> memref<80x128xi32, #tpu.memory_space<hbm>>
      %dma_start3A_27 = arith.constant 0 : i32
      %dma_start3A_28 = tpu.memref_slice %arg3[%mul3A_2, %dma_start3A_27] : memref<2560x128xi32, #tpu.memory_space<hbm>> -> memref<80x128xi32, #tpu.memory_space<hbm>>
      tpu.enqueue_dma source(%dma_start3A_28 : memref<80x128xi32, #tpu.memory_space<hbm>>) target(%arg8 : memref<80x128xi32, #tpu.memory_space<vmem>>) target_semaphore(%run_scoped3A : memref<!tpu.dma_semaphore, #tpu.memory_space<semaphore_mem>>)
      %dma_wait3A = arith.constant 0 : i32
      %dma_wait3A_29 = tpu.memref_slice %arg3[%mul3A_2, %dma_wait3A] : memref<2560x128xi32, #tpu.memory_space<hbm>> -> memref<80x128xi32, #tpu.memory_space<hbm>>
      %dma_wait3A_30 = arith.constant 0 : i32
      %dma_wait3A_31 = tpu.memref_slice %arg3[%mul3A_2, %dma_wait3A_30] : memref<2560x128xi32, #tpu.memory_space<hbm>> -> memref<80x128xi32, #tpu.memory_space<hbm>>
      tpu.wait_dma2 semaphore(%run_scoped3A : memref<!tpu.dma_semaphore, #tpu.memory_space<semaphore_mem>>) src(%dma_wait3A_31 : memref<80x128xi32, #tpu.memory_space<hbm>>) dst(%arg8 : memref<80x128xi32, #tpu.memory_space<vmem>>)
      tpu.yield
    }) : () -> ()
    %mul3A_3 = arith.constant 80 : i32
    %mul3A_4 = arith.muli %add3A, %mul3A_3 : i32
    "tpu.region"() ({
      %run_scoped3A = tpu.sem_alloc : memref<!tpu.dma_semaphore, #tpu.memory_space<semaphore_mem>>
      %dma_start3A = arith.constant 0 : i32
      %dma_start3A_26 = tpu.memref_slice %arg4[%mul3A_4, %dma_start3A] : memref<2560x128xi32, #tpu.memory_space<hbm>> -> memref<80x128xi32, #tpu.memory_space<hbm>>
      %dma_start3A_27 = arith.constant 0 : i32
      %dma_start3A_28 = tpu.memref_slice %arg4[%mul3A_4, %dma_start3A_27] : memref<2560x128xi32, #tpu.memory_space<hbm>> -> memref<80x128xi32, #tpu.memory_space<hbm>>
      tpu.enqueue_dma source(%dma_start3A_28 : memref<80x128xi32, #tpu.memory_space<hbm>>) target(%arg9 : memref<80x128xi32, #tpu.memory_space<vmem>>) target_semaphore(%run_scoped3A : memref<!tpu.dma_semaphore, #tpu.memory_space<semaphore_mem>>)
      %dma_wait3A = arith.constant 0 : i32
      %dma_wait3A_29 = tpu.memref_slice %arg4[%mul3A_4, %dma_wait3A] : memref<2560x128xi32, #tpu.memory_space<hbm>> -> memref<80x128xi32, #tpu.memory_space<hbm>>
      %dma_wait3A_30 = arith.constant 0 : i32
      %dma_wait3A_31 = tpu.memref_slice %arg4[%mul3A_4, %dma_wait3A_30] : memref<2560x128xi32, #tpu.memory_space<hbm>> -> memref<80x128xi32, #tpu.memory_space<hbm>>
      tpu.wait_dma2 semaphore(%run_scoped3A : memref<!tpu.dma_semaphore, #tpu.memory_space<semaphore_mem>>) src(%dma_wait3A_31 : memref<80x128xi32, #tpu.memory_space<hbm>>) dst(%arg9 : memref<80x128xi32, #tpu.memory_space<vmem>>)
      tpu.yield
    }) : () -> ()
    %mul3A_5 = arith.constant 80 : i32
    %mul3A_6 = arith.muli %add3A, %mul3A_5 : i32
    "tpu.region"() ({
      %run_scoped3A = tpu.sem_alloc : memref<!tpu.dma_semaphore, #tpu.memory_space<semaphore_mem>>
      %dma_start3A = arith.constant 0 : i32
      %dma_start3A_26 = tpu.memref_slice %arg5[%mul3A_6, %dma_start3A] : memref<2560x128xf32, #tpu.memory_space<hbm>> -> memref<80x128xf32, #tpu.memory_space<hbm>>
      %dma_start3A_27 = arith.constant 0 : i32
      %dma_start3A_28 = tpu.memref_slice %arg5[%mul3A_6, %dma_start3A_27] : memref<2560x128xf32, #tpu.memory_space<hbm>> -> memref<80x128xf32, #tpu.memory_space<hbm>>
      tpu.enqueue_dma source(%dma_start3A_28 : memref<80x128xf32, #tpu.memory_space<hbm>>) target(%arg10 : memref<80x128xf32, #tpu.memory_space<vmem>>) target_semaphore(%run_scoped3A : memref<!tpu.dma_semaphore, #tpu.memory_space<semaphore_mem>>)
      %dma_wait3A = arith.constant 0 : i32
      %dma_wait3A_29 = tpu.memref_slice %arg5[%mul3A_6, %dma_wait3A] : memref<2560x128xf32, #tpu.memory_space<hbm>> -> memref<80x128xf32, #tpu.memory_space<hbm>>
      %dma_wait3A_30 = arith.constant 0 : i32
      %dma_wait3A_31 = tpu.memref_slice %arg5[%mul3A_6, %dma_wait3A_30] : memref<2560x128xf32, #tpu.memory_space<hbm>> -> memref<80x128xf32, #tpu.memory_space<hbm>>
      tpu.wait_dma2 semaphore(%run_scoped3A : memref<!tpu.dma_semaphore, #tpu.memory_space<semaphore_mem>>) src(%dma_wait3A_31 : memref<80x128xf32, #tpu.memory_space<hbm>>) dst(%arg10 : memref<80x128xf32, #tpu.memory_space<vmem>>)
      tpu.yield
    }) : () -> ()
    %broadcast_in_dim3A = arith.constant 0.000000e+00 : f32
    %broadcast_in_dim3A_7 = vector.broadcast %broadcast_in_dim3A : f32 to vector<16xf32>
    %scan3A = arith.constant 0 : i32
    %scan3A_8 = arith.constant 0 : i32
    %scan3A_9 = arith.constant 632 : i32
    %scan3A_10 = arith.addi %scan3A_8, %scan3A_9 : i32
    %scan3A_11 = arith.constant 1 : i32
    scf.for %scan3A_26 = %scan3A_8 to %scan3A_10 step %scan3A_11  : i32 {
      %swap3A = arith.index_cast %scan3A_26 : i32 to index
      %swap3A_27 = arith.constant 0 : index
      %swap3A_28 = tpu.vector_load %arg12[%swap3A, %swap3A_27] {strides = array<i32>} : memref<632x32xf32, #tpu.memory_space<vmem>>, vector<1x16xf32>,
      %swap3A_29 = vector.shape_cast %swap3A_28 : vector<1x16xf32> to vector<16xf32>
      %swap3A_30 = vector.shape_cast %broadcast_in_dim3A_7 : vector<16xf32> to vector<1x16xf32>
      tpu.vector_store %arg12[%swap3A, %swap3A_27], %swap3A_30 {strides = array<i32>} : memref<632x32xf32, #tpu.memory_space<vmem>>, vector<1x16xf32>,
      %swap3A_31 = arith.index_cast %scan3A_26 : i32 to index
      %swap3A_32 = arith.constant 16 : index
      %swap3A_33 = tpu.vector_load %arg12[%swap3A_31, %swap3A_32] {strides = array<i32>} : memref<632x32xf32, #tpu.memory_space<vmem>>, vector<1x16xf32>,
      %swap3A_34 = vector.shape_cast %swap3A_33 : vector<1x16xf32> to vector<16xf32>
      %swap3A_35 = vector.shape_cast %broadcast_in_dim3A_7 : vector<16xf32> to vector<1x16xf32>
      tpu.vector_store %arg12[%swap3A_31, %swap3A_32], %swap3A_35 {strides = array<i32>} : memref<632x32xf32, #tpu.memory_space<vmem>>, vector<1x16xf32>,
    }
    %scan3A_12 = arith.constant 632 : i32
    %mul3A_13 = arith.constant 632 : i32
    %mul3A_14 = arith.muli %arg1, %mul3A_13 : i32
    "tpu.region"() ({
      %run_scoped3A = tpu.sem_alloc : memref<!tpu.dma_semaphore, #tpu.memory_space<semaphore_mem>>
      %dma_start3A = arith.constant 0 : i32
      %dma_start3A_26 = tpu.memref_slice %arg7[%mul3A_14, %dma_start3A] : memref<10112x32xf32, #tpu.memory_space<vmem_shared>> -> memref<632x32xf32, #tpu.memory_space<vmem_shared>>
      %dma_start3A_27 = arith.constant 0 : i32
      %dma_start3A_28 = tpu.memref_slice %arg7[%mul3A_14, %dma_start3A_27] : memref<10112x32xf32, #tpu.memory_space<vmem_shared>> -> memref<632x32xf32, #tpu.memory_space<vmem_shared>>
      tpu.enqueue_dma source(%arg12 : memref<632x32xf32, #tpu.memory_space<vmem>>) target(%dma_start3A_28 : memref<632x32xf32, #tpu.memory_space<vmem_shared>>) target_semaphore(%run_scoped3A : memref<!tpu.dma_semaphore, #tpu.memory_space<semaphore_mem>>)
      %dma_wait3A = arith.constant 0 : i32
      %dma_wait3A_29 = tpu.memref_slice %arg7[%mul3A_14, %dma_wait3A] : memref<10112x32xf32, #tpu.memory_space<vmem_shared>> -> memref<632x32xf32, #tpu.memory_space<vmem_shared>>
      %dma_wait3A_30 = arith.constant 0 : i32
      %dma_wait3A_31 = tpu.memref_slice %arg7[%mul3A_14, %dma_wait3A_30] : memref<10112x32xf32, #tpu.memory_space<vmem_shared>> -> memref<632x32xf32, #tpu.memory_space<vmem_shared>>
      tpu.wait_dma2 semaphore(%run_scoped3A : memref<!tpu.dma_semaphore, #tpu.memory_space<semaphore_mem>>) src(%arg12 : memref<632x32xf32, #tpu.memory_space<vmem>>) dst(%dma_wait3A_31 : memref<632x32xf32, #tpu.memory_space<vmem_shared>>)
      tpu.yield
    }) : () -> ()
    %barrier3A = arith.constant 0 : index
    tpu.barrier barrier_id(%barrier3A)
    %scan3A_15 = arith.constant 0 : i32
    %scan3A_16 = arith.constant 0 : i32
    %scan3A_17 = arith.constant 80 : i32
    %scan3A_18 = arith.addi %scan3A_16, %scan3A_17 : i32
    %scan3A_19 = arith.constant 1 : i32
    scf.for %scan3A_26 = %scan3A_16 to %scan3A_18 step %scan3A_19  : i32 {
      %dma_start3A = arith.constant 0 : i32
      %dma_start3A_27 = tpu.memref_slice %arg8[%scan3A_26, %dma_start3A] : memref<80x128xi32, #tpu.memory_space<vmem>> -> memref<1x128xi32, #tpu.memory_space<vmem>>
      %dma_start3A_28 = tpu.memref_squeeze %dma_start3A_27 : memref<1x128xi32, #tpu.memory_space<vmem>> -> memref<128xi32, #tpu.memory_space<vmem>>
      %dma_start3A_29 = arith.constant 0 : i32
      %dma_start3A_30 = arith.constant 0 : i32
      %dma_start3A_31 = tpu.memref_slice %arg2[%dma_start3A_29, %dma_start3A_30] : memref<10000x32xf32, #tpu.memory_space<hbm>> -> memref<10000x32xf32, #tpu.memory_space<hbm>>
      tpu.enqueue_indirect_dma source(%dma_start3A_31 : memref<10000x32xf32, #tpu.memory_space<hbm>>) target(%arg11 : memref<128x32xf32, #tpu.memory_space<vmem>>) offsets(%dma_start3A_28 : memref<128xi32, #tpu.memory_space<vmem>>) semaphore(%arg13 : memref<!tpu.dma_semaphore, #tpu.memory_space<semaphore_mem>>)
      %dma_wait3A = arith.constant 0 : i32
      %dma_wait3A_32 = tpu.memref_slice %arg8[%scan3A_26, %dma_wait3A] : memref<80x128xi32, #tpu.memory_space<vmem>> -> memref<1x128xi32, #tpu.memory_space<vmem>>
      %dma_wait3A_33 = tpu.memref_squeeze %dma_wait3A_32 : memref<1x128xi32, #tpu.memory_space<vmem>> -> memref<128xi32, #tpu.memory_space<vmem>>
      %dma_wait3A_34 = arith.constant 0 : i32
      %dma_wait3A_35 = arith.constant 0 : i32
      %dma_wait3A_36 = tpu.memref_slice %arg2[%dma_wait3A_34, %dma_wait3A_35] : memref<10000x32xf32, #tpu.memory_space<hbm>> -> memref<10000x32xf32, #tpu.memory_space<hbm>>
      tpu.wait_indirect_dma semaphore(%arg13 : memref<!tpu.dma_semaphore, #tpu.memory_space<semaphore_mem>>) src(%dma_wait3A_36 : memref<10000x32xf32, #tpu.memory_space<hbm>>) dst(%arg11 : memref<128x32xf32, #tpu.memory_space<vmem>>)
      %scan3A_37 = arith.constant 0 : i32
      %scan3A_38 = arith.constant 0 : i32
      %scan3A_39 = arith.constant 8 : i32
      %scan3A_40 = arith.addi %scan3A_38, %scan3A_39 : i32
      %scan3A_41 = arith.constant 1 : i32
      scf.for %scan3A_43 = %scan3A_38 to %scan3A_40 step %scan3A_41  : i32 {
        %mul3A_44 = arith.constant 16 : i32
        %mul3A_45 = arith.muli %scan3A_43, %mul3A_44 : i32
        %get3A = arith.index_cast %scan3A_26 : i32 to index
        %get3A_46 = arith.index_cast %mul3A_45 : i32 to index
        %get3A_47 = tpu.vector_load %arg10[%get3A, %get3A_46] {strides = array<i32>} : memref<80x128xf32, #tpu.memory_space<vmem>>, vector<1x16xf32>,
        %get3A_48 = vector.shape_cast %get3A_47 : vector<1x16xf32> to vector<16xf32>
        %mul3A_49 = arith.constant 16 : i32
        %mul3A_50 = arith.muli %scan3A_43, %mul3A_49 : i32
        %add3A_51 = arith.constant 0 : i32
        %add3A_52 = arith.addi %mul3A_50, %add3A_51 : i32
        %slice3A = vector.extract_strided_slice %get3A_48 {offsets = [0], sizes = [1], strides = [1]} : vector<16xf32> to vector<1xf32>
        %squeeze3A = vector.extract %slice3A[0] : f32 from vector<1xf32>
        %broadcast_in_dim3A_53 = vector.broadcast %squeeze3A : f32 to vector<16xf32>
        %get3A_54 = arith.index_cast %add3A_52 : i32 to index
        %get3A_55 = arith.constant 0 : index
        %get3A_56 = tpu.vector_load %arg11[%get3A_54, %get3A_55] {strides = array<i32>} : memref<128x32xf32, #tpu.memory_space<vmem>>, vector<1x16xf32>,
        %get3A_57 = vector.shape_cast %get3A_56 : vector<1x16xf32> to vector<16xf32>
        %mul3A_58 = arith.mulf %get3A_57, %broadcast_in_dim3A_53 : vector<16xf32>
        %swap3A = arith.index_cast %add3A_52 : i32 to index
        %swap3A_59 = arith.constant 0 : index
        %swap3A_60 = tpu.vector_load %arg11[%swap3A, %swap3A_59] {strides = array<i32>} : memref<128x32xf32, #tpu.memory_space<vmem>>, vector<1x16xf32>,
        %swap3A_61 = vector.shape_cast %swap3A_60 : vector<1x16xf32> to vector<16xf32>
        %swap3A_62 = vector.shape_cast %mul3A_58 : vector<16xf32> to vector<1x16xf32>
        tpu.vector_store %arg11[%swap3A, %swap3A_59], %swap3A_62 {strides = array<i32>} : memref<128x32xf32, #tpu.memory_space<vmem>>, vector<1x16xf32>,
        %get3A_63 = arith.index_cast %add3A_52 : i32 to index
        %get3A_64 = arith.constant 16 : index
        %get3A_65 = tpu.vector_load %arg11[%get3A_63, %get3A_64] {strides = array<i32>} : memref<128x32xf32, #tpu.memory_space<vmem>>, vector<1x16xf32>,
        %get3A_66 = vector.shape_cast %get3A_65 : vector<1x16xf32> to vector<16xf32>
        %mul3A_67 = arith.mulf %get3A_66, %broadcast_in_dim3A_53 : vector<16xf32>
        %swap3A_68 = arith.index_cast %add3A_52 : i32 to index
        %swap3A_69 = arith.constant 16 : index
        %swap3A_70 = tpu.vector_load %arg11[%swap3A_68, %swap3A_69] {strides = array<i32>} : memref<128x32xf32, #tpu.memory_space<vmem>>, vector<1x16xf32>,
        %swap3A_71 = vector.shape_cast %swap3A_70 : vector<1x16xf32> to vector<16xf32>
        %swap3A_72 = vector.shape_cast %mul3A_67 : vector<16xf32> to vector<1x16xf32>
        tpu.vector_store %arg11[%swap3A_68, %swap3A_69], %swap3A_72 {strides = array<i32>} : memref<128x32xf32, #tpu.memory_space<vmem>>, vector<1x16xf32>,
        %add3A_73 = arith.constant 1 : i32
        %add3A_74 = arith.addi %mul3A_50, %add3A_73 : i32
        %slice3A_75 = vector.extract_strided_slice %get3A_48 {offsets = [1], sizes = [1], strides = [1]} : vector<16xf32> to vector<1xf32>
        %squeeze3A_76 = vector.extract %slice3A_75[0] : f32 from vector<1xf32>
        %broadcast_in_dim3A_77 = vector.broadcast %squeeze3A_76 : f32 to vector<16xf32>
        %get3A_78 = arith.index_cast %add3A_74 : i32 to index
        %get3A_79 = arith.constant 0 : index
        %get3A_80 = tpu.vector_load %arg11[%get3A_78, %get3A_79] {strides = array<i32>} : memref<128x32xf32, #tpu.memory_space<vmem>>, vector<1x16xf32>,
        %get3A_81 = vector.shape_cast %get3A_80 : vector<1x16xf32> to vector<16xf32>
        %mul3A_82 = arith.mulf %get3A_81, %broadcast_in_dim3A_77 : vector<16xf32>
        %swap3A_83 = arith.index_cast %add3A_74 : i32 to index
        %swap3A_84 = arith.constant 0 : index
        %swap3A_85 = tpu.vector_load %arg11[%swap3A_83, %swap3A_84] {strides = array<i32>} : memref<128x32xf32, #tpu.memory_space<vmem>>, vector<1x16xf32>,
        %swap3A_86 = vector.shape_cast %swap3A_85 : vector<1x16xf32> to vector<16xf32>
        %swap3A_87 = vector.shape_cast %mul3A_82 : vector<16xf32> to vector<1x16xf32>
        tpu.vector_store %arg11[%swap3A_83, %swap3A_84], %swap3A_87 {strides = array<i32>} : memref<128x32xf32, #tpu.memory_space<vmem>>, vector<1x16xf32>,
        %get3A_88 = arith.index_cast %add3A_74 : i32 to index
        %get3A_89 = arith.constant 16 : index
        %get3A_90 = tpu.vector_load %arg11[%get3A_88, %get3A_89] {strides = array<i32>} : memref<128x32xf32, #tpu.memory_space<vmem>>, vector<1x16xf32>,
        %get3A_91 = vector.shape_cast %get3A_90 : vector<1x16xf32> to vector<16xf32>
        %mul3A_92 = arith.mulf %get3A_91, %broadcast_in_dim3A_77 : vector<16xf32>
        %swap3A_93 = arith.index_cast %add3A_74 : i32 to index
        %swap3A_94 = arith.constant 16 : index
        %swap3A_95 = tpu.vector_load %arg11[%swap3A_93, %swap3A_94] {strides = array<i32>} : memref<128x32xf32, #tpu.memory_space<vmem>>, vector<1x16xf32>,
        %swap3A_96 = vector.shape_cast %swap3A_95 : vector<1x16xf32> to vector<16xf32>
        %swap3A_97 = vector.shape_cast %mul3A_92 : vector<16xf32> to vector<1x16xf32>
        tpu.vector_store %arg11[%swap3A_93, %swap3A_94], %swap3A_97 {strides = array<i32>} : memref<128x32xf32, #tpu.memory_space<vmem>>, vector<1x16xf32>,
        %add3A_98 = arith.constant 2 : i32
        %add3A_99 = arith.addi %mul3A_50, %add3A_98 : i32
        %slice3A_100 = vector.extract_strided_slice %get3A_48 {offsets = [2], sizes = [1], strides = [1]} : vector<16xf32> to vector<1xf32>
        %squeeze3A_101 = vector.extract %slice3A_100[0] : f32 from vector<1xf32>
        %broadcast_in_dim3A_102 = vector.broadcast %squeeze3A_101 : f32 to vector<16xf32>
        %get3A_103 = arith.index_cast %add3A_99 : i32 to index
        %get3A_104 = arith.constant 0 : index
        %get3A_105 = tpu.vector_load %arg11[%get3A_103, %get3A_104] {strides = array<i32>} : memref<128x32xf32, #tpu.memory_space<vmem>>, vector<1x16xf32>,
        %get3A_106 = vector.shape_cast %get3A_105 : vector<1x16xf32> to vector<16xf32>
        %mul3A_107 = arith.mulf %get3A_106, %broadcast_in_dim3A_102 : vector<16xf32>
        %swap3A_108 = arith.index_cast %add3A_99 : i32 to index
        %swap3A_109 = arith.constant 0 : index
        %swap3A_110 = tpu.vector_load %arg11[%swap3A_108, %swap3A_109] {strides = array<i32>} : memref<128x32xf32, #tpu.memory_space<vmem>>, vector<1x16xf32>,
        %swap3A_111 = vector.shape_cast %swap3A_110 : vector<1x16xf32> to vector<16xf32>
        %swap3A_112 = vector.shape_cast %mul3A_107 : vector<16xf32> to vector<1x16xf32>
        tpu.vector_store %arg11[%swap3A_108, %swap3A_109], %swap3A_112 {strides = array<i32>} : memref<128x32xf32, #tpu.memory_space<vmem>>, vector<1x16xf32>,
        %get3A_113 = arith.index_cast %add3A_99 : i32 to index
        %get3A_114 = arith.constant 16 : index
        %get3A_115 = tpu.vector_load %arg11[%get3A_113, %get3A_114] {strides = array<i32>} : memref<128x32xf32, #tpu.memory_space<vmem>>, vector<1x16xf32>,
        %get3A_116 = vector.shape_cast %get3A_115 : vector<1x16xf32> to vector<16xf32>
        %mul3A_117 = arith.mulf %get3A_116, %broadcast_in_dim3A_102 : vector<16xf32>
        %swap3A_118 = arith.index_cast %add3A_99 : i32 to index
        %swap3A_119 = arith.constant 16 : index
        %swap3A_120 = tpu.vector_load %arg11[%swap3A_118, %swap3A_119] {strides = array<i32>} : memref<128x32xf32, #tpu.memory_space<vmem>>, vector<1x16xf32>,
        %swap3A_121 = vector.shape_cast %swap3A_120 : vector<1x16xf32> to vector<16xf32>
        %swap3A_122 = vector.shape_cast %mul3A_117 : vector<16xf32> to vector<1x16xf32>
        tpu.vector_store %arg11[%swap3A_118, %swap3A_119], %swap3A_122 {strides = array<i32>} : memref<128x32xf32, #tpu.memory_space<vmem>>, vector<1x16xf32>,
        %add3A_123 = arith.constant 3 : i32
        %add3A_124 = arith.addi %mul3A_50, %add3A_123 : i32
        %slice3A_125 = vector.extract_strided_slice %get3A_48 {offsets = [3], sizes = [1], strides = [1]} : vector<16xf32> to vector<1xf32>
        %squeeze3A_126 = vector.extract %slice3A_125[0] : f32 from vector<1xf32>
        %broadcast_in_dim3A_127 = vector.broadcast %squeeze3A_126 : f32 to vector<16xf32>
        %get3A_128 = arith.index_cast %add3A_124 : i32 to index
        %get3A_129 = arith.constant 0 : index
        %get3A_130 = tpu.vector_load %arg11[%get3A_128, %get3A_129] {strides = array<i32>} : memref<128x32xf32, #tpu.memory_space<vmem>>, vector<1x16xf32>,
        %get3A_131 = vector.shape_cast %get3A_130 : vector<1x16xf32> to vector<16xf32>
        %mul3A_132 = arith.mulf %get3A_131, %broadcast_in_dim3A_127 : vector<16xf32>
        %swap3A_133 = arith.index_cast %add3A_124 : i32 to index
        %swap3A_134 = arith.constant 0 : index
        %swap3A_135 = tpu.vector_load %arg11[%swap3A_133, %swap3A_134] {strides = array<i32>} : memref<128x32xf32, #tpu.memory_space<vmem>>, vector<1x16xf32>,
        %swap3A_136 = vector.shape_cast %swap3A_135 : vector<1x16xf32> to vector<16xf32>
        %swap3A_137 = vector.shape_cast %mul3A_132 : vector<16xf32> to vector<1x16xf32>
        tpu.vector_store %arg11[%swap3A_133, %swap3A_134], %swap3A_137 {strides = array<i32>} : memref<128x32xf32, #tpu.memory_space<vmem>>, vector<1x16xf32>,
        %get3A_138 = arith.index_cast %add3A_124 : i32 to index
        %get3A_139 = arith.constant 16 : index
        %get3A_140 = tpu.vector_load %arg11[%get3A_138, %get3A_139] {strides = array<i32>} : memref<128x32xf32, #tpu.memory_space<vmem>>, vector<1x16xf32>,
        %get3A_141 = vector.shape_cast %get3A_140 : vector<1x16xf32> to vector<16xf32>
        %mul3A_142 = arith.mulf %get3A_141, %broadcast_in_dim3A_127 : vector<16xf32>
        %swap3A_143 = arith.index_cast %add3A_124 : i32 to index
        %swap3A_144 = arith.constant 16 : index
        %swap3A_145 = tpu.vector_load %arg11[%swap3A_143, %swap3A_144] {strides = array<i32>} : memref<128x32xf32, #tpu.memory_space<vmem>>, vector<1x16xf32>,
        %swap3A_146 = vector.shape_cast %swap3A_145 : vector<1x16xf32> to vector<16xf32>
        %swap3A_147 = vector.shape_cast %mul3A_142 : vector<16xf32> to vector<1x16xf32>
        tpu.vector_store %arg11[%swap3A_143, %swap3A_144], %swap3A_147 {strides = array<i32>} : memref<128x32xf32, #tpu.memory_space<vmem>>, vector<1x16xf32>,
        %add3A_148 = arith.constant 4 : i32
        %add3A_149 = arith.addi %mul3A_50, %add3A_148 : i32
        %slice3A_150 = vector.extract_strided_slice %get3A_48 {offsets = [4], sizes = [1], strides = [1]} : vector<16xf32> to vector<1xf32>
        %squeeze3A_151 = vector.extract %slice3A_150[0] : f32 from vector<1xf32>
        %broadcast_in_dim3A_152 = vector.broadcast %squeeze3A_151 : f32 to vector<16xf32>
        %get3A_153 = arith.index_cast %add3A_149 : i32 to index
        %get3A_154 = arith.constant 0 : index
        %get3A_155 = tpu.vector_load %arg11[%get3A_153, %get3A_154] {strides = array<i32>} : memref<128x32xf32, #tpu.memory_space<vmem>>, vector<1x16xf32>,
        %get3A_156 = vector.shape_cast %get3A_155 : vector<1x16xf32> to vector<16xf32>
        %mul3A_157 = arith.mulf %get3A_156, %broadcast_in_dim3A_152 : vector<16xf32>
        %swap3A_158 = arith.index_cast %add3A_149 : i32 to index
        %swap3A_159 = arith.constant 0 : index
        %swap3A_160 = tpu.vector_load %arg11[%swap3A_158, %swap3A_159] {strides = array<i32>} : memref<128x32xf32, #tpu.memory_space<vmem>>, vector<1x16xf32>,
        %swap3A_161 = vector.shape_cast %swap3A_160 : vector<1x16xf32> to vector<16xf32>
        %swap3A_162 = vector.shape_cast %mul3A_157 : vector<16xf32> to vector<1x16xf32>
        tpu.vector_store %arg11[%swap3A_158, %swap3A_159], %swap3A_162 {strides = array<i32>} : memref<128x32xf32, #tpu.memory_space<vmem>>, vector<1x16xf32>,
        %get3A_163 = arith.index_cast %add3A_149 : i32 to index
        %get3A_164 = arith.constant 16 : index
        %get3A_165 = tpu.vector_load %arg11[%get3A_163, %get3A_164] {strides = array<i32>} : memref<128x32xf32, #tpu.memory_space<vmem>>, vector<1x16xf32>,
        %get3A_166 = vector.shape_cast %get3A_165 : vector<1x16xf32> to vector<16xf32>
        %mul3A_167 = arith.mulf %get3A_166, %broadcast_in_dim3A_152 : vector<16xf32>
        %swap3A_168 = arith.index_cast %add3A_149 : i32 to index
        %swap3A_169 = arith.constant 16 : index
        %swap3A_170 = tpu.vector_load %arg11[%swap3A_168, %swap3A_169] {strides = array<i32>} : memref<128x32xf32, #tpu.memory_space<vmem>>, vector<1x16xf32>,
        %swap3A_171 = vector.shape_cast %swap3A_170 : vector<1x16xf32> to vector<16xf32>
        %swap3A_172 = vector.shape_cast %mul3A_167 : vector<16xf32> to vector<1x16xf32>
        tpu.vector_store %arg11[%swap3A_168, %swap3A_169], %swap3A_172 {strides = array<i32>} : memref<128x32xf32, #tpu.memory_space<vmem>>, vector<1x16xf32>,
        %add3A_173 = arith.constant 5 : i32
        %add3A_174 = arith.addi %mul3A_50, %add3A_173 : i32
        %slice3A_175 = vector.extract_strided_slice %get3A_48 {offsets = [5], sizes = [1], strides = [1]} : vector<16xf32> to vector<1xf32>
        %squeeze3A_176 = vector.extract %slice3A_175[0] : f32 from vector<1xf32>
        %broadcast_in_dim3A_177 = vector.broadcast %squeeze3A_176 : f32 to vector<16xf32>
        %get3A_178 = arith.index_cast %add3A_174 : i32 to index
        %get3A_179 = arith.constant 0 : index
        %get3A_180 = tpu.vector_load %arg11[%get3A_178, %get3A_179] {strides = array<i32>} : memref<128x32xf32, #tpu.memory_space<vmem>>, vector<1x16xf32>,
        %get3A_181 = vector.shape_cast %get3A_180 : vector<1x16xf32> to vector<16xf32>
        %mul3A_182 = arith.mulf %get3A_181, %broadcast_in_dim3A_177 : vector<16xf32>
        %swap3A_183 = arith.index_cast %add3A_174 : i32 to index
        %swap3A_184 = arith.constant 0 : index
        %swap3A_185 = tpu.vector_load %arg11[%swap3A_183, %swap3A_184] {strides = array<i32>} : memref<128x32xf32, #tpu.memory_space<vmem>>, vector<1x16xf32>,
        %swap3A_186 = vector.shape_cast %swap3A_185 : vector<1x16xf32> to vector<16xf32>
        %swap3A_187 = vector.shape_cast %mul3A_182 : vector<16xf32> to vector<1x16xf32>
        tpu.vector_store %arg11[%swap3A_183, %swap3A_184], %swap3A_187 {strides = array<i32>} : memref<128x32xf32, #tpu.memory_space<vmem>>, vector<1x16xf32>,
        %get3A_188 = arith.index_cast %add3A_174 : i32 to index
        %get3A_189 = arith.constant 16 : index
        %get3A_190 = tpu.vector_load %arg11[%get3A_188, %get3A_189] {strides = array<i32>} : memref<128x32xf32, #tpu.memory_space<vmem>>, vector<1x16xf32>,
        %get3A_191 = vector.shape_cast %get3A_190 : vector<1x16xf32> to vector<16xf32>
        %mul3A_192 = arith.mulf %get3A_191, %broadcast_in_dim3A_177 : vector<16xf32>
        %swap3A_193 = arith.index_cast %add3A_174 : i32 to index
        %swap3A_194 = arith.constant 16 : index
        %swap3A_195 = tpu.vector_load %arg11[%swap3A_193, %swap3A_194] {strides = array<i32>} : memref<128x32xf32, #tpu.memory_space<vmem>>, vector<1x16xf32>,
        %swap3A_196 = vector.shape_cast %swap3A_195 : vector<1x16xf32> to vector<16xf32>
        %swap3A_197 = vector.shape_cast %mul3A_192 : vector<16xf32> to vector<1x16xf32>
        tpu.vector_store %arg11[%swap3A_193, %swap3A_194], %swap3A_197 {strides = array<i32>} : memref<128x32xf32, #tpu.memory_space<vmem>>, vector<1x16xf32>,
        %add3A_198 = arith.constant 6 : i32
        %add3A_199 = arith.addi %mul3A_50, %add3A_198 : i32
        %slice3A_200 = vector.extract_strided_slice %get3A_48 {offsets = [6], sizes = [1], strides = [1]} : vector<16xf32> to vector<1xf32>
        %squeeze3A_201 = vector.extract %slice3A_200[0] : f32 from vector<1xf32>
        %broadcast_in_dim3A_202 = vector.broadcast %squeeze3A_201 : f32 to vector<16xf32>
        %get3A_203 = arith.index_cast %add3A_199 : i32 to index
        %get3A_204 = arith.constant 0 : index
        %get3A_205 = tpu.vector_load %arg11[%get3A_203, %get3A_204] {strides = array<i32>} : memref<128x32xf32, #tpu.memory_space<vmem>>, vector<1x16xf32>,
        %get3A_206 = vector.shape_cast %get3A_205 : vector<1x16xf32> to vector<16xf32>
        %mul3A_207 = arith.mulf %get3A_206, %broadcast_in_dim3A_202 : vector<16xf32>
        %swap3A_208 = arith.index_cast %add3A_199 : i32 to index
        %swap3A_209 = arith.constant 0 : index
        %swap3A_210 = tpu.vector_load %arg11[%swap3A_208, %swap3A_209] {strides = array<i32>} : memref<128x32xf32, #tpu.memory_space<vmem>>, vector<1x16xf32>,
        %swap3A_211 = vector.shape_cast %swap3A_210 : vector<1x16xf32> to vector<16xf32>
        %swap3A_212 = vector.shape_cast %mul3A_207 : vector<16xf32> to vector<1x16xf32>
        tpu.vector_store %arg11[%swap3A_208, %swap3A_209], %swap3A_212 {strides = array<i32>} : memref<128x32xf32, #tpu.memory_space<vmem>>, vector<1x16xf32>,
        %get3A_213 = arith.index_cast %add3A_199 : i32 to index
        %get3A_214 = arith.constant 16 : index
        %get3A_215 = tpu.vector_load %arg11[%get3A_213, %get3A_214] {strides = array<i32>} : memref<128x32xf32, #tpu.memory_space<vmem>>, vector<1x16xf32>,
        %get3A_216 = vector.shape_cast %get3A_215 : vector<1x16xf32> to vector<16xf32>
        %mul3A_217 = arith.mulf %get3A_216, %broadcast_in_dim3A_202 : vector<16xf32>
        %swap3A_218 = arith.index_cast %add3A_199 : i32 to index
        %swap3A_219 = arith.constant 16 : index
        %swap3A_220 = tpu.vector_load %arg11[%swap3A_218, %swap3A_219] {strides = array<i32>} : memref<128x32xf32, #tpu.memory_space<vmem>>, vector<1x16xf32>,
        %swap3A_221 = vector.shape_cast %swap3A_220 : vector<1x16xf32> to vector<16xf32>
        %swap3A_222 = vector.shape_cast %mul3A_217 : vector<16xf32> to vector<1x16xf32>
        tpu.vector_store %arg11[%swap3A_218, %swap3A_219], %swap3A_222 {strides = array<i32>} : memref<128x32xf32, #tpu.memory_space<vmem>>, vector<1x16xf32>,
        %add3A_223 = arith.constant 7 : i32
        %add3A_224 = arith.addi %mul3A_50, %add3A_223 : i32
        %slice3A_225 = vector.extract_strided_slice %get3A_48 {offsets = [7], sizes = [1], strides = [1]} : vector<16xf32> to vector<1xf32>
        %squeeze3A_226 = vector.extract %slice3A_225[0] : f32 from vector<1xf32>
        %broadcast_in_dim3A_227 = vector.broadcast %squeeze3A_226 : f32 to vector<16xf32>
        %get3A_228 = arith.index_cast %add3A_224 : i32 to index
        %get3A_229 = arith.constant 0 : index
        %get3A_230 = tpu.vector_load %arg11[%get3A_228, %get3A_229] {strides = array<i32>} : memref<128x32xf32, #tpu.memory_space<vmem>>, vector<1x16xf32>,
        %get3A_231 = vector.shape_cast %get3A_230 : vector<1x16xf32> to vector<16xf32>
        %mul3A_232 = arith.mulf %get3A_231, %broadcast_in_dim3A_227 : vector<16xf32>
        %swap3A_233 = arith.index_cast %add3A_224 : i32 to index
        %swap3A_234 = arith.constant 0 : index
        %swap3A_235 = tpu.vector_load %arg11[%swap3A_233, %swap3A_234] {strides = array<i32>} : memref<128x32xf32, #tpu.memory_space<vmem>>, vector<1x16xf32>,
        %swap3A_236 = vector.shape_cast %swap3A_235 : vector<1x16xf32> to vector<16xf32>
        %swap3A_237 = vector.shape_cast %mul3A_232 : vector<16xf32> to vector<1x16xf32>
        tpu.vector_store %arg11[%swap3A_233, %swap3A_234], %swap3A_237 {strides = array<i32>} : memref<128x32xf32, #tpu.memory_space<vmem>>, vector<1x16xf32>,
        %get3A_238 = arith.index_cast %add3A_224 : i32 to index
        %get3A_239 = arith.constant 16 : index
        %get3A_240 = tpu.vector_load %arg11[%get3A_238, %get3A_239] {strides = array<i32>} : memref<128x32xf32, #tpu.memory_space<vmem>>, vector<1x16xf32>,
        %get3A_241 = vector.shape_cast %get3A_240 : vector<1x16xf32> to vector<16xf32>
        %mul3A_242 = arith.mulf %get3A_241, %broadcast_in_dim3A_227 : vector<16xf32>
        %swap3A_243 = arith.index_cast %add3A_224 : i32 to index
        %swap3A_244 = arith.constant 16 : index
        %swap3A_245 = tpu.vector_load %arg11[%swap3A_243, %swap3A_244] {strides = array<i32>} : memref<128x32xf32, #tpu.memory_space<vmem>>, vector<1x16xf32>,
        %swap3A_246 = vector.shape_cast %swap3A_245 : vector<1x16xf32> to vector<16xf32>
        %swap3A_247 = vector.shape_cast %mul3A_242 : vector<16xf32> to vector<1x16xf32>
        tpu.vector_store %arg11[%swap3A_243, %swap3A_244], %swap3A_247 {strides = array<i32>} : memref<128x32xf32, #tpu.memory_space<vmem>>, vector<1x16xf32>,
        %add3A_248 = arith.constant 8 : i32
        %add3A_249 = arith.addi %mul3A_50, %add3A_248 : i32
        %slice3A_250 = vector.extract_strided_slice %get3A_48 {offsets = [8], sizes = [1], strides = [1]} : vector<16xf32> to vector<1xf32>
        %squeeze3A_251 = vector.extract %slice3A_250[0] : f32 from vector<1xf32>
        %broadcast_in_dim3A_252 = vector.broadcast %squeeze3A_251 : f32 to vector<16xf32>
        %get3A_253 = arith.index_cast %add3A_249 : i32 to index
        %get3A_254 = arith.constant 0 : index
        %get3A_255 = tpu.vector_load %arg11[%get3A_253, %get3A_254] {strides = array<i32>} : memref<128x32xf32, #tpu.memory_space<vmem>>, vector<1x16xf32>,
        %get3A_256 = vector.shape_cast %get3A_255 : vector<1x16xf32> to vector<16xf32>
        %mul3A_257 = arith.mulf %get3A_256, %broadcast_in_dim3A_252 : vector<16xf32>
        %swap3A_258 = arith.index_cast %add3A_249 : i32 to index
        %swap3A_259 = arith.constant 0 : index
        %swap3A_260 = tpu.vector_load %arg11[%swap3A_258, %swap3A_259] {strides = array<i32>} : memref<128x32xf32, #tpu.memory_space<vmem>>, vector<1x16xf32>,
        %swap3A_261 = vector.shape_cast %swap3A_260 : vector<1x16xf32> to vector<16xf32>
        %swap3A_262 = vector.shape_cast %mul3A_257 : vector<16xf32> to vector<1x16xf32>
        tpu.vector_store %arg11[%swap3A_258, %swap3A_259], %swap3A_262 {strides = array<i32>} : memref<128x32xf32, #tpu.memory_space<vmem>>, vector<1x16xf32>,
        %get3A_263 = arith.index_cast %add3A_249 : i32 to index
        %get3A_264 = arith.constant 16 : index
        %get3A_265 = tpu.vector_load %arg11[%get3A_263, %get3A_264] {strides = array<i32>} : memref<128x32xf32, #tpu.memory_space<vmem>>, vector<1x16xf32>,
        %get3A_266 = vector.shape_cast %get3A_265 : vector<1x16xf32> to vector<16xf32>
        %mul3A_267 = arith.mulf %get3A_266, %broadcast_in_dim3A_252 : vector<16xf32>
        %swap3A_268 = arith.index_cast %add3A_249 : i32 to index
        %swap3A_269 = arith.constant 16 : index
        %swap3A_270 = tpu.vector_load %arg11[%swap3A_268, %swap3A_269] {strides = array<i32>} : memref<128x32xf32, #tpu.memory_space<vmem>>, vector<1x16xf32>,
        %swap3A_271 = vector.shape_cast %swap3A_270 : vector<1x16xf32> to vector<16xf32>
        %swap3A_272 = vector.shape_cast %mul3A_267 : vector<16xf32> to vector<1x16xf32>
        tpu.vector_store %arg11[%swap3A_268, %swap3A_269], %swap3A_272 {strides = array<i32>} : memref<128x32xf32, #tpu.memory_space<vmem>>, vector<1x16xf32>,
        %add3A_273 = arith.constant 9 : i32
        %add3A_274 = arith.addi %mul3A_50, %add3A_273 : i32
        %slice3A_275 = vector.extract_strided_slice %get3A_48 {offsets = [9], sizes = [1], strides = [1]} : vector<16xf32> to vector<1xf32>
        %squeeze3A_276 = vector.extract %slice3A_275[0] : f32 from vector<1xf32>
        %broadcast_in_dim3A_277 = vector.broadcast %squeeze3A_276 : f32 to vector<16xf32>
        %get3A_278 = arith.index_cast %add3A_274 : i32 to index
        %get3A_279 = arith.constant 0 : index
        %get3A_280 = tpu.vector_load %arg11[%get3A_278, %get3A_279] {strides = array<i32>} : memref<128x32xf32, #tpu.memory_space<vmem>>, vector<1x16xf32>,
        %get3A_281 = vector.shape_cast %get3A_280 : vector<1x16xf32> to vector<16xf32>
        %mul3A_282 = arith.mulf %get3A_281, %broadcast_in_dim3A_277 : vector<16xf32>
        %swap3A_283 = arith.index_cast %add3A_274 : i32 to index
        %swap3A_284 = arith.constant 0 : index
        %swap3A_285 = tpu.vector_load %arg11[%swap3A_283, %swap3A_284] {strides = array<i32>} : memref<128x32xf32, #tpu.memory_space<vmem>>, vector<1x16xf32>,
        %swap3A_286 = vector.shape_cast %swap3A_285 : vector<1x16xf32> to vector<16xf32>
        %swap3A_287 = vector.shape_cast %mul3A_282 : vector<16xf32> to vector<1x16xf32>
        tpu.vector_store %arg11[%swap3A_283, %swap3A_284], %swap3A_287 {strides = array<i32>} : memref<128x32xf32, #tpu.memory_space<vmem>>, vector<1x16xf32>,
        %get3A_288 = arith.index_cast %add3A_274 : i32 to index
        %get3A_289 = arith.constant 16 : index
        %get3A_290 = tpu.vector_load %arg11[%get3A_288, %get3A_289] {strides = array<i32>} : memref<128x32xf32, #tpu.memory_space<vmem>>, vector<1x16xf32>,
        %get3A_291 = vector.shape_cast %get3A_290 : vector<1x16xf32> to vector<16xf32>
        %mul3A_292 = arith.mulf %get3A_291, %broadcast_in_dim3A_277 : vector<16xf32>
        %swap3A_293 = arith.index_cast %add3A_274 : i32 to index
        %swap3A_294 = arith.constant 16 : index
        %swap3A_295 = tpu.vector_load %arg11[%swap3A_293, %swap3A_294] {strides = array<i32>} : memref<128x32xf32, #tpu.memory_space<vmem>>, vector<1x16xf32>,
        %swap3A_296 = vector.shape_cast %swap3A_295 : vector<1x16xf32> to vector<16xf32>
        %swap3A_297 = vector.shape_cast %mul3A_292 : vector<16xf32> to vector<1x16xf32>
        tpu.vector_store %arg11[%swap3A_293, %swap3A_294], %swap3A_297 {strides = array<i32>} : memref<128x32xf32, #tpu.memory_space<vmem>>, vector<1x16xf32>,
        %add3A_298 = arith.constant 10 : i32
        %add3A_299 = arith.addi %mul3A_50, %add3A_298 : i32
        %slice3A_300 = vector.extract_strided_slice %get3A_48 {offsets = [10], sizes = [1], strides = [1]} : vector<16xf32> to vector<1xf32>
        %squeeze3A_301 = vector.extract %slice3A_300[0] : f32 from vector<1xf32>
        %broadcast_in_dim3A_302 = vector.broadcast %squeeze3A_301 : f32 to vector<16xf32>
        %get3A_303 = arith.index_cast %add3A_299 : i32 to index
        %get3A_304 = arith.constant 0 : index
        %get3A_305 = tpu.vector_load %arg11[%get3A_303, %get3A_304] {strides = array<i32>} : memref<128x32xf32, #tpu.memory_space<vmem>>, vector<1x16xf32>,
        %get3A_306 = vector.shape_cast %get3A_305 : vector<1x16xf32> to vector<16xf32>
        %mul3A_307 = arith.mulf %get3A_306, %broadcast_in_dim3A_302 : vector<16xf32>
        %swap3A_308 = arith.index_cast %add3A_299 : i32 to index
        %swap3A_309 = arith.constant 0 : index
        %swap3A_310 = tpu.vector_load %arg11[%swap3A_308, %swap3A_309] {strides = array<i32>} : memref<128x32xf32, #tpu.memory_space<vmem>>, vector<1x16xf32>,
        %swap3A_311 = vector.shape_cast %swap3A_310 : vector<1x16xf32> to vector<16xf32>
        %swap3A_312 = vector.shape_cast %mul3A_307 : vector<16xf32> to vector<1x16xf32>
        tpu.vector_store %arg11[%swap3A_308, %swap3A_309], %swap3A_312 {strides = array<i32>} : memref<128x32xf32, #tpu.memory_space<vmem>>, vector<1x16xf32>,
        %get3A_313 = arith.index_cast %add3A_299 : i32 to index
        %get3A_314 = arith.constant 16 : index
        %get3A_315 = tpu.vector_load %arg11[%get3A_313, %get3A_314] {strides = array<i32>} : memref<128x32xf32, #tpu.memory_space<vmem>>, vector<1x16xf32>,
        %get3A_316 = vector.shape_cast %get3A_315 : vector<1x16xf32> to vector<16xf32>
        %mul3A_317 = arith.mulf %get3A_316, %broadcast_in_dim3A_302 : vector<16xf32>
        %swap3A_318 = arith.index_cast %add3A_299 : i32 to index
        %swap3A_319 = arith.constant 16 : index
        %swap3A_320 = tpu.vector_load %arg11[%swap3A_318, %swap3A_319] {strides = array<i32>} : memref<128x32xf32, #tpu.memory_space<vmem>>, vector<1x16xf32>,
        %swap3A_321 = vector.shape_cast %swap3A_320 : vector<1x16xf32> to vector<16xf32>
        %swap3A_322 = vector.shape_cast %mul3A_317 : vector<16xf32> to vector<1x16xf32>
        tpu.vector_store %arg11[%swap3A_318, %swap3A_319], %swap3A_322 {strides = array<i32>} : memref<128x32xf32, #tpu.memory_space<vmem>>, vector<1x16xf32>,
        %add3A_323 = arith.constant 11 : i32
        %add3A_324 = arith.addi %mul3A_50, %add3A_323 : i32
        %slice3A_325 = vector.extract_strided_slice %get3A_48 {offsets = [11], sizes = [1], strides = [1]} : vector<16xf32> to vector<1xf32>
        %squeeze3A_326 = vector.extract %slice3A_325[0] : f32 from vector<1xf32>
        %broadcast_in_dim3A_327 = vector.broadcast %squeeze3A_326 : f32 to vector<16xf32>
        %get3A_328 = arith.index_cast %add3A_324 : i32 to index
        %get3A_329 = arith.constant 0 : index
        %get3A_330 = tpu.vector_load %arg11[%get3A_328, %get3A_329] {strides = array<i32>} : memref<128x32xf32, #tpu.memory_space<vmem>>, vector<1x16xf32>,
        %get3A_331 = vector.shape_cast %get3A_330 : vector<1x16xf32> to vector<16xf32>
        %mul3A_332 = arith.mulf %get3A_331, %broadcast_in_dim3A_327 : vector<16xf32>
        %swap3A_333 = arith.index_cast %add3A_324 : i32 to index
        %swap3A_334 = arith.constant 0 : index
        %swap3A_335 = tpu.vector_load %arg11[%swap3A_333, %swap3A_334] {strides = array<i32>} : memref<128x32xf32, #tpu.memory_space<vmem>>, vector<1x16xf32>,
        %swap3A_336 = vector.shape_cast %swap3A_335 : vector<1x16xf32> to vector<16xf32>
        %swap3A_337 = vector.shape_cast %mul3A_332 : vector<16xf32> to vector<1x16xf32>
        tpu.vector_store %arg11[%swap3A_333, %swap3A_334], %swap3A_337 {strides = array<i32>} : memref<128x32xf32, #tpu.memory_space<vmem>>, vector<1x16xf32>,
        %get3A_338 = arith.index_cast %add3A_324 : i32 to index
        %get3A_339 = arith.constant 16 : index
        %get3A_340 = tpu.vector_load %arg11[%get3A_338, %get3A_339] {strides = array<i32>} : memref<128x32xf32, #tpu.memory_space<vmem>>, vector<1x16xf32>,
        %get3A_341 = vector.shape_cast %get3A_340 : vector<1x16xf32> to vector<16xf32>
        %mul3A_342 = arith.mulf %get3A_341, %broadcast_in_dim3A_327 : vector<16xf32>
        %swap3A_343 = arith.index_cast %add3A_324 : i32 to index
        %swap3A_344 = arith.constant 16 : index
        %swap3A_345 = tpu.vector_load %arg11[%swap3A_343, %swap3A_344] {strides = array<i32>} : memref<128x32xf32, #tpu.memory_space<vmem>>, vector<1x16xf32>,
        %swap3A_346 = vector.shape_cast %swap3A_345 : vector<1x16xf32> to vector<16xf32>
        %swap3A_347 = vector.shape_cast %mul3A_342 : vector<16xf32> to vector<1x16xf32>
        tpu.vector_store %arg11[%swap3A_343, %swap3A_344], %swap3A_347 {strides = array<i32>} : memref<128x32xf32, #tpu.memory_space<vmem>>, vector<1x16xf32>,
        %add3A_348 = arith.constant 12 : i32
        %add3A_349 = arith.addi %mul3A_50, %add3A_348 : i32
        %slice3A_350 = vector.extract_strided_slice %get3A_48 {offsets = [12], sizes = [1], strides = [1]} : vector<16xf32> to vector<1xf32>
        %squeeze3A_351 = vector.extract %slice3A_350[0] : f32 from vector<1xf32>
        %broadcast_in_dim3A_352 = vector.broadcast %squeeze3A_351 : f32 to vector<16xf32>
        %get3A_353 = arith.index_cast %add3A_349 : i32 to index
        %get3A_354 = arith.constant 0 : index
        %get3A_355 = tpu.vector_load %arg11[%get3A_353, %get3A_354] {strides = array<i32>} : memref<128x32xf32, #tpu.memory_space<vmem>>, vector<1x16xf32>,
        %get3A_356 = vector.shape_cast %get3A_355 : vector<1x16xf32> to vector<16xf32>
        %mul3A_357 = arith.mulf %get3A_356, %broadcast_in_dim3A_352 : vector<16xf32>
        %swap3A_358 = arith.index_cast %add3A_349 : i32 to index
        %swap3A_359 = arith.constant 0 : index
        %swap3A_360 = tpu.vector_load %arg11[%swap3A_358, %swap3A_359] {strides = array<i32>} : memref<128x32xf32, #tpu.memory_space<vmem>>, vector<1x16xf32>,
        %swap3A_361 = vector.shape_cast %swap3A_360 : vector<1x16xf32> to vector<16xf32>
        %swap3A_362 = vector.shape_cast %mul3A_357 : vector<16xf32> to vector<1x16xf32>
        tpu.vector_store %arg11[%swap3A_358, %swap3A_359], %swap3A_362 {strides = array<i32>} : memref<128x32xf32, #tpu.memory_space<vmem>>, vector<1x16xf32>,
        %get3A_363 = arith.index_cast %add3A_349 : i32 to index
        %get3A_364 = arith.constant 16 : index
        %get3A_365 = tpu.vector_load %arg11[%get3A_363, %get3A_364] {strides = array<i32>} : memref<128x32xf32, #tpu.memory_space<vmem>>, vector<1x16xf32>,
        %get3A_366 = vector.shape_cast %get3A_365 : vector<1x16xf32> to vector<16xf32>
        %mul3A_367 = arith.mulf %get3A_366, %broadcast_in_dim3A_352 : vector<16xf32>
        %swap3A_368 = arith.index_cast %add3A_349 : i32 to index
        %swap3A_369 = arith.constant 16 : index
        %swap3A_370 = tpu.vector_load %arg11[%swap3A_368, %swap3A_369] {strides = array<i32>} : memref<128x32xf32, #tpu.memory_space<vmem>>, vector<1x16xf32>,
        %swap3A_371 = vector.shape_cast %swap3A_370 : vector<1x16xf32> to vector<16xf32>
        %swap3A_372 = vector.shape_cast %mul3A_367 : vector<16xf32> to vector<1x16xf32>
        tpu.vector_store %arg11[%swap3A_368, %swap3A_369], %swap3A_372 {strides = array<i32>} : memref<128x32xf32, #tpu.memory_space<vmem>>, vector<1x16xf32>,
        %add3A_373 = arith.constant 13 : i32
        %add3A_374 = arith.addi %mul3A_50, %add3A_373 : i32
        %slice3A_375 = vector.extract_strided_slice %get3A_48 {offsets = [13], sizes = [1], strides = [1]} : vector<16xf32> to vector<1xf32>
        %squeeze3A_376 = vector.extract %slice3A_375[0] : f32 from vector<1xf32>
        %broadcast_in_dim3A_377 = vector.broadcast %squeeze3A_376 : f32 to vector<16xf32>
        %get3A_378 = arith.index_cast %add3A_374 : i32 to index
        %get3A_379 = arith.constant 0 : index
        %get3A_380 = tpu.vector_load %arg11[%get3A_378, %get3A_379] {strides = array<i32>} : memref<128x32xf32, #tpu.memory_space<vmem>>, vector<1x16xf32>,
        %get3A_381 = vector.shape_cast %get3A_380 : vector<1x16xf32> to vector<16xf32>
        %mul3A_382 = arith.mulf %get3A_381, %broadcast_in_dim3A_377 : vector<16xf32>
        %swap3A_383 = arith.index_cast %add3A_374 : i32 to index
        %swap3A_384 = arith.constant 0 : index
        %swap3A_385 = tpu.vector_load %arg11[%swap3A_383, %swap3A_384] {strides = array<i32>} : memref<128x32xf32, #tpu.memory_space<vmem>>, vector<1x16xf32>,
        %swap3A_386 = vector.shape_cast %swap3A_385 : vector<1x16xf32> to vector<16xf32>
        %swap3A_387 = vector.shape_cast %mul3A_382 : vector<16xf32> to vector<1x16xf32>
        tpu.vector_store %arg11[%swap3A_383, %swap3A_384], %swap3A_387 {strides = array<i32>} : memref<128x32xf32, #tpu.memory_space<vmem>>, vector<1x16xf32>,
        %get3A_388 = arith.index_cast %add3A_374 : i32 to index
        %get3A_389 = arith.constant 16 : index
        %get3A_390 = tpu.vector_load %arg11[%get3A_388, %get3A_389] {strides = array<i32>} : memref<128x32xf32, #tpu.memory_space<vmem>>, vector<1x16xf32>,
        %get3A_391 = vector.shape_cast %get3A_390 : vector<1x16xf32> to vector<16xf32>
        %mul3A_392 = arith.mulf %get3A_391, %broadcast_in_dim3A_377 : vector<16xf32>
        %swap3A_393 = arith.index_cast %add3A_374 : i32 to index
        %swap3A_394 = arith.constant 16 : index
        %swap3A_395 = tpu.vector_load %arg11[%swap3A_393, %swap3A_394] {strides = array<i32>} : memref<128x32xf32, #tpu.memory_space<vmem>>, vector<1x16xf32>,
        %swap3A_396 = vector.shape_cast %swap3A_395 : vector<1x16xf32> to vector<16xf32>
        %swap3A_397 = vector.shape_cast %mul3A_392 : vector<16xf32> to vector<1x16xf32>
        tpu.vector_store %arg11[%swap3A_393, %swap3A_394], %swap3A_397 {strides = array<i32>} : memref<128x32xf32, #tpu.memory_space<vmem>>, vector<1x16xf32>,
        %add3A_398 = arith.constant 14 : i32
        %add3A_399 = arith.addi %mul3A_50, %add3A_398 : i32
        %slice3A_400 = vector.extract_strided_slice %get3A_48 {offsets = [14], sizes = [1], strides = [1]} : vector<16xf32> to vector<1xf32>
        %squeeze3A_401 = vector.extract %slice3A_400[0] : f32 from vector<1xf32>
        %broadcast_in_dim3A_402 = vector.broadcast %squeeze3A_401 : f32 to vector<16xf32>
        %get3A_403 = arith.index_cast %add3A_399 : i32 to index
        %get3A_404 = arith.constant 0 : index
        %get3A_405 = tpu.vector_load %arg11[%get3A_403, %get3A_404] {strides = array<i32>} : memref<128x32xf32, #tpu.memory_space<vmem>>, vector<1x16xf32>,
        %get3A_406 = vector.shape_cast %get3A_405 : vector<1x16xf32> to vector<16xf32>
        %mul3A_407 = arith.mulf %get3A_406, %broadcast_in_dim3A_402 : vector<16xf32>
        %swap3A_408 = arith.index_cast %add3A_399 : i32 to index
        %swap3A_409 = arith.constant 0 : index
        %swap3A_410 = tpu.vector_load %arg11[%swap3A_408, %swap3A_409] {strides = array<i32>} : memref<128x32xf32, #tpu.memory_space<vmem>>, vector<1x16xf32>,
        %swap3A_411 = vector.shape_cast %swap3A_410 : vector<1x16xf32> to vector<16xf32>
        %swap3A_412 = vector.shape_cast %mul3A_407 : vector<16xf32> to vector<1x16xf32>
        tpu.vector_store %arg11[%swap3A_408, %swap3A_409], %swap3A_412 {strides = array<i32>} : memref<128x32xf32, #tpu.memory_space<vmem>>, vector<1x16xf32>,
        %get3A_413 = arith.index_cast %add3A_399 : i32 to index
        %get3A_414 = arith.constant 16 : index
        %get3A_415 = tpu.vector_load %arg11[%get3A_413, %get3A_414] {strides = array<i32>} : memref<128x32xf32, #tpu.memory_space<vmem>>, vector<1x16xf32>,
        %get3A_416 = vector.shape_cast %get3A_415 : vector<1x16xf32> to vector<16xf32>
        %mul3A_417 = arith.mulf %get3A_416, %broadcast_in_dim3A_402 : vector<16xf32>
        %swap3A_418 = arith.index_cast %add3A_399 : i32 to index
        %swap3A_419 = arith.constant 16 : index
        %swap3A_420 = tpu.vector_load %arg11[%swap3A_418, %swap3A_419] {strides = array<i32>} : memref<128x32xf32, #tpu.memory_space<vmem>>, vector<1x16xf32>,
        %swap3A_421 = vector.shape_cast %swap3A_420 : vector<1x16xf32> to vector<16xf32>
        %swap3A_422 = vector.shape_cast %mul3A_417 : vector<16xf32> to vector<1x16xf32>
        tpu.vector_store %arg11[%swap3A_418, %swap3A_419], %swap3A_422 {strides = array<i32>} : memref<128x32xf32, #tpu.memory_space<vmem>>, vector<1x16xf32>,
        %add3A_423 = arith.constant 15 : i32
        %add3A_424 = arith.addi %mul3A_50, %add3A_423 : i32
        %slice3A_425 = vector.extract_strided_slice %get3A_48 {offsets = [15], sizes = [1], strides = [1]} : vector<16xf32> to vector<1xf32>
        %squeeze3A_426 = vector.extract %slice3A_425[0] : f32 from vector<1xf32>
        %broadcast_in_dim3A_427 = vector.broadcast %squeeze3A_426 : f32 to vector<16xf32>
        %get3A_428 = arith.index_cast %add3A_424 : i32 to index
        %get3A_429 = arith.constant 0 : index
        %get3A_430 = tpu.vector_load %arg11[%get3A_428, %get3A_429] {strides = array<i32>} : memref<128x32xf32, #tpu.memory_space<vmem>>, vector<1x16xf32>,
        %get3A_431 = vector.shape_cast %get3A_430 : vector<1x16xf32> to vector<16xf32>
        %mul3A_432 = arith.mulf %get3A_431, %broadcast_in_dim3A_427 : vector<16xf32>
        %swap3A_433 = arith.index_cast %add3A_424 : i32 to index
        %swap3A_434 = arith.constant 0 : index
        %swap3A_435 = tpu.vector_load %arg11[%swap3A_433, %swap3A_434] {strides = array<i32>} : memref<128x32xf32, #tpu.memory_space<vmem>>, vector<1x16xf32>,
        %swap3A_436 = vector.shape_cast %swap3A_435 : vector<1x16xf32> to vector<16xf32>
        %swap3A_437 = vector.shape_cast %mul3A_432 : vector<16xf32> to vector<1x16xf32>
        tpu.vector_store %arg11[%swap3A_433, %swap3A_434], %swap3A_437 {strides = array<i32>} : memref<128x32xf32, #tpu.memory_space<vmem>>, vector<1x16xf32>,
        %get3A_438 = arith.index_cast %add3A_424 : i32 to index
        %get3A_439 = arith.constant 16 : index
        %get3A_440 = tpu.vector_load %arg11[%get3A_438, %get3A_439] {strides = array<i32>} : memref<128x32xf32, #tpu.memory_space<vmem>>, vector<1x16xf32>,
        %get3A_441 = vector.shape_cast %get3A_440 : vector<1x16xf32> to vector<16xf32>
        %mul3A_442 = arith.mulf %get3A_441, %broadcast_in_dim3A_427 : vector<16xf32>
        %swap3A_443 = arith.index_cast %add3A_424 : i32 to index
        %swap3A_444 = arith.constant 16 : index
        %swap3A_445 = tpu.vector_load %arg11[%swap3A_443, %swap3A_444] {strides = array<i32>} : memref<128x32xf32, #tpu.memory_space<vmem>>, vector<1x16xf32>,
        %swap3A_446 = vector.shape_cast %swap3A_445 : vector<1x16xf32> to vector<16xf32>
        %swap3A_447 = vector.shape_cast %mul3A_442 : vector<16xf32> to vector<1x16xf32>
        tpu.vector_store %arg11[%swap3A_443, %swap3A_444], %swap3A_447 {strides = array<i32>} : memref<128x32xf32, #tpu.memory_space<vmem>>, vector<1x16xf32>,
      }
      %scan3A_42 = arith.constant 8 : i32
      "tpu.region"() ({
        %run_scoped3A = tpu.sem_alloc : memref<!tpu.dma_semaphore, #tpu.memory_space<semaphore_mem>>
        %dma_start3A_43 = arith.constant 0 : i32
        %dma_start3A_44 = tpu.memref_slice %arg9[%scan3A_26, %dma_start3A_43] : memref<80x128xi32, #tpu.memory_space<vmem>> -> memref<1x128xi32, #tpu.memory_space<vmem>>
        %dma_start3A_45 = tpu.memref_squeeze %dma_start3A_44 : memref<1x128xi32, #tpu.memory_space<vmem>> -> memref<128xi32, #tpu.memory_space<vmem>>
        %dma_start3A_46 = arith.constant 0 : i32
        %dma_start3A_47 = arith.constant 0 : i32
        %dma_start3A_48 = tpu.memref_slice %arg7[%dma_start3A_46, %dma_start3A_47] : memref<10112x32xf32, #tpu.memory_space<vmem_shared>> -> memref<10112x32xf32, #tpu.memory_space<vmem_shared>>
        tpu.enqueue_indirect_dma source(%arg11 : memref<128x32xf32, #tpu.memory_space<vmem>>) target(%dma_start3A_48 : memref<10112x32xf32, #tpu.memory_space<vmem_shared>>) offsets(%dma_start3A_45 : memref<128xi32, #tpu.memory_space<vmem>>) semaphore(%run_scoped3A : memref<!tpu.dma_semaphore, #tpu.memory_space<semaphore_mem>>) {add = true}
        %dma_wait3A_49 = arith.constant 0 : i32
        %dma_wait3A_50 = tpu.memref_slice %arg9[%scan3A_26, %dma_wait3A_49] : memref<80x128xi32, #tpu.memory_space<vmem>> -> memref<1x128xi32, #tpu.memory_space<vmem>>
        %dma_wait3A_51 = tpu.memref_squeeze %dma_wait3A_50 : memref<1x128xi32, #tpu.memory_space<vmem>> -> memref<128xi32, #tpu.memory_space<vmem>>
        %dma_wait3A_52 = arith.constant 0 : i32
        %dma_wait3A_53 = arith.constant 0 : i32
        %dma_wait3A_54 = tpu.memref_slice %arg7[%dma_wait3A_52, %dma_wait3A_53] : memref<10112x32xf32, #tpu.memory_space<vmem_shared>> -> memref<10112x32xf32, #tpu.memory_space<vmem_shared>>
        tpu.wait_indirect_dma semaphore(%run_scoped3A : memref<!tpu.dma_semaphore, #tpu.memory_space<semaphore_mem>>) src(%arg11 : memref<128x32xf32, #tpu.memory_space<vmem>>) dst(%dma_wait3A_54 : memref<10112x32xf32, #tpu.memory_space<vmem_shared>>)
        tpu.yield
      }) : () -> ()
    }
    %scan3A_20 = arith.constant 80 : i32
    %barrier3A_21 = arith.constant 0 : index
    tpu.barrier barrier_id(%barrier3A_21)
    %mul3A_22 = arith.constant 632 : i32
    %mul3A_23 = arith.muli %arg1, %mul3A_22 : i32
    %mul3A_24 = arith.constant 632 : i32
    %mul3A_25 = arith.muli %arg1, %mul3A_24 : i32
    "tpu.region"() ({
      %run_scoped3A = tpu.sem_alloc : memref<!tpu.dma_semaphore, #tpu.memory_space<semaphore_mem>>
      %dma_start3A = arith.constant 0 : i32
      %dma_start3A_26 = tpu.memref_slice %arg6[%arg0, %mul3A_25, %dma_start3A] : memref<2x10112x32xf32, #tpu.memory_space<hbm>> -> memref<1x632x32xf32, #tpu.memory_space<hbm>>
      %dma_start3A_27 = tpu.memref_squeeze %dma_start3A_26 : memref<1x632x32xf32, #tpu.memory_space<hbm>> -> memref<632x32xf32, #tpu.memory_space<hbm>>
      %dma_start3A_28 = arith.constant 0 : i32
      %dma_start3A_29 = tpu.memref_slice %arg7[%mul3A_23, %dma_start3A_28] : memref<10112x32xf32, #tpu.memory_space<vmem_shared>> -> memref<632x32xf32, #tpu.memory_space<vmem_shared>>
      tpu.enqueue_dma source(%dma_start3A_29 : memref<632x32xf32, #tpu.memory_space<vmem_shared>>) target(%dma_start3A_27 : memref<632x32xf32, #tpu.memory_space<hbm>>) target_semaphore(%run_scoped3A : memref<!tpu.dma_semaphore, #tpu.memory_space<semaphore_mem>>)
      %dma_wait3A = arith.constant 0 : i32
      %dma_wait3A_30 = tpu.memref_slice %arg6[%arg0, %mul3A_25, %dma_wait3A] : memref<2x10112x32xf32, #tpu.memory_space<hbm>> -> memref<1x632x32xf32, #tpu.memory_space<hbm>>
      %dma_wait3A_31 = tpu.memref_squeeze %dma_wait3A_30 : memref<1x632x32xf32, #tpu.memory_space<hbm>> -> memref<632x32xf32, #tpu.memory_space<hbm>>
      %dma_wait3A_32 = arith.constant 0 : i32
      %dma_wait3A_33 = tpu.memref_slice %arg7[%mul3A_23, %dma_wait3A_32] : memref<10112x32xf32, #tpu.memory_space<vmem_shared>> -> memref<632x32xf32, #tpu.memory_space<vmem_shared>>
      tpu.wait_dma2 semaphore(%run_scoped3A : memref<!tpu.dma_semaphore, #tpu.memory_space<semaphore_mem>>) src(%dma_wait3A_33 : memref<632x32xf32, #tpu.memory_space<vmem_shared>>) dst(%dma_wait3A_31 : memref<632x32xf32, #tpu.memory_space<hbm>>)
      tpu.yield
    }) : () -> ()
    return
  }
}

#map = affine_map<(d0, d1) -> (0, 0)>
#map1 = affine_map<(d0, d1) -> (0, 0, 0)>
module attributes {stable_mosaic.version = 14 : i64} {
  func.func @_sc_scatter(%arg0: i32, %arg1: i32, %arg2: memref<10000x32xf32, #tpu.memory_space<hbm>>, %arg3: memref<2560x128xi32, #tpu.memory_space<hbm>>, %arg4: memref<2560x128xi32, #tpu.memory_space<hbm>>, %arg5: memref<2560x128xf32, #tpu.memory_space<hbm>>, %arg6: memref<2x10112x32xf32, #tpu.memory_space<hbm>>, %arg7: memref<10112x32xf32, #tpu.memory_space<vmem_shared>>, %arg8: memref<80x128xi32, #tpu.memory_space<vmem>>, %arg9: memref<80x128xi32, #tpu.memory_space<vmem>>, %arg10: memref<80x128xf32, #tpu.memory_space<vmem>>, %arg11: memref<128x32xf32, #tpu.memory_space<vmem>>, %arg12: memref<632x32xf32, #tpu.memory_space<vmem>>, %arg13: memref<!tpu.dma_semaphore, #tpu.memory_space<semaphore_mem>>) attributes {dimension_semantics = [#tpu.dimension_semantics<core_parallel>, #tpu.dimension_semantics<subcore_parallel>], iteration_bounds = array<i64: 2, 16>, scalar_prefetch = 0 : i64, scratch_operands = 7 : i64, tpu.core_type = #tpu.core_type<sc_vector_subcore>, window_params = [{transform_indices = #map}, {transform_indices = #map}, {transform_indices = #map}, {transform_indices = #map}, {transform_indices = #map1}]} {
    %mul3A = arith.constant 16 : i32
    %mul3A_0 = arith.muli %arg0, %mul3A : i32
    %add3A = arith.addi %mul3A_0, %arg1 : i32
    %mul3A_1 = arith.constant 80 : i32
    %mul3A_2 = arith.muli %add3A, %mul3A_1 : i32
    "tpu.region"() ({
      %run_scoped3A = tpu.sem_alloc : memref<!tpu.dma_semaphore, #tpu.memory_space<semaphore_mem>>
      %dma_start3A = arith.constant 0 : i32
      %dma_start3A_26 = tpu.memref_slice %arg3[%mul3A_2, %dma_start3A] : memref<2560x128xi32, #tpu.memory_space<hbm>> -> memref<80x128xi32, #tpu.memory_space<hbm>>
      %dma_start3A_27 = arith.constant 0 : i32
      %dma_start3A_28 = tpu.memref_slice %arg3[%mul3A_2, %dma_start3A_27] : memref<2560x128xi32, #tpu.memory_space<hbm>> -> memref<80x128xi32, #tpu.memory_space<hbm>>
      tpu.enqueue_dma source(%dma_start3A_28 : memref<80x128xi32, #tpu.memory_space<hbm>>) target(%arg8 : memref<80x128xi32, #tpu.memory_space<vmem>>) target_semaphore(%run_scoped3A : memref<!tpu.dma_semaphore, #tpu.memory_space<semaphore_mem>>)
      %dma_wait3A = arith.constant 0 : i32
      %dma_wait3A_29 = tpu.memref_slice %arg3[%mul3A_2, %dma_wait3A] : memref<2560x128xi32, #tpu.memory_space<hbm>> -> memref<80x128xi32, #tpu.memory_space<hbm>>
      %dma_wait3A_30 = arith.constant 0 : i32
      %dma_wait3A_31 = tpu.memref_slice %arg3[%mul3A_2, %dma_wait3A_30] : memref<2560x128xi32, #tpu.memory_space<hbm>> -> memref<80x128xi32, #tpu.memory_space<hbm>>
      tpu.wait_dma2 semaphore(%run_scoped3A : memref<!tpu.dma_semaphore, #tpu.memory_space<semaphore_mem>>) src(%dma_wait3A_31 : memref<80x128xi32, #tpu.memory_space<hbm>>) dst(%arg8 : memref<80x128xi32, #tpu.memory_space<vmem>>)
      tpu.yield
    }) : () -> ()
    %mul3A_3 = arith.constant 80 : i32
    %mul3A_4 = arith.muli %add3A, %mul3A_3 : i32
    "tpu.region"() ({
      %run_scoped3A = tpu.sem_alloc : memref<!tpu.dma_semaphore, #tpu.memory_space<semaphore_mem>>
      %dma_start3A = arith.constant 0 : i32
      %dma_start3A_26 = tpu.memref_slice %arg4[%mul3A_4, %dma_start3A] : memref<2560x128xi32, #tpu.memory_space<hbm>> -> memref<80x128xi32, #tpu.memory_space<hbm>>
      %dma_start3A_27 = arith.constant 0 : i32
      %dma_start3A_28 = tpu.memref_slice %arg4[%mul3A_4, %dma_start3A_27] : memref<2560x128xi32, #tpu.memory_space<hbm>> -> memref<80x128xi32, #tpu.memory_space<hbm>>
      tpu.enqueue_dma source(%dma_start3A_28 : memref<80x128xi32, #tpu.memory_space<hbm>>) target(%arg9 : memref<80x128xi32, #tpu.memory_space<vmem>>) target_semaphore(%run_scoped3A : memref<!tpu.dma_semaphore, #tpu.memory_space<semaphore_mem>>)
      %dma_wait3A = arith.constant 0 : i32
      %dma_wait3A_29 = tpu.memref_slice %arg4[%mul3A_4, %dma_wait3A] : memref<2560x128xi32, #tpu.memory_space<hbm>> -> memref<80x128xi32, #tpu.memory_space<hbm>>
      %dma_wait3A_30 = arith.constant 0 : i32
      %dma_wait3A_31 = tpu.memref_slice %arg4[%mul3A_4, %dma_wait3A_30] : memref<2560x128xi32, #tpu.memory_space<hbm>> -> memref<80x128xi32, #tpu.memory_space<hbm>>
      tpu.wait_dma2 semaphore(%run_scoped3A : memref<!tpu.dma_semaphore, #tpu.memory_space<semaphore_mem>>) src(%dma_wait3A_31 : memref<80x128xi32, #tpu.memory_space<hbm>>) dst(%arg9 : memref<80x128xi32, #tpu.memory_space<vmem>>)
      tpu.yield
    }) : () -> ()
    %mul3A_5 = arith.constant 80 : i32
    %mul3A_6 = arith.muli %add3A, %mul3A_5 : i32
    "tpu.region"() ({
      %run_scoped3A = tpu.sem_alloc : memref<!tpu.dma_semaphore, #tpu.memory_space<semaphore_mem>>
      %dma_start3A = arith.constant 0 : i32
      %dma_start3A_26 = tpu.memref_slice %arg5[%mul3A_6, %dma_start3A] : memref<2560x128xf32, #tpu.memory_space<hbm>> -> memref<80x128xf32, #tpu.memory_space<hbm>>
      %dma_start3A_27 = arith.constant 0 : i32
      %dma_start3A_28 = tpu.memref_slice %arg5[%mul3A_6, %dma_start3A_27] : memref<2560x128xf32, #tpu.memory_space<hbm>> -> memref<80x128xf32, #tpu.memory_space<hbm>>
      tpu.enqueue_dma source(%dma_start3A_28 : memref<80x128xf32, #tpu.memory_space<hbm>>) target(%arg10 : memref<80x128xf32, #tpu.memory_space<vmem>>) target_semaphore(%run_scoped3A : memref<!tpu.dma_semaphore, #tpu.memory_space<semaphore_mem>>)
      %dma_wait3A = arith.constant 0 : i32
      %dma_wait3A_29 = tpu.memref_slice %arg5[%mul3A_6, %dma_wait3A] : memref<2560x128xf32, #tpu.memory_space<hbm>> -> memref<80x128xf32, #tpu.memory_space<hbm>>
      %dma_wait3A_30 = arith.constant 0 : i32
      %dma_wait3A_31 = tpu.memref_slice %arg5[%mul3A_6, %dma_wait3A_30] : memref<2560x128xf32, #tpu.memory_space<hbm>> -> memref<80x128xf32, #tpu.memory_space<hbm>>
      tpu.wait_dma2 semaphore(%run_scoped3A : memref<!tpu.dma_semaphore, #tpu.memory_space<semaphore_mem>>) src(%dma_wait3A_31 : memref<80x128xf32, #tpu.memory_space<hbm>>) dst(%arg10 : memref<80x128xf32, #tpu.memory_space<vmem>>)
      tpu.yield
    }) : () -> ()
    %broadcast_in_dim3A = arith.constant 0.000000e+00 : f32
    %broadcast_in_dim3A_7 = vector.broadcast %broadcast_in_dim3A : f32 to vector<16xf32>
    %scan3A = arith.constant 0 : i32
    %scan3A_8 = arith.constant 0 : i32
    %scan3A_9 = arith.constant 632 : i32
    %scan3A_10 = arith.addi %scan3A_8, %scan3A_9 : i32
    %scan3A_11 = arith.constant 1 : i32
    scf.for %scan3A_26 = %scan3A_8 to %scan3A_10 step %scan3A_11  : i32 {
      %swap3A = arith.index_cast %scan3A_26 : i32 to index
      %swap3A_27 = arith.constant 0 : index
      %swap3A_28 = tpu.vector_load %arg12[%swap3A, %swap3A_27] {strides = array<i32>} : memref<632x32xf32, #tpu.memory_space<vmem>>, vector<1x16xf32>,
      %swap3A_29 = vector.shape_cast %swap3A_28 : vector<1x16xf32> to vector<16xf32>
      %swap3A_30 = vector.shape_cast %broadcast_in_dim3A_7 : vector<16xf32> to vector<1x16xf32>
      tpu.vector_store %arg12[%swap3A, %swap3A_27], %swap3A_30 {strides = array<i32>} : memref<632x32xf32, #tpu.memory_space<vmem>>, vector<1x16xf32>,
      %swap3A_31 = arith.index_cast %scan3A_26 : i32 to index
      %swap3A_32 = arith.constant 16 : index
      %swap3A_33 = tpu.vector_load %arg12[%swap3A_31, %swap3A_32] {strides = array<i32>} : memref<632x32xf32, #tpu.memory_space<vmem>>, vector<1x16xf32>,
      %swap3A_34 = vector.shape_cast %swap3A_33 : vector<1x16xf32> to vector<16xf32>
      %swap3A_35 = vector.shape_cast %broadcast_in_dim3A_7 : vector<16xf32> to vector<1x16xf32>
      tpu.vector_store %arg12[%swap3A_31, %swap3A_32], %swap3A_35 {strides = array<i32>} : memref<632x32xf32, #tpu.memory_space<vmem>>, vector<1x16xf32>,
    }
    %scan3A_12 = arith.constant 632 : i32
    %mul3A_13 = arith.constant 632 : i32
    %mul3A_14 = arith.muli %arg1, %mul3A_13 : i32
    "tpu.region"() ({
      %run_scoped3A = tpu.sem_alloc : memref<!tpu.dma_semaphore, #tpu.memory_space<semaphore_mem>>
      %dma_start3A = arith.constant 0 : i32
      %dma_start3A_26 = tpu.memref_slice %arg7[%mul3A_14, %dma_start3A] : memref<10112x32xf32, #tpu.memory_space<vmem_shared>> -> memref<632x32xf32, #tpu.memory_space<vmem_shared>>
      %dma_start3A_27 = arith.constant 0 : i32
      %dma_start3A_28 = tpu.memref_slice %arg7[%mul3A_14, %dma_start3A_27] : memref<10112x32xf32, #tpu.memory_space<vmem_shared>> -> memref<632x32xf32, #tpu.memory_space<vmem_shared>>
      tpu.enqueue_dma source(%arg12 : memref<632x32xf32, #tpu.memory_space<vmem>>) target(%dma_start3A_28 : memref<632x32xf32, #tpu.memory_space<vmem_shared>>) target_semaphore(%run_scoped3A : memref<!tpu.dma_semaphore, #tpu.memory_space<semaphore_mem>>)
      %dma_wait3A = arith.constant 0 : i32
      %dma_wait3A_29 = tpu.memref_slice %arg7[%mul3A_14, %dma_wait3A] : memref<10112x32xf32, #tpu.memory_space<vmem_shared>> -> memref<632x32xf32, #tpu.memory_space<vmem_shared>>
      %dma_wait3A_30 = arith.constant 0 : i32
      %dma_wait3A_31 = tpu.memref_slice %arg7[%mul3A_14, %dma_wait3A_30] : memref<10112x32xf32, #tpu.memory_space<vmem_shared>> -> memref<632x32xf32, #tpu.memory_space<vmem_shared>>
      tpu.wait_dma2 semaphore(%run_scoped3A : memref<!tpu.dma_semaphore, #tpu.memory_space<semaphore_mem>>) src(%arg12 : memref<632x32xf32, #tpu.memory_space<vmem>>) dst(%dma_wait3A_31 : memref<632x32xf32, #tpu.memory_space<vmem_shared>>)
      tpu.yield
    }) : () -> ()
    %barrier3A = arith.constant 0 : index
    tpu.barrier barrier_id(%barrier3A)
    %scan3A_15 = arith.constant 0 : i32
    %scan3A_16 = arith.constant 0 : i32
    %scan3A_17 = arith.constant 80 : i32
    %scan3A_18 = arith.addi %scan3A_16, %scan3A_17 : i32
    %scan3A_19 = arith.constant 1 : i32
    scf.for %scan3A_26 = %scan3A_16 to %scan3A_18 step %scan3A_19  : i32 {
      %dma_start3A = arith.constant 0 : i32
      %dma_start3A_27 = tpu.memref_slice %arg8[%scan3A_26, %dma_start3A] : memref<80x128xi32, #tpu.memory_space<vmem>> -> memref<1x128xi32, #tpu.memory_space<vmem>>
      %dma_start3A_28 = tpu.memref_squeeze %dma_start3A_27 : memref<1x128xi32, #tpu.memory_space<vmem>> -> memref<128xi32, #tpu.memory_space<vmem>>
      %dma_start3A_29 = arith.constant 0 : i32
      %dma_start3A_30 = arith.constant 0 : i32
      %dma_start3A_31 = tpu.memref_slice %arg2[%dma_start3A_29, %dma_start3A_30] : memref<10000x32xf32, #tpu.memory_space<hbm>> -> memref<10000x32xf32, #tpu.memory_space<hbm>>
      tpu.enqueue_indirect_dma source(%dma_start3A_31 : memref<10000x32xf32, #tpu.memory_space<hbm>>) target(%arg11 : memref<128x32xf32, #tpu.memory_space<vmem>>) offsets(%dma_start3A_28 : memref<128xi32, #tpu.memory_space<vmem>>) semaphore(%arg13 : memref<!tpu.dma_semaphore, #tpu.memory_space<semaphore_mem>>)
      %dma_wait3A = arith.constant 0 : i32
      %dma_wait3A_32 = tpu.memref_slice %arg8[%scan3A_26, %dma_wait3A] : memref<80x128xi32, #tpu.memory_space<vmem>> -> memref<1x128xi32, #tpu.memory_space<vmem>>
      %dma_wait3A_33 = tpu.memref_squeeze %dma_wait3A_32 : memref<1x128xi32, #tpu.memory_space<vmem>> -> memref<128xi32, #tpu.memory_space<vmem>>
      %dma_wait3A_34 = arith.constant 0 : i32
      %dma_wait3A_35 = arith.constant 0 : i32
      %dma_wait3A_36 = tpu.memref_slice %arg2[%dma_wait3A_34, %dma_wait3A_35] : memref<10000x32xf32, #tpu.memory_space<hbm>> -> memref<10000x32xf32, #tpu.memory_space<hbm>>
      tpu.wait_indirect_dma semaphore(%arg13 : memref<!tpu.dma_semaphore, #tpu.memory_space<semaphore_mem>>) src(%dma_wait3A_36 : memref<10000x32xf32, #tpu.memory_space<hbm>>) dst(%arg11 : memref<128x32xf32, #tpu.memory_space<vmem>>)
      %scan3A_37 = arith.constant 0 : i32
      %scan3A_38 = arith.constant 0 : i32
      %scan3A_39 = arith.constant 8 : i32
      %scan3A_40 = arith.addi %scan3A_38, %scan3A_39 : i32
      %scan3A_41 = arith.constant 1 : i32
      scf.for %scan3A_43 = %scan3A_38 to %scan3A_40 step %scan3A_41  : i32 {
        %mul3A_44 = arith.constant 16 : i32
        %mul3A_45 = arith.muli %scan3A_43, %mul3A_44 : i32
        %get3A = arith.index_cast %scan3A_26 : i32 to index
        %get3A_46 = arith.index_cast %mul3A_45 : i32 to index
        %get3A_47 = tpu.vector_load %arg10[%get3A, %get3A_46] {strides = array<i32>} : memref<80x128xf32, #tpu.memory_space<vmem>>, vector<1x16xf32>,
        %get3A_48 = vector.shape_cast %get3A_47 : vector<1x16xf32> to vector<16xf32>
        %mul3A_49 = arith.constant 16 : i32
        %mul3A_50 = arith.muli %scan3A_43, %mul3A_49 : i32
        %add3A_51 = arith.constant 0 : i32
        %add3A_52 = arith.addi %mul3A_50, %add3A_51 : i32
        %slice3A = vector.extract_strided_slice %get3A_48 {offsets = [0], sizes = [1], strides = [1]} : vector<16xf32> to vector<1xf32>
        %squeeze3A = vector.extract %slice3A[0] : f32 from vector<1xf32>
        %broadcast_in_dim3A_53 = vector.broadcast %squeeze3A : f32 to vector<16xf32>
        %get3A_54 = arith.index_cast %add3A_52 : i32 to index
        %get3A_55 = arith.constant 0 : index
        %get3A_56 = tpu.vector_load %arg11[%get3A_54, %get3A_55] {strides = array<i32>} : memref<128x32xf32, #tpu.memory_space<vmem>>, vector<1x16xf32>,
        %get3A_57 = vector.shape_cast %get3A_56 : vector<1x16xf32> to vector<16xf32>
        %mul3A_58 = arith.mulf %get3A_57, %broadcast_in_dim3A_53 : vector<16xf32>
        %swap3A = arith.index_cast %add3A_52 : i32 to index
        %swap3A_59 = arith.constant 0 : index
        %swap3A_60 = tpu.vector_load %arg11[%swap3A, %swap3A_59] {strides = array<i32>} : memref<128x32xf32, #tpu.memory_space<vmem>>, vector<1x16xf32>,
        %swap3A_61 = vector.shape_cast %swap3A_60 : vector<1x16xf32> to vector<16xf32>
        %swap3A_62 = vector.shape_cast %mul3A_58 : vector<16xf32> to vector<1x16xf32>
        tpu.vector_store %arg11[%swap3A, %swap3A_59], %swap3A_62 {strides = array<i32>} : memref<128x32xf32, #tpu.memory_space<vmem>>, vector<1x16xf32>,
        %get3A_63 = arith.index_cast %add3A_52 : i32 to index
        %get3A_64 = arith.constant 16 : index
        %get3A_65 = tpu.vector_load %arg11[%get3A_63, %get3A_64] {strides = array<i32>} : memref<128x32xf32, #tpu.memory_space<vmem>>, vector<1x16xf32>,
        %get3A_66 = vector.shape_cast %get3A_65 : vector<1x16xf32> to vector<16xf32>
        %mul3A_67 = arith.mulf %get3A_66, %broadcast_in_dim3A_53 : vector<16xf32>
        %swap3A_68 = arith.index_cast %add3A_52 : i32 to index
        %swap3A_69 = arith.constant 16 : index
        %swap3A_70 = tpu.vector_load %arg11[%swap3A_68, %swap3A_69] {strides = array<i32>} : memref<128x32xf32, #tpu.memory_space<vmem>>, vector<1x16xf32>,
        %swap3A_71 = vector.shape_cast %swap3A_70 : vector<1x16xf32> to vector<16xf32>
        %swap3A_72 = vector.shape_cast %mul3A_67 : vector<16xf32> to vector<1x16xf32>
        tpu.vector_store %arg11[%swap3A_68, %swap3A_69], %swap3A_72 {strides = array<i32>} : memref<128x32xf32, #tpu.memory_space<vmem>>, vector<1x16xf32>,
        %add3A_73 = arith.constant 1 : i32
        %add3A_74 = arith.addi %mul3A_50, %add3A_73 : i32
        %slice3A_75 = vector.extract_strided_slice %get3A_48 {offsets = [1], sizes = [1], strides = [1]} : vector<16xf32> to vector<1xf32>
        %squeeze3A_76 = vector.extract %slice3A_75[0] : f32 from vector<1xf32>
        %broadcast_in_dim3A_77 = vector.broadcast %squeeze3A_76 : f32 to vector<16xf32>
        %get3A_78 = arith.index_cast %add3A_74 : i32 to index
        %get3A_79 = arith.constant 0 : index
        %get3A_80 = tpu.vector_load %arg11[%get3A_78, %get3A_79] {strides = array<i32>} : memref<128x32xf32, #tpu.memory_space<vmem>>, vector<1x16xf32>,
        %get3A_81 = vector.shape_cast %get3A_80 : vector<1x16xf32> to vector<16xf32>
        %mul3A_82 = arith.mulf %get3A_81, %broadcast_in_dim3A_77 : vector<16xf32>
        %swap3A_83 = arith.index_cast %add3A_74 : i32 to index
        %swap3A_84 = arith.constant 0 : index
        %swap3A_85 = tpu.vector_load %arg11[%swap3A_83, %swap3A_84] {strides = array<i32>} : memref<128x32xf32, #tpu.memory_space<vmem>>, vector<1x16xf32>,
        %swap3A_86 = vector.shape_cast %swap3A_85 : vector<1x16xf32> to vector<16xf32>
        %swap3A_87 = vector.shape_cast %mul3A_82 : vector<16xf32> to vector<1x16xf32>
        tpu.vector_store %arg11[%swap3A_83, %swap3A_84], %swap3A_87 {strides = array<i32>} : memref<128x32xf32, #tpu.memory_space<vmem>>, vector<1x16xf32>,
        %get3A_88 = arith.index_cast %add3A_74 : i32 to index
        %get3A_89 = arith.constant 16 : index
        %get3A_90 = tpu.vector_load %arg11[%get3A_88, %get3A_89] {strides = array<i32>} : memref<128x32xf32, #tpu.memory_space<vmem>>, vector<1x16xf32>,
        %get3A_91 = vector.shape_cast %get3A_90 : vector<1x16xf32> to vector<16xf32>
        %mul3A_92 = arith.mulf %get3A_91, %broadcast_in_dim3A_77 : vector<16xf32>
        %swap3A_93 = arith.index_cast %add3A_74 : i32 to index
        %swap3A_94 = arith.constant 16 : index
        %swap3A_95 = tpu.vector_load %arg11[%swap3A_93, %swap3A_94] {strides = array<i32>} : memref<128x32xf32, #tpu.memory_space<vmem>>, vector<1x16xf32>,
        %swap3A_96 = vector.shape_cast %swap3A_95 : vector<1x16xf32> to vector<16xf32>
        %swap3A_97 = vector.shape_cast %mul3A_92 : vector<16xf32> to vector<1x16xf32>
        tpu.vector_store %arg11[%swap3A_93, %swap3A_94], %swap3A_97 {strides = array<i32>} : memref<128x32xf32, #tpu.memory_space<vmem>>, vector<1x16xf32>,
        %add3A_98 = arith.constant 2 : i32
        %add3A_99 = arith.addi %mul3A_50, %add3A_98 : i32
        %slice3A_100 = vector.extract_strided_slice %get3A_48 {offsets = [2], sizes = [1], strides = [1]} : vector<16xf32> to vector<1xf32>
        %squeeze3A_101 = vector.extract %slice3A_100[0] : f32 from vector<1xf32>
        %broadcast_in_dim3A_102 = vector.broadcast %squeeze3A_101 : f32 to vector<16xf32>
        %get3A_103 = arith.index_cast %add3A_99 : i32 to index
        %get3A_104 = arith.constant 0 : index
        %get3A_105 = tpu.vector_load %arg11[%get3A_103, %get3A_104] {strides = array<i32>} : memref<128x32xf32, #tpu.memory_space<vmem>>, vector<1x16xf32>,
        %get3A_106 = vector.shape_cast %get3A_105 : vector<1x16xf32> to vector<16xf32>
        %mul3A_107 = arith.mulf %get3A_106, %broadcast_in_dim3A_102 : vector<16xf32>
        %swap3A_108 = arith.index_cast %add3A_99 : i32 to index
        %swap3A_109 = arith.constant 0 : index
        %swap3A_110 = tpu.vector_load %arg11[%swap3A_108, %swap3A_109] {strides = array<i32>} : memref<128x32xf32, #tpu.memory_space<vmem>>, vector<1x16xf32>,
        %swap3A_111 = vector.shape_cast %swap3A_110 : vector<1x16xf32> to vector<16xf32>
        %swap3A_112 = vector.shape_cast %mul3A_107 : vector<16xf32> to vector<1x16xf32>
        tpu.vector_store %arg11[%swap3A_108, %swap3A_109], %swap3A_112 {strides = array<i32>} : memref<128x32xf32, #tpu.memory_space<vmem>>, vector<1x16xf32>,
        %get3A_113 = arith.index_cast %add3A_99 : i32 to index
        %get3A_114 = arith.constant 16 : index
        %get3A_115 = tpu.vector_load %arg11[%get3A_113, %get3A_114] {strides = array<i32>} : memref<128x32xf32, #tpu.memory_space<vmem>>, vector<1x16xf32>,
        %get3A_116 = vector.shape_cast %get3A_115 : vector<1x16xf32> to vector<16xf32>
        %mul3A_117 = arith.mulf %get3A_116, %broadcast_in_dim3A_102 : vector<16xf32>
        %swap3A_118 = arith.index_cast %add3A_99 : i32 to index
        %swap3A_119 = arith.constant 16 : index
        %swap3A_120 = tpu.vector_load %arg11[%swap3A_118, %swap3A_119] {strides = array<i32>} : memref<128x32xf32, #tpu.memory_space<vmem>>, vector<1x16xf32>,
        %swap3A_121 = vector.shape_cast %swap3A_120 : vector<1x16xf32> to vector<16xf32>
        %swap3A_122 = vector.shape_cast %mul3A_117 : vector<16xf32> to vector<1x16xf32>
        tpu.vector_store %arg11[%swap3A_118, %swap3A_119], %swap3A_122 {strides = array<i32>} : memref<128x32xf32, #tpu.memory_space<vmem>>, vector<1x16xf32>,
        %add3A_123 = arith.constant 3 : i32
        %add3A_124 = arith.addi %mul3A_50, %add3A_123 : i32
        %slice3A_125 = vector.extract_strided_slice %get3A_48 {offsets = [3], sizes = [1], strides = [1]} : vector<16xf32> to vector<1xf32>
        %squeeze3A_126 = vector.extract %slice3A_125[0] : f32 from vector<1xf32>
        %broadcast_in_dim3A_127 = vector.broadcast %squeeze3A_126 : f32 to vector<16xf32>
        %get3A_128 = arith.index_cast %add3A_124 : i32 to index
        %get3A_129 = arith.constant 0 : index
        %get3A_130 = tpu.vector_load %arg11[%get3A_128, %get3A_129] {strides = array<i32>} : memref<128x32xf32, #tpu.memory_space<vmem>>, vector<1x16xf32>,
        %get3A_131 = vector.shape_cast %get3A_130 : vector<1x16xf32> to vector<16xf32>
        %mul3A_132 = arith.mulf %get3A_131, %broadcast_in_dim3A_127 : vector<16xf32>
        %swap3A_133 = arith.index_cast %add3A_124 : i32 to index
        %swap3A_134 = arith.constant 0 : index
        %swap3A_135 = tpu.vector_load %arg11[%swap3A_133, %swap3A_134] {strides = array<i32>} : memref<128x32xf32, #tpu.memory_space<vmem>>, vector<1x16xf32>,
        %swap3A_136 = vector.shape_cast %swap3A_135 : vector<1x16xf32> to vector<16xf32>
        %swap3A_137 = vector.shape_cast %mul3A_132 : vector<16xf32> to vector<1x16xf32>
        tpu.vector_store %arg11[%swap3A_133, %swap3A_134], %swap3A_137 {strides = array<i32>} : memref<128x32xf32, #tpu.memory_space<vmem>>, vector<1x16xf32>,
        %get3A_138 = arith.index_cast %add3A_124 : i32 to index
        %get3A_139 = arith.constant 16 : index
        %get3A_140 = tpu.vector_load %arg11[%get3A_138, %get3A_139] {strides = array<i32>} : memref<128x32xf32, #tpu.memory_space<vmem>>, vector<1x16xf32>,
        %get3A_141 = vector.shape_cast %get3A_140 : vector<1x16xf32> to vector<16xf32>
        %mul3A_142 = arith.mulf %get3A_141, %broadcast_in_dim3A_127 : vector<16xf32>
        %swap3A_143 = arith.index_cast %add3A_124 : i32 to index
        %swap3A_144 = arith.constant 16 : index
        %swap3A_145 = tpu.vector_load %arg11[%swap3A_143, %swap3A_144] {strides = array<i32>} : memref<128x32xf32, #tpu.memory_space<vmem>>, vector<1x16xf32>,
        %swap3A_146 = vector.shape_cast %swap3A_145 : vector<1x16xf32> to vector<16xf32>
        %swap3A_147 = vector.shape_cast %mul3A_142 : vector<16xf32> to vector<1x16xf32>
        tpu.vector_store %arg11[%swap3A_143, %swap3A_144], %swap3A_147 {strides = array<i32>} : memref<128x32xf32, #tpu.memory_space<vmem>>, vector<1x16xf32>,
        %add3A_148 = arith.constant 4 : i32
        %add3A_149 = arith.addi %mul3A_50, %add3A_148 : i32
        %slice3A_150 = vector.extract_strided_slice %get3A_48 {offsets = [4], sizes = [1], strides = [1]} : vector<16xf32> to vector<1xf32>
        %squeeze3A_151 = vector.extract %slice3A_150[0] : f32 from vector<1xf32>
        %broadcast_in_dim3A_152 = vector.broadcast %squeeze3A_151 : f32 to vector<16xf32>
        %get3A_153 = arith.index_cast %add3A_149 : i32 to index
        %get3A_154 = arith.constant 0 : index
        %get3A_155 = tpu.vector_load %arg11[%get3A_153, %get3A_154] {strides = array<i32>} : memref<128x32xf32, #tpu.memory_space<vmem>>, vector<1x16xf32>,
        %get3A_156 = vector.shape_cast %get3A_155 : vector<1x16xf32> to vector<16xf32>
        %mul3A_157 = arith.mulf %get3A_156, %broadcast_in_dim3A_152 : vector<16xf32>
        %swap3A_158 = arith.index_cast %add3A_149 : i32 to index
        %swap3A_159 = arith.constant 0 : index
        %swap3A_160 = tpu.vector_load %arg11[%swap3A_158, %swap3A_159] {strides = array<i32>} : memref<128x32xf32, #tpu.memory_space<vmem>>, vector<1x16xf32>,
        %swap3A_161 = vector.shape_cast %swap3A_160 : vector<1x16xf32> to vector<16xf32>
        %swap3A_162 = vector.shape_cast %mul3A_157 : vector<16xf32> to vector<1x16xf32>
        tpu.vector_store %arg11[%swap3A_158, %swap3A_159], %swap3A_162 {strides = array<i32>} : memref<128x32xf32, #tpu.memory_space<vmem>>, vector<1x16xf32>,
        %get3A_163 = arith.index_cast %add3A_149 : i32 to index
        %get3A_164 = arith.constant 16 : index
        %get3A_165 = tpu.vector_load %arg11[%get3A_163, %get3A_164] {strides = array<i32>} : memref<128x32xf32, #tpu.memory_space<vmem>>, vector<1x16xf32>,
        %get3A_166 = vector.shape_cast %get3A_165 : vector<1x16xf32> to vector<16xf32>
        %mul3A_167 = arith.mulf %get3A_166, %broadcast_in_dim3A_152 : vector<16xf32>
        %swap3A_168 = arith.index_cast %add3A_149 : i32 to index
        %swap3A_169 = arith.constant 16 : index
        %swap3A_170 = tpu.vector_load %arg11[%swap3A_168, %swap3A_169] {strides = array<i32>} : memref<128x32xf32, #tpu.memory_space<vmem>>, vector<1x16xf32>,
        %swap3A_171 = vector.shape_cast %swap3A_170 : vector<1x16xf32> to vector<16xf32>
        %swap3A_172 = vector.shape_cast %mul3A_167 : vector<16xf32> to vector<1x16xf32>
        tpu.vector_store %arg11[%swap3A_168, %swap3A_169], %swap3A_172 {strides = array<i32>} : memref<128x32xf32, #tpu.memory_space<vmem>>, vector<1x16xf32>,
        %add3A_173 = arith.constant 5 : i32
        %add3A_174 = arith.addi %mul3A_50, %add3A_173 : i32
        %slice3A_175 = vector.extract_strided_slice %get3A_48 {offsets = [5], sizes = [1], strides = [1]} : vector<16xf32> to vector<1xf32>
        %squeeze3A_176 = vector.extract %slice3A_175[0] : f32 from vector<1xf32>
        %broadcast_in_dim3A_177 = vector.broadcast %squeeze3A_176 : f32 to vector<16xf32>
        %get3A_178 = arith.index_cast %add3A_174 : i32 to index
        %get3A_179 = arith.constant 0 : index
        %get3A_180 = tpu.vector_load %arg11[%get3A_178, %get3A_179] {strides = array<i32>} : memref<128x32xf32, #tpu.memory_space<vmem>>, vector<1x16xf32>,
        %get3A_181 = vector.shape_cast %get3A_180 : vector<1x16xf32> to vector<16xf32>
        %mul3A_182 = arith.mulf %get3A_181, %broadcast_in_dim3A_177 : vector<16xf32>
        %swap3A_183 = arith.index_cast %add3A_174 : i32 to index
        %swap3A_184 = arith.constant 0 : index
        %swap3A_185 = tpu.vector_load %arg11[%swap3A_183, %swap3A_184] {strides = array<i32>} : memref<128x32xf32, #tpu.memory_space<vmem>>, vector<1x16xf32>,
        %swap3A_186 = vector.shape_cast %swap3A_185 : vector<1x16xf32> to vector<16xf32>
        %swap3A_187 = vector.shape_cast %mul3A_182 : vector<16xf32> to vector<1x16xf32>
        tpu.vector_store %arg11[%swap3A_183, %swap3A_184], %swap3A_187 {strides = array<i32>} : memref<128x32xf32, #tpu.memory_space<vmem>>, vector<1x16xf32>,
        %get3A_188 = arith.index_cast %add3A_174 : i32 to index
        %get3A_189 = arith.constant 16 : index
        %get3A_190 = tpu.vector_load %arg11[%get3A_188, %get3A_189] {strides = array<i32>} : memref<128x32xf32, #tpu.memory_space<vmem>>, vector<1x16xf32>,
        %get3A_191 = vector.shape_cast %get3A_190 : vector<1x16xf32> to vector<16xf32>
        %mul3A_192 = arith.mulf %get3A_191, %broadcast_in_dim3A_177 : vector<16xf32>
        %swap3A_193 = arith.index_cast %add3A_174 : i32 to index
        %swap3A_194 = arith.constant 16 : index
        %swap3A_195 = tpu.vector_load %arg11[%swap3A_193, %swap3A_194] {strides = array<i32>} : memref<128x32xf32, #tpu.memory_space<vmem>>, vector<1x16xf32>,
        %swap3A_196 = vector.shape_cast %swap3A_195 : vector<1x16xf32> to vector<16xf32>
        %swap3A_197 = vector.shape_cast %mul3A_192 : vector<16xf32> to vector<1x16xf32>
        tpu.vector_store %arg11[%swap3A_193, %swap3A_194], %swap3A_197 {strides = array<i32>} : memref<128x32xf32, #tpu.memory_space<vmem>>, vector<1x16xf32>,
        %add3A_198 = arith.constant 6 : i32
        %add3A_199 = arith.addi %mul3A_50, %add3A_198 : i32
        %slice3A_200 = vector.extract_strided_slice %get3A_48 {offsets = [6], sizes = [1], strides = [1]} : vector<16xf32> to vector<1xf32>
        %squeeze3A_201 = vector.extract %slice3A_200[0] : f32 from vector<1xf32>
        %broadcast_in_dim3A_202 = vector.broadcast %squeeze3A_201 : f32 to vector<16xf32>
        %get3A_203 = arith.index_cast %add3A_199 : i32 to index
        %get3A_204 = arith.constant 0 : index
        %get3A_205 = tpu.vector_load %arg11[%get3A_203, %get3A_204] {strides = array<i32>} : memref<128x32xf32, #tpu.memory_space<vmem>>, vector<1x16xf32>,
        %get3A_206 = vector.shape_cast %get3A_205 : vector<1x16xf32> to vector<16xf32>
        %mul3A_207 = arith.mulf %get3A_206, %broadcast_in_dim3A_202 : vector<16xf32>
        %swap3A_208 = arith.index_cast %add3A_199 : i32 to index
        %swap3A_209 = arith.constant 0 : index
        %swap3A_210 = tpu.vector_load %arg11[%swap3A_208, %swap3A_209] {strides = array<i32>} : memref<128x32xf32, #tpu.memory_space<vmem>>, vector<1x16xf32>,
        %swap3A_211 = vector.shape_cast %swap3A_210 : vector<1x16xf32> to vector<16xf32>
        %swap3A_212 = vector.shape_cast %mul3A_207 : vector<16xf32> to vector<1x16xf32>
        tpu.vector_store %arg11[%swap3A_208, %swap3A_209], %swap3A_212 {strides = array<i32>} : memref<128x32xf32, #tpu.memory_space<vmem>>, vector<1x16xf32>,
        %get3A_213 = arith.index_cast %add3A_199 : i32 to index
        %get3A_214 = arith.constant 16 : index
        %get3A_215 = tpu.vector_load %arg11[%get3A_213, %get3A_214] {strides = array<i32>} : memref<128x32xf32, #tpu.memory_space<vmem>>, vector<1x16xf32>,
        %get3A_216 = vector.shape_cast %get3A_215 : vector<1x16xf32> to vector<16xf32>
        %mul3A_217 = arith.mulf %get3A_216, %broadcast_in_dim3A_202 : vector<16xf32>
        %swap3A_218 = arith.index_cast %add3A_199 : i32 to index
        %swap3A_219 = arith.constant 16 : index
        %swap3A_220 = tpu.vector_load %arg11[%swap3A_218, %swap3A_219] {strides = array<i32>} : memref<128x32xf32, #tpu.memory_space<vmem>>, vector<1x16xf32>,
        %swap3A_221 = vector.shape_cast %swap3A_220 : vector<1x16xf32> to vector<16xf32>
        %swap3A_222 = vector.shape_cast %mul3A_217 : vector<16xf32> to vector<1x16xf32>
        tpu.vector_store %arg11[%swap3A_218, %swap3A_219], %swap3A_222 {strides = array<i32>} : memref<128x32xf32, #tpu.memory_space<vmem>>, vector<1x16xf32>,
        %add3A_223 = arith.constant 7 : i32
        %add3A_224 = arith.addi %mul3A_50, %add3A_223 : i32
        %slice3A_225 = vector.extract_strided_slice %get3A_48 {offsets = [7], sizes = [1], strides = [1]} : vector<16xf32> to vector<1xf32>
        %squeeze3A_226 = vector.extract %slice3A_225[0] : f32 from vector<1xf32>
        %broadcast_in_dim3A_227 = vector.broadcast %squeeze3A_226 : f32 to vector<16xf32>
        %get3A_228 = arith.index_cast %add3A_224 : i32 to index
        %get3A_229 = arith.constant 0 : index
        %get3A_230 = tpu.vector_load %arg11[%get3A_228, %get3A_229] {strides = array<i32>} : memref<128x32xf32, #tpu.memory_space<vmem>>, vector<1x16xf32>,
        %get3A_231 = vector.shape_cast %get3A_230 : vector<1x16xf32> to vector<16xf32>
        %mul3A_232 = arith.mulf %get3A_231, %broadcast_in_dim3A_227 : vector<16xf32>
        %swap3A_233 = arith.index_cast %add3A_224 : i32 to index
        %swap3A_234 = arith.constant 0 : index
        %swap3A_235 = tpu.vector_load %arg11[%swap3A_233, %swap3A_234] {strides = array<i32>} : memref<128x32xf32, #tpu.memory_space<vmem>>, vector<1x16xf32>,
        %swap3A_236 = vector.shape_cast %swap3A_235 : vector<1x16xf32> to vector<16xf32>
        %swap3A_237 = vector.shape_cast %mul3A_232 : vector<16xf32> to vector<1x16xf32>
        tpu.vector_store %arg11[%swap3A_233, %swap3A_234], %swap3A_237 {strides = array<i32>} : memref<128x32xf32, #tpu.memory_space<vmem>>, vector<1x16xf32>,
        %get3A_238 = arith.index_cast %add3A_224 : i32 to index
        %get3A_239 = arith.constant 16 : index
        %get3A_240 = tpu.vector_load %arg11[%get3A_238, %get3A_239] {strides = array<i32>} : memref<128x32xf32, #tpu.memory_space<vmem>>, vector<1x16xf32>,
        %get3A_241 = vector.shape_cast %get3A_240 : vector<1x16xf32> to vector<16xf32>
        %mul3A_242 = arith.mulf %get3A_241, %broadcast_in_dim3A_227 : vector<16xf32>
        %swap3A_243 = arith.index_cast %add3A_224 : i32 to index
        %swap3A_244 = arith.constant 16 : index
        %swap3A_245 = tpu.vector_load %arg11[%swap3A_243, %swap3A_244] {strides = array<i32>} : memref<128x32xf32, #tpu.memory_space<vmem>>, vector<1x16xf32>,
        %swap3A_246 = vector.shape_cast %swap3A_245 : vector<1x16xf32> to vector<16xf32>
        %swap3A_247 = vector.shape_cast %mul3A_242 : vector<16xf32> to vector<1x16xf32>
        tpu.vector_store %arg11[%swap3A_243, %swap3A_244], %swap3A_247 {strides = array<i32>} : memref<128x32xf32, #tpu.memory_space<vmem>>, vector<1x16xf32>,
        %add3A_248 = arith.constant 8 : i32
        %add3A_249 = arith.addi %mul3A_50, %add3A_248 : i32
        %slice3A_250 = vector.extract_strided_slice %get3A_48 {offsets = [8], sizes = [1], strides = [1]} : vector<16xf32> to vector<1xf32>
        %squeeze3A_251 = vector.extract %slice3A_250[0] : f32 from vector<1xf32>
        %broadcast_in_dim3A_252 = vector.broadcast %squeeze3A_251 : f32 to vector<16xf32>
        %get3A_253 = arith.index_cast %add3A_249 : i32 to index
        %get3A_254 = arith.constant 0 : index
        %get3A_255 = tpu.vector_load %arg11[%get3A_253, %get3A_254] {strides = array<i32>} : memref<128x32xf32, #tpu.memory_space<vmem>>, vector<1x16xf32>,
        %get3A_256 = vector.shape_cast %get3A_255 : vector<1x16xf32> to vector<16xf32>
        %mul3A_257 = arith.mulf %get3A_256, %broadcast_in_dim3A_252 : vector<16xf32>
        %swap3A_258 = arith.index_cast %add3A_249 : i32 to index
        %swap3A_259 = arith.constant 0 : index
        %swap3A_260 = tpu.vector_load %arg11[%swap3A_258, %swap3A_259] {strides = array<i32>} : memref<128x32xf32, #tpu.memory_space<vmem>>, vector<1x16xf32>,
        %swap3A_261 = vector.shape_cast %swap3A_260 : vector<1x16xf32> to vector<16xf32>
        %swap3A_262 = vector.shape_cast %mul3A_257 : vector<16xf32> to vector<1x16xf32>
        tpu.vector_store %arg11[%swap3A_258, %swap3A_259], %swap3A_262 {strides = array<i32>} : memref<128x32xf32, #tpu.memory_space<vmem>>, vector<1x16xf32>,
        %get3A_263 = arith.index_cast %add3A_249 : i32 to index
        %get3A_264 = arith.constant 16 : index
        %get3A_265 = tpu.vector_load %arg11[%get3A_263, %get3A_264] {strides = array<i32>} : memref<128x32xf32, #tpu.memory_space<vmem>>, vector<1x16xf32>,
        %get3A_266 = vector.shape_cast %get3A_265 : vector<1x16xf32> to vector<16xf32>
        %mul3A_267 = arith.mulf %get3A_266, %broadcast_in_dim3A_252 : vector<16xf32>
        %swap3A_268 = arith.index_cast %add3A_249 : i32 to index
        %swap3A_269 = arith.constant 16 : index
        %swap3A_270 = tpu.vector_load %arg11[%swap3A_268, %swap3A_269] {strides = array<i32>} : memref<128x32xf32, #tpu.memory_space<vmem>>, vector<1x16xf32>,
        %swap3A_271 = vector.shape_cast %swap3A_270 : vector<1x16xf32> to vector<16xf32>
        %swap3A_272 = vector.shape_cast %mul3A_267 : vector<16xf32> to vector<1x16xf32>
        tpu.vector_store %arg11[%swap3A_268, %swap3A_269], %swap3A_272 {strides = array<i32>} : memref<128x32xf32, #tpu.memory_space<vmem>>, vector<1x16xf32>,
        %add3A_273 = arith.constant 9 : i32
        %add3A_274 = arith.addi %mul3A_50, %add3A_273 : i32
        %slice3A_275 = vector.extract_strided_slice %get3A_48 {offsets = [9], sizes = [1], strides = [1]} : vector<16xf32> to vector<1xf32>
        %squeeze3A_276 = vector.extract %slice3A_275[0] : f32 from vector<1xf32>
        %broadcast_in_dim3A_277 = vector.broadcast %squeeze3A_276 : f32 to vector<16xf32>
        %get3A_278 = arith.index_cast %add3A_274 : i32 to index
        %get3A_279 = arith.constant 0 : index
        %get3A_280 = tpu.vector_load %arg11[%get3A_278, %get3A_279] {strides = array<i32>} : memref<128x32xf32, #tpu.memory_space<vmem>>, vector<1x16xf32>,
        %get3A_281 = vector.shape_cast %get3A_280 : vector<1x16xf32> to vector<16xf32>
        %mul3A_282 = arith.mulf %get3A_281, %broadcast_in_dim3A_277 : vector<16xf32>
        %swap3A_283 = arith.index_cast %add3A_274 : i32 to index
        %swap3A_284 = arith.constant 0 : index
        %swap3A_285 = tpu.vector_load %arg11[%swap3A_283, %swap3A_284] {strides = array<i32>} : memref<128x32xf32, #tpu.memory_space<vmem>>, vector<1x16xf32>,
        %swap3A_286 = vector.shape_cast %swap3A_285 : vector<1x16xf32> to vector<16xf32>
        %swap3A_287 = vector.shape_cast %mul3A_282 : vector<16xf32> to vector<1x16xf32>
        tpu.vector_store %arg11[%swap3A_283, %swap3A_284], %swap3A_287 {strides = array<i32>} : memref<128x32xf32, #tpu.memory_space<vmem>>, vector<1x16xf32>,
        %get3A_288 = arith.index_cast %add3A_274 : i32 to index
        %get3A_289 = arith.constant 16 : index
        %get3A_290 = tpu.vector_load %arg11[%get3A_288, %get3A_289] {strides = array<i32>} : memref<128x32xf32, #tpu.memory_space<vmem>>, vector<1x16xf32>,
        %get3A_291 = vector.shape_cast %get3A_290 : vector<1x16xf32> to vector<16xf32>
        %mul3A_292 = arith.mulf %get3A_291, %broadcast_in_dim3A_277 : vector<16xf32>
        %swap3A_293 = arith.index_cast %add3A_274 : i32 to index
        %swap3A_294 = arith.constant 16 : index
        %swap3A_295 = tpu.vector_load %arg11[%swap3A_293, %swap3A_294] {strides = array<i32>} : memref<128x32xf32, #tpu.memory_space<vmem>>, vector<1x16xf32>,
        %swap3A_296 = vector.shape_cast %swap3A_295 : vector<1x16xf32> to vector<16xf32>
        %swap3A_297 = vector.shape_cast %mul3A_292 : vector<16xf32> to vector<1x16xf32>
        tpu.vector_store %arg11[%swap3A_293, %swap3A_294], %swap3A_297 {strides = array<i32>} : memref<128x32xf32, #tpu.memory_space<vmem>>, vector<1x16xf32>,
        %add3A_298 = arith.constant 10 : i32
        %add3A_299 = arith.addi %mul3A_50, %add3A_298 : i32
        %slice3A_300 = vector.extract_strided_slice %get3A_48 {offsets = [10], sizes = [1], strides = [1]} : vector<16xf32> to vector<1xf32>
        %squeeze3A_301 = vector.extract %slice3A_300[0] : f32 from vector<1xf32>
        %broadcast_in_dim3A_302 = vector.broadcast %squeeze3A_301 : f32 to vector<16xf32>
        %get3A_303 = arith.index_cast %add3A_299 : i32 to index
        %get3A_304 = arith.constant 0 : index
        %get3A_305 = tpu.vector_load %arg11[%get3A_303, %get3A_304] {strides = array<i32>} : memref<128x32xf32, #tpu.memory_space<vmem>>, vector<1x16xf32>,
        %get3A_306 = vector.shape_cast %get3A_305 : vector<1x16xf32> to vector<16xf32>
        %mul3A_307 = arith.mulf %get3A_306, %broadcast_in_dim3A_302 : vector<16xf32>
        %swap3A_308 = arith.index_cast %add3A_299 : i32 to index
        %swap3A_309 = arith.constant 0 : index
        %swap3A_310 = tpu.vector_load %arg11[%swap3A_308, %swap3A_309] {strides = array<i32>} : memref<128x32xf32, #tpu.memory_space<vmem>>, vector<1x16xf32>,
        %swap3A_311 = vector.shape_cast %swap3A_310 : vector<1x16xf32> to vector<16xf32>
        %swap3A_312 = vector.shape_cast %mul3A_307 : vector<16xf32> to vector<1x16xf32>
        tpu.vector_store %arg11[%swap3A_308, %swap3A_309], %swap3A_312 {strides = array<i32>} : memref<128x32xf32, #tpu.memory_space<vmem>>, vector<1x16xf32>,
        %get3A_313 = arith.index_cast %add3A_299 : i32 to index
        %get3A_314 = arith.constant 16 : index
        %get3A_315 = tpu.vector_load %arg11[%get3A_313, %get3A_314] {strides = array<i32>} : memref<128x32xf32, #tpu.memory_space<vmem>>, vector<1x16xf32>,
        %get3A_316 = vector.shape_cast %get3A_315 : vector<1x16xf32> to vector<16xf32>
        %mul3A_317 = arith.mulf %get3A_316, %broadcast_in_dim3A_302 : vector<16xf32>
        %swap3A_318 = arith.index_cast %add3A_299 : i32 to index
        %swap3A_319 = arith.constant 16 : index
        %swap3A_320 = tpu.vector_load %arg11[%swap3A_318, %swap3A_319] {strides = array<i32>} : memref<128x32xf32, #tpu.memory_space<vmem>>, vector<1x16xf32>,
        %swap3A_321 = vector.shape_cast %swap3A_320 : vector<1x16xf32> to vector<16xf32>
        %swap3A_322 = vector.shape_cast %mul3A_317 : vector<16xf32> to vector<1x16xf32>
        tpu.vector_store %arg11[%swap3A_318, %swap3A_319], %swap3A_322 {strides = array<i32>} : memref<128x32xf32, #tpu.memory_space<vmem>>, vector<1x16xf32>,
        %add3A_323 = arith.constant 11 : i32
        %add3A_324 = arith.addi %mul3A_50, %add3A_323 : i32
        %slice3A_325 = vector.extract_strided_slice %get3A_48 {offsets = [11], sizes = [1], strides = [1]} : vector<16xf32> to vector<1xf32>
        %squeeze3A_326 = vector.extract %slice3A_325[0] : f32 from vector<1xf32>
        %broadcast_in_dim3A_327 = vector.broadcast %squeeze3A_326 : f32 to vector<16xf32>
        %get3A_328 = arith.index_cast %add3A_324 : i32 to index
        %get3A_329 = arith.constant 0 : index
        %get3A_330 = tpu.vector_load %arg11[%get3A_328, %get3A_329] {strides = array<i32>} : memref<128x32xf32, #tpu.memory_space<vmem>>, vector<1x16xf32>,
        %get3A_331 = vector.shape_cast %get3A_330 : vector<1x16xf32> to vector<16xf32>
        %mul3A_332 = arith.mulf %get3A_331, %broadcast_in_dim3A_327 : vector<16xf32>
        %swap3A_333 = arith.index_cast %add3A_324 : i32 to index
        %swap3A_334 = arith.constant 0 : index
        %swap3A_335 = tpu.vector_load %arg11[%swap3A_333, %swap3A_334] {strides = array<i32>} : memref<128x32xf32, #tpu.memory_space<vmem>>, vector<1x16xf32>,
        %swap3A_336 = vector.shape_cast %swap3A_335 : vector<1x16xf32> to vector<16xf32>
        %swap3A_337 = vector.shape_cast %mul3A_332 : vector<16xf32> to vector<1x16xf32>
        tpu.vector_store %arg11[%swap3A_333, %swap3A_334], %swap3A_337 {strides = array<i32>} : memref<128x32xf32, #tpu.memory_space<vmem>>, vector<1x16xf32>,
        %get3A_338 = arith.index_cast %add3A_324 : i32 to index
        %get3A_339 = arith.constant 16 : index
        %get3A_340 = tpu.vector_load %arg11[%get3A_338, %get3A_339] {strides = array<i32>} : memref<128x32xf32, #tpu.memory_space<vmem>>, vector<1x16xf32>,
        %get3A_341 = vector.shape_cast %get3A_340 : vector<1x16xf32> to vector<16xf32>
        %mul3A_342 = arith.mulf %get3A_341, %broadcast_in_dim3A_327 : vector<16xf32>
        %swap3A_343 = arith.index_cast %add3A_324 : i32 to index
        %swap3A_344 = arith.constant 16 : index
        %swap3A_345 = tpu.vector_load %arg11[%swap3A_343, %swap3A_344] {strides = array<i32>} : memref<128x32xf32, #tpu.memory_space<vmem>>, vector<1x16xf32>,
        %swap3A_346 = vector.shape_cast %swap3A_345 : vector<1x16xf32> to vector<16xf32>
        %swap3A_347 = vector.shape_cast %mul3A_342 : vector<16xf32> to vector<1x16xf32>
        tpu.vector_store %arg11[%swap3A_343, %swap3A_344], %swap3A_347 {strides = array<i32>} : memref<128x32xf32, #tpu.memory_space<vmem>>, vector<1x16xf32>,
        %add3A_348 = arith.constant 12 : i32
        %add3A_349 = arith.addi %mul3A_50, %add3A_348 : i32
        %slice3A_350 = vector.extract_strided_slice %get3A_48 {offsets = [12], sizes = [1], strides = [1]} : vector<16xf32> to vector<1xf32>
        %squeeze3A_351 = vector.extract %slice3A_350[0] : f32 from vector<1xf32>
        %broadcast_in_dim3A_352 = vector.broadcast %squeeze3A_351 : f32 to vector<16xf32>
        %get3A_353 = arith.index_cast %add3A_349 : i32 to index
        %get3A_354 = arith.constant 0 : index
        %get3A_355 = tpu.vector_load %arg11[%get3A_353, %get3A_354] {strides = array<i32>} : memref<128x32xf32, #tpu.memory_space<vmem>>, vector<1x16xf32>,
        %get3A_356 = vector.shape_cast %get3A_355 : vector<1x16xf32> to vector<16xf32>
        %mul3A_357 = arith.mulf %get3A_356, %broadcast_in_dim3A_352 : vector<16xf32>
        %swap3A_358 = arith.index_cast %add3A_349 : i32 to index
        %swap3A_359 = arith.constant 0 : index
        %swap3A_360 = tpu.vector_load %arg11[%swap3A_358, %swap3A_359] {strides = array<i32>} : memref<128x32xf32, #tpu.memory_space<vmem>>, vector<1x16xf32>,
        %swap3A_361 = vector.shape_cast %swap3A_360 : vector<1x16xf32> to vector<16xf32>
        %swap3A_362 = vector.shape_cast %mul3A_357 : vector<16xf32> to vector<1x16xf32>
        tpu.vector_store %arg11[%swap3A_358, %swap3A_359], %swap3A_362 {strides = array<i32>} : memref<128x32xf32, #tpu.memory_space<vmem>>, vector<1x16xf32>,
        %get3A_363 = arith.index_cast %add3A_349 : i32 to index
        %get3A_364 = arith.constant 16 : index
        %get3A_365 = tpu.vector_load %arg11[%get3A_363, %get3A_364] {strides = array<i32>} : memref<128x32xf32, #tpu.memory_space<vmem>>, vector<1x16xf32>,
        %get3A_366 = vector.shape_cast %get3A_365 : vector<1x16xf32> to vector<16xf32>
        %mul3A_367 = arith.mulf %get3A_366, %broadcast_in_dim3A_352 : vector<16xf32>
        %swap3A_368 = arith.index_cast %add3A_349 : i32 to index
        %swap3A_369 = arith.constant 16 : index
        %swap3A_370 = tpu.vector_load %arg11[%swap3A_368, %swap3A_369] {strides = array<i32>} : memref<128x32xf32, #tpu.memory_space<vmem>>, vector<1x16xf32>,
        %swap3A_371 = vector.shape_cast %swap3A_370 : vector<1x16xf32> to vector<16xf32>
        %swap3A_372 = vector.shape_cast %mul3A_367 : vector<16xf32> to vector<1x16xf32>
        tpu.vector_store %arg11[%swap3A_368, %swap3A_369], %swap3A_372 {strides = array<i32>} : memref<128x32xf32, #tpu.memory_space<vmem>>, vector<1x16xf32>,
        %add3A_373 = arith.constant 13 : i32
        %add3A_374 = arith.addi %mul3A_50, %add3A_373 : i32
        %slice3A_375 = vector.extract_strided_slice %get3A_48 {offsets = [13], sizes = [1], strides = [1]} : vector<16xf32> to vector<1xf32>
        %squeeze3A_376 = vector.extract %slice3A_375[0] : f32 from vector<1xf32>
        %broadcast_in_dim3A_377 = vector.broadcast %squeeze3A_376 : f32 to vector<16xf32>
        %get3A_378 = arith.index_cast %add3A_374 : i32 to index
        %get3A_379 = arith.constant 0 : index
        %get3A_380 = tpu.vector_load %arg11[%get3A_378, %get3A_379] {strides = array<i32>} : memref<128x32xf32, #tpu.memory_space<vmem>>, vector<1x16xf32>,
        %get3A_381 = vector.shape_cast %get3A_380 : vector<1x16xf32> to vector<16xf32>
        %mul3A_382 = arith.mulf %get3A_381, %broadcast_in_dim3A_377 : vector<16xf32>
        %swap3A_383 = arith.index_cast %add3A_374 : i32 to index
        %swap3A_384 = arith.constant 0 : index
        %swap3A_385 = tpu.vector_load %arg11[%swap3A_383, %swap3A_384] {strides = array<i32>} : memref<128x32xf32, #tpu.memory_space<vmem>>, vector<1x16xf32>,
        %swap3A_386 = vector.shape_cast %swap3A_385 : vector<1x16xf32> to vector<16xf32>
        %swap3A_387 = vector.shape_cast %mul3A_382 : vector<16xf32> to vector<1x16xf32>
        tpu.vector_store %arg11[%swap3A_383, %swap3A_384], %swap3A_387 {strides = array<i32>} : memref<128x32xf32, #tpu.memory_space<vmem>>, vector<1x16xf32>,
        %get3A_388 = arith.index_cast %add3A_374 : i32 to index
        %get3A_389 = arith.constant 16 : index
        %get3A_390 = tpu.vector_load %arg11[%get3A_388, %get3A_389] {strides = array<i32>} : memref<128x32xf32, #tpu.memory_space<vmem>>, vector<1x16xf32>,
        %get3A_391 = vector.shape_cast %get3A_390 : vector<1x16xf32> to vector<16xf32>
        %mul3A_392 = arith.mulf %get3A_391, %broadcast_in_dim3A_377 : vector<16xf32>
        %swap3A_393 = arith.index_cast %add3A_374 : i32 to index
        %swap3A_394 = arith.constant 16 : index
        %swap3A_395 = tpu.vector_load %arg11[%swap3A_393, %swap3A_394] {strides = array<i32>} : memref<128x32xf32, #tpu.memory_space<vmem>>, vector<1x16xf32>,
        %swap3A_396 = vector.shape_cast %swap3A_395 : vector<1x16xf32> to vector<16xf32>
        %swap3A_397 = vector.shape_cast %mul3A_392 : vector<16xf32> to vector<1x16xf32>
        tpu.vector_store %arg11[%swap3A_393, %swap3A_394], %swap3A_397 {strides = array<i32>} : memref<128x32xf32, #tpu.memory_space<vmem>>, vector<1x16xf32>,
        %add3A_398 = arith.constant 14 : i32
        %add3A_399 = arith.addi %mul3A_50, %add3A_398 : i32
        %slice3A_400 = vector.extract_strided_slice %get3A_48 {offsets = [14], sizes = [1], strides = [1]} : vector<16xf32> to vector<1xf32>
        %squeeze3A_401 = vector.extract %slice3A_400[0] : f32 from vector<1xf32>
        %broadcast_in_dim3A_402 = vector.broadcast %squeeze3A_401 : f32 to vector<16xf32>
        %get3A_403 = arith.index_cast %add3A_399 : i32 to index
        %get3A_404 = arith.constant 0 : index
        %get3A_405 = tpu.vector_load %arg11[%get3A_403, %get3A_404] {strides = array<i32>} : memref<128x32xf32, #tpu.memory_space<vmem>>, vector<1x16xf32>,
        %get3A_406 = vector.shape_cast %get3A_405 : vector<1x16xf32> to vector<16xf32>
        %mul3A_407 = arith.mulf %get3A_406, %broadcast_in_dim3A_402 : vector<16xf32>
        %swap3A_408 = arith.index_cast %add3A_399 : i32 to index
        %swap3A_409 = arith.constant 0 : index
        %swap3A_410 = tpu.vector_load %arg11[%swap3A_408, %swap3A_409] {strides = array<i32>} : memref<128x32xf32, #tpu.memory_space<vmem>>, vector<1x16xf32>,
        %swap3A_411 = vector.shape_cast %swap3A_410 : vector<1x16xf32> to vector<16xf32>
        %swap3A_412 = vector.shape_cast %mul3A_407 : vector<16xf32> to vector<1x16xf32>
        tpu.vector_store %arg11[%swap3A_408, %swap3A_409], %swap3A_412 {strides = array<i32>} : memref<128x32xf32, #tpu.memory_space<vmem>>, vector<1x16xf32>,
        %get3A_413 = arith.index_cast %add3A_399 : i32 to index
        %get3A_414 = arith.constant 16 : index
        %get3A_415 = tpu.vector_load %arg11[%get3A_413, %get3A_414] {strides = array<i32>} : memref<128x32xf32, #tpu.memory_space<vmem>>, vector<1x16xf32>,
        %get3A_416 = vector.shape_cast %get3A_415 : vector<1x16xf32> to vector<16xf32>
        %mul3A_417 = arith.mulf %get3A_416, %broadcast_in_dim3A_402 : vector<16xf32>
        %swap3A_418 = arith.index_cast %add3A_399 : i32 to index
        %swap3A_419 = arith.constant 16 : index
        %swap3A_420 = tpu.vector_load %arg11[%swap3A_418, %swap3A_419] {strides = array<i32>} : memref<128x32xf32, #tpu.memory_space<vmem>>, vector<1x16xf32>,
        %swap3A_421 = vector.shape_cast %swap3A_420 : vector<1x16xf32> to vector<16xf32>
        %swap3A_422 = vector.shape_cast %mul3A_417 : vector<16xf32> to vector<1x16xf32>
        tpu.vector_store %arg11[%swap3A_418, %swap3A_419], %swap3A_422 {strides = array<i32>} : memref<128x32xf32, #tpu.memory_space<vmem>>, vector<1x16xf32>,
        %add3A_423 = arith.constant 15 : i32
        %add3A_424 = arith.addi %mul3A_50, %add3A_423 : i32
        %slice3A_425 = vector.extract_strided_slice %get3A_48 {offsets = [15], sizes = [1], strides = [1]} : vector<16xf32> to vector<1xf32>
        %squeeze3A_426 = vector.extract %slice3A_425[0] : f32 from vector<1xf32>
        %broadcast_in_dim3A_427 = vector.broadcast %squeeze3A_426 : f32 to vector<16xf32>
        %get3A_428 = arith.index_cast %add3A_424 : i32 to index
        %get3A_429 = arith.constant 0 : index
        %get3A_430 = tpu.vector_load %arg11[%get3A_428, %get3A_429] {strides = array<i32>} : memref<128x32xf32, #tpu.memory_space<vmem>>, vector<1x16xf32>,
        %get3A_431 = vector.shape_cast %get3A_430 : vector<1x16xf32> to vector<16xf32>
        %mul3A_432 = arith.mulf %get3A_431, %broadcast_in_dim3A_427 : vector<16xf32>
        %swap3A_433 = arith.index_cast %add3A_424 : i32 to index
        %swap3A_434 = arith.constant 0 : index
        %swap3A_435 = tpu.vector_load %arg11[%swap3A_433, %swap3A_434] {strides = array<i32>} : memref<128x32xf32, #tpu.memory_space<vmem>>, vector<1x16xf32>,
        %swap3A_436 = vector.shape_cast %swap3A_435 : vector<1x16xf32> to vector<16xf32>
        %swap3A_437 = vector.shape_cast %mul3A_432 : vector<16xf32> to vector<1x16xf32>
        tpu.vector_store %arg11[%swap3A_433, %swap3A_434], %swap3A_437 {strides = array<i32>} : memref<128x32xf32, #tpu.memory_space<vmem>>, vector<1x16xf32>,
        %get3A_438 = arith.index_cast %add3A_424 : i32 to index
        %get3A_439 = arith.constant 16 : index
        %get3A_440 = tpu.vector_load %arg11[%get3A_438, %get3A_439] {strides = array<i32>} : memref<128x32xf32, #tpu.memory_space<vmem>>, vector<1x16xf32>,
        %get3A_441 = vector.shape_cast %get3A_440 : vector<1x16xf32> to vector<16xf32>
        %mul3A_442 = arith.mulf %get3A_441, %broadcast_in_dim3A_427 : vector<16xf32>
        %swap3A_443 = arith.index_cast %add3A_424 : i32 to index
        %swap3A_444 = arith.constant 16 : index
        %swap3A_445 = tpu.vector_load %arg11[%swap3A_443, %swap3A_444] {strides = array<i32>} : memref<128x32xf32, #tpu.memory_space<vmem>>, vector<1x16xf32>,
        %swap3A_446 = vector.shape_cast %swap3A_445 : vector<1x16xf32> to vector<16xf32>
        %swap3A_447 = vector.shape_cast %mul3A_442 : vector<16xf32> to vector<1x16xf32>
        tpu.vector_store %arg11[%swap3A_443, %swap3A_444], %swap3A_447 {strides = array<i32>} : memref<128x32xf32, #tpu.memory_space<vmem>>, vector<1x16xf32>,
      }
      %scan3A_42 = arith.constant 8 : i32
      "tpu.region"() ({
        %run_scoped3A = tpu.sem_alloc : memref<!tpu.dma_semaphore, #tpu.memory_space<semaphore_mem>>
        %dma_start3A_43 = arith.constant 0 : i32
        %dma_start3A_44 = tpu.memref_slice %arg9[%scan3A_26, %dma_start3A_43] : memref<80x128xi32, #tpu.memory_space<vmem>> -> memref<1x128xi32, #tpu.memory_space<vmem>>
        %dma_start3A_45 = tpu.memref_squeeze %dma_start3A_44 : memref<1x128xi32, #tpu.memory_space<vmem>> -> memref<128xi32, #tpu.memory_space<vmem>>
        %dma_start3A_46 = arith.constant 0 : i32
        %dma_start3A_47 = arith.constant 0 : i32
        %dma_start3A_48 = tpu.memref_slice %arg7[%dma_start3A_46, %dma_start3A_47] : memref<10112x32xf32, #tpu.memory_space<vmem_shared>> -> memref<10112x32xf32, #tpu.memory_space<vmem_shared>>
        tpu.enqueue_indirect_dma source(%arg11 : memref<128x32xf32, #tpu.memory_space<vmem>>) target(%dma_start3A_48 : memref<10112x32xf32, #tpu.memory_space<vmem_shared>>) offsets(%dma_start3A_45 : memref<128xi32, #tpu.memory_space<vmem>>) semaphore(%run_scoped3A : memref<!tpu.dma_semaphore, #tpu.memory_space<semaphore_mem>>) {add = true}
        %dma_wait3A_49 = arith.constant 0 : i32
        %dma_wait3A_50 = tpu.memref_slice %arg9[%scan3A_26, %dma_wait3A_49] : memref<80x128xi32, #tpu.memory_space<vmem>> -> memref<1x128xi32, #tpu.memory_space<vmem>>
        %dma_wait3A_51 = tpu.memref_squeeze %dma_wait3A_50 : memref<1x128xi32, #tpu.memory_space<vmem>> -> memref<128xi32, #tpu.memory_space<vmem>>
        %dma_wait3A_52 = arith.constant 0 : i32
        %dma_wait3A_53 = arith.constant 0 : i32
        %dma_wait3A_54 = tpu.memref_slice %arg7[%dma_wait3A_52, %dma_wait3A_53] : memref<10112x32xf32, #tpu.memory_space<vmem_shared>> -> memref<10112x32xf32, #tpu.memory_space<vmem_shared>>
        tpu.wait_indirect_dma semaphore(%run_scoped3A : memref<!tpu.dma_semaphore, #tpu.memory_space<semaphore_mem>>) src(%arg11 : memref<128x32xf32, #tpu.memory_space<vmem>>) dst(%dma_wait3A_54 : memref<10112x32xf32, #tpu.memory_space<vmem_shared>>)
        tpu.yield
      }) : () -> ()
    }
    %scan3A_20 = arith.constant 80 : i32
    %barrier3A_21 = arith.constant 0 : index
    tpu.barrier barrier_id(%barrier3A_21)
    %mul3A_22 = arith.constant 632 : i32
    %mul3A_23 = arith.muli %arg1, %mul3A_22 : i32
    %mul3A_24 = arith.constant 632 : i32
    %mul3A_25 = arith.muli %arg1, %mul3A_24 : i32
    "tpu.region"() ({
      %run_scoped3A = tpu.sem_alloc : memref<!tpu.dma_semaphore, #tpu.memory_space<semaphore_mem>>
      %dma_start3A = arith.constant 0 : i32
      %dma_start3A_26 = tpu.memref_slice %arg6[%arg0, %mul3A_25, %dma_start3A] : memref<2x10112x32xf32, #tpu.memory_space<hbm>> -> memref<1x632x32xf32, #tpu.memory_space<hbm>>
      %dma_start3A_27 = tpu.memref_squeeze %dma_start3A_26 : memref<1x632x32xf32, #tpu.memory_space<hbm>> -> memref<632x32xf32, #tpu.memory_space<hbm>>
      %dma_start3A_28 = arith.constant 0 : i32
      %dma_start3A_29 = tpu.memref_slice %arg7[%mul3A_23, %dma_start3A_28] : memref<10112x32xf32, #tpu.memory_space<vmem_shared>> -> memref<632x32xf32, #tpu.memory_space<vmem_shared>>
      tpu.enqueue_dma source(%dma_start3A_29 : memref<632x32xf32, #tpu.memory_space<vmem_shared>>) target(%dma_start3A_27 : memref<632x32xf32, #tpu.memory_space<hbm>>) target_semaphore(%run_scoped3A : memref<!tpu.dma_semaphore, #tpu.memory_space<semaphore_mem>>)
      %dma_wait3A = arith.constant 0 : i32
      %dma_wait3A_30 = tpu.memref_slice %arg6[%arg0, %mul3A_25, %dma_wait3A] : memref<2x10112x32xf32, #tpu.memory_space<hbm>> -> memref<1x632x32xf32, #tpu.memory_space<hbm>>
      %dma_wait3A_31 = tpu.memref_squeeze %dma_wait3A_30 : memref<1x632x32xf32, #tpu.memory_space<hbm>> -> memref<632x32xf32, #tpu.memory_space<hbm>>
      %dma_wait3A_32 = arith.constant 0 : i32
      %dma_wait3A_33 = tpu.memref_slice %arg7[%mul3A_23, %dma_wait3A_32] : memref<10112x32xf32, #tpu.memory_space<vmem_shared>> -> memref<632x32xf32, #tpu.memory_space<vmem_shared>>
      tpu.wait_dma2 semaphore(%run_scoped3A : memref<!tpu.dma_semaphore, #tpu.memory_space<semaphore_mem>>) src(%dma_wait3A_33 : memref<632x32xf32, #tpu.memory_space<vmem_shared>>) dst(%dma_wait3A_31 : memref<632x32xf32, #tpu.memory_space<hbm>>)
      tpu.yield
    }) : () -> ()
    return
  }
}

#map = affine_map<(d0, d1) -> (0, 0)>
#map1 = affine_map<(d0, d1) -> (0, 0, 0)>
module attributes {stable_mosaic.version = 14 : i64} {
  func.func @_sc_scatter(%arg0: i32, %arg1: i32, %arg2: memref<10000x32xf32, #tpu.memory_space<hbm>>, %arg3: memref<2560x128xi32, #tpu.memory_space<hbm>>, %arg4: memref<2560x128xi32, #tpu.memory_space<hbm>>, %arg5: memref<2560x128xf32, #tpu.memory_space<hbm>>, %arg6: memref<2x10112x32xf32, #tpu.memory_space<hbm>>, %arg7: memref<10112x32xf32, #tpu.memory_space<vmem_shared>>, %arg8: memref<80x128xi32, #tpu.memory_space<vmem>>, %arg9: memref<80x128xi32, #tpu.memory_space<vmem>>, %arg10: memref<80x128xf32, #tpu.memory_space<vmem>>, %arg11: memref<128x32xf32, #tpu.memory_space<vmem>>, %arg12: memref<632x32xf32, #tpu.memory_space<vmem>>, %arg13: memref<!tpu.dma_semaphore, #tpu.memory_space<semaphore_mem>>) attributes {dimension_semantics = [#tpu.dimension_semantics<core_parallel>, #tpu.dimension_semantics<subcore_parallel>], iteration_bounds = array<i64: 2, 16>, scalar_prefetch = 0 : i64, scratch_operands = 7 : i64, tpu.core_type = #tpu.core_type<sc_vector_subcore>, window_params = [{transform_indices = #map}, {transform_indices = #map}, {transform_indices = #map}, {transform_indices = #map}, {transform_indices = #map1}]} {
    %mul3A = arith.constant 16 : i32
    %mul3A_0 = arith.muli %arg0, %mul3A : i32
    %add3A = arith.addi %mul3A_0, %arg1 : i32
    %mul3A_1 = arith.constant 80 : i32
    %mul3A_2 = arith.muli %add3A, %mul3A_1 : i32
    "tpu.region"() ({
      %run_scoped3A = tpu.sem_alloc : memref<!tpu.dma_semaphore, #tpu.memory_space<semaphore_mem>>
      %dma_start3A = arith.constant 0 : i32
      %dma_start3A_26 = tpu.memref_slice %arg3[%mul3A_2, %dma_start3A] : memref<2560x128xi32, #tpu.memory_space<hbm>> -> memref<80x128xi32, #tpu.memory_space<hbm>>
      %dma_start3A_27 = arith.constant 0 : i32
      %dma_start3A_28 = tpu.memref_slice %arg3[%mul3A_2, %dma_start3A_27] : memref<2560x128xi32, #tpu.memory_space<hbm>> -> memref<80x128xi32, #tpu.memory_space<hbm>>
      tpu.enqueue_dma source(%dma_start3A_28 : memref<80x128xi32, #tpu.memory_space<hbm>>) target(%arg8 : memref<80x128xi32, #tpu.memory_space<vmem>>) target_semaphore(%run_scoped3A : memref<!tpu.dma_semaphore, #tpu.memory_space<semaphore_mem>>)
      %dma_wait3A = arith.constant 0 : i32
      %dma_wait3A_29 = tpu.memref_slice %arg3[%mul3A_2, %dma_wait3A] : memref<2560x128xi32, #tpu.memory_space<hbm>> -> memref<80x128xi32, #tpu.memory_space<hbm>>
      %dma_wait3A_30 = arith.constant 0 : i32
      %dma_wait3A_31 = tpu.memref_slice %arg3[%mul3A_2, %dma_wait3A_30] : memref<2560x128xi32, #tpu.memory_space<hbm>> -> memref<80x128xi32, #tpu.memory_space<hbm>>
      tpu.wait_dma2 semaphore(%run_scoped3A : memref<!tpu.dma_semaphore, #tpu.memory_space<semaphore_mem>>) src(%dma_wait3A_31 : memref<80x128xi32, #tpu.memory_space<hbm>>) dst(%arg8 : memref<80x128xi32, #tpu.memory_space<vmem>>)
      tpu.yield
    }) : () -> ()
    %mul3A_3 = arith.constant 80 : i32
    %mul3A_4 = arith.muli %add3A, %mul3A_3 : i32
    "tpu.region"() ({
      %run_scoped3A = tpu.sem_alloc : memref<!tpu.dma_semaphore, #tpu.memory_space<semaphore_mem>>
      %dma_start3A = arith.constant 0 : i32
      %dma_start3A_26 = tpu.memref_slice %arg4[%mul3A_4, %dma_start3A] : memref<2560x128xi32, #tpu.memory_space<hbm>> -> memref<80x128xi32, #tpu.memory_space<hbm>>
      %dma_start3A_27 = arith.constant 0 : i32
      %dma_start3A_28 = tpu.memref_slice %arg4[%mul3A_4, %dma_start3A_27] : memref<2560x128xi32, #tpu.memory_space<hbm>> -> memref<80x128xi32, #tpu.memory_space<hbm>>
      tpu.enqueue_dma source(%dma_start3A_28 : memref<80x128xi32, #tpu.memory_space<hbm>>) target(%arg9 : memref<80x128xi32, #tpu.memory_space<vmem>>) target_semaphore(%run_scoped3A : memref<!tpu.dma_semaphore, #tpu.memory_space<semaphore_mem>>)
      %dma_wait3A = arith.constant 0 : i32
      %dma_wait3A_29 = tpu.memref_slice %arg4[%mul3A_4, %dma_wait3A] : memref<2560x128xi32, #tpu.memory_space<hbm>> -> memref<80x128xi32, #tpu.memory_space<hbm>>
      %dma_wait3A_30 = arith.constant 0 : i32
      %dma_wait3A_31 = tpu.memref_slice %arg4[%mul3A_4, %dma_wait3A_30] : memref<2560x128xi32, #tpu.memory_space<hbm>> -> memref<80x128xi32, #tpu.memory_space<hbm>>
      tpu.wait_dma2 semaphore(%run_scoped3A : memref<!tpu.dma_semaphore, #tpu.memory_space<semaphore_mem>>) src(%dma_wait3A_31 : memref<80x128xi32, #tpu.memory_space<hbm>>) dst(%arg9 : memref<80x128xi32, #tpu.memory_space<vmem>>)
      tpu.yield
    }) : () -> ()
    %mul3A_5 = arith.constant 80 : i32
    %mul3A_6 = arith.muli %add3A, %mul3A_5 : i32
    "tpu.region"() ({
      %run_scoped3A = tpu.sem_alloc : memref<!tpu.dma_semaphore, #tpu.memory_space<semaphore_mem>>
      %dma_start3A = arith.constant 0 : i32
      %dma_start3A_26 = tpu.memref_slice %arg5[%mul3A_6, %dma_start3A] : memref<2560x128xf32, #tpu.memory_space<hbm>> -> memref<80x128xf32, #tpu.memory_space<hbm>>
      %dma_start3A_27 = arith.constant 0 : i32
      %dma_start3A_28 = tpu.memref_slice %arg5[%mul3A_6, %dma_start3A_27] : memref<2560x128xf32, #tpu.memory_space<hbm>> -> memref<80x128xf32, #tpu.memory_space<hbm>>
      tpu.enqueue_dma source(%dma_start3A_28 : memref<80x128xf32, #tpu.memory_space<hbm>>) target(%arg10 : memref<80x128xf32, #tpu.memory_space<vmem>>) target_semaphore(%run_scoped3A : memref<!tpu.dma_semaphore, #tpu.memory_space<semaphore_mem>>)
      %dma_wait3A = arith.constant 0 : i32
      %dma_wait3A_29 = tpu.memref_slice %arg5[%mul3A_6, %dma_wait3A] : memref<2560x128xf32, #tpu.memory_space<hbm>> -> memref<80x128xf32, #tpu.memory_space<hbm>>
      %dma_wait3A_30 = arith.constant 0 : i32
      %dma_wait3A_31 = tpu.memref_slice %arg5[%mul3A_6, %dma_wait3A_30] : memref<2560x128xf32, #tpu.memory_space<hbm>> -> memref<80x128xf32, #tpu.memory_space<hbm>>
      tpu.wait_dma2 semaphore(%run_scoped3A : memref<!tpu.dma_semaphore, #tpu.memory_space<semaphore_mem>>) src(%dma_wait3A_31 : memref<80x128xf32, #tpu.memory_space<hbm>>) dst(%arg10 : memref<80x128xf32, #tpu.memory_space<vmem>>)
      tpu.yield
    }) : () -> ()
    %broadcast_in_dim3A = arith.constant 0.000000e+00 : f32
    %broadcast_in_dim3A_7 = vector.broadcast %broadcast_in_dim3A : f32 to vector<16xf32>
    %scan3A = arith.constant 0 : i32
    %scan3A_8 = arith.constant 0 : i32
    %scan3A_9 = arith.constant 632 : i32
    %scan3A_10 = arith.addi %scan3A_8, %scan3A_9 : i32
    %scan3A_11 = arith.constant 1 : i32
    scf.for %scan3A_26 = %scan3A_8 to %scan3A_10 step %scan3A_11  : i32 {
      %swap3A = arith.index_cast %scan3A_26 : i32 to index
      %swap3A_27 = arith.constant 0 : index
      %swap3A_28 = tpu.vector_load %arg12[%swap3A, %swap3A_27] {strides = array<i32>} : memref<632x32xf32, #tpu.memory_space<vmem>>, vector<1x16xf32>,
      %swap3A_29 = vector.shape_cast %swap3A_28 : vector<1x16xf32> to vector<16xf32>
      %swap3A_30 = vector.shape_cast %broadcast_in_dim3A_7 : vector<16xf32> to vector<1x16xf32>
      tpu.vector_store %arg12[%swap3A, %swap3A_27], %swap3A_30 {strides = array<i32>} : memref<632x32xf32, #tpu.memory_space<vmem>>, vector<1x16xf32>,
      %swap3A_31 = arith.index_cast %scan3A_26 : i32 to index
      %swap3A_32 = arith.constant 16 : index
      %swap3A_33 = tpu.vector_load %arg12[%swap3A_31, %swap3A_32] {strides = array<i32>} : memref<632x32xf32, #tpu.memory_space<vmem>>, vector<1x16xf32>,
      %swap3A_34 = vector.shape_cast %swap3A_33 : vector<1x16xf32> to vector<16xf32>
      %swap3A_35 = vector.shape_cast %broadcast_in_dim3A_7 : vector<16xf32> to vector<1x16xf32>
      tpu.vector_store %arg12[%swap3A_31, %swap3A_32], %swap3A_35 {strides = array<i32>} : memref<632x32xf32, #tpu.memory_space<vmem>>, vector<1x16xf32>,
    }
    %scan3A_12 = arith.constant 632 : i32
    %mul3A_13 = arith.constant 632 : i32
    %mul3A_14 = arith.muli %arg1, %mul3A_13 : i32
    "tpu.region"() ({
      %run_scoped3A = tpu.sem_alloc : memref<!tpu.dma_semaphore, #tpu.memory_space<semaphore_mem>>
      %dma_start3A = arith.constant 0 : i32
      %dma_start3A_26 = tpu.memref_slice %arg7[%mul3A_14, %dma_start3A] : memref<10112x32xf32, #tpu.memory_space<vmem_shared>> -> memref<632x32xf32, #tpu.memory_space<vmem_shared>>
      %dma_start3A_27 = arith.constant 0 : i32
      %dma_start3A_28 = tpu.memref_slice %arg7[%mul3A_14, %dma_start3A_27] : memref<10112x32xf32, #tpu.memory_space<vmem_shared>> -> memref<632x32xf32, #tpu.memory_space<vmem_shared>>
      tpu.enqueue_dma source(%arg12 : memref<632x32xf32, #tpu.memory_space<vmem>>) target(%dma_start3A_28 : memref<632x32xf32, #tpu.memory_space<vmem_shared>>) target_semaphore(%run_scoped3A : memref<!tpu.dma_semaphore, #tpu.memory_space<semaphore_mem>>)
      %dma_wait3A = arith.constant 0 : i32
      %dma_wait3A_29 = tpu.memref_slice %arg7[%mul3A_14, %dma_wait3A] : memref<10112x32xf32, #tpu.memory_space<vmem_shared>> -> memref<632x32xf32, #tpu.memory_space<vmem_shared>>
      %dma_wait3A_30 = arith.constant 0 : i32
      %dma_wait3A_31 = tpu.memref_slice %arg7[%mul3A_14, %dma_wait3A_30] : memref<10112x32xf32, #tpu.memory_space<vmem_shared>> -> memref<632x32xf32, #tpu.memory_space<vmem_shared>>
      tpu.wait_dma2 semaphore(%run_scoped3A : memref<!tpu.dma_semaphore, #tpu.memory_space<semaphore_mem>>) src(%arg12 : memref<632x32xf32, #tpu.memory_space<vmem>>) dst(%dma_wait3A_31 : memref<632x32xf32, #tpu.memory_space<vmem_shared>>)
      tpu.yield
    }) : () -> ()
    %barrier3A = arith.constant 0 : index
    tpu.barrier barrier_id(%barrier3A)
    %scan3A_15 = arith.constant 0 : i32
    %scan3A_16 = arith.constant 0 : i32
    %scan3A_17 = arith.constant 80 : i32
    %scan3A_18 = arith.addi %scan3A_16, %scan3A_17 : i32
    %scan3A_19 = arith.constant 1 : i32
    scf.for %scan3A_26 = %scan3A_16 to %scan3A_18 step %scan3A_19  : i32 {
      %dma_start3A = arith.constant 0 : i32
      %dma_start3A_27 = tpu.memref_slice %arg8[%scan3A_26, %dma_start3A] : memref<80x128xi32, #tpu.memory_space<vmem>> -> memref<1x128xi32, #tpu.memory_space<vmem>>
      %dma_start3A_28 = tpu.memref_squeeze %dma_start3A_27 : memref<1x128xi32, #tpu.memory_space<vmem>> -> memref<128xi32, #tpu.memory_space<vmem>>
      %dma_start3A_29 = arith.constant 0 : i32
      %dma_start3A_30 = arith.constant 0 : i32
      %dma_start3A_31 = tpu.memref_slice %arg2[%dma_start3A_29, %dma_start3A_30] : memref<10000x32xf32, #tpu.memory_space<hbm>> -> memref<10000x32xf32, #tpu.memory_space<hbm>>
      tpu.enqueue_indirect_dma source(%dma_start3A_31 : memref<10000x32xf32, #tpu.memory_space<hbm>>) target(%arg11 : memref<128x32xf32, #tpu.memory_space<vmem>>) offsets(%dma_start3A_28 : memref<128xi32, #tpu.memory_space<vmem>>) semaphore(%arg13 : memref<!tpu.dma_semaphore, #tpu.memory_space<semaphore_mem>>)
      %dma_wait3A = arith.constant 0 : i32
      %dma_wait3A_32 = tpu.memref_slice %arg8[%scan3A_26, %dma_wait3A] : memref<80x128xi32, #tpu.memory_space<vmem>> -> memref<1x128xi32, #tpu.memory_space<vmem>>
      %dma_wait3A_33 = tpu.memref_squeeze %dma_wait3A_32 : memref<1x128xi32, #tpu.memory_space<vmem>> -> memref<128xi32, #tpu.memory_space<vmem>>
      %dma_wait3A_34 = arith.constant 0 : i32
      %dma_wait3A_35 = arith.constant 0 : i32
      %dma_wait3A_36 = tpu.memref_slice %arg2[%dma_wait3A_34, %dma_wait3A_35] : memref<10000x32xf32, #tpu.memory_space<hbm>> -> memref<10000x32xf32, #tpu.memory_space<hbm>>
      tpu.wait_indirect_dma semaphore(%arg13 : memref<!tpu.dma_semaphore, #tpu.memory_space<semaphore_mem>>) src(%dma_wait3A_36 : memref<10000x32xf32, #tpu.memory_space<hbm>>) dst(%arg11 : memref<128x32xf32, #tpu.memory_space<vmem>>)
      %scan3A_37 = arith.constant 0 : i32
      %scan3A_38 = arith.constant 0 : i32
      %scan3A_39 = arith.constant 8 : i32
      %scan3A_40 = arith.addi %scan3A_38, %scan3A_39 : i32
      %scan3A_41 = arith.constant 1 : i32
      scf.for %scan3A_43 = %scan3A_38 to %scan3A_40 step %scan3A_41  : i32 {
        %mul3A_44 = arith.constant 16 : i32
        %mul3A_45 = arith.muli %scan3A_43, %mul3A_44 : i32
        %get3A = arith.index_cast %scan3A_26 : i32 to index
        %get3A_46 = arith.index_cast %mul3A_45 : i32 to index
        %get3A_47 = tpu.vector_load %arg10[%get3A, %get3A_46] {strides = array<i32>} : memref<80x128xf32, #tpu.memory_space<vmem>>, vector<1x16xf32>,
        %get3A_48 = vector.shape_cast %get3A_47 : vector<1x16xf32> to vector<16xf32>
        %mul3A_49 = arith.constant 16 : i32
        %mul3A_50 = arith.muli %scan3A_43, %mul3A_49 : i32
        %add3A_51 = arith.constant 0 : i32
        %add3A_52 = arith.addi %mul3A_50, %add3A_51 : i32
        %slice3A = vector.extract_strided_slice %get3A_48 {offsets = [0], sizes = [1], strides = [1]} : vector<16xf32> to vector<1xf32>
        %squeeze3A = vector.extract %slice3A[0] : f32 from vector<1xf32>
        %broadcast_in_dim3A_53 = vector.broadcast %squeeze3A : f32 to vector<16xf32>
        %get3A_54 = arith.index_cast %add3A_52 : i32 to index
        %get3A_55 = arith.constant 0 : index
        %get3A_56 = tpu.vector_load %arg11[%get3A_54, %get3A_55] {strides = array<i32>} : memref<128x32xf32, #tpu.memory_space<vmem>>, vector<1x16xf32>,
        %get3A_57 = vector.shape_cast %get3A_56 : vector<1x16xf32> to vector<16xf32>
        %mul3A_58 = arith.mulf %get3A_57, %broadcast_in_dim3A_53 : vector<16xf32>
        %swap3A = arith.index_cast %add3A_52 : i32 to index
        %swap3A_59 = arith.constant 0 : index
        %swap3A_60 = tpu.vector_load %arg11[%swap3A, %swap3A_59] {strides = array<i32>} : memref<128x32xf32, #tpu.memory_space<vmem>>, vector<1x16xf32>,
        %swap3A_61 = vector.shape_cast %swap3A_60 : vector<1x16xf32> to vector<16xf32>
        %swap3A_62 = vector.shape_cast %mul3A_58 : vector<16xf32> to vector<1x16xf32>
        tpu.vector_store %arg11[%swap3A, %swap3A_59], %swap3A_62 {strides = array<i32>} : memref<128x32xf32, #tpu.memory_space<vmem>>, vector<1x16xf32>,
        %get3A_63 = arith.index_cast %add3A_52 : i32 to index
        %get3A_64 = arith.constant 16 : index
        %get3A_65 = tpu.vector_load %arg11[%get3A_63, %get3A_64] {strides = array<i32>} : memref<128x32xf32, #tpu.memory_space<vmem>>, vector<1x16xf32>,
        %get3A_66 = vector.shape_cast %get3A_65 : vector<1x16xf32> to vector<16xf32>
        %mul3A_67 = arith.mulf %get3A_66, %broadcast_in_dim3A_53 : vector<16xf32>
        %swap3A_68 = arith.index_cast %add3A_52 : i32 to index
        %swap3A_69 = arith.constant 16 : index
        %swap3A_70 = tpu.vector_load %arg11[%swap3A_68, %swap3A_69] {strides = array<i32>} : memref<128x32xf32, #tpu.memory_space<vmem>>, vector<1x16xf32>,
        %swap3A_71 = vector.shape_cast %swap3A_70 : vector<1x16xf32> to vector<16xf32>
        %swap3A_72 = vector.shape_cast %mul3A_67 : vector<16xf32> to vector<1x16xf32>
        tpu.vector_store %arg11[%swap3A_68, %swap3A_69], %swap3A_72 {strides = array<i32>} : memref<128x32xf32, #tpu.memory_space<vmem>>, vector<1x16xf32>,
        %add3A_73 = arith.constant 1 : i32
        %add3A_74 = arith.addi %mul3A_50, %add3A_73 : i32
        %slice3A_75 = vector.extract_strided_slice %get3A_48 {offsets = [1], sizes = [1], strides = [1]} : vector<16xf32> to vector<1xf32>
        %squeeze3A_76 = vector.extract %slice3A_75[0] : f32 from vector<1xf32>
        %broadcast_in_dim3A_77 = vector.broadcast %squeeze3A_76 : f32 to vector<16xf32>
        %get3A_78 = arith.index_cast %add3A_74 : i32 to index
        %get3A_79 = arith.constant 0 : index
        %get3A_80 = tpu.vector_load %arg11[%get3A_78, %get3A_79] {strides = array<i32>} : memref<128x32xf32, #tpu.memory_space<vmem>>, vector<1x16xf32>,
        %get3A_81 = vector.shape_cast %get3A_80 : vector<1x16xf32> to vector<16xf32>
        %mul3A_82 = arith.mulf %get3A_81, %broadcast_in_dim3A_77 : vector<16xf32>
        %swap3A_83 = arith.index_cast %add3A_74 : i32 to index
        %swap3A_84 = arith.constant 0 : index
        %swap3A_85 = tpu.vector_load %arg11[%swap3A_83, %swap3A_84] {strides = array<i32>} : memref<128x32xf32, #tpu.memory_space<vmem>>, vector<1x16xf32>,
        %swap3A_86 = vector.shape_cast %swap3A_85 : vector<1x16xf32> to vector<16xf32>
        %swap3A_87 = vector.shape_cast %mul3A_82 : vector<16xf32> to vector<1x16xf32>
        tpu.vector_store %arg11[%swap3A_83, %swap3A_84], %swap3A_87 {strides = array<i32>} : memref<128x32xf32, #tpu.memory_space<vmem>>, vector<1x16xf32>,
        %get3A_88 = arith.index_cast %add3A_74 : i32 to index
        %get3A_89 = arith.constant 16 : index
        %get3A_90 = tpu.vector_load %arg11[%get3A_88, %get3A_89] {strides = array<i32>} : memref<128x32xf32, #tpu.memory_space<vmem>>, vector<1x16xf32>,
        %get3A_91 = vector.shape_cast %get3A_90 : vector<1x16xf32> to vector<16xf32>
        %mul3A_92 = arith.mulf %get3A_91, %broadcast_in_dim3A_77 : vector<16xf32>
        %swap3A_93 = arith.index_cast %add3A_74 : i32 to index
        %swap3A_94 = arith.constant 16 : index
        %swap3A_95 = tpu.vector_load %arg11[%swap3A_93, %swap3A_94] {strides = array<i32>} : memref<128x32xf32, #tpu.memory_space<vmem>>, vector<1x16xf32>,
        %swap3A_96 = vector.shape_cast %swap3A_95 : vector<1x16xf32> to vector<16xf32>
        %swap3A_97 = vector.shape_cast %mul3A_92 : vector<16xf32> to vector<1x16xf32>
        tpu.vector_store %arg11[%swap3A_93, %swap3A_94], %swap3A_97 {strides = array<i32>} : memref<128x32xf32, #tpu.memory_space<vmem>>, vector<1x16xf32>,
        %add3A_98 = arith.constant 2 : i32
        %add3A_99 = arith.addi %mul3A_50, %add3A_98 : i32
        %slice3A_100 = vector.extract_strided_slice %get3A_48 {offsets = [2], sizes = [1], strides = [1]} : vector<16xf32> to vector<1xf32>
        %squeeze3A_101 = vector.extract %slice3A_100[0] : f32 from vector<1xf32>
        %broadcast_in_dim3A_102 = vector.broadcast %squeeze3A_101 : f32 to vector<16xf32>
        %get3A_103 = arith.index_cast %add3A_99 : i32 to index
        %get3A_104 = arith.constant 0 : index
        %get3A_105 = tpu.vector_load %arg11[%get3A_103, %get3A_104] {strides = array<i32>} : memref<128x32xf32, #tpu.memory_space<vmem>>, vector<1x16xf32>,
        %get3A_106 = vector.shape_cast %get3A_105 : vector<1x16xf32> to vector<16xf32>
        %mul3A_107 = arith.mulf %get3A_106, %broadcast_in_dim3A_102 : vector<16xf32>
        %swap3A_108 = arith.index_cast %add3A_99 : i32 to index
        %swap3A_109 = arith.constant 0 : index
        %swap3A_110 = tpu.vector_load %arg11[%swap3A_108, %swap3A_109] {strides = array<i32>} : memref<128x32xf32, #tpu.memory_space<vmem>>, vector<1x16xf32>,
        %swap3A_111 = vector.shape_cast %swap3A_110 : vector<1x16xf32> to vector<16xf32>
        %swap3A_112 = vector.shape_cast %mul3A_107 : vector<16xf32> to vector<1x16xf32>
        tpu.vector_store %arg11[%swap3A_108, %swap3A_109], %swap3A_112 {strides = array<i32>} : memref<128x32xf32, #tpu.memory_space<vmem>>, vector<1x16xf32>,
        %get3A_113 = arith.index_cast %add3A_99 : i32 to index
        %get3A_114 = arith.constant 16 : index
        %get3A_115 = tpu.vector_load %arg11[%get3A_113, %get3A_114] {strides = array<i32>} : memref<128x32xf32, #tpu.memory_space<vmem>>, vector<1x16xf32>,
        %get3A_116 = vector.shape_cast %get3A_115 : vector<1x16xf32> to vector<16xf32>
        %mul3A_117 = arith.mulf %get3A_116, %broadcast_in_dim3A_102 : vector<16xf32>
        %swap3A_118 = arith.index_cast %add3A_99 : i32 to index
        %swap3A_119 = arith.constant 16 : index
        %swap3A_120 = tpu.vector_load %arg11[%swap3A_118, %swap3A_119] {strides = array<i32>} : memref<128x32xf32, #tpu.memory_space<vmem>>, vector<1x16xf32>,
        %swap3A_121 = vector.shape_cast %swap3A_120 : vector<1x16xf32> to vector<16xf32>
        %swap3A_122 = vector.shape_cast %mul3A_117 : vector<16xf32> to vector<1x16xf32>
        tpu.vector_store %arg11[%swap3A_118, %swap3A_119], %swap3A_122 {strides = array<i32>} : memref<128x32xf32, #tpu.memory_space<vmem>>, vector<1x16xf32>,
        %add3A_123 = arith.constant 3 : i32
        %add3A_124 = arith.addi %mul3A_50, %add3A_123 : i32
        %slice3A_125 = vector.extract_strided_slice %get3A_48 {offsets = [3], sizes = [1], strides = [1]} : vector<16xf32> to vector<1xf32>
        %squeeze3A_126 = vector.extract %slice3A_125[0] : f32 from vector<1xf32>
        %broadcast_in_dim3A_127 = vector.broadcast %squeeze3A_126 : f32 to vector<16xf32>
        %get3A_128 = arith.index_cast %add3A_124 : i32 to index
        %get3A_129 = arith.constant 0 : index
        %get3A_130 = tpu.vector_load %arg11[%get3A_128, %get3A_129] {strides = array<i32>} : memref<128x32xf32, #tpu.memory_space<vmem>>, vector<1x16xf32>,
        %get3A_131 = vector.shape_cast %get3A_130 : vector<1x16xf32> to vector<16xf32>
        %mul3A_132 = arith.mulf %get3A_131, %broadcast_in_dim3A_127 : vector<16xf32>
        %swap3A_133 = arith.index_cast %add3A_124 : i32 to index
        %swap3A_134 = arith.constant 0 : index
        %swap3A_135 = tpu.vector_load %arg11[%swap3A_133, %swap3A_134] {strides = array<i32>} : memref<128x32xf32, #tpu.memory_space<vmem>>, vector<1x16xf32>,
        %swap3A_136 = vector.shape_cast %swap3A_135 : vector<1x16xf32> to vector<16xf32>
        %swap3A_137 = vector.shape_cast %mul3A_132 : vector<16xf32> to vector<1x16xf32>
        tpu.vector_store %arg11[%swap3A_133, %swap3A_134], %swap3A_137 {strides = array<i32>} : memref<128x32xf32, #tpu.memory_space<vmem>>, vector<1x16xf32>,
        %get3A_138 = arith.index_cast %add3A_124 : i32 to index
        %get3A_139 = arith.constant 16 : index
        %get3A_140 = tpu.vector_load %arg11[%get3A_138, %get3A_139] {strides = array<i32>} : memref<128x32xf32, #tpu.memory_space<vmem>>, vector<1x16xf32>,
        %get3A_141 = vector.shape_cast %get3A_140 : vector<1x16xf32> to vector<16xf32>
        %mul3A_142 = arith.mulf %get3A_141, %broadcast_in_dim3A_127 : vector<16xf32>
        %swap3A_143 = arith.index_cast %add3A_124 : i32 to index
        %swap3A_144 = arith.constant 16 : index
        %swap3A_145 = tpu.vector_load %arg11[%swap3A_143, %swap3A_144] {strides = array<i32>} : memref<128x32xf32, #tpu.memory_space<vmem>>, vector<1x16xf32>,
        %swap3A_146 = vector.shape_cast %swap3A_145 : vector<1x16xf32> to vector<16xf32>
        %swap3A_147 = vector.shape_cast %mul3A_142 : vector<16xf32> to vector<1x16xf32>
        tpu.vector_store %arg11[%swap3A_143, %swap3A_144], %swap3A_147 {strides = array<i32>} : memref<128x32xf32, #tpu.memory_space<vmem>>, vector<1x16xf32>,
        %add3A_148 = arith.constant 4 : i32
        %add3A_149 = arith.addi %mul3A_50, %add3A_148 : i32
        %slice3A_150 = vector.extract_strided_slice %get3A_48 {offsets = [4], sizes = [1], strides = [1]} : vector<16xf32> to vector<1xf32>
        %squeeze3A_151 = vector.extract %slice3A_150[0] : f32 from vector<1xf32>
        %broadcast_in_dim3A_152 = vector.broadcast %squeeze3A_151 : f32 to vector<16xf32>
        %get3A_153 = arith.index_cast %add3A_149 : i32 to index
        %get3A_154 = arith.constant 0 : index
        %get3A_155 = tpu.vector_load %arg11[%get3A_153, %get3A_154] {strides = array<i32>} : memref<128x32xf32, #tpu.memory_space<vmem>>, vector<1x16xf32>,
        %get3A_156 = vector.shape_cast %get3A_155 : vector<1x16xf32> to vector<16xf32>
        %mul3A_157 = arith.mulf %get3A_156, %broadcast_in_dim3A_152 : vector<16xf32>
        %swap3A_158 = arith.index_cast %add3A_149 : i32 to index
        %swap3A_159 = arith.constant 0 : index
        %swap3A_160 = tpu.vector_load %arg11[%swap3A_158, %swap3A_159] {strides = array<i32>} : memref<128x32xf32, #tpu.memory_space<vmem>>, vector<1x16xf32>,
        %swap3A_161 = vector.shape_cast %swap3A_160 : vector<1x16xf32> to vector<16xf32>
        %swap3A_162 = vector.shape_cast %mul3A_157 : vector<16xf32> to vector<1x16xf32>
        tpu.vector_store %arg11[%swap3A_158, %swap3A_159], %swap3A_162 {strides = array<i32>} : memref<128x32xf32, #tpu.memory_space<vmem>>, vector<1x16xf32>,
        %get3A_163 = arith.index_cast %add3A_149 : i32 to index
        %get3A_164 = arith.constant 16 : index
        %get3A_165 = tpu.vector_load %arg11[%get3A_163, %get3A_164] {strides = array<i32>} : memref<128x32xf32, #tpu.memory_space<vmem>>, vector<1x16xf32>,
        %get3A_166 = vector.shape_cast %get3A_165 : vector<1x16xf32> to vector<16xf32>
        %mul3A_167 = arith.mulf %get3A_166, %broadcast_in_dim3A_152 : vector<16xf32>
        %swap3A_168 = arith.index_cast %add3A_149 : i32 to index
        %swap3A_169 = arith.constant 16 : index
        %swap3A_170 = tpu.vector_load %arg11[%swap3A_168, %swap3A_169] {strides = array<i32>} : memref<128x32xf32, #tpu.memory_space<vmem>>, vector<1x16xf32>,
        %swap3A_171 = vector.shape_cast %swap3A_170 : vector<1x16xf32> to vector<16xf32>
        %swap3A_172 = vector.shape_cast %mul3A_167 : vector<16xf32> to vector<1x16xf32>
        tpu.vector_store %arg11[%swap3A_168, %swap3A_169], %swap3A_172 {strides = array<i32>} : memref<128x32xf32, #tpu.memory_space<vmem>>, vector<1x16xf32>,
        %add3A_173 = arith.constant 5 : i32
        %add3A_174 = arith.addi %mul3A_50, %add3A_173 : i32
        %slice3A_175 = vector.extract_strided_slice %get3A_48 {offsets = [5], sizes = [1], strides = [1]} : vector<16xf32> to vector<1xf32>
        %squeeze3A_176 = vector.extract %slice3A_175[0] : f32 from vector<1xf32>
        %broadcast_in_dim3A_177 = vector.broadcast %squeeze3A_176 : f32 to vector<16xf32>
        %get3A_178 = arith.index_cast %add3A_174 : i32 to index
        %get3A_179 = arith.constant 0 : index
        %get3A_180 = tpu.vector_load %arg11[%get3A_178, %get3A_179] {strides = array<i32>} : memref<128x32xf32, #tpu.memory_space<vmem>>, vector<1x16xf32>,
        %get3A_181 = vector.shape_cast %get3A_180 : vector<1x16xf32> to vector<16xf32>
        %mul3A_182 = arith.mulf %get3A_181, %broadcast_in_dim3A_177 : vector<16xf32>
        %swap3A_183 = arith.index_cast %add3A_174 : i32 to index
        %swap3A_184 = arith.constant 0 : index
        %swap3A_185 = tpu.vector_load %arg11[%swap3A_183, %swap3A_184] {strides = array<i32>} : memref<128x32xf32, #tpu.memory_space<vmem>>, vector<1x16xf32>,
        %swap3A_186 = vector.shape_cast %swap3A_185 : vector<1x16xf32> to vector<16xf32>
        %swap3A_187 = vector.shape_cast %mul3A_182 : vector<16xf32> to vector<1x16xf32>
        tpu.vector_store %arg11[%swap3A_183, %swap3A_184], %swap3A_187 {strides = array<i32>} : memref<128x32xf32, #tpu.memory_space<vmem>>, vector<1x16xf32>,
        %get3A_188 = arith.index_cast %add3A_174 : i32 to index
        %get3A_189 = arith.constant 16 : index
        %get3A_190 = tpu.vector_load %arg11[%get3A_188, %get3A_189] {strides = array<i32>} : memref<128x32xf32, #tpu.memory_space<vmem>>, vector<1x16xf32>,
        %get3A_191 = vector.shape_cast %get3A_190 : vector<1x16xf32> to vector<16xf32>
        %mul3A_192 = arith.mulf %get3A_191, %broadcast_in_dim3A_177 : vector<16xf32>
        %swap3A_193 = arith.index_cast %add3A_174 : i32 to index
        %swap3A_194 = arith.constant 16 : index
        %swap3A_195 = tpu.vector_load %arg11[%swap3A_193, %swap3A_194] {strides = array<i32>} : memref<128x32xf32, #tpu.memory_space<vmem>>, vector<1x16xf32>,
        %swap3A_196 = vector.shape_cast %swap3A_195 : vector<1x16xf32> to vector<16xf32>
        %swap3A_197 = vector.shape_cast %mul3A_192 : vector<16xf32> to vector<1x16xf32>
        tpu.vector_store %arg11[%swap3A_193, %swap3A_194], %swap3A_197 {strides = array<i32>} : memref<128x32xf32, #tpu.memory_space<vmem>>, vector<1x16xf32>,
        %add3A_198 = arith.constant 6 : i32
        %add3A_199 = arith.addi %mul3A_50, %add3A_198 : i32
        %slice3A_200 = vector.extract_strided_slice %get3A_48 {offsets = [6], sizes = [1], strides = [1]} : vector<16xf32> to vector<1xf32>
        %squeeze3A_201 = vector.extract %slice3A_200[0] : f32 from vector<1xf32>
        %broadcast_in_dim3A_202 = vector.broadcast %squeeze3A_201 : f32 to vector<16xf32>
        %get3A_203 = arith.index_cast %add3A_199 : i32 to index
        %get3A_204 = arith.constant 0 : index
        %get3A_205 = tpu.vector_load %arg11[%get3A_203, %get3A_204] {strides = array<i32>} : memref<128x32xf32, #tpu.memory_space<vmem>>, vector<1x16xf32>,
        %get3A_206 = vector.shape_cast %get3A_205 : vector<1x16xf32> to vector<16xf32>
        %mul3A_207 = arith.mulf %get3A_206, %broadcast_in_dim3A_202 : vector<16xf32>
        %swap3A_208 = arith.index_cast %add3A_199 : i32 to index
        %swap3A_209 = arith.constant 0 : index
        %swap3A_210 = tpu.vector_load %arg11[%swap3A_208, %swap3A_209] {strides = array<i32>} : memref<128x32xf32, #tpu.memory_space<vmem>>, vector<1x16xf32>,
        %swap3A_211 = vector.shape_cast %swap3A_210 : vector<1x16xf32> to vector<16xf32>
        %swap3A_212 = vector.shape_cast %mul3A_207 : vector<16xf32> to vector<1x16xf32>
        tpu.vector_store %arg11[%swap3A_208, %swap3A_209], %swap3A_212 {strides = array<i32>} : memref<128x32xf32, #tpu.memory_space<vmem>>, vector<1x16xf32>,
        %get3A_213 = arith.index_cast %add3A_199 : i32 to index
        %get3A_214 = arith.constant 16 : index
        %get3A_215 = tpu.vector_load %arg11[%get3A_213, %get3A_214] {strides = array<i32>} : memref<128x32xf32, #tpu.memory_space<vmem>>, vector<1x16xf32>,
        %get3A_216 = vector.shape_cast %get3A_215 : vector<1x16xf32> to vector<16xf32>
        %mul3A_217 = arith.mulf %get3A_216, %broadcast_in_dim3A_202 : vector<16xf32>
        %swap3A_218 = arith.index_cast %add3A_199 : i32 to index
        %swap3A_219 = arith.constant 16 : index
        %swap3A_220 = tpu.vector_load %arg11[%swap3A_218, %swap3A_219] {strides = array<i32>} : memref<128x32xf32, #tpu.memory_space<vmem>>, vector<1x16xf32>,
        %swap3A_221 = vector.shape_cast %swap3A_220 : vector<1x16xf32> to vector<16xf32>
        %swap3A_222 = vector.shape_cast %mul3A_217 : vector<16xf32> to vector<1x16xf32>
        tpu.vector_store %arg11[%swap3A_218, %swap3A_219], %swap3A_222 {strides = array<i32>} : memref<128x32xf32, #tpu.memory_space<vmem>>, vector<1x16xf32>,
        %add3A_223 = arith.constant 7 : i32
        %add3A_224 = arith.addi %mul3A_50, %add3A_223 : i32
        %slice3A_225 = vector.extract_strided_slice %get3A_48 {offsets = [7], sizes = [1], strides = [1]} : vector<16xf32> to vector<1xf32>
        %squeeze3A_226 = vector.extract %slice3A_225[0] : f32 from vector<1xf32>
        %broadcast_in_dim3A_227 = vector.broadcast %squeeze3A_226 : f32 to vector<16xf32>
        %get3A_228 = arith.index_cast %add3A_224 : i32 to index
        %get3A_229 = arith.constant 0 : index
        %get3A_230 = tpu.vector_load %arg11[%get3A_228, %get3A_229] {strides = array<i32>} : memref<128x32xf32, #tpu.memory_space<vmem>>, vector<1x16xf32>,
        %get3A_231 = vector.shape_cast %get3A_230 : vector<1x16xf32> to vector<16xf32>
        %mul3A_232 = arith.mulf %get3A_231, %broadcast_in_dim3A_227 : vector<16xf32>
        %swap3A_233 = arith.index_cast %add3A_224 : i32 to index
        %swap3A_234 = arith.constant 0 : index
        %swap3A_235 = tpu.vector_load %arg11[%swap3A_233, %swap3A_234] {strides = array<i32>} : memref<128x32xf32, #tpu.memory_space<vmem>>, vector<1x16xf32>,
        %swap3A_236 = vector.shape_cast %swap3A_235 : vector<1x16xf32> to vector<16xf32>
        %swap3A_237 = vector.shape_cast %mul3A_232 : vector<16xf32> to vector<1x16xf32>
        tpu.vector_store %arg11[%swap3A_233, %swap3A_234], %swap3A_237 {strides = array<i32>} : memref<128x32xf32, #tpu.memory_space<vmem>>, vector<1x16xf32>,
        %get3A_238 = arith.index_cast %add3A_224 : i32 to index
        %get3A_239 = arith.constant 16 : index
        %get3A_240 = tpu.vector_load %arg11[%get3A_238, %get3A_239] {strides = array<i32>} : memref<128x32xf32, #tpu.memory_space<vmem>>, vector<1x16xf32>,
        %get3A_241 = vector.shape_cast %get3A_240 : vector<1x16xf32> to vector<16xf32>
        %mul3A_242 = arith.mulf %get3A_241, %broadcast_in_dim3A_227 : vector<16xf32>
        %swap3A_243 = arith.index_cast %add3A_224 : i32 to index
        %swap3A_244 = arith.constant 16 : index
        %swap3A_245 = tpu.vector_load %arg11[%swap3A_243, %swap3A_244] {strides = array<i32>} : memref<128x32xf32, #tpu.memory_space<vmem>>, vector<1x16xf32>,
        %swap3A_246 = vector.shape_cast %swap3A_245 : vector<1x16xf32> to vector<16xf32>
        %swap3A_247 = vector.shape_cast %mul3A_242 : vector<16xf32> to vector<1x16xf32>
        tpu.vector_store %arg11[%swap3A_243, %swap3A_244], %swap3A_247 {strides = array<i32>} : memref<128x32xf32, #tpu.memory_space<vmem>>, vector<1x16xf32>,
        %add3A_248 = arith.constant 8 : i32
        %add3A_249 = arith.addi %mul3A_50, %add3A_248 : i32
        %slice3A_250 = vector.extract_strided_slice %get3A_48 {offsets = [8], sizes = [1], strides = [1]} : vector<16xf32> to vector<1xf32>
        %squeeze3A_251 = vector.extract %slice3A_250[0] : f32 from vector<1xf32>
        %broadcast_in_dim3A_252 = vector.broadcast %squeeze3A_251 : f32 to vector<16xf32>
        %get3A_253 = arith.index_cast %add3A_249 : i32 to index
        %get3A_254 = arith.constant 0 : index
        %get3A_255 = tpu.vector_load %arg11[%get3A_253, %get3A_254] {strides = array<i32>} : memref<128x32xf32, #tpu.memory_space<vmem>>, vector<1x16xf32>,
        %get3A_256 = vector.shape_cast %get3A_255 : vector<1x16xf32> to vector<16xf32>
        %mul3A_257 = arith.mulf %get3A_256, %broadcast_in_dim3A_252 : vector<16xf32>
        %swap3A_258 = arith.index_cast %add3A_249 : i32 to index
        %swap3A_259 = arith.constant 0 : index
        %swap3A_260 = tpu.vector_load %arg11[%swap3A_258, %swap3A_259] {strides = array<i32>} : memref<128x32xf32, #tpu.memory_space<vmem>>, vector<1x16xf32>,
        %swap3A_261 = vector.shape_cast %swap3A_260 : vector<1x16xf32> to vector<16xf32>
        %swap3A_262 = vector.shape_cast %mul3A_257 : vector<16xf32> to vector<1x16xf32>
        tpu.vector_store %arg11[%swap3A_258, %swap3A_259], %swap3A_262 {strides = array<i32>} : memref<128x32xf32, #tpu.memory_space<vmem>>, vector<1x16xf32>,
        %get3A_263 = arith.index_cast %add3A_249 : i32 to index
        %get3A_264 = arith.constant 16 : index
        %get3A_265 = tpu.vector_load %arg11[%get3A_263, %get3A_264] {strides = array<i32>} : memref<128x32xf32, #tpu.memory_space<vmem>>, vector<1x16xf32>,
        %get3A_266 = vector.shape_cast %get3A_265 : vector<1x16xf32> to vector<16xf32>
        %mul3A_267 = arith.mulf %get3A_266, %broadcast_in_dim3A_252 : vector<16xf32>
        %swap3A_268 = arith.index_cast %add3A_249 : i32 to index
        %swap3A_269 = arith.constant 16 : index
        %swap3A_270 = tpu.vector_load %arg11[%swap3A_268, %swap3A_269] {strides = array<i32>} : memref<128x32xf32, #tpu.memory_space<vmem>>, vector<1x16xf32>,
        %swap3A_271 = vector.shape_cast %swap3A_270 : vector<1x16xf32> to vector<16xf32>
        %swap3A_272 = vector.shape_cast %mul3A_267 : vector<16xf32> to vector<1x16xf32>
        tpu.vector_store %arg11[%swap3A_268, %swap3A_269], %swap3A_272 {strides = array<i32>} : memref<128x32xf32, #tpu.memory_space<vmem>>, vector<1x16xf32>,
        %add3A_273 = arith.constant 9 : i32
        %add3A_274 = arith.addi %mul3A_50, %add3A_273 : i32
        %slice3A_275 = vector.extract_strided_slice %get3A_48 {offsets = [9], sizes = [1], strides = [1]} : vector<16xf32> to vector<1xf32>
        %squeeze3A_276 = vector.extract %slice3A_275[0] : f32 from vector<1xf32>
        %broadcast_in_dim3A_277 = vector.broadcast %squeeze3A_276 : f32 to vector<16xf32>
        %get3A_278 = arith.index_cast %add3A_274 : i32 to index
        %get3A_279 = arith.constant 0 : index
        %get3A_280 = tpu.vector_load %arg11[%get3A_278, %get3A_279] {strides = array<i32>} : memref<128x32xf32, #tpu.memory_space<vmem>>, vector<1x16xf32>,
        %get3A_281 = vector.shape_cast %get3A_280 : vector<1x16xf32> to vector<16xf32>
        %mul3A_282 = arith.mulf %get3A_281, %broadcast_in_dim3A_277 : vector<16xf32>
        %swap3A_283 = arith.index_cast %add3A_274 : i32 to index
        %swap3A_284 = arith.constant 0 : index
        %swap3A_285 = tpu.vector_load %arg11[%swap3A_283, %swap3A_284] {strides = array<i32>} : memref<128x32xf32, #tpu.memory_space<vmem>>, vector<1x16xf32>,
        %swap3A_286 = vector.shape_cast %swap3A_285 : vector<1x16xf32> to vector<16xf32>
        %swap3A_287 = vector.shape_cast %mul3A_282 : vector<16xf32> to vector<1x16xf32>
        tpu.vector_store %arg11[%swap3A_283, %swap3A_284], %swap3A_287 {strides = array<i32>} : memref<128x32xf32, #tpu.memory_space<vmem>>, vector<1x16xf32>,
        %get3A_288 = arith.index_cast %add3A_274 : i32 to index
        %get3A_289 = arith.constant 16 : index
        %get3A_290 = tpu.vector_load %arg11[%get3A_288, %get3A_289] {strides = array<i32>} : memref<128x32xf32, #tpu.memory_space<vmem>>, vector<1x16xf32>,
        %get3A_291 = vector.shape_cast %get3A_290 : vector<1x16xf32> to vector<16xf32>
        %mul3A_292 = arith.mulf %get3A_291, %broadcast_in_dim3A_277 : vector<16xf32>
        %swap3A_293 = arith.index_cast %add3A_274 : i32 to index
        %swap3A_294 = arith.constant 16 : index
        %swap3A_295 = tpu.vector_load %arg11[%swap3A_293, %swap3A_294] {strides = array<i32>} : memref<128x32xf32, #tpu.memory_space<vmem>>, vector<1x16xf32>,
        %swap3A_296 = vector.shape_cast %swap3A_295 : vector<1x16xf32> to vector<16xf32>
        %swap3A_297 = vector.shape_cast %mul3A_292 : vector<16xf32> to vector<1x16xf32>
        tpu.vector_store %arg11[%swap3A_293, %swap3A_294], %swap3A_297 {strides = array<i32>} : memref<128x32xf32, #tpu.memory_space<vmem>>, vector<1x16xf32>,
        %add3A_298 = arith.constant 10 : i32
        %add3A_299 = arith.addi %mul3A_50, %add3A_298 : i32
        %slice3A_300 = vector.extract_strided_slice %get3A_48 {offsets = [10], sizes = [1], strides = [1]} : vector<16xf32> to vector<1xf32>
        %squeeze3A_301 = vector.extract %slice3A_300[0] : f32 from vector<1xf32>
        %broadcast_in_dim3A_302 = vector.broadcast %squeeze3A_301 : f32 to vector<16xf32>
        %get3A_303 = arith.index_cast %add3A_299 : i32 to index
        %get3A_304 = arith.constant 0 : index
        %get3A_305 = tpu.vector_load %arg11[%get3A_303, %get3A_304] {strides = array<i32>} : memref<128x32xf32, #tpu.memory_space<vmem>>, vector<1x16xf32>,
        %get3A_306 = vector.shape_cast %get3A_305 : vector<1x16xf32> to vector<16xf32>
        %mul3A_307 = arith.mulf %get3A_306, %broadcast_in_dim3A_302 : vector<16xf32>
        %swap3A_308 = arith.index_cast %add3A_299 : i32 to index
        %swap3A_309 = arith.constant 0 : index
        %swap3A_310 = tpu.vector_load %arg11[%swap3A_308, %swap3A_309] {strides = array<i32>} : memref<128x32xf32, #tpu.memory_space<vmem>>, vector<1x16xf32>,
        %swap3A_311 = vector.shape_cast %swap3A_310 : vector<1x16xf32> to vector<16xf32>
        %swap3A_312 = vector.shape_cast %mul3A_307 : vector<16xf32> to vector<1x16xf32>
        tpu.vector_store %arg11[%swap3A_308, %swap3A_309], %swap3A_312 {strides = array<i32>} : memref<128x32xf32, #tpu.memory_space<vmem>>, vector<1x16xf32>,
        %get3A_313 = arith.index_cast %add3A_299 : i32 to index
        %get3A_314 = arith.constant 16 : index
        %get3A_315 = tpu.vector_load %arg11[%get3A_313, %get3A_314] {strides = array<i32>} : memref<128x32xf32, #tpu.memory_space<vmem>>, vector<1x16xf32>,
        %get3A_316 = vector.shape_cast %get3A_315 : vector<1x16xf32> to vector<16xf32>
        %mul3A_317 = arith.mulf %get3A_316, %broadcast_in_dim3A_302 : vector<16xf32>
        %swap3A_318 = arith.index_cast %add3A_299 : i32 to index
        %swap3A_319 = arith.constant 16 : index
        %swap3A_320 = tpu.vector_load %arg11[%swap3A_318, %swap3A_319] {strides = array<i32>} : memref<128x32xf32, #tpu.memory_space<vmem>>, vector<1x16xf32>,
        %swap3A_321 = vector.shape_cast %swap3A_320 : vector<1x16xf32> to vector<16xf32>
        %swap3A_322 = vector.shape_cast %mul3A_317 : vector<16xf32> to vector<1x16xf32>
        tpu.vector_store %arg11[%swap3A_318, %swap3A_319], %swap3A_322 {strides = array<i32>} : memref<128x32xf32, #tpu.memory_space<vmem>>, vector<1x16xf32>,
        %add3A_323 = arith.constant 11 : i32
        %add3A_324 = arith.addi %mul3A_50, %add3A_323 : i32
        %slice3A_325 = vector.extract_strided_slice %get3A_48 {offsets = [11], sizes = [1], strides = [1]} : vector<16xf32> to vector<1xf32>
        %squeeze3A_326 = vector.extract %slice3A_325[0] : f32 from vector<1xf32>
        %broadcast_in_dim3A_327 = vector.broadcast %squeeze3A_326 : f32 to vector<16xf32>
        %get3A_328 = arith.index_cast %add3A_324 : i32 to index
        %get3A_329 = arith.constant 0 : index
        %get3A_330 = tpu.vector_load %arg11[%get3A_328, %get3A_329] {strides = array<i32>} : memref<128x32xf32, #tpu.memory_space<vmem>>, vector<1x16xf32>,
        %get3A_331 = vector.shape_cast %get3A_330 : vector<1x16xf32> to vector<16xf32>
        %mul3A_332 = arith.mulf %get3A_331, %broadcast_in_dim3A_327 : vector<16xf32>
        %swap3A_333 = arith.index_cast %add3A_324 : i32 to index
        %swap3A_334 = arith.constant 0 : index
        %swap3A_335 = tpu.vector_load %arg11[%swap3A_333, %swap3A_334] {strides = array<i32>} : memref<128x32xf32, #tpu.memory_space<vmem>>, vector<1x16xf32>,
        %swap3A_336 = vector.shape_cast %swap3A_335 : vector<1x16xf32> to vector<16xf32>
        %swap3A_337 = vector.shape_cast %mul3A_332 : vector<16xf32> to vector<1x16xf32>
        tpu.vector_store %arg11[%swap3A_333, %swap3A_334], %swap3A_337 {strides = array<i32>} : memref<128x32xf32, #tpu.memory_space<vmem>>, vector<1x16xf32>,
        %get3A_338 = arith.index_cast %add3A_324 : i32 to index
        %get3A_339 = arith.constant 16 : index
        %get3A_340 = tpu.vector_load %arg11[%get3A_338, %get3A_339] {strides = array<i32>} : memref<128x32xf32, #tpu.memory_space<vmem>>, vector<1x16xf32>,
        %get3A_341 = vector.shape_cast %get3A_340 : vector<1x16xf32> to vector<16xf32>
        %mul3A_342 = arith.mulf %get3A_341, %broadcast_in_dim3A_327 : vector<16xf32>
        %swap3A_343 = arith.index_cast %add3A_324 : i32 to index
        %swap3A_344 = arith.constant 16 : index
        %swap3A_345 = tpu.vector_load %arg11[%swap3A_343, %swap3A_344] {strides = array<i32>} : memref<128x32xf32, #tpu.memory_space<vmem>>, vector<1x16xf32>,
        %swap3A_346 = vector.shape_cast %swap3A_345 : vector<1x16xf32> to vector<16xf32>
        %swap3A_347 = vector.shape_cast %mul3A_342 : vector<16xf32> to vector<1x16xf32>
        tpu.vector_store %arg11[%swap3A_343, %swap3A_344], %swap3A_347 {strides = array<i32>} : memref<128x32xf32, #tpu.memory_space<vmem>>, vector<1x16xf32>,
        %add3A_348 = arith.constant 12 : i32
        %add3A_349 = arith.addi %mul3A_50, %add3A_348 : i32
        %slice3A_350 = vector.extract_strided_slice %get3A_48 {offsets = [12], sizes = [1], strides = [1]} : vector<16xf32> to vector<1xf32>
        %squeeze3A_351 = vector.extract %slice3A_350[0] : f32 from vector<1xf32>
        %broadcast_in_dim3A_352 = vector.broadcast %squeeze3A_351 : f32 to vector<16xf32>
        %get3A_353 = arith.index_cast %add3A_349 : i32 to index
        %get3A_354 = arith.constant 0 : index
        %get3A_355 = tpu.vector_load %arg11[%get3A_353, %get3A_354] {strides = array<i32>} : memref<128x32xf32, #tpu.memory_space<vmem>>, vector<1x16xf32>,
        %get3A_356 = vector.shape_cast %get3A_355 : vector<1x16xf32> to vector<16xf32>
        %mul3A_357 = arith.mulf %get3A_356, %broadcast_in_dim3A_352 : vector<16xf32>
        %swap3A_358 = arith.index_cast %add3A_349 : i32 to index
        %swap3A_359 = arith.constant 0 : index
        %swap3A_360 = tpu.vector_load %arg11[%swap3A_358, %swap3A_359] {strides = array<i32>} : memref<128x32xf32, #tpu.memory_space<vmem>>, vector<1x16xf32>,
        %swap3A_361 = vector.shape_cast %swap3A_360 : vector<1x16xf32> to vector<16xf32>
        %swap3A_362 = vector.shape_cast %mul3A_357 : vector<16xf32> to vector<1x16xf32>
        tpu.vector_store %arg11[%swap3A_358, %swap3A_359], %swap3A_362 {strides = array<i32>} : memref<128x32xf32, #tpu.memory_space<vmem>>, vector<1x16xf32>,
        %get3A_363 = arith.index_cast %add3A_349 : i32 to index
        %get3A_364 = arith.constant 16 : index
        %get3A_365 = tpu.vector_load %arg11[%get3A_363, %get3A_364] {strides = array<i32>} : memref<128x32xf32, #tpu.memory_space<vmem>>, vector<1x16xf32>,
        %get3A_366 = vector.shape_cast %get3A_365 : vector<1x16xf32> to vector<16xf32>
        %mul3A_367 = arith.mulf %get3A_366, %broadcast_in_dim3A_352 : vector<16xf32>
        %swap3A_368 = arith.index_cast %add3A_349 : i32 to index
        %swap3A_369 = arith.constant 16 : index
        %swap3A_370 = tpu.vector_load %arg11[%swap3A_368, %swap3A_369] {strides = array<i32>} : memref<128x32xf32, #tpu.memory_space<vmem>>, vector<1x16xf32>,
        %swap3A_371 = vector.shape_cast %swap3A_370 : vector<1x16xf32> to vector<16xf32>
        %swap3A_372 = vector.shape_cast %mul3A_367 : vector<16xf32> to vector<1x16xf32>
        tpu.vector_store %arg11[%swap3A_368, %swap3A_369], %swap3A_372 {strides = array<i32>} : memref<128x32xf32, #tpu.memory_space<vmem>>, vector<1x16xf32>,
        %add3A_373 = arith.constant 13 : i32
        %add3A_374 = arith.addi %mul3A_50, %add3A_373 : i32
        %slice3A_375 = vector.extract_strided_slice %get3A_48 {offsets = [13], sizes = [1], strides = [1]} : vector<16xf32> to vector<1xf32>
        %squeeze3A_376 = vector.extract %slice3A_375[0] : f32 from vector<1xf32>
        %broadcast_in_dim3A_377 = vector.broadcast %squeeze3A_376 : f32 to vector<16xf32>
        %get3A_378 = arith.index_cast %add3A_374 : i32 to index
        %get3A_379 = arith.constant 0 : index
        %get3A_380 = tpu.vector_load %arg11[%get3A_378, %get3A_379] {strides = array<i32>} : memref<128x32xf32, #tpu.memory_space<vmem>>, vector<1x16xf32>,
        %get3A_381 = vector.shape_cast %get3A_380 : vector<1x16xf32> to vector<16xf32>
        %mul3A_382 = arith.mulf %get3A_381, %broadcast_in_dim3A_377 : vector<16xf32>
        %swap3A_383 = arith.index_cast %add3A_374 : i32 to index
        %swap3A_384 = arith.constant 0 : index
        %swap3A_385 = tpu.vector_load %arg11[%swap3A_383, %swap3A_384] {strides = array<i32>} : memref<128x32xf32, #tpu.memory_space<vmem>>, vector<1x16xf32>,
        %swap3A_386 = vector.shape_cast %swap3A_385 : vector<1x16xf32> to vector<16xf32>
        %swap3A_387 = vector.shape_cast %mul3A_382 : vector<16xf32> to vector<1x16xf32>
        tpu.vector_store %arg11[%swap3A_383, %swap3A_384], %swap3A_387 {strides = array<i32>} : memref<128x32xf32, #tpu.memory_space<vmem>>, vector<1x16xf32>,
        %get3A_388 = arith.index_cast %add3A_374 : i32 to index
        %get3A_389 = arith.constant 16 : index
        %get3A_390 = tpu.vector_load %arg11[%get3A_388, %get3A_389] {strides = array<i32>} : memref<128x32xf32, #tpu.memory_space<vmem>>, vector<1x16xf32>,
        %get3A_391 = vector.shape_cast %get3A_390 : vector<1x16xf32> to vector<16xf32>
        %mul3A_392 = arith.mulf %get3A_391, %broadcast_in_dim3A_377 : vector<16xf32>
        %swap3A_393 = arith.index_cast %add3A_374 : i32 to index
        %swap3A_394 = arith.constant 16 : index
        %swap3A_395 = tpu.vector_load %arg11[%swap3A_393, %swap3A_394] {strides = array<i32>} : memref<128x32xf32, #tpu.memory_space<vmem>>, vector<1x16xf32>,
        %swap3A_396 = vector.shape_cast %swap3A_395 : vector<1x16xf32> to vector<16xf32>
        %swap3A_397 = vector.shape_cast %mul3A_392 : vector<16xf32> to vector<1x16xf32>
        tpu.vector_store %arg11[%swap3A_393, %swap3A_394], %swap3A_397 {strides = array<i32>} : memref<128x32xf32, #tpu.memory_space<vmem>>, vector<1x16xf32>,
        %add3A_398 = arith.constant 14 : i32
        %add3A_399 = arith.addi %mul3A_50, %add3A_398 : i32
        %slice3A_400 = vector.extract_strided_slice %get3A_48 {offsets = [14], sizes = [1], strides = [1]} : vector<16xf32> to vector<1xf32>
        %squeeze3A_401 = vector.extract %slice3A_400[0] : f32 from vector<1xf32>
        %broadcast_in_dim3A_402 = vector.broadcast %squeeze3A_401 : f32 to vector<16xf32>
        %get3A_403 = arith.index_cast %add3A_399 : i32 to index
        %get3A_404 = arith.constant 0 : index
        %get3A_405 = tpu.vector_load %arg11[%get3A_403, %get3A_404] {strides = array<i32>} : memref<128x32xf32, #tpu.memory_space<vmem>>, vector<1x16xf32>,
        %get3A_406 = vector.shape_cast %get3A_405 : vector<1x16xf32> to vector<16xf32>
        %mul3A_407 = arith.mulf %get3A_406, %broadcast_in_dim3A_402 : vector<16xf32>
        %swap3A_408 = arith.index_cast %add3A_399 : i32 to index
        %swap3A_409 = arith.constant 0 : index
        %swap3A_410 = tpu.vector_load %arg11[%swap3A_408, %swap3A_409] {strides = array<i32>} : memref<128x32xf32, #tpu.memory_space<vmem>>, vector<1x16xf32>,
        %swap3A_411 = vector.shape_cast %swap3A_410 : vector<1x16xf32> to vector<16xf32>
        %swap3A_412 = vector.shape_cast %mul3A_407 : vector<16xf32> to vector<1x16xf32>
        tpu.vector_store %arg11[%swap3A_408, %swap3A_409], %swap3A_412 {strides = array<i32>} : memref<128x32xf32, #tpu.memory_space<vmem>>, vector<1x16xf32>,
        %get3A_413 = arith.index_cast %add3A_399 : i32 to index
        %get3A_414 = arith.constant 16 : index
        %get3A_415 = tpu.vector_load %arg11[%get3A_413, %get3A_414] {strides = array<i32>} : memref<128x32xf32, #tpu.memory_space<vmem>>, vector<1x16xf32>,
        %get3A_416 = vector.shape_cast %get3A_415 : vector<1x16xf32> to vector<16xf32>
        %mul3A_417 = arith.mulf %get3A_416, %broadcast_in_dim3A_402 : vector<16xf32>
        %swap3A_418 = arith.index_cast %add3A_399 : i32 to index
        %swap3A_419 = arith.constant 16 : index
        %swap3A_420 = tpu.vector_load %arg11[%swap3A_418, %swap3A_419] {strides = array<i32>} : memref<128x32xf32, #tpu.memory_space<vmem>>, vector<1x16xf32>,
        %swap3A_421 = vector.shape_cast %swap3A_420 : vector<1x16xf32> to vector<16xf32>
        %swap3A_422 = vector.shape_cast %mul3A_417 : vector<16xf32> to vector<1x16xf32>
        tpu.vector_store %arg11[%swap3A_418, %swap3A_419], %swap3A_422 {strides = array<i32>} : memref<128x32xf32, #tpu.memory_space<vmem>>, vector<1x16xf32>,
        %add3A_423 = arith.constant 15 : i32
        %add3A_424 = arith.addi %mul3A_50, %add3A_423 : i32
        %slice3A_425 = vector.extract_strided_slice %get3A_48 {offsets = [15], sizes = [1], strides = [1]} : vector<16xf32> to vector<1xf32>
        %squeeze3A_426 = vector.extract %slice3A_425[0] : f32 from vector<1xf32>
        %broadcast_in_dim3A_427 = vector.broadcast %squeeze3A_426 : f32 to vector<16xf32>
        %get3A_428 = arith.index_cast %add3A_424 : i32 to index
        %get3A_429 = arith.constant 0 : index
        %get3A_430 = tpu.vector_load %arg11[%get3A_428, %get3A_429] {strides = array<i32>} : memref<128x32xf32, #tpu.memory_space<vmem>>, vector<1x16xf32>,
        %get3A_431 = vector.shape_cast %get3A_430 : vector<1x16xf32> to vector<16xf32>
        %mul3A_432 = arith.mulf %get3A_431, %broadcast_in_dim3A_427 : vector<16xf32>
        %swap3A_433 = arith.index_cast %add3A_424 : i32 to index
        %swap3A_434 = arith.constant 0 : index
        %swap3A_435 = tpu.vector_load %arg11[%swap3A_433, %swap3A_434] {strides = array<i32>} : memref<128x32xf32, #tpu.memory_space<vmem>>, vector<1x16xf32>,
        %swap3A_436 = vector.shape_cast %swap3A_435 : vector<1x16xf32> to vector<16xf32>
        %swap3A_437 = vector.shape_cast %mul3A_432 : vector<16xf32> to vector<1x16xf32>
        tpu.vector_store %arg11[%swap3A_433, %swap3A_434], %swap3A_437 {strides = array<i32>} : memref<128x32xf32, #tpu.memory_space<vmem>>, vector<1x16xf32>,
        %get3A_438 = arith.index_cast %add3A_424 : i32 to index
        %get3A_439 = arith.constant 16 : index
        %get3A_440 = tpu.vector_load %arg11[%get3A_438, %get3A_439] {strides = array<i32>} : memref<128x32xf32, #tpu.memory_space<vmem>>, vector<1x16xf32>,
        %get3A_441 = vector.shape_cast %get3A_440 : vector<1x16xf32> to vector<16xf32>
        %mul3A_442 = arith.mulf %get3A_441, %broadcast_in_dim3A_427 : vector<16xf32>
        %swap3A_443 = arith.index_cast %add3A_424 : i32 to index
        %swap3A_444 = arith.constant 16 : index
        %swap3A_445 = tpu.vector_load %arg11[%swap3A_443, %swap3A_444] {strides = array<i32>} : memref<128x32xf32, #tpu.memory_space<vmem>>, vector<1x16xf32>,
        %swap3A_446 = vector.shape_cast %swap3A_445 : vector<1x16xf32> to vector<16xf32>
        %swap3A_447 = vector.shape_cast %mul3A_442 : vector<16xf32> to vector<1x16xf32>
        tpu.vector_store %arg11[%swap3A_443, %swap3A_444], %swap3A_447 {strides = array<i32>} : memref<128x32xf32, #tpu.memory_space<vmem>>, vector<1x16xf32>,
      }
      %scan3A_42 = arith.constant 8 : i32
      "tpu.region"() ({
        %run_scoped3A = tpu.sem_alloc : memref<!tpu.dma_semaphore, #tpu.memory_space<semaphore_mem>>
        %dma_start3A_43 = arith.constant 0 : i32
        %dma_start3A_44 = tpu.memref_slice %arg9[%scan3A_26, %dma_start3A_43] : memref<80x128xi32, #tpu.memory_space<vmem>> -> memref<1x128xi32, #tpu.memory_space<vmem>>
        %dma_start3A_45 = tpu.memref_squeeze %dma_start3A_44 : memref<1x128xi32, #tpu.memory_space<vmem>> -> memref<128xi32, #tpu.memory_space<vmem>>
        %dma_start3A_46 = arith.constant 0 : i32
        %dma_start3A_47 = arith.constant 0 : i32
        %dma_start3A_48 = tpu.memref_slice %arg7[%dma_start3A_46, %dma_start3A_47] : memref<10112x32xf32, #tpu.memory_space<vmem_shared>> -> memref<10112x32xf32, #tpu.memory_space<vmem_shared>>
        tpu.enqueue_indirect_dma source(%arg11 : memref<128x32xf32, #tpu.memory_space<vmem>>) target(%dma_start3A_48 : memref<10112x32xf32, #tpu.memory_space<vmem_shared>>) offsets(%dma_start3A_45 : memref<128xi32, #tpu.memory_space<vmem>>) semaphore(%run_scoped3A : memref<!tpu.dma_semaphore, #tpu.memory_space<semaphore_mem>>) {add = true}
        %dma_wait3A_49 = arith.constant 0 : i32
        %dma_wait3A_50 = tpu.memref_slice %arg9[%scan3A_26, %dma_wait3A_49] : memref<80x128xi32, #tpu.memory_space<vmem>> -> memref<1x128xi32, #tpu.memory_space<vmem>>
        %dma_wait3A_51 = tpu.memref_squeeze %dma_wait3A_50 : memref<1x128xi32, #tpu.memory_space<vmem>> -> memref<128xi32, #tpu.memory_space<vmem>>
        %dma_wait3A_52 = arith.constant 0 : i32
        %dma_wait3A_53 = arith.constant 0 : i32
        %dma_wait3A_54 = tpu.memref_slice %arg7[%dma_wait3A_52, %dma_wait3A_53] : memref<10112x32xf32, #tpu.memory_space<vmem_shared>> -> memref<10112x32xf32, #tpu.memory_space<vmem_shared>>
        tpu.wait_indirect_dma semaphore(%run_scoped3A : memref<!tpu.dma_semaphore, #tpu.memory_space<semaphore_mem>>) src(%arg11 : memref<128x32xf32, #tpu.memory_space<vmem>>) dst(%dma_wait3A_54 : memref<10112x32xf32, #tpu.memory_space<vmem_shared>>)
        tpu.yield
      }) : () -> ()
    }
    %scan3A_20 = arith.constant 80 : i32
    %barrier3A_21 = arith.constant 0 : index
    tpu.barrier barrier_id(%barrier3A_21)
    %mul3A_22 = arith.constant 632 : i32
    %mul3A_23 = arith.muli %arg1, %mul3A_22 : i32
    %mul3A_24 = arith.constant 632 : i32
    %mul3A_25 = arith.muli %arg1, %mul3A_24 : i32
    "tpu.region"() ({
      %run_scoped3A = tpu.sem_alloc : memref<!tpu.dma_semaphore, #tpu.memory_space<semaphore_mem>>
      %dma_start3A = arith.constant 0 : i32
      %dma_start3A_26 = tpu.memref_slice %arg6[%arg0, %mul3A_25, %dma_start3A] : memref<2x10112x32xf32, #tpu.memory_space<hbm>> -> memref<1x632x32xf32, #tpu.memory_space<hbm>>
      %dma_start3A_27 = tpu.memref_squeeze %dma_start3A_26 : memref<1x632x32xf32, #tpu.memory_space<hbm>> -> memref<632x32xf32, #tpu.memory_space<hbm>>
      %dma_start3A_28 = arith.constant 0 : i32
      %dma_start3A_29 = tpu.memref_slice %arg7[%mul3A_23, %dma_start3A_28] : memref<10112x32xf32, #tpu.memory_space<vmem_shared>> -> memref<632x32xf32, #tpu.memory_space<vmem_shared>>
      tpu.enqueue_dma source(%dma_start3A_29 : memref<632x32xf32, #tpu.memory_space<vmem_shared>>) target(%dma_start3A_27 : memref<632x32xf32, #tpu.memory_space<hbm>>) target_semaphore(%run_scoped3A : memref<!tpu.dma_semaphore, #tpu.memory_space<semaphore_mem>>)
      %dma_wait3A = arith.constant 0 : i32
      %dma_wait3A_30 = tpu.memref_slice %arg6[%arg0, %mul3A_25, %dma_wait3A] : memref<2x10112x32xf32, #tpu.memory_space<hbm>> -> memref<1x632x32xf32, #tpu.memory_space<hbm>>
      %dma_wait3A_31 = tpu.memref_squeeze %dma_wait3A_30 : memref<1x632x32xf32, #tpu.memory_space<hbm>> -> memref<632x32xf32, #tpu.memory_space<hbm>>
      %dma_wait3A_32 = arith.constant 0 : i32
      %dma_wait3A_33 = tpu.memref_slice %arg7[%mul3A_23, %dma_wait3A_32] : memref<10112x32xf32, #tpu.memory_space<vmem_shared>> -> memref<632x32xf32, #tpu.memory_space<vmem_shared>>
      tpu.wait_dma2 semaphore(%run_scoped3A : memref<!tpu.dma_semaphore, #tpu.memory_space<semaphore_mem>>) src(%dma_wait3A_33 : memref<632x32xf32, #tpu.memory_space<vmem_shared>>) dst(%dma_wait3A_31 : memref<632x32xf32, #tpu.memory_space<hbm>>)
      tpu.yield
    }) : () -> ()
    return
  }
}

#map = affine_map<(d0, d1) -> (0, 0)>
#map1 = affine_map<(d0, d1) -> (0, 0, 0)>
module attributes {stable_mosaic.version = 14 : i64} {
  func.func @_sc_scatter(%arg0: i32, %arg1: i32, %arg2: memref<10000x32xf32, #tpu.memory_space<hbm>>, %arg3: memref<2560x128xi32, #tpu.memory_space<hbm>>, %arg4: memref<2560x128xi32, #tpu.memory_space<hbm>>, %arg5: memref<2560x128xf32, #tpu.memory_space<hbm>>, %arg6: memref<2x10112x32xf32, #tpu.memory_space<hbm>>, %arg7: memref<10112x32xf32, #tpu.memory_space<vmem_shared>>, %arg8: memref<80x128xi32, #tpu.memory_space<vmem>>, %arg9: memref<80x128xi32, #tpu.memory_space<vmem>>, %arg10: memref<80x128xf32, #tpu.memory_space<vmem>>, %arg11: memref<128x32xf32, #tpu.memory_space<vmem>>, %arg12: memref<632x32xf32, #tpu.memory_space<vmem>>, %arg13: memref<!tpu.dma_semaphore, #tpu.memory_space<semaphore_mem>>) attributes {dimension_semantics = [#tpu.dimension_semantics<core_parallel>, #tpu.dimension_semantics<subcore_parallel>], iteration_bounds = array<i64: 2, 16>, scalar_prefetch = 0 : i64, scratch_operands = 7 : i64, tpu.core_type = #tpu.core_type<sc_vector_subcore>, window_params = [{transform_indices = #map}, {transform_indices = #map}, {transform_indices = #map}, {transform_indices = #map}, {transform_indices = #map1}]} {
    %mul3A = arith.constant 16 : i32
    %mul3A_0 = arith.muli %arg0, %mul3A : i32
    %add3A = arith.addi %mul3A_0, %arg1 : i32
    %mul3A_1 = arith.constant 80 : i32
    %mul3A_2 = arith.muli %add3A, %mul3A_1 : i32
    "tpu.region"() ({
      %run_scoped3A = tpu.sem_alloc : memref<!tpu.dma_semaphore, #tpu.memory_space<semaphore_mem>>
      %dma_start3A = arith.constant 0 : i32
      %dma_start3A_26 = tpu.memref_slice %arg3[%mul3A_2, %dma_start3A] : memref<2560x128xi32, #tpu.memory_space<hbm>> -> memref<80x128xi32, #tpu.memory_space<hbm>>
      %dma_start3A_27 = arith.constant 0 : i32
      %dma_start3A_28 = tpu.memref_slice %arg3[%mul3A_2, %dma_start3A_27] : memref<2560x128xi32, #tpu.memory_space<hbm>> -> memref<80x128xi32, #tpu.memory_space<hbm>>
      tpu.enqueue_dma source(%dma_start3A_28 : memref<80x128xi32, #tpu.memory_space<hbm>>) target(%arg8 : memref<80x128xi32, #tpu.memory_space<vmem>>) target_semaphore(%run_scoped3A : memref<!tpu.dma_semaphore, #tpu.memory_space<semaphore_mem>>)
      %dma_wait3A = arith.constant 0 : i32
      %dma_wait3A_29 = tpu.memref_slice %arg3[%mul3A_2, %dma_wait3A] : memref<2560x128xi32, #tpu.memory_space<hbm>> -> memref<80x128xi32, #tpu.memory_space<hbm>>
      %dma_wait3A_30 = arith.constant 0 : i32
      %dma_wait3A_31 = tpu.memref_slice %arg3[%mul3A_2, %dma_wait3A_30] : memref<2560x128xi32, #tpu.memory_space<hbm>> -> memref<80x128xi32, #tpu.memory_space<hbm>>
      tpu.wait_dma2 semaphore(%run_scoped3A : memref<!tpu.dma_semaphore, #tpu.memory_space<semaphore_mem>>) src(%dma_wait3A_31 : memref<80x128xi32, #tpu.memory_space<hbm>>) dst(%arg8 : memref<80x128xi32, #tpu.memory_space<vmem>>)
      tpu.yield
    }) : () -> ()
    %mul3A_3 = arith.constant 80 : i32
    %mul3A_4 = arith.muli %add3A, %mul3A_3 : i32
    "tpu.region"() ({
      %run_scoped3A = tpu.sem_alloc : memref<!tpu.dma_semaphore, #tpu.memory_space<semaphore_mem>>
      %dma_start3A = arith.constant 0 : i32
      %dma_start3A_26 = tpu.memref_slice %arg4[%mul3A_4, %dma_start3A] : memref<2560x128xi32, #tpu.memory_space<hbm>> -> memref<80x128xi32, #tpu.memory_space<hbm>>
      %dma_start3A_27 = arith.constant 0 : i32
      %dma_start3A_28 = tpu.memref_slice %arg4[%mul3A_4, %dma_start3A_27] : memref<2560x128xi32, #tpu.memory_space<hbm>> -> memref<80x128xi32, #tpu.memory_space<hbm>>
      tpu.enqueue_dma source(%dma_start3A_28 : memref<80x128xi32, #tpu.memory_space<hbm>>) target(%arg9 : memref<80x128xi32, #tpu.memory_space<vmem>>) target_semaphore(%run_scoped3A : memref<!tpu.dma_semaphore, #tpu.memory_space<semaphore_mem>>)
      %dma_wait3A = arith.constant 0 : i32
      %dma_wait3A_29 = tpu.memref_slice %arg4[%mul3A_4, %dma_wait3A] : memref<2560x128xi32, #tpu.memory_space<hbm>> -> memref<80x128xi32, #tpu.memory_space<hbm>>
      %dma_wait3A_30 = arith.constant 0 : i32
      %dma_wait3A_31 = tpu.memref_slice %arg4[%mul3A_4, %dma_wait3A_30] : memref<2560x128xi32, #tpu.memory_space<hbm>> -> memref<80x128xi32, #tpu.memory_space<hbm>>
      tpu.wait_dma2 semaphore(%run_scoped3A : memref<!tpu.dma_semaphore, #tpu.memory_space<semaphore_mem>>) src(%dma_wait3A_31 : memref<80x128xi32, #tpu.memory_space<hbm>>) dst(%arg9 : memref<80x128xi32, #tpu.memory_space<vmem>>)
      tpu.yield
    }) : () -> ()
    %mul3A_5 = arith.constant 80 : i32
    %mul3A_6 = arith.muli %add3A, %mul3A_5 : i32
    "tpu.region"() ({
      %run_scoped3A = tpu.sem_alloc : memref<!tpu.dma_semaphore, #tpu.memory_space<semaphore_mem>>
      %dma_start3A = arith.constant 0 : i32
      %dma_start3A_26 = tpu.memref_slice %arg5[%mul3A_6, %dma_start3A] : memref<2560x128xf32, #tpu.memory_space<hbm>> -> memref<80x128xf32, #tpu.memory_space<hbm>>
      %dma_start3A_27 = arith.constant 0 : i32
      %dma_start3A_28 = tpu.memref_slice %arg5[%mul3A_6, %dma_start3A_27] : memref<2560x128xf32, #tpu.memory_space<hbm>> -> memref<80x128xf32, #tpu.memory_space<hbm>>
      tpu.enqueue_dma source(%dma_start3A_28 : memref<80x128xf32, #tpu.memory_space<hbm>>) target(%arg10 : memref<80x128xf32, #tpu.memory_space<vmem>>) target_semaphore(%run_scoped3A : memref<!tpu.dma_semaphore, #tpu.memory_space<semaphore_mem>>)
      %dma_wait3A = arith.constant 0 : i32
      %dma_wait3A_29 = tpu.memref_slice %arg5[%mul3A_6, %dma_wait3A] : memref<2560x128xf32, #tpu.memory_space<hbm>> -> memref<80x128xf32, #tpu.memory_space<hbm>>
      %dma_wait3A_30 = arith.constant 0 : i32
      %dma_wait3A_31 = tpu.memref_slice %arg5[%mul3A_6, %dma_wait3A_30] : memref<2560x128xf32, #tpu.memory_space<hbm>> -> memref<80x128xf32, #tpu.memory_space<hbm>>
      tpu.wait_dma2 semaphore(%run_scoped3A : memref<!tpu.dma_semaphore, #tpu.memory_space<semaphore_mem>>) src(%dma_wait3A_31 : memref<80x128xf32, #tpu.memory_space<hbm>>) dst(%arg10 : memref<80x128xf32, #tpu.memory_space<vmem>>)
      tpu.yield
    }) : () -> ()
    %broadcast_in_dim3A = arith.constant 0.000000e+00 : f32
    %broadcast_in_dim3A_7 = vector.broadcast %broadcast_in_dim3A : f32 to vector<16xf32>
    %scan3A = arith.constant 0 : i32
    %scan3A_8 = arith.constant 0 : i32
    %scan3A_9 = arith.constant 632 : i32
    %scan3A_10 = arith.addi %scan3A_8, %scan3A_9 : i32
    %scan3A_11 = arith.constant 1 : i32
    scf.for %scan3A_26 = %scan3A_8 to %scan3A_10 step %scan3A_11  : i32 {
      %swap3A = arith.index_cast %scan3A_26 : i32 to index
      %swap3A_27 = arith.constant 0 : index
      %swap3A_28 = tpu.vector_load %arg12[%swap3A, %swap3A_27] {strides = array<i32>} : memref<632x32xf32, #tpu.memory_space<vmem>>, vector<1x16xf32>,
      %swap3A_29 = vector.shape_cast %swap3A_28 : vector<1x16xf32> to vector<16xf32>
      %swap3A_30 = vector.shape_cast %broadcast_in_dim3A_7 : vector<16xf32> to vector<1x16xf32>
      tpu.vector_store %arg12[%swap3A, %swap3A_27], %swap3A_30 {strides = array<i32>} : memref<632x32xf32, #tpu.memory_space<vmem>>, vector<1x16xf32>,
      %swap3A_31 = arith.index_cast %scan3A_26 : i32 to index
      %swap3A_32 = arith.constant 16 : index
      %swap3A_33 = tpu.vector_load %arg12[%swap3A_31, %swap3A_32] {strides = array<i32>} : memref<632x32xf32, #tpu.memory_space<vmem>>, vector<1x16xf32>,
      %swap3A_34 = vector.shape_cast %swap3A_33 : vector<1x16xf32> to vector<16xf32>
      %swap3A_35 = vector.shape_cast %broadcast_in_dim3A_7 : vector<16xf32> to vector<1x16xf32>
      tpu.vector_store %arg12[%swap3A_31, %swap3A_32], %swap3A_35 {strides = array<i32>} : memref<632x32xf32, #tpu.memory_space<vmem>>, vector<1x16xf32>,
    }
    %scan3A_12 = arith.constant 632 : i32
    %mul3A_13 = arith.constant 632 : i32
    %mul3A_14 = arith.muli %arg1, %mul3A_13 : i32
    "tpu.region"() ({
      %run_scoped3A = tpu.sem_alloc : memref<!tpu.dma_semaphore, #tpu.memory_space<semaphore_mem>>
      %dma_start3A = arith.constant 0 : i32
      %dma_start3A_26 = tpu.memref_slice %arg7[%mul3A_14, %dma_start3A] : memref<10112x32xf32, #tpu.memory_space<vmem_shared>> -> memref<632x32xf32, #tpu.memory_space<vmem_shared>>
      %dma_start3A_27 = arith.constant 0 : i32
      %dma_start3A_28 = tpu.memref_slice %arg7[%mul3A_14, %dma_start3A_27] : memref<10112x32xf32, #tpu.memory_space<vmem_shared>> -> memref<632x32xf32, #tpu.memory_space<vmem_shared>>
      tpu.enqueue_dma source(%arg12 : memref<632x32xf32, #tpu.memory_space<vmem>>) target(%dma_start3A_28 : memref<632x32xf32, #tpu.memory_space<vmem_shared>>) target_semaphore(%run_scoped3A : memref<!tpu.dma_semaphore, #tpu.memory_space<semaphore_mem>>)
      %dma_wait3A = arith.constant 0 : i32
      %dma_wait3A_29 = tpu.memref_slice %arg7[%mul3A_14, %dma_wait3A] : memref<10112x32xf32, #tpu.memory_space<vmem_shared>> -> memref<632x32xf32, #tpu.memory_space<vmem_shared>>
      %dma_wait3A_30 = arith.constant 0 : i32
      %dma_wait3A_31 = tpu.memref_slice %arg7[%mul3A_14, %dma_wait3A_30] : memref<10112x32xf32, #tpu.memory_space<vmem_shared>> -> memref<632x32xf32, #tpu.memory_space<vmem_shared>>
      tpu.wait_dma2 semaphore(%run_scoped3A : memref<!tpu.dma_semaphore, #tpu.memory_space<semaphore_mem>>) src(%arg12 : memref<632x32xf32, #tpu.memory_space<vmem>>) dst(%dma_wait3A_31 : memref<632x32xf32, #tpu.memory_space<vmem_shared>>)
      tpu.yield
    }) : () -> ()
    %barrier3A = arith.constant 0 : index
    tpu.barrier barrier_id(%barrier3A)
    %scan3A_15 = arith.constant 0 : i32
    %scan3A_16 = arith.constant 0 : i32
    %scan3A_17 = arith.constant 80 : i32
    %scan3A_18 = arith.addi %scan3A_16, %scan3A_17 : i32
    %scan3A_19 = arith.constant 1 : i32
    scf.for %scan3A_26 = %scan3A_16 to %scan3A_18 step %scan3A_19  : i32 {
      %dma_start3A = arith.constant 0 : i32
      %dma_start3A_27 = tpu.memref_slice %arg8[%scan3A_26, %dma_start3A] : memref<80x128xi32, #tpu.memory_space<vmem>> -> memref<1x128xi32, #tpu.memory_space<vmem>>
      %dma_start3A_28 = tpu.memref_squeeze %dma_start3A_27 : memref<1x128xi32, #tpu.memory_space<vmem>> -> memref<128xi32, #tpu.memory_space<vmem>>
      %dma_start3A_29 = arith.constant 0 : i32
      %dma_start3A_30 = arith.constant 0 : i32
      %dma_start3A_31 = tpu.memref_slice %arg2[%dma_start3A_29, %dma_start3A_30] : memref<10000x32xf32, #tpu.memory_space<hbm>> -> memref<10000x32xf32, #tpu.memory_space<hbm>>
      tpu.enqueue_indirect_dma source(%dma_start3A_31 : memref<10000x32xf32, #tpu.memory_space<hbm>>) target(%arg11 : memref<128x32xf32, #tpu.memory_space<vmem>>) offsets(%dma_start3A_28 : memref<128xi32, #tpu.memory_space<vmem>>) semaphore(%arg13 : memref<!tpu.dma_semaphore, #tpu.memory_space<semaphore_mem>>)
      %dma_wait3A = arith.constant 0 : i32
      %dma_wait3A_32 = tpu.memref_slice %arg8[%scan3A_26, %dma_wait3A] : memref<80x128xi32, #tpu.memory_space<vmem>> -> memref<1x128xi32, #tpu.memory_space<vmem>>
      %dma_wait3A_33 = tpu.memref_squeeze %dma_wait3A_32 : memref<1x128xi32, #tpu.memory_space<vmem>> -> memref<128xi32, #tpu.memory_space<vmem>>
      %dma_wait3A_34 = arith.constant 0 : i32
      %dma_wait3A_35 = arith.constant 0 : i32
      %dma_wait3A_36 = tpu.memref_slice %arg2[%dma_wait3A_34, %dma_wait3A_35] : memref<10000x32xf32, #tpu.memory_space<hbm>> -> memref<10000x32xf32, #tpu.memory_space<hbm>>
      tpu.wait_indirect_dma semaphore(%arg13 : memref<!tpu.dma_semaphore, #tpu.memory_space<semaphore_mem>>) src(%dma_wait3A_36 : memref<10000x32xf32, #tpu.memory_space<hbm>>) dst(%arg11 : memref<128x32xf32, #tpu.memory_space<vmem>>)
      %scan3A_37 = arith.constant 0 : i32
      %scan3A_38 = arith.constant 0 : i32
      %scan3A_39 = arith.constant 8 : i32
      %scan3A_40 = arith.addi %scan3A_38, %scan3A_39 : i32
      %scan3A_41 = arith.constant 1 : i32
      scf.for %scan3A_43 = %scan3A_38 to %scan3A_40 step %scan3A_41  : i32 {
        %mul3A_44 = arith.constant 16 : i32
        %mul3A_45 = arith.muli %scan3A_43, %mul3A_44 : i32
        %get3A = arith.index_cast %scan3A_26 : i32 to index
        %get3A_46 = arith.index_cast %mul3A_45 : i32 to index
        %get3A_47 = tpu.vector_load %arg10[%get3A, %get3A_46] {strides = array<i32>} : memref<80x128xf32, #tpu.memory_space<vmem>>, vector<1x16xf32>,
        %get3A_48 = vector.shape_cast %get3A_47 : vector<1x16xf32> to vector<16xf32>
        %mul3A_49 = arith.constant 16 : i32
        %mul3A_50 = arith.muli %scan3A_43, %mul3A_49 : i32
        %add3A_51 = arith.constant 0 : i32
        %add3A_52 = arith.addi %mul3A_50, %add3A_51 : i32
        %slice3A = vector.extract_strided_slice %get3A_48 {offsets = [0], sizes = [1], strides = [1]} : vector<16xf32> to vector<1xf32>
        %squeeze3A = vector.extract %slice3A[0] : f32 from vector<1xf32>
        %broadcast_in_dim3A_53 = vector.broadcast %squeeze3A : f32 to vector<16xf32>
        %get3A_54 = arith.index_cast %add3A_52 : i32 to index
        %get3A_55 = arith.constant 0 : index
        %get3A_56 = tpu.vector_load %arg11[%get3A_54, %get3A_55] {strides = array<i32>} : memref<128x32xf32, #tpu.memory_space<vmem>>, vector<1x16xf32>,
        %get3A_57 = vector.shape_cast %get3A_56 : vector<1x16xf32> to vector<16xf32>
        %mul3A_58 = arith.mulf %get3A_57, %broadcast_in_dim3A_53 : vector<16xf32>
        %swap3A = arith.index_cast %add3A_52 : i32 to index
        %swap3A_59 = arith.constant 0 : index
        %swap3A_60 = tpu.vector_load %arg11[%swap3A, %swap3A_59] {strides = array<i32>} : memref<128x32xf32, #tpu.memory_space<vmem>>, vector<1x16xf32>,
        %swap3A_61 = vector.shape_cast %swap3A_60 : vector<1x16xf32> to vector<16xf32>
        %swap3A_62 = vector.shape_cast %mul3A_58 : vector<16xf32> to vector<1x16xf32>
        tpu.vector_store %arg11[%swap3A, %swap3A_59], %swap3A_62 {strides = array<i32>} : memref<128x32xf32, #tpu.memory_space<vmem>>, vector<1x16xf32>,
        %get3A_63 = arith.index_cast %add3A_52 : i32 to index
        %get3A_64 = arith.constant 16 : index
        %get3A_65 = tpu.vector_load %arg11[%get3A_63, %get3A_64] {strides = array<i32>} : memref<128x32xf32, #tpu.memory_space<vmem>>, vector<1x16xf32>,
        %get3A_66 = vector.shape_cast %get3A_65 : vector<1x16xf32> to vector<16xf32>
        %mul3A_67 = arith.mulf %get3A_66, %broadcast_in_dim3A_53 : vector<16xf32>
        %swap3A_68 = arith.index_cast %add3A_52 : i32 to index
        %swap3A_69 = arith.constant 16 : index
        %swap3A_70 = tpu.vector_load %arg11[%swap3A_68, %swap3A_69] {strides = array<i32>} : memref<128x32xf32, #tpu.memory_space<vmem>>, vector<1x16xf32>,
        %swap3A_71 = vector.shape_cast %swap3A_70 : vector<1x16xf32> to vector<16xf32>
        %swap3A_72 = vector.shape_cast %mul3A_67 : vector<16xf32> to vector<1x16xf32>
        tpu.vector_store %arg11[%swap3A_68, %swap3A_69], %swap3A_72 {strides = array<i32>} : memref<128x32xf32, #tpu.memory_space<vmem>>, vector<1x16xf32>,
        %add3A_73 = arith.constant 1 : i32
        %add3A_74 = arith.addi %mul3A_50, %add3A_73 : i32
        %slice3A_75 = vector.extract_strided_slice %get3A_48 {offsets = [1], sizes = [1], strides = [1]} : vector<16xf32> to vector<1xf32>
        %squeeze3A_76 = vector.extract %slice3A_75[0] : f32 from vector<1xf32>
        %broadcast_in_dim3A_77 = vector.broadcast %squeeze3A_76 : f32 to vector<16xf32>
        %get3A_78 = arith.index_cast %add3A_74 : i32 to index
        %get3A_79 = arith.constant 0 : index
        %get3A_80 = tpu.vector_load %arg11[%get3A_78, %get3A_79] {strides = array<i32>} : memref<128x32xf32, #tpu.memory_space<vmem>>, vector<1x16xf32>,
        %get3A_81 = vector.shape_cast %get3A_80 : vector<1x16xf32> to vector<16xf32>
        %mul3A_82 = arith.mulf %get3A_81, %broadcast_in_dim3A_77 : vector<16xf32>
        %swap3A_83 = arith.index_cast %add3A_74 : i32 to index
        %swap3A_84 = arith.constant 0 : index
        %swap3A_85 = tpu.vector_load %arg11[%swap3A_83, %swap3A_84] {strides = array<i32>} : memref<128x32xf32, #tpu.memory_space<vmem>>, vector<1x16xf32>,
        %swap3A_86 = vector.shape_cast %swap3A_85 : vector<1x16xf32> to vector<16xf32>
        %swap3A_87 = vector.shape_cast %mul3A_82 : vector<16xf32> to vector<1x16xf32>
        tpu.vector_store %arg11[%swap3A_83, %swap3A_84], %swap3A_87 {strides = array<i32>} : memref<128x32xf32, #tpu.memory_space<vmem>>, vector<1x16xf32>,
        %get3A_88 = arith.index_cast %add3A_74 : i32 to index
        %get3A_89 = arith.constant 16 : index
        %get3A_90 = tpu.vector_load %arg11[%get3A_88, %get3A_89] {strides = array<i32>} : memref<128x32xf32, #tpu.memory_space<vmem>>, vector<1x16xf32>,
        %get3A_91 = vector.shape_cast %get3A_90 : vector<1x16xf32> to vector<16xf32>
        %mul3A_92 = arith.mulf %get3A_91, %broadcast_in_dim3A_77 : vector<16xf32>
        %swap3A_93 = arith.index_cast %add3A_74 : i32 to index
        %swap3A_94 = arith.constant 16 : index
        %swap3A_95 = tpu.vector_load %arg11[%swap3A_93, %swap3A_94] {strides = array<i32>} : memref<128x32xf32, #tpu.memory_space<vmem>>, vector<1x16xf32>,
        %swap3A_96 = vector.shape_cast %swap3A_95 : vector<1x16xf32> to vector<16xf32>
        %swap3A_97 = vector.shape_cast %mul3A_92 : vector<16xf32> to vector<1x16xf32>
        tpu.vector_store %arg11[%swap3A_93, %swap3A_94], %swap3A_97 {strides = array<i32>} : memref<128x32xf32, #tpu.memory_space<vmem>>, vector<1x16xf32>,
        %add3A_98 = arith.constant 2 : i32
        %add3A_99 = arith.addi %mul3A_50, %add3A_98 : i32
        %slice3A_100 = vector.extract_strided_slice %get3A_48 {offsets = [2], sizes = [1], strides = [1]} : vector<16xf32> to vector<1xf32>
        %squeeze3A_101 = vector.extract %slice3A_100[0] : f32 from vector<1xf32>
        %broadcast_in_dim3A_102 = vector.broadcast %squeeze3A_101 : f32 to vector<16xf32>
        %get3A_103 = arith.index_cast %add3A_99 : i32 to index
        %get3A_104 = arith.constant 0 : index
        %get3A_105 = tpu.vector_load %arg11[%get3A_103, %get3A_104] {strides = array<i32>} : memref<128x32xf32, #tpu.memory_space<vmem>>, vector<1x16xf32>,
        %get3A_106 = vector.shape_cast %get3A_105 : vector<1x16xf32> to vector<16xf32>
        %mul3A_107 = arith.mulf %get3A_106, %broadcast_in_dim3A_102 : vector<16xf32>
        %swap3A_108 = arith.index_cast %add3A_99 : i32 to index
        %swap3A_109 = arith.constant 0 : index
        %swap3A_110 = tpu.vector_load %arg11[%swap3A_108, %swap3A_109] {strides = array<i32>} : memref<128x32xf32, #tpu.memory_space<vmem>>, vector<1x16xf32>,
        %swap3A_111 = vector.shape_cast %swap3A_110 : vector<1x16xf32> to vector<16xf32>
        %swap3A_112 = vector.shape_cast %mul3A_107 : vector<16xf32> to vector<1x16xf32>
        tpu.vector_store %arg11[%swap3A_108, %swap3A_109], %swap3A_112 {strides = array<i32>} : memref<128x32xf32, #tpu.memory_space<vmem>>, vector<1x16xf32>,
        %get3A_113 = arith.index_cast %add3A_99 : i32 to index
        %get3A_114 = arith.constant 16 : index
        %get3A_115 = tpu.vector_load %arg11[%get3A_113, %get3A_114] {strides = array<i32>} : memref<128x32xf32, #tpu.memory_space<vmem>>, vector<1x16xf32>,
        %get3A_116 = vector.shape_cast %get3A_115 : vector<1x16xf32> to vector<16xf32>
        %mul3A_117 = arith.mulf %get3A_116, %broadcast_in_dim3A_102 : vector<16xf32>
        %swap3A_118 = arith.index_cast %add3A_99 : i32 to index
        %swap3A_119 = arith.constant 16 : index
        %swap3A_120 = tpu.vector_load %arg11[%swap3A_118, %swap3A_119] {strides = array<i32>} : memref<128x32xf32, #tpu.memory_space<vmem>>, vector<1x16xf32>,
        %swap3A_121 = vector.shape_cast %swap3A_120 : vector<1x16xf32> to vector<16xf32>
        %swap3A_122 = vector.shape_cast %mul3A_117 : vector<16xf32> to vector<1x16xf32>
        tpu.vector_store %arg11[%swap3A_118, %swap3A_119], %swap3A_122 {strides = array<i32>} : memref<128x32xf32, #tpu.memory_space<vmem>>, vector<1x16xf32>,
        %add3A_123 = arith.constant 3 : i32
        %add3A_124 = arith.addi %mul3A_50, %add3A_123 : i32
        %slice3A_125 = vector.extract_strided_slice %get3A_48 {offsets = [3], sizes = [1], strides = [1]} : vector<16xf32> to vector<1xf32>
        %squeeze3A_126 = vector.extract %slice3A_125[0] : f32 from vector<1xf32>
        %broadcast_in_dim3A_127 = vector.broadcast %squeeze3A_126 : f32 to vector<16xf32>
        %get3A_128 = arith.index_cast %add3A_124 : i32 to index
        %get3A_129 = arith.constant 0 : index
        %get3A_130 = tpu.vector_load %arg11[%get3A_128, %get3A_129] {strides = array<i32>} : memref<128x32xf32, #tpu.memory_space<vmem>>, vector<1x16xf32>,
        %get3A_131 = vector.shape_cast %get3A_130 : vector<1x16xf32> to vector<16xf32>
        %mul3A_132 = arith.mulf %get3A_131, %broadcast_in_dim3A_127 : vector<16xf32>
        %swap3A_133 = arith.index_cast %add3A_124 : i32 to index
        %swap3A_134 = arith.constant 0 : index
        %swap3A_135 = tpu.vector_load %arg11[%swap3A_133, %swap3A_134] {strides = array<i32>} : memref<128x32xf32, #tpu.memory_space<vmem>>, vector<1x16xf32>,
        %swap3A_136 = vector.shape_cast %swap3A_135 : vector<1x16xf32> to vector<16xf32>
        %swap3A_137 = vector.shape_cast %mul3A_132 : vector<16xf32> to vector<1x16xf32>
        tpu.vector_store %arg11[%swap3A_133, %swap3A_134], %swap3A_137 {strides = array<i32>} : memref<128x32xf32, #tpu.memory_space<vmem>>, vector<1x16xf32>,
        %get3A_138 = arith.index_cast %add3A_124 : i32 to index
        %get3A_139 = arith.constant 16 : index
        %get3A_140 = tpu.vector_load %arg11[%get3A_138, %get3A_139] {strides = array<i32>} : memref<128x32xf32, #tpu.memory_space<vmem>>, vector<1x16xf32>,
        %get3A_141 = vector.shape_cast %get3A_140 : vector<1x16xf32> to vector<16xf32>
        %mul3A_142 = arith.mulf %get3A_141, %broadcast_in_dim3A_127 : vector<16xf32>
        %swap3A_143 = arith.index_cast %add3A_124 : i32 to index
        %swap3A_144 = arith.constant 16 : index
        %swap3A_145 = tpu.vector_load %arg11[%swap3A_143, %swap3A_144] {strides = array<i32>} : memref<128x32xf32, #tpu.memory_space<vmem>>, vector<1x16xf32>,
        %swap3A_146 = vector.shape_cast %swap3A_145 : vector<1x16xf32> to vector<16xf32>
        %swap3A_147 = vector.shape_cast %mul3A_142 : vector<16xf32> to vector<1x16xf32>
        tpu.vector_store %arg11[%swap3A_143, %swap3A_144], %swap3A_147 {strides = array<i32>} : memref<128x32xf32, #tpu.memory_space<vmem>>, vector<1x16xf32>,
        %add3A_148 = arith.constant 4 : i32
        %add3A_149 = arith.addi %mul3A_50, %add3A_148 : i32
        %slice3A_150 = vector.extract_strided_slice %get3A_48 {offsets = [4], sizes = [1], strides = [1]} : vector<16xf32> to vector<1xf32>
        %squeeze3A_151 = vector.extract %slice3A_150[0] : f32 from vector<1xf32>
        %broadcast_in_dim3A_152 = vector.broadcast %squeeze3A_151 : f32 to vector<16xf32>
        %get3A_153 = arith.index_cast %add3A_149 : i32 to index
        %get3A_154 = arith.constant 0 : index
        %get3A_155 = tpu.vector_load %arg11[%get3A_153, %get3A_154] {strides = array<i32>} : memref<128x32xf32, #tpu.memory_space<vmem>>, vector<1x16xf32>,
        %get3A_156 = vector.shape_cast %get3A_155 : vector<1x16xf32> to vector<16xf32>
        %mul3A_157 = arith.mulf %get3A_156, %broadcast_in_dim3A_152 : vector<16xf32>
        %swap3A_158 = arith.index_cast %add3A_149 : i32 to index
        %swap3A_159 = arith.constant 0 : index
        %swap3A_160 = tpu.vector_load %arg11[%swap3A_158, %swap3A_159] {strides = array<i32>} : memref<128x32xf32, #tpu.memory_space<vmem>>, vector<1x16xf32>,
        %swap3A_161 = vector.shape_cast %swap3A_160 : vector<1x16xf32> to vector<16xf32>
        %swap3A_162 = vector.shape_cast %mul3A_157 : vector<16xf32> to vector<1x16xf32>
        tpu.vector_store %arg11[%swap3A_158, %swap3A_159], %swap3A_162 {strides = array<i32>} : memref<128x32xf32, #tpu.memory_space<vmem>>, vector<1x16xf32>,
        %get3A_163 = arith.index_cast %add3A_149 : i32 to index
        %get3A_164 = arith.constant 16 : index
        %get3A_165 = tpu.vector_load %arg11[%get3A_163, %get3A_164] {strides = array<i32>} : memref<128x32xf32, #tpu.memory_space<vmem>>, vector<1x16xf32>,
        %get3A_166 = vector.shape_cast %get3A_165 : vector<1x16xf32> to vector<16xf32>
        %mul3A_167 = arith.mulf %get3A_166, %broadcast_in_dim3A_152 : vector<16xf32>
        %swap3A_168 = arith.index_cast %add3A_149 : i32 to index
        %swap3A_169 = arith.constant 16 : index
        %swap3A_170 = tpu.vector_load %arg11[%swap3A_168, %swap3A_169] {strides = array<i32>} : memref<128x32xf32, #tpu.memory_space<vmem>>, vector<1x16xf32>,
        %swap3A_171 = vector.shape_cast %swap3A_170 : vector<1x16xf32> to vector<16xf32>
        %swap3A_172 = vector.shape_cast %mul3A_167 : vector<16xf32> to vector<1x16xf32>
        tpu.vector_store %arg11[%swap3A_168, %swap3A_169], %swap3A_172 {strides = array<i32>} : memref<128x32xf32, #tpu.memory_space<vmem>>, vector<1x16xf32>,
        %add3A_173 = arith.constant 5 : i32
        %add3A_174 = arith.addi %mul3A_50, %add3A_173 : i32
        %slice3A_175 = vector.extract_strided_slice %get3A_48 {offsets = [5], sizes = [1], strides = [1]} : vector<16xf32> to vector<1xf32>
        %squeeze3A_176 = vector.extract %slice3A_175[0] : f32 from vector<1xf32>
        %broadcast_in_dim3A_177 = vector.broadcast %squeeze3A_176 : f32 to vector<16xf32>
        %get3A_178 = arith.index_cast %add3A_174 : i32 to index
        %get3A_179 = arith.constant 0 : index
        %get3A_180 = tpu.vector_load %arg11[%get3A_178, %get3A_179] {strides = array<i32>} : memref<128x32xf32, #tpu.memory_space<vmem>>, vector<1x16xf32>,
        %get3A_181 = vector.shape_cast %get3A_180 : vector<1x16xf32> to vector<16xf32>
        %mul3A_182 = arith.mulf %get3A_181, %broadcast_in_dim3A_177 : vector<16xf32>
        %swap3A_183 = arith.index_cast %add3A_174 : i32 to index
        %swap3A_184 = arith.constant 0 : index
        %swap3A_185 = tpu.vector_load %arg11[%swap3A_183, %swap3A_184] {strides = array<i32>} : memref<128x32xf32, #tpu.memory_space<vmem>>, vector<1x16xf32>,
        %swap3A_186 = vector.shape_cast %swap3A_185 : vector<1x16xf32> to vector<16xf32>
        %swap3A_187 = vector.shape_cast %mul3A_182 : vector<16xf32> to vector<1x16xf32>
        tpu.vector_store %arg11[%swap3A_183, %swap3A_184], %swap3A_187 {strides = array<i32>} : memref<128x32xf32, #tpu.memory_space<vmem>>, vector<1x16xf32>,
        %get3A_188 = arith.index_cast %add3A_174 : i32 to index
        %get3A_189 = arith.constant 16 : index
        %get3A_190 = tpu.vector_load %arg11[%get3A_188, %get3A_189] {strides = array<i32>} : memref<128x32xf32, #tpu.memory_space<vmem>>, vector<1x16xf32>,
        %get3A_191 = vector.shape_cast %get3A_190 : vector<1x16xf32> to vector<16xf32>
        %mul3A_192 = arith.mulf %get3A_191, %broadcast_in_dim3A_177 : vector<16xf32>
        %swap3A_193 = arith.index_cast %add3A_174 : i32 to index
        %swap3A_194 = arith.constant 16 : index
        %swap3A_195 = tpu.vector_load %arg11[%swap3A_193, %swap3A_194] {strides = array<i32>} : memref<128x32xf32, #tpu.memory_space<vmem>>, vector<1x16xf32>,
        %swap3A_196 = vector.shape_cast %swap3A_195 : vector<1x16xf32> to vector<16xf32>
        %swap3A_197 = vector.shape_cast %mul3A_192 : vector<16xf32> to vector<1x16xf32>
        tpu.vector_store %arg11[%swap3A_193, %swap3A_194], %swap3A_197 {strides = array<i32>} : memref<128x32xf32, #tpu.memory_space<vmem>>, vector<1x16xf32>,
        %add3A_198 = arith.constant 6 : i32
        %add3A_199 = arith.addi %mul3A_50, %add3A_198 : i32
        %slice3A_200 = vector.extract_strided_slice %get3A_48 {offsets = [6], sizes = [1], strides = [1]} : vector<16xf32> to vector<1xf32>
        %squeeze3A_201 = vector.extract %slice3A_200[0] : f32 from vector<1xf32>
        %broadcast_in_dim3A_202 = vector.broadcast %squeeze3A_201 : f32 to vector<16xf32>
        %get3A_203 = arith.index_cast %add3A_199 : i32 to index
        %get3A_204 = arith.constant 0 : index
        %get3A_205 = tpu.vector_load %arg11[%get3A_203, %get3A_204] {strides = array<i32>} : memref<128x32xf32, #tpu.memory_space<vmem>>, vector<1x16xf32>,
        %get3A_206 = vector.shape_cast %get3A_205 : vector<1x16xf32> to vector<16xf32>
        %mul3A_207 = arith.mulf %get3A_206, %broadcast_in_dim3A_202 : vector<16xf32>
        %swap3A_208 = arith.index_cast %add3A_199 : i32 to index
        %swap3A_209 = arith.constant 0 : index
        %swap3A_210 = tpu.vector_load %arg11[%swap3A_208, %swap3A_209] {strides = array<i32>} : memref<128x32xf32, #tpu.memory_space<vmem>>, vector<1x16xf32>,
        %swap3A_211 = vector.shape_cast %swap3A_210 : vector<1x16xf32> to vector<16xf32>
        %swap3A_212 = vector.shape_cast %mul3A_207 : vector<16xf32> to vector<1x16xf32>
        tpu.vector_store %arg11[%swap3A_208, %swap3A_209], %swap3A_212 {strides = array<i32>} : memref<128x32xf32, #tpu.memory_space<vmem>>, vector<1x16xf32>,
        %get3A_213 = arith.index_cast %add3A_199 : i32 to index
        %get3A_214 = arith.constant 16 : index
        %get3A_215 = tpu.vector_load %arg11[%get3A_213, %get3A_214] {strides = array<i32>} : memref<128x32xf32, #tpu.memory_space<vmem>>, vector<1x16xf32>,
        %get3A_216 = vector.shape_cast %get3A_215 : vector<1x16xf32> to vector<16xf32>
        %mul3A_217 = arith.mulf %get3A_216, %broadcast_in_dim3A_202 : vector<16xf32>
        %swap3A_218 = arith.index_cast %add3A_199 : i32 to index
        %swap3A_219 = arith.constant 16 : index
        %swap3A_220 = tpu.vector_load %arg11[%swap3A_218, %swap3A_219] {strides = array<i32>} : memref<128x32xf32, #tpu.memory_space<vmem>>, vector<1x16xf32>,
        %swap3A_221 = vector.shape_cast %swap3A_220 : vector<1x16xf32> to vector<16xf32>
        %swap3A_222 = vector.shape_cast %mul3A_217 : vector<16xf32> to vector<1x16xf32>
        tpu.vector_store %arg11[%swap3A_218, %swap3A_219], %swap3A_222 {strides = array<i32>} : memref<128x32xf32, #tpu.memory_space<vmem>>, vector<1x16xf32>,
        %add3A_223 = arith.constant 7 : i32
        %add3A_224 = arith.addi %mul3A_50, %add3A_223 : i32
        %slice3A_225 = vector.extract_strided_slice %get3A_48 {offsets = [7], sizes = [1], strides = [1]} : vector<16xf32> to vector<1xf32>
        %squeeze3A_226 = vector.extract %slice3A_225[0] : f32 from vector<1xf32>
        %broadcast_in_dim3A_227 = vector.broadcast %squeeze3A_226 : f32 to vector<16xf32>
        %get3A_228 = arith.index_cast %add3A_224 : i32 to index
        %get3A_229 = arith.constant 0 : index
        %get3A_230 = tpu.vector_load %arg11[%get3A_228, %get3A_229] {strides = array<i32>} : memref<128x32xf32, #tpu.memory_space<vmem>>, vector<1x16xf32>,
        %get3A_231 = vector.shape_cast %get3A_230 : vector<1x16xf32> to vector<16xf32>
        %mul3A_232 = arith.mulf %get3A_231, %broadcast_in_dim3A_227 : vector<16xf32>
        %swap3A_233 = arith.index_cast %add3A_224 : i32 to index
        %swap3A_234 = arith.constant 0 : index
        %swap3A_235 = tpu.vector_load %arg11[%swap3A_233, %swap3A_234] {strides = array<i32>} : memref<128x32xf32, #tpu.memory_space<vmem>>, vector<1x16xf32>,
        %swap3A_236 = vector.shape_cast %swap3A_235 : vector<1x16xf32> to vector<16xf32>
        %swap3A_237 = vector.shape_cast %mul3A_232 : vector<16xf32> to vector<1x16xf32>
        tpu.vector_store %arg11[%swap3A_233, %swap3A_234], %swap3A_237 {strides = array<i32>} : memref<128x32xf32, #tpu.memory_space<vmem>>, vector<1x16xf32>,
        %get3A_238 = arith.index_cast %add3A_224 : i32 to index
        %get3A_239 = arith.constant 16 : index
        %get3A_240 = tpu.vector_load %arg11[%get3A_238, %get3A_239] {strides = array<i32>} : memref<128x32xf32, #tpu.memory_space<vmem>>, vector<1x16xf32>,
        %get3A_241 = vector.shape_cast %get3A_240 : vector<1x16xf32> to vector<16xf32>
        %mul3A_242 = arith.mulf %get3A_241, %broadcast_in_dim3A_227 : vector<16xf32>
        %swap3A_243 = arith.index_cast %add3A_224 : i32 to index
        %swap3A_244 = arith.constant 16 : index
        %swap3A_245 = tpu.vector_load %arg11[%swap3A_243, %swap3A_244] {strides = array<i32>} : memref<128x32xf32, #tpu.memory_space<vmem>>, vector<1x16xf32>,
        %swap3A_246 = vector.shape_cast %swap3A_245 : vector<1x16xf32> to vector<16xf32>
        %swap3A_247 = vector.shape_cast %mul3A_242 : vector<16xf32> to vector<1x16xf32>
        tpu.vector_store %arg11[%swap3A_243, %swap3A_244], %swap3A_247 {strides = array<i32>} : memref<128x32xf32, #tpu.memory_space<vmem>>, vector<1x16xf32>,
        %add3A_248 = arith.constant 8 : i32
        %add3A_249 = arith.addi %mul3A_50, %add3A_248 : i32
        %slice3A_250 = vector.extract_strided_slice %get3A_48 {offsets = [8], sizes = [1], strides = [1]} : vector<16xf32> to vector<1xf32>
        %squeeze3A_251 = vector.extract %slice3A_250[0] : f32 from vector<1xf32>
        %broadcast_in_dim3A_252 = vector.broadcast %squeeze3A_251 : f32 to vector<16xf32>
        %get3A_253 = arith.index_cast %add3A_249 : i32 to index
        %get3A_254 = arith.constant 0 : index
        %get3A_255 = tpu.vector_load %arg11[%get3A_253, %get3A_254] {strides = array<i32>} : memref<128x32xf32, #tpu.memory_space<vmem>>, vector<1x16xf32>,
        %get3A_256 = vector.shape_cast %get3A_255 : vector<1x16xf32> to vector<16xf32>
        %mul3A_257 = arith.mulf %get3A_256, %broadcast_in_dim3A_252 : vector<16xf32>
        %swap3A_258 = arith.index_cast %add3A_249 : i32 to index
        %swap3A_259 = arith.constant 0 : index
        %swap3A_260 = tpu.vector_load %arg11[%swap3A_258, %swap3A_259] {strides = array<i32>} : memref<128x32xf32, #tpu.memory_space<vmem>>, vector<1x16xf32>,
        %swap3A_261 = vector.shape_cast %swap3A_260 : vector<1x16xf32> to vector<16xf32>
        %swap3A_262 = vector.shape_cast %mul3A_257 : vector<16xf32> to vector<1x16xf32>
        tpu.vector_store %arg11[%swap3A_258, %swap3A_259], %swap3A_262 {strides = array<i32>} : memref<128x32xf32, #tpu.memory_space<vmem>>, vector<1x16xf32>,
        %get3A_263 = arith.index_cast %add3A_249 : i32 to index
        %get3A_264 = arith.constant 16 : index
        %get3A_265 = tpu.vector_load %arg11[%get3A_263, %get3A_264] {strides = array<i32>} : memref<128x32xf32, #tpu.memory_space<vmem>>, vector<1x16xf32>,
        %get3A_266 = vector.shape_cast %get3A_265 : vector<1x16xf32> to vector<16xf32>
        %mul3A_267 = arith.mulf %get3A_266, %broadcast_in_dim3A_252 : vector<16xf32>
        %swap3A_268 = arith.index_cast %add3A_249 : i32 to index
        %swap3A_269 = arith.constant 16 : index
        %swap3A_270 = tpu.vector_load %arg11[%swap3A_268, %swap3A_269] {strides = array<i32>} : memref<128x32xf32, #tpu.memory_space<vmem>>, vector<1x16xf32>,
        %swap3A_271 = vector.shape_cast %swap3A_270 : vector<1x16xf32> to vector<16xf32>
        %swap3A_272 = vector.shape_cast %mul3A_267 : vector<16xf32> to vector<1x16xf32>
        tpu.vector_store %arg11[%swap3A_268, %swap3A_269], %swap3A_272 {strides = array<i32>} : memref<128x32xf32, #tpu.memory_space<vmem>>, vector<1x16xf32>,
        %add3A_273 = arith.constant 9 : i32
        %add3A_274 = arith.addi %mul3A_50, %add3A_273 : i32
        %slice3A_275 = vector.extract_strided_slice %get3A_48 {offsets = [9], sizes = [1], strides = [1]} : vector<16xf32> to vector<1xf32>
        %squeeze3A_276 = vector.extract %slice3A_275[0] : f32 from vector<1xf32>
        %broadcast_in_dim3A_277 = vector.broadcast %squeeze3A_276 : f32 to vector<16xf32>
        %get3A_278 = arith.index_cast %add3A_274 : i32 to index
        %get3A_279 = arith.constant 0 : index
        %get3A_280 = tpu.vector_load %arg11[%get3A_278, %get3A_279] {strides = array<i32>} : memref<128x32xf32, #tpu.memory_space<vmem>>, vector<1x16xf32>,
        %get3A_281 = vector.shape_cast %get3A_280 : vector<1x16xf32> to vector<16xf32>
        %mul3A_282 = arith.mulf %get3A_281, %broadcast_in_dim3A_277 : vector<16xf32>
        %swap3A_283 = arith.index_cast %add3A_274 : i32 to index
        %swap3A_284 = arith.constant 0 : index
        %swap3A_285 = tpu.vector_load %arg11[%swap3A_283, %swap3A_284] {strides = array<i32>} : memref<128x32xf32, #tpu.memory_space<vmem>>, vector<1x16xf32>,
        %swap3A_286 = vector.shape_cast %swap3A_285 : vector<1x16xf32> to vector<16xf32>
        %swap3A_287 = vector.shape_cast %mul3A_282 : vector<16xf32> to vector<1x16xf32>
        tpu.vector_store %arg11[%swap3A_283, %swap3A_284], %swap3A_287 {strides = array<i32>} : memref<128x32xf32, #tpu.memory_space<vmem>>, vector<1x16xf32>,
        %get3A_288 = arith.index_cast %add3A_274 : i32 to index
        %get3A_289 = arith.constant 16 : index
        %get3A_290 = tpu.vector_load %arg11[%get3A_288, %get3A_289] {strides = array<i32>} : memref<128x32xf32, #tpu.memory_space<vmem>>, vector<1x16xf32>,
        %get3A_291 = vector.shape_cast %get3A_290 : vector<1x16xf32> to vector<16xf32>
        %mul3A_292 = arith.mulf %get3A_291, %broadcast_in_dim3A_277 : vector<16xf32>
        %swap3A_293 = arith.index_cast %add3A_274 : i32 to index
        %swap3A_294 = arith.constant 16 : index
        %swap3A_295 = tpu.vector_load %arg11[%swap3A_293, %swap3A_294] {strides = array<i32>} : memref<128x32xf32, #tpu.memory_space<vmem>>, vector<1x16xf32>,
        %swap3A_296 = vector.shape_cast %swap3A_295 : vector<1x16xf32> to vector<16xf32>
        %swap3A_297 = vector.shape_cast %mul3A_292 : vector<16xf32> to vector<1x16xf32>
        tpu.vector_store %arg11[%swap3A_293, %swap3A_294], %swap3A_297 {strides = array<i32>} : memref<128x32xf32, #tpu.memory_space<vmem>>, vector<1x16xf32>,
        %add3A_298 = arith.constant 10 : i32
        %add3A_299 = arith.addi %mul3A_50, %add3A_298 : i32
        %slice3A_300 = vector.extract_strided_slice %get3A_48 {offsets = [10], sizes = [1], strides = [1]} : vector<16xf32> to vector<1xf32>
        %squeeze3A_301 = vector.extract %slice3A_300[0] : f32 from vector<1xf32>
        %broadcast_in_dim3A_302 = vector.broadcast %squeeze3A_301 : f32 to vector<16xf32>
        %get3A_303 = arith.index_cast %add3A_299 : i32 to index
        %get3A_304 = arith.constant 0 : index
        %get3A_305 = tpu.vector_load %arg11[%get3A_303, %get3A_304] {strides = array<i32>} : memref<128x32xf32, #tpu.memory_space<vmem>>, vector<1x16xf32>,
        %get3A_306 = vector.shape_cast %get3A_305 : vector<1x16xf32> to vector<16xf32>
        %mul3A_307 = arith.mulf %get3A_306, %broadcast_in_dim3A_302 : vector<16xf32>
        %swap3A_308 = arith.index_cast %add3A_299 : i32 to index
        %swap3A_309 = arith.constant 0 : index
        %swap3A_310 = tpu.vector_load %arg11[%swap3A_308, %swap3A_309] {strides = array<i32>} : memref<128x32xf32, #tpu.memory_space<vmem>>, vector<1x16xf32>,
        %swap3A_311 = vector.shape_cast %swap3A_310 : vector<1x16xf32> to vector<16xf32>
        %swap3A_312 = vector.shape_cast %mul3A_307 : vector<16xf32> to vector<1x16xf32>
        tpu.vector_store %arg11[%swap3A_308, %swap3A_309], %swap3A_312 {strides = array<i32>} : memref<128x32xf32, #tpu.memory_space<vmem>>, vector<1x16xf32>,
        %get3A_313 = arith.index_cast %add3A_299 : i32 to index
        %get3A_314 = arith.constant 16 : index
        %get3A_315 = tpu.vector_load %arg11[%get3A_313, %get3A_314] {strides = array<i32>} : memref<128x32xf32, #tpu.memory_space<vmem>>, vector<1x16xf32>,
        %get3A_316 = vector.shape_cast %get3A_315 : vector<1x16xf32> to vector<16xf32>
        %mul3A_317 = arith.mulf %get3A_316, %broadcast_in_dim3A_302 : vector<16xf32>
        %swap3A_318 = arith.index_cast %add3A_299 : i32 to index
        %swap3A_319 = arith.constant 16 : index
        %swap3A_320 = tpu.vector_load %arg11[%swap3A_318, %swap3A_319] {strides = array<i32>} : memref<128x32xf32, #tpu.memory_space<vmem>>, vector<1x16xf32>,
        %swap3A_321 = vector.shape_cast %swap3A_320 : vector<1x16xf32> to vector<16xf32>
        %swap3A_322 = vector.shape_cast %mul3A_317 : vector<16xf32> to vector<1x16xf32>
        tpu.vector_store %arg11[%swap3A_318, %swap3A_319], %swap3A_322 {strides = array<i32>} : memref<128x32xf32, #tpu.memory_space<vmem>>, vector<1x16xf32>,
        %add3A_323 = arith.constant 11 : i32
        %add3A_324 = arith.addi %mul3A_50, %add3A_323 : i32
        %slice3A_325 = vector.extract_strided_slice %get3A_48 {offsets = [11], sizes = [1], strides = [1]} : vector<16xf32> to vector<1xf32>
        %squeeze3A_326 = vector.extract %slice3A_325[0] : f32 from vector<1xf32>
        %broadcast_in_dim3A_327 = vector.broadcast %squeeze3A_326 : f32 to vector<16xf32>
        %get3A_328 = arith.index_cast %add3A_324 : i32 to index
        %get3A_329 = arith.constant 0 : index
        %get3A_330 = tpu.vector_load %arg11[%get3A_328, %get3A_329] {strides = array<i32>} : memref<128x32xf32, #tpu.memory_space<vmem>>, vector<1x16xf32>,
        %get3A_331 = vector.shape_cast %get3A_330 : vector<1x16xf32> to vector<16xf32>
        %mul3A_332 = arith.mulf %get3A_331, %broadcast_in_dim3A_327 : vector<16xf32>
        %swap3A_333 = arith.index_cast %add3A_324 : i32 to index
        %swap3A_334 = arith.constant 0 : index
        %swap3A_335 = tpu.vector_load %arg11[%swap3A_333, %swap3A_334] {strides = array<i32>} : memref<128x32xf32, #tpu.memory_space<vmem>>, vector<1x16xf32>,
        %swap3A_336 = vector.shape_cast %swap3A_335 : vector<1x16xf32> to vector<16xf32>
        %swap3A_337 = vector.shape_cast %mul3A_332 : vector<16xf32> to vector<1x16xf32>
        tpu.vector_store %arg11[%swap3A_333, %swap3A_334], %swap3A_337 {strides = array<i32>} : memref<128x32xf32, #tpu.memory_space<vmem>>, vector<1x16xf32>,
        %get3A_338 = arith.index_cast %add3A_324 : i32 to index
        %get3A_339 = arith.constant 16 : index
        %get3A_340 = tpu.vector_load %arg11[%get3A_338, %get3A_339] {strides = array<i32>} : memref<128x32xf32, #tpu.memory_space<vmem>>, vector<1x16xf32>,
        %get3A_341 = vector.shape_cast %get3A_340 : vector<1x16xf32> to vector<16xf32>
        %mul3A_342 = arith.mulf %get3A_341, %broadcast_in_dim3A_327 : vector<16xf32>
        %swap3A_343 = arith.index_cast %add3A_324 : i32 to index
        %swap3A_344 = arith.constant 16 : index
        %swap3A_345 = tpu.vector_load %arg11[%swap3A_343, %swap3A_344] {strides = array<i32>} : memref<128x32xf32, #tpu.memory_space<vmem>>, vector<1x16xf32>,
        %swap3A_346 = vector.shape_cast %swap3A_345 : vector<1x16xf32> to vector<16xf32>
        %swap3A_347 = vector.shape_cast %mul3A_342 : vector<16xf32> to vector<1x16xf32>
        tpu.vector_store %arg11[%swap3A_343, %swap3A_344], %swap3A_347 {strides = array<i32>} : memref<128x32xf32, #tpu.memory_space<vmem>>, vector<1x16xf32>,
        %add3A_348 = arith.constant 12 : i32
        %add3A_349 = arith.addi %mul3A_50, %add3A_348 : i32
        %slice3A_350 = vector.extract_strided_slice %get3A_48 {offsets = [12], sizes = [1], strides = [1]} : vector<16xf32> to vector<1xf32>
        %squeeze3A_351 = vector.extract %slice3A_350[0] : f32 from vector<1xf32>
        %broadcast_in_dim3A_352 = vector.broadcast %squeeze3A_351 : f32 to vector<16xf32>
        %get3A_353 = arith.index_cast %add3A_349 : i32 to index
        %get3A_354 = arith.constant 0 : index
        %get3A_355 = tpu.vector_load %arg11[%get3A_353, %get3A_354] {strides = array<i32>} : memref<128x32xf32, #tpu.memory_space<vmem>>, vector<1x16xf32>,
        %get3A_356 = vector.shape_cast %get3A_355 : vector<1x16xf32> to vector<16xf32>
        %mul3A_357 = arith.mulf %get3A_356, %broadcast_in_dim3A_352 : vector<16xf32>
        %swap3A_358 = arith.index_cast %add3A_349 : i32 to index
        %swap3A_359 = arith.constant 0 : index
        %swap3A_360 = tpu.vector_load %arg11[%swap3A_358, %swap3A_359] {strides = array<i32>} : memref<128x32xf32, #tpu.memory_space<vmem>>, vector<1x16xf32>,
        %swap3A_361 = vector.shape_cast %swap3A_360 : vector<1x16xf32> to vector<16xf32>
        %swap3A_362 = vector.shape_cast %mul3A_357 : vector<16xf32> to vector<1x16xf32>
        tpu.vector_store %arg11[%swap3A_358, %swap3A_359], %swap3A_362 {strides = array<i32>} : memref<128x32xf32, #tpu.memory_space<vmem>>, vector<1x16xf32>,
        %get3A_363 = arith.index_cast %add3A_349 : i32 to index
        %get3A_364 = arith.constant 16 : index
        %get3A_365 = tpu.vector_load %arg11[%get3A_363, %get3A_364] {strides = array<i32>} : memref<128x32xf32, #tpu.memory_space<vmem>>, vector<1x16xf32>,
        %get3A_366 = vector.shape_cast %get3A_365 : vector<1x16xf32> to vector<16xf32>
        %mul3A_367 = arith.mulf %get3A_366, %broadcast_in_dim3A_352 : vector<16xf32>
        %swap3A_368 = arith.index_cast %add3A_349 : i32 to index
        %swap3A_369 = arith.constant 16 : index
        %swap3A_370 = tpu.vector_load %arg11[%swap3A_368, %swap3A_369] {strides = array<i32>} : memref<128x32xf32, #tpu.memory_space<vmem>>, vector<1x16xf32>,
        %swap3A_371 = vector.shape_cast %swap3A_370 : vector<1x16xf32> to vector<16xf32>
        %swap3A_372 = vector.shape_cast %mul3A_367 : vector<16xf32> to vector<1x16xf32>
        tpu.vector_store %arg11[%swap3A_368, %swap3A_369], %swap3A_372 {strides = array<i32>} : memref<128x32xf32, #tpu.memory_space<vmem>>, vector<1x16xf32>,
        %add3A_373 = arith.constant 13 : i32
        %add3A_374 = arith.addi %mul3A_50, %add3A_373 : i32
        %slice3A_375 = vector.extract_strided_slice %get3A_48 {offsets = [13], sizes = [1], strides = [1]} : vector<16xf32> to vector<1xf32>
        %squeeze3A_376 = vector.extract %slice3A_375[0] : f32 from vector<1xf32>
        %broadcast_in_dim3A_377 = vector.broadcast %squeeze3A_376 : f32 to vector<16xf32>
        %get3A_378 = arith.index_cast %add3A_374 : i32 to index
        %get3A_379 = arith.constant 0 : index
        %get3A_380 = tpu.vector_load %arg11[%get3A_378, %get3A_379] {strides = array<i32>} : memref<128x32xf32, #tpu.memory_space<vmem>>, vector<1x16xf32>,
        %get3A_381 = vector.shape_cast %get3A_380 : vector<1x16xf32> to vector<16xf32>
        %mul3A_382 = arith.mulf %get3A_381, %broadcast_in_dim3A_377 : vector<16xf32>
        %swap3A_383 = arith.index_cast %add3A_374 : i32 to index
        %swap3A_384 = arith.constant 0 : index
        %swap3A_385 = tpu.vector_load %arg11[%swap3A_383, %swap3A_384] {strides = array<i32>} : memref<128x32xf32, #tpu.memory_space<vmem>>, vector<1x16xf32>,
        %swap3A_386 = vector.shape_cast %swap3A_385 : vector<1x16xf32> to vector<16xf32>
        %swap3A_387 = vector.shape_cast %mul3A_382 : vector<16xf32> to vector<1x16xf32>
        tpu.vector_store %arg11[%swap3A_383, %swap3A_384], %swap3A_387 {strides = array<i32>} : memref<128x32xf32, #tpu.memory_space<vmem>>, vector<1x16xf32>,
        %get3A_388 = arith.index_cast %add3A_374 : i32 to index
        %get3A_389 = arith.constant 16 : index
        %get3A_390 = tpu.vector_load %arg11[%get3A_388, %get3A_389] {strides = array<i32>} : memref<128x32xf32, #tpu.memory_space<vmem>>, vector<1x16xf32>,
        %get3A_391 = vector.shape_cast %get3A_390 : vector<1x16xf32> to vector<16xf32>
        %mul3A_392 = arith.mulf %get3A_391, %broadcast_in_dim3A_377 : vector<16xf32>
        %swap3A_393 = arith.index_cast %add3A_374 : i32 to index
        %swap3A_394 = arith.constant 16 : index
        %swap3A_395 = tpu.vector_load %arg11[%swap3A_393, %swap3A_394] {strides = array<i32>} : memref<128x32xf32, #tpu.memory_space<vmem>>, vector<1x16xf32>,
        %swap3A_396 = vector.shape_cast %swap3A_395 : vector<1x16xf32> to vector<16xf32>
        %swap3A_397 = vector.shape_cast %mul3A_392 : vector<16xf32> to vector<1x16xf32>
        tpu.vector_store %arg11[%swap3A_393, %swap3A_394], %swap3A_397 {strides = array<i32>} : memref<128x32xf32, #tpu.memory_space<vmem>>, vector<1x16xf32>,
        %add3A_398 = arith.constant 14 : i32
        %add3A_399 = arith.addi %mul3A_50, %add3A_398 : i32
        %slice3A_400 = vector.extract_strided_slice %get3A_48 {offsets = [14], sizes = [1], strides = [1]} : vector<16xf32> to vector<1xf32>
        %squeeze3A_401 = vector.extract %slice3A_400[0] : f32 from vector<1xf32>
        %broadcast_in_dim3A_402 = vector.broadcast %squeeze3A_401 : f32 to vector<16xf32>
        %get3A_403 = arith.index_cast %add3A_399 : i32 to index
        %get3A_404 = arith.constant 0 : index
        %get3A_405 = tpu.vector_load %arg11[%get3A_403, %get3A_404] {strides = array<i32>} : memref<128x32xf32, #tpu.memory_space<vmem>>, vector<1x16xf32>,
        %get3A_406 = vector.shape_cast %get3A_405 : vector<1x16xf32> to vector<16xf32>
        %mul3A_407 = arith.mulf %get3A_406, %broadcast_in_dim3A_402 : vector<16xf32>
        %swap3A_408 = arith.index_cast %add3A_399 : i32 to index
        %swap3A_409 = arith.constant 0 : index
        %swap3A_410 = tpu.vector_load %arg11[%swap3A_408, %swap3A_409] {strides = array<i32>} : memref<128x32xf32, #tpu.memory_space<vmem>>, vector<1x16xf32>,
        %swap3A_411 = vector.shape_cast %swap3A_410 : vector<1x16xf32> to vector<16xf32>
        %swap3A_412 = vector.shape_cast %mul3A_407 : vector<16xf32> to vector<1x16xf32>
        tpu.vector_store %arg11[%swap3A_408, %swap3A_409], %swap3A_412 {strides = array<i32>} : memref<128x32xf32, #tpu.memory_space<vmem>>, vector<1x16xf32>,
        %get3A_413 = arith.index_cast %add3A_399 : i32 to index
        %get3A_414 = arith.constant 16 : index
        %get3A_415 = tpu.vector_load %arg11[%get3A_413, %get3A_414] {strides = array<i32>} : memref<128x32xf32, #tpu.memory_space<vmem>>, vector<1x16xf32>,
        %get3A_416 = vector.shape_cast %get3A_415 : vector<1x16xf32> to vector<16xf32>
        %mul3A_417 = arith.mulf %get3A_416, %broadcast_in_dim3A_402 : vector<16xf32>
        %swap3A_418 = arith.index_cast %add3A_399 : i32 to index
        %swap3A_419 = arith.constant 16 : index
        %swap3A_420 = tpu.vector_load %arg11[%swap3A_418, %swap3A_419] {strides = array<i32>} : memref<128x32xf32, #tpu.memory_space<vmem>>, vector<1x16xf32>,
        %swap3A_421 = vector.shape_cast %swap3A_420 : vector<1x16xf32> to vector<16xf32>
        %swap3A_422 = vector.shape_cast %mul3A_417 : vector<16xf32> to vector<1x16xf32>
        tpu.vector_store %arg11[%swap3A_418, %swap3A_419], %swap3A_422 {strides = array<i32>} : memref<128x32xf32, #tpu.memory_space<vmem>>, vector<1x16xf32>,
        %add3A_423 = arith.constant 15 : i32
        %add3A_424 = arith.addi %mul3A_50, %add3A_423 : i32
        %slice3A_425 = vector.extract_strided_slice %get3A_48 {offsets = [15], sizes = [1], strides = [1]} : vector<16xf32> to vector<1xf32>
        %squeeze3A_426 = vector.extract %slice3A_425[0] : f32 from vector<1xf32>
        %broadcast_in_dim3A_427 = vector.broadcast %squeeze3A_426 : f32 to vector<16xf32>
        %get3A_428 = arith.index_cast %add3A_424 : i32 to index
        %get3A_429 = arith.constant 0 : index
        %get3A_430 = tpu.vector_load %arg11[%get3A_428, %get3A_429] {strides = array<i32>} : memref<128x32xf32, #tpu.memory_space<vmem>>, vector<1x16xf32>,
        %get3A_431 = vector.shape_cast %get3A_430 : vector<1x16xf32> to vector<16xf32>
        %mul3A_432 = arith.mulf %get3A_431, %broadcast_in_dim3A_427 : vector<16xf32>
        %swap3A_433 = arith.index_cast %add3A_424 : i32 to index
        %swap3A_434 = arith.constant 0 : index
        %swap3A_435 = tpu.vector_load %arg11[%swap3A_433, %swap3A_434] {strides = array<i32>} : memref<128x32xf32, #tpu.memory_space<vmem>>, vector<1x16xf32>,
        %swap3A_436 = vector.shape_cast %swap3A_435 : vector<1x16xf32> to vector<16xf32>
        %swap3A_437 = vector.shape_cast %mul3A_432 : vector<16xf32> to vector<1x16xf32>
        tpu.vector_store %arg11[%swap3A_433, %swap3A_434], %swap3A_437 {strides = array<i32>} : memref<128x32xf32, #tpu.memory_space<vmem>>, vector<1x16xf32>,
        %get3A_438 = arith.index_cast %add3A_424 : i32 to index
        %get3A_439 = arith.constant 16 : index
        %get3A_440 = tpu.vector_load %arg11[%get3A_438, %get3A_439] {strides = array<i32>} : memref<128x32xf32, #tpu.memory_space<vmem>>, vector<1x16xf32>,
        %get3A_441 = vector.shape_cast %get3A_440 : vector<1x16xf32> to vector<16xf32>
        %mul3A_442 = arith.mulf %get3A_441, %broadcast_in_dim3A_427 : vector<16xf32>
        %swap3A_443 = arith.index_cast %add3A_424 : i32 to index
        %swap3A_444 = arith.constant 16 : index
        %swap3A_445 = tpu.vector_load %arg11[%swap3A_443, %swap3A_444] {strides = array<i32>} : memref<128x32xf32, #tpu.memory_space<vmem>>, vector<1x16xf32>,
        %swap3A_446 = vector.shape_cast %swap3A_445 : vector<1x16xf32> to vector<16xf32>
        %swap3A_447 = vector.shape_cast %mul3A_442 : vector<16xf32> to vector<1x16xf32>
        tpu.vector_store %arg11[%swap3A_443, %swap3A_444], %swap3A_447 {strides = array<i32>} : memref<128x32xf32, #tpu.memory_space<vmem>>, vector<1x16xf32>,
      }
      %scan3A_42 = arith.constant 8 : i32
      "tpu.region"() ({
        %run_scoped3A = tpu.sem_alloc : memref<!tpu.dma_semaphore, #tpu.memory_space<semaphore_mem>>
        %dma_start3A_43 = arith.constant 0 : i32
        %dma_start3A_44 = tpu.memref_slice %arg9[%scan3A_26, %dma_start3A_43] : memref<80x128xi32, #tpu.memory_space<vmem>> -> memref<1x128xi32, #tpu.memory_space<vmem>>
        %dma_start3A_45 = tpu.memref_squeeze %dma_start3A_44 : memref<1x128xi32, #tpu.memory_space<vmem>> -> memref<128xi32, #tpu.memory_space<vmem>>
        %dma_start3A_46 = arith.constant 0 : i32
        %dma_start3A_47 = arith.constant 0 : i32
        %dma_start3A_48 = tpu.memref_slice %arg7[%dma_start3A_46, %dma_start3A_47] : memref<10112x32xf32, #tpu.memory_space<vmem_shared>> -> memref<10112x32xf32, #tpu.memory_space<vmem_shared>>
        tpu.enqueue_indirect_dma source(%arg11 : memref<128x32xf32, #tpu.memory_space<vmem>>) target(%dma_start3A_48 : memref<10112x32xf32, #tpu.memory_space<vmem_shared>>) offsets(%dma_start3A_45 : memref<128xi32, #tpu.memory_space<vmem>>) semaphore(%run_scoped3A : memref<!tpu.dma_semaphore, #tpu.memory_space<semaphore_mem>>) {add = true}
        %dma_wait3A_49 = arith.constant 0 : i32
        %dma_wait3A_50 = tpu.memref_slice %arg9[%scan3A_26, %dma_wait3A_49] : memref<80x128xi32, #tpu.memory_space<vmem>> -> memref<1x128xi32, #tpu.memory_space<vmem>>
        %dma_wait3A_51 = tpu.memref_squeeze %dma_wait3A_50 : memref<1x128xi32, #tpu.memory_space<vmem>> -> memref<128xi32, #tpu.memory_space<vmem>>
        %dma_wait3A_52 = arith.constant 0 : i32
        %dma_wait3A_53 = arith.constant 0 : i32
        %dma_wait3A_54 = tpu.memref_slice %arg7[%dma_wait3A_52, %dma_wait3A_53] : memref<10112x32xf32, #tpu.memory_space<vmem_shared>> -> memref<10112x32xf32, #tpu.memory_space<vmem_shared>>
        tpu.wait_indirect_dma semaphore(%run_scoped3A : memref<!tpu.dma_semaphore, #tpu.memory_space<semaphore_mem>>) src(%arg11 : memref<128x32xf32, #tpu.memory_space<vmem>>) dst(%dma_wait3A_54 : memref<10112x32xf32, #tpu.memory_space<vmem_shared>>)
        tpu.yield
      }) : () -> ()
    }
    %scan3A_20 = arith.constant 80 : i32
    %barrier3A_21 = arith.constant 0 : index
    tpu.barrier barrier_id(%barrier3A_21)
    %mul3A_22 = arith.constant 632 : i32
    %mul3A_23 = arith.muli %arg1, %mul3A_22 : i32
    %mul3A_24 = arith.constant 632 : i32
    %mul3A_25 = arith.muli %arg1, %mul3A_24 : i32
    "tpu.region"() ({
      %run_scoped3A = tpu.sem_alloc : memref<!tpu.dma_semaphore, #tpu.memory_space<semaphore_mem>>
      %dma_start3A = arith.constant 0 : i32
      %dma_start3A_26 = tpu.memref_slice %arg6[%arg0, %mul3A_25, %dma_start3A] : memref<2x10112x32xf32, #tpu.memory_space<hbm>> -> memref<1x632x32xf32, #tpu.memory_space<hbm>>
      %dma_start3A_27 = tpu.memref_squeeze %dma_start3A_26 : memref<1x632x32xf32, #tpu.memory_space<hbm>> -> memref<632x32xf32, #tpu.memory_space<hbm>>
      %dma_start3A_28 = arith.constant 0 : i32
      %dma_start3A_29 = tpu.memref_slice %arg7[%mul3A_23, %dma_start3A_28] : memref<10112x32xf32, #tpu.memory_space<vmem_shared>> -> memref<632x32xf32, #tpu.memory_space<vmem_shared>>
      tpu.enqueue_dma source(%dma_start3A_29 : memref<632x32xf32, #tpu.memory_space<vmem_shared>>) target(%dma_start3A_27 : memref<632x32xf32, #tpu.memory_space<hbm>>) target_semaphore(%run_scoped3A : memref<!tpu.dma_semaphore, #tpu.memory_space<semaphore_mem>>)
      %dma_wait3A = arith.constant 0 : i32
      %dma_wait3A_30 = tpu.memref_slice %arg6[%arg0, %mul3A_25, %dma_wait3A] : memref<2x10112x32xf32, #tpu.memory_space<hbm>> -> memref<1x632x32xf32, #tpu.memory_space<hbm>>
      %dma_wait3A_31 = tpu.memref_squeeze %dma_wait3A_30 : memref<1x632x32xf32, #tpu.memory_space<hbm>> -> memref<632x32xf32, #tpu.memory_space<hbm>>
      %dma_wait3A_32 = arith.constant 0 : i32
      %dma_wait3A_33 = tpu.memref_slice %arg7[%mul3A_23, %dma_wait3A_32] : memref<10112x32xf32, #tpu.memory_space<vmem_shared>> -> memref<632x32xf32, #tpu.memory_space<vmem_shared>>
      tpu.wait_dma2 semaphore(%run_scoped3A : memref<!tpu.dma_semaphore, #tpu.memory_space<semaphore_mem>>) src(%dma_wait3A_33 : memref<632x32xf32, #tpu.memory_space<vmem_shared>>) dst(%dma_wait3A_31 : memref<632x32xf32, #tpu.memory_space<hbm>>)
      tpu.yield
    }) : () -> ()
    return
  }
}

module attributes {stable_mosaic.version = 14 : i64} {
  func.func @_mm_body(%arg0: i32, %arg1: memref<2000x128xf32, #tpu.memory_space<vmem>>, %arg2: memref<128x32xf32, #tpu.memory_space<vmem>>, %arg3: memref<2000x32xf32, #tpu.memory_space<vmem>>) attributes {dimension_semantics = [#tpu.dimension_semantics<arbitrary>], iteration_bounds = array<i64: 5>, scalar_prefetch = 0 : i64, scratch_operands = 0 : i64, tpu.core_type = #tpu.core_type<tc>, window_params = [{transform_indices = @transform_0, window_bounds = array<i64: 2000, 128>}, {pipeline_mode = #tpu.pipeline_mode<synchronous>, transform_indices = @transform_1, window_bounds = array<i64: 128, 32>}, {transform_indices = @transform_2, window_bounds = array<i64: 2000, 32>}]} {
    %get3A = arith.constant 0 : index
    %get3A_0 = arith.constant 0 : index
    %get3A_1 = vector.load %arg1[%get3A, %get3A_0] : memref<2000x128xf32, #tpu.memory_space<vmem>>, vector<2000x128xf32>
    %get3A_2 = arith.constant 0 : index
    %get3A_3 = arith.constant 0 : index
    %get3A_4 = vector.load %arg2[%get3A_2, %get3A_3] : memref<128x32xf32, #tpu.memory_space<vmem>>, vector<128x32xf32>
    %dot_general3A = arith.constant dense<0.000000e+00> : vector<2000x32xf32>
    %dot_general3A_5 = tpu.matmul %get3A_1, %get3A_4, %dot_general3A {dimension_numbers = #tpu.dot_dimension_numbers<[1], [0], [0], [1], [0, 0, 1, 1], [], []>, transpose_lhs_hint = false} : vector<2000x128xf32>, vector<128x32xf32>, vector<2000x32xf32> -> vector<2000x32xf32>
    %swap3A = arith.constant 0 : index
    %swap3A_6 = arith.constant 0 : index
    %swap3A_7 = vector.load %arg3[%swap3A, %swap3A_6] : memref<2000x32xf32, #tpu.memory_space<vmem>>, vector<2000x32xf32>
    tpu.vector_store %arg3[%swap3A, %swap3A_6], %dot_general3A_5 {strides = array<i32>} : memref<2000x32xf32, #tpu.memory_space<vmem>>, vector<2000x32xf32>,
    return
  }
  func.func @transform_0(%arg0: i32) -> (i32, i32) {
    %c0_i32 = arith.constant 0 : i32
    %c0_i32_0 = arith.constant 0 : i32
    return %arg0, %c0_i32 : i32, i32
  }
  func.func @transform_1(%arg0: i32) -> (i32, i32) {
    %c0_i32 = arith.constant 0 : i32
    %c0_i32_0 = arith.constant 0 : i32
    %c0_i32_1 = arith.constant 0 : i32
    return %c0_i32, %c0_i32_0 : i32, i32
  }
  func.func @transform_2(%arg0: i32) -> (i32, i32) {
    %c0_i32 = arith.constant 0 : i32
    %c0_i32_0 = arith.constant 0 : i32
    return %arg0, %c0_i32 : i32, i32
  }
}

module attributes {stable_mosaic.version = 14 : i64} {
  func.func @_combine_body2(%arg0: i32, %arg1: memref<2x2000x32xf32, #tpu.memory_space<vmem>>, %arg2: memref<2000x128xf32, #tpu.memory_space<vmem>>, %arg3: memref<128x32xf32, #tpu.memory_space<vmem>>, %arg4: memref<1x32xf32, #tpu.memory_space<vmem>>, %arg5: memref<32x32xf32, #tpu.memory_space<vmem>>, %arg6: memref<2000x32xf32, #tpu.memory_space<vmem>>, %arg7: memref<2000x32xf32, #tpu.memory_space<vmem>>) attributes {dimension_semantics = [#tpu.dimension_semantics<arbitrary>], iteration_bounds = array<i64: 5>, scalar_prefetch = 0 : i64, scratch_operands = 0 : i64, tpu.core_type = #tpu.core_type<tc>, window_params = [{transform_indices = @transform_0, window_bounds = array<i64: 2, 2000, 32>}, {transform_indices = @transform_1, window_bounds = array<i64: 2000, 128>}, {pipeline_mode = #tpu.pipeline_mode<synchronous>, transform_indices = @transform_2, window_bounds = array<i64: 128, 32>}, {pipeline_mode = #tpu.pipeline_mode<synchronous>, transform_indices = @transform_3, window_bounds = array<i64: 1, 32>}, {pipeline_mode = #tpu.pipeline_mode<synchronous>, transform_indices = @transform_4, window_bounds = array<i64: 32, 32>}, {transform_indices = @transform_5, window_bounds = array<i64: 2000, 32>}, {transform_indices = @transform_6, window_bounds = array<i64: 2000, 32>}]} {
    %get3A = arith.constant 0 : index
    %get3A_0 = arith.constant 0 : index
    %get3A_1 = arith.constant 0 : index
    %get3A_2 = vector.load %arg1[%get3A, %get3A_0, %get3A_1] : memref<2x2000x32xf32, #tpu.memory_space<vmem>>, vector<1x2000x32xf32>
    %get3A_3 = vector.shape_cast %get3A_2 : vector<1x2000x32xf32> to vector<2000x32xf32>
    %get3A_4 = arith.constant 1 : index
    %get3A_5 = arith.constant 0 : index
    %get3A_6 = arith.constant 0 : index
    %get3A_7 = vector.load %arg1[%get3A_4, %get3A_5, %get3A_6] : memref<2x2000x32xf32, #tpu.memory_space<vmem>>, vector<1x2000x32xf32>
    %get3A_8 = vector.shape_cast %get3A_7 : vector<1x2000x32xf32> to vector<2000x32xf32>
    %add3A = arith.addf %get3A_3, %get3A_8 : vector<2000x32xf32>
    %get3A_9 = arith.constant 0 : index
    %get3A_10 = arith.constant 0 : index
    %get3A_11 = vector.load %arg4[%get3A_9, %get3A_10] : memref<1x32xf32, #tpu.memory_space<vmem>>, vector<1x32xf32>
    %add3A_12 = vector.broadcast %get3A_11 : vector<1x32xf32> to vector<2000x32xf32>
    %add3A_13 = arith.addf %add3A, %add3A_12 : vector<2000x32xf32>
    %get3A_14 = arith.constant 0 : index
    %get3A_15 = arith.constant 0 : index
    %get3A_16 = vector.load %arg2[%get3A_14, %get3A_15] : memref<2000x128xf32, #tpu.memory_space<vmem>>, vector<2000x128xf32>
    %get3A_17 = arith.constant 0 : index
    %get3A_18 = arith.constant 0 : index
    %get3A_19 = vector.load %arg3[%get3A_17, %get3A_18] : memref<128x32xf32, #tpu.memory_space<vmem>>, vector<128x32xf32>
    %dot_general3A = arith.constant dense<0.000000e+00> : vector<2000x32xf32>
    %dot_general3A_20 = tpu.matmul %get3A_16, %get3A_19, %dot_general3A {dimension_numbers = #tpu.dot_dimension_numbers<[1], [0], [0], [1], [0, 0, 1, 1], [], []>, transpose_lhs_hint = false} : vector<2000x128xf32>, vector<128x32xf32>, vector<2000x32xf32> -> vector<2000x32xf32>
    %add3A_21 = arith.addf %add3A_13, %dot_general3A_20 : vector<2000x32xf32>
    %max3A = arith.constant 0.000000e+00 : f32
    %max3A_22 = vector.broadcast %max3A : f32 to vector<2000x32xf32>
    %max3A_23 = arith.maximumf %add3A_21, %max3A_22 : vector<2000x32xf32>
    %swap3A = arith.constant 0 : index
    %swap3A_24 = arith.constant 0 : index
    %swap3A_25 = vector.load %arg6[%swap3A, %swap3A_24] : memref<2000x32xf32, #tpu.memory_space<vmem>>, vector<2000x32xf32>
    tpu.vector_store %arg6[%swap3A, %swap3A_24], %max3A_23 {strides = array<i32>} : memref<2000x32xf32, #tpu.memory_space<vmem>>, vector<2000x32xf32>,
    %get3A_26 = arith.constant 0 : index
    %get3A_27 = arith.constant 0 : index
    %get3A_28 = vector.load %arg5[%get3A_26, %get3A_27] : memref<32x32xf32, #tpu.memory_space<vmem>>, vector<32x32xf32>
    %dot_general3A_29 = arith.constant dense<0.000000e+00> : vector<2000x32xf32>
    %dot_general3A_30 = tpu.matmul %max3A_23, %get3A_28, %dot_general3A_29 {dimension_numbers = #tpu.dot_dimension_numbers<[1], [0], [0], [1], [0, 0, 1, 1], [], []>, transpose_lhs_hint = false} : vector<2000x32xf32>, vector<32x32xf32>, vector<2000x32xf32> -> vector<2000x32xf32>
    %swap3A_31 = arith.constant 0 : index
    %swap3A_32 = arith.constant 0 : index
    %swap3A_33 = vector.load %arg7[%swap3A_31, %swap3A_32] : memref<2000x32xf32, #tpu.memory_space<vmem>>, vector<2000x32xf32>
    tpu.vector_store %arg7[%swap3A_31, %swap3A_32], %dot_general3A_30 {strides = array<i32>} : memref<2000x32xf32, #tpu.memory_space<vmem>>, vector<2000x32xf32>,
    return
  }
  func.func @transform_0(%arg0: i32) -> (i32, i32, i32) {
    %c0_i32 = arith.constant 0 : i32
    %c0_i32_0 = arith.constant 0 : i32
    %c0_i32_1 = arith.constant 0 : i32
    return %c0_i32, %arg0, %c0_i32_0 : i32, i32, i32
  }
  func.func @transform_1(%arg0: i32) -> (i32, i32) {
    %c0_i32 = arith.constant 0 : i32
    %c0_i32_0 = arith.constant 0 : i32
    return %arg0, %c0_i32 : i32, i32
  }
  func.func @transform_2(%arg0: i32) -> (i32, i32) {
    %c0_i32 = arith.constant 0 : i32
    %c0_i32_0 = arith.constant 0 : i32
    %c0_i32_1 = arith.constant 0 : i32
    return %c0_i32, %c0_i32_0 : i32, i32
  }
  func.func @transform_3(%arg0: i32) -> (i32, i32) {
    %c0_i32 = arith.constant 0 : i32
    %c0_i32_0 = arith.constant 0 : i32
    %c0_i32_1 = arith.constant 0 : i32
    return %c0_i32, %c0_i32_0 : i32, i32
  }
  func.func @transform_4(%arg0: i32) -> (i32, i32) {
    %c0_i32 = arith.constant 0 : i32
    %c0_i32_0 = arith.constant 0 : i32
    %c0_i32_1 = arith.constant 0 : i32
    return %c0_i32, %c0_i32_0 : i32, i32
  }
  func.func @transform_5(%arg0: i32) -> (i32, i32) {
    %c0_i32 = arith.constant 0 : i32
    %c0_i32_0 = arith.constant 0 : i32
    return %arg0, %c0_i32 : i32, i32
  }
  func.func @transform_6(%arg0: i32) -> (i32, i32) {
    %c0_i32 = arith.constant 0 : i32
    %c0_i32_0 = arith.constant 0 : i32
    return %arg0, %c0_i32 : i32, i32
  }
}

module attributes {stable_mosaic.version = 14 : i64} {
  func.func @_combine_body2(%arg0: i32, %arg1: memref<2x2000x32xf32, #tpu.memory_space<vmem>>, %arg2: memref<2000x32xf32, #tpu.memory_space<vmem>>, %arg3: memref<32x32xf32, #tpu.memory_space<vmem>>, %arg4: memref<1x32xf32, #tpu.memory_space<vmem>>, %arg5: memref<32x32xf32, #tpu.memory_space<vmem>>, %arg6: memref<2000x32xf32, #tpu.memory_space<vmem>>, %arg7: memref<2000x32xf32, #tpu.memory_space<vmem>>) attributes {dimension_semantics = [#tpu.dimension_semantics<arbitrary>], iteration_bounds = array<i64: 5>, scalar_prefetch = 0 : i64, scratch_operands = 0 : i64, tpu.core_type = #tpu.core_type<tc>, window_params = [{transform_indices = @transform_0, window_bounds = array<i64: 2, 2000, 32>}, {transform_indices = @transform_1, window_bounds = array<i64: 2000, 32>}, {pipeline_mode = #tpu.pipeline_mode<synchronous>, transform_indices = @transform_2, window_bounds = array<i64: 32, 32>}, {pipeline_mode = #tpu.pipeline_mode<synchronous>, transform_indices = @transform_3, window_bounds = array<i64: 1, 32>}, {pipeline_mode = #tpu.pipeline_mode<synchronous>, transform_indices = @transform_4, window_bounds = array<i64: 32, 32>}, {transform_indices = @transform_5, window_bounds = array<i64: 2000, 32>}, {transform_indices = @transform_6, window_bounds = array<i64: 2000, 32>}]} {
    %get3A = arith.constant 0 : index
    %get3A_0 = arith.constant 0 : index
    %get3A_1 = arith.constant 0 : index
    %get3A_2 = vector.load %arg1[%get3A, %get3A_0, %get3A_1] : memref<2x2000x32xf32, #tpu.memory_space<vmem>>, vector<1x2000x32xf32>
    %get3A_3 = vector.shape_cast %get3A_2 : vector<1x2000x32xf32> to vector<2000x32xf32>
    %get3A_4 = arith.constant 1 : index
    %get3A_5 = arith.constant 0 : index
    %get3A_6 = arith.constant 0 : index
    %get3A_7 = vector.load %arg1[%get3A_4, %get3A_5, %get3A_6] : memref<2x2000x32xf32, #tpu.memory_space<vmem>>, vector<1x2000x32xf32>
    %get3A_8 = vector.shape_cast %get3A_7 : vector<1x2000x32xf32> to vector<2000x32xf32>
    %add3A = arith.addf %get3A_3, %get3A_8 : vector<2000x32xf32>
    %get3A_9 = arith.constant 0 : index
    %get3A_10 = arith.constant 0 : index
    %get3A_11 = vector.load %arg4[%get3A_9, %get3A_10] : memref<1x32xf32, #tpu.memory_space<vmem>>, vector<1x32xf32>
    %add3A_12 = vector.broadcast %get3A_11 : vector<1x32xf32> to vector<2000x32xf32>
    %add3A_13 = arith.addf %add3A, %add3A_12 : vector<2000x32xf32>
    %get3A_14 = arith.constant 0 : index
    %get3A_15 = arith.constant 0 : index
    %get3A_16 = vector.load %arg2[%get3A_14, %get3A_15] : memref<2000x32xf32, #tpu.memory_space<vmem>>, vector<2000x32xf32>
    %get3A_17 = arith.constant 0 : index
    %get3A_18 = arith.constant 0 : index
    %get3A_19 = vector.load %arg3[%get3A_17, %get3A_18] : memref<32x32xf32, #tpu.memory_space<vmem>>, vector<32x32xf32>
    %dot_general3A = arith.constant dense<0.000000e+00> : vector<2000x32xf32>
    %dot_general3A_20 = tpu.matmul %get3A_16, %get3A_19, %dot_general3A {dimension_numbers = #tpu.dot_dimension_numbers<[1], [0], [0], [1], [0, 0, 1, 1], [], []>, transpose_lhs_hint = false} : vector<2000x32xf32>, vector<32x32xf32>, vector<2000x32xf32> -> vector<2000x32xf32>
    %add3A_21 = arith.addf %add3A_13, %dot_general3A_20 : vector<2000x32xf32>
    %max3A = arith.constant 0.000000e+00 : f32
    %max3A_22 = vector.broadcast %max3A : f32 to vector<2000x32xf32>
    %max3A_23 = arith.maximumf %add3A_21, %max3A_22 : vector<2000x32xf32>
    %swap3A = arith.constant 0 : index
    %swap3A_24 = arith.constant 0 : index
    %swap3A_25 = vector.load %arg6[%swap3A, %swap3A_24] : memref<2000x32xf32, #tpu.memory_space<vmem>>, vector<2000x32xf32>
    tpu.vector_store %arg6[%swap3A, %swap3A_24], %max3A_23 {strides = array<i32>} : memref<2000x32xf32, #tpu.memory_space<vmem>>, vector<2000x32xf32>,
    %get3A_26 = arith.constant 0 : index
    %get3A_27 = arith.constant 0 : index
    %get3A_28 = vector.load %arg5[%get3A_26, %get3A_27] : memref<32x32xf32, #tpu.memory_space<vmem>>, vector<32x32xf32>
    %dot_general3A_29 = arith.constant dense<0.000000e+00> : vector<2000x32xf32>
    %dot_general3A_30 = tpu.matmul %max3A_23, %get3A_28, %dot_general3A_29 {dimension_numbers = #tpu.dot_dimension_numbers<[1], [0], [0], [1], [0, 0, 1, 1], [], []>, transpose_lhs_hint = false} : vector<2000x32xf32>, vector<32x32xf32>, vector<2000x32xf32> -> vector<2000x32xf32>
    %swap3A_31 = arith.constant 0 : index
    %swap3A_32 = arith.constant 0 : index
    %swap3A_33 = vector.load %arg7[%swap3A_31, %swap3A_32] : memref<2000x32xf32, #tpu.memory_space<vmem>>, vector<2000x32xf32>
    tpu.vector_store %arg7[%swap3A_31, %swap3A_32], %dot_general3A_30 {strides = array<i32>} : memref<2000x32xf32, #tpu.memory_space<vmem>>, vector<2000x32xf32>,
    return
  }
  func.func @transform_0(%arg0: i32) -> (i32, i32, i32) {
    %c0_i32 = arith.constant 0 : i32
    %c0_i32_0 = arith.constant 0 : i32
    %c0_i32_1 = arith.constant 0 : i32
    return %c0_i32, %arg0, %c0_i32_0 : i32, i32, i32
  }
  func.func @transform_1(%arg0: i32) -> (i32, i32) {
    %c0_i32 = arith.constant 0 : i32
    %c0_i32_0 = arith.constant 0 : i32
    return %arg0, %c0_i32 : i32, i32
  }
  func.func @transform_2(%arg0: i32) -> (i32, i32) {
    %c0_i32 = arith.constant 0 : i32
    %c0_i32_0 = arith.constant 0 : i32
    %c0_i32_1 = arith.constant 0 : i32
    return %c0_i32, %c0_i32_0 : i32, i32
  }
  func.func @transform_3(%arg0: i32) -> (i32, i32) {
    %c0_i32 = arith.constant 0 : i32
    %c0_i32_0 = arith.constant 0 : i32
    %c0_i32_1 = arith.constant 0 : i32
    return %c0_i32, %c0_i32_0 : i32, i32
  }
  func.func @transform_4(%arg0: i32) -> (i32, i32) {
    %c0_i32 = arith.constant 0 : i32
    %c0_i32_0 = arith.constant 0 : i32
    %c0_i32_1 = arith.constant 0 : i32
    return %c0_i32, %c0_i32_0 : i32, i32
  }
  func.func @transform_5(%arg0: i32) -> (i32, i32) {
    %c0_i32 = arith.constant 0 : i32
    %c0_i32_0 = arith.constant 0 : i32
    return %arg0, %c0_i32 : i32, i32
  }
  func.func @transform_6(%arg0: i32) -> (i32, i32) {
    %c0_i32 = arith.constant 0 : i32
    %c0_i32_0 = arith.constant 0 : i32
    return %arg0, %c0_i32 : i32, i32
  }
}

module attributes {stable_mosaic.version = 14 : i64} {
  func.func @_combine_body1(%arg0: i32, %arg1: memref<2x2000x32xf32, #tpu.memory_space<vmem>>, %arg2: memref<2000x32xf32, #tpu.memory_space<vmem>>, %arg3: memref<32x32xf32, #tpu.memory_space<vmem>>, %arg4: memref<1x32xf32, #tpu.memory_space<vmem>>, %arg5: memref<2000x32xf32, #tpu.memory_space<vmem>>) attributes {dimension_semantics = [#tpu.dimension_semantics<arbitrary>], iteration_bounds = array<i64: 5>, scalar_prefetch = 0 : i64, scratch_operands = 0 : i64, tpu.core_type = #tpu.core_type<tc>, window_params = [{transform_indices = @transform_0, window_bounds = array<i64: 2, 2000, 32>}, {transform_indices = @transform_1, window_bounds = array<i64: 2000, 32>}, {pipeline_mode = #tpu.pipeline_mode<synchronous>, transform_indices = @transform_2, window_bounds = array<i64: 32, 32>}, {pipeline_mode = #tpu.pipeline_mode<synchronous>, transform_indices = @transform_3, window_bounds = array<i64: 1, 32>}, {transform_indices = @transform_4, window_bounds = array<i64: 2000, 32>}]} {
    %get3A = arith.constant 0 : index
    %get3A_0 = arith.constant 0 : index
    %get3A_1 = arith.constant 0 : index
    %get3A_2 = vector.load %arg1[%get3A, %get3A_0, %get3A_1] : memref<2x2000x32xf32, #tpu.memory_space<vmem>>, vector<1x2000x32xf32>
    %get3A_3 = vector.shape_cast %get3A_2 : vector<1x2000x32xf32> to vector<2000x32xf32>
    %get3A_4 = arith.constant 1 : index
    %get3A_5 = arith.constant 0 : index
    %get3A_6 = arith.constant 0 : index
    %get3A_7 = vector.load %arg1[%get3A_4, %get3A_5, %get3A_6] : memref<2x2000x32xf32, #tpu.memory_space<vmem>>, vector<1x2000x32xf32>
    %get3A_8 = vector.shape_cast %get3A_7 : vector<1x2000x32xf32> to vector<2000x32xf32>
    %add3A = arith.addf %get3A_3, %get3A_8 : vector<2000x32xf32>
    %get3A_9 = arith.constant 0 : index
    %get3A_10 = arith.constant 0 : index
    %get3A_11 = vector.load %arg4[%get3A_9, %get3A_10] : memref<1x32xf32, #tpu.memory_space<vmem>>, vector<1x32xf32>
    %add3A_12 = vector.broadcast %get3A_11 : vector<1x32xf32> to vector<2000x32xf32>
    %add3A_13 = arith.addf %add3A, %add3A_12 : vector<2000x32xf32>
    %get3A_14 = arith.constant 0 : index
    %get3A_15 = arith.constant 0 : index
    %get3A_16 = vector.load %arg2[%get3A_14, %get3A_15] : memref<2000x32xf32, #tpu.memory_space<vmem>>, vector<2000x32xf32>
    %get3A_17 = arith.constant 0 : index
    %get3A_18 = arith.constant 0 : index
    %get3A_19 = vector.load %arg3[%get3A_17, %get3A_18] : memref<32x32xf32, #tpu.memory_space<vmem>>, vector<32x32xf32>
    %dot_general3A = arith.constant dense<0.000000e+00> : vector<2000x32xf32>
    %dot_general3A_20 = tpu.matmul %get3A_16, %get3A_19, %dot_general3A {dimension_numbers = #tpu.dot_dimension_numbers<[1], [0], [0], [1], [0, 0, 1, 1], [], []>, transpose_lhs_hint = false} : vector<2000x32xf32>, vector<32x32xf32>, vector<2000x32xf32> -> vector<2000x32xf32>
    %add3A_21 = arith.addf %add3A_13, %dot_general3A_20 : vector<2000x32xf32>
    %max3A = arith.constant 0.000000e+00 : f32
    %max3A_22 = vector.broadcast %max3A : f32 to vector<2000x32xf32>
    %max3A_23 = arith.maximumf %add3A_21, %max3A_22 : vector<2000x32xf32>
    %swap3A = arith.constant 0 : index
    %swap3A_24 = arith.constant 0 : index
    %swap3A_25 = vector.load %arg5[%swap3A, %swap3A_24] : memref<2000x32xf32, #tpu.memory_space<vmem>>, vector<2000x32xf32>
    tpu.vector_store %arg5[%swap3A, %swap3A_24], %max3A_23 {strides = array<i32>} : memref<2000x32xf32, #tpu.memory_space<vmem>>, vector<2000x32xf32>,
    return
  }
  func.func @transform_0(%arg0: i32) -> (i32, i32, i32) {
    %c0_i32 = arith.constant 0 : i32
    %c0_i32_0 = arith.constant 0 : i32
    %c0_i32_1 = arith.constant 0 : i32
    return %c0_i32, %arg0, %c0_i32_0 : i32, i32, i32
  }
  func.func @transform_1(%arg0: i32) -> (i32, i32) {
    %c0_i32 = arith.constant 0 : i32
    %c0_i32_0 = arith.constant 0 : i32
    return %arg0, %c0_i32 : i32, i32
  }
  func.func @transform_2(%arg0: i32) -> (i32, i32) {
    %c0_i32 = arith.constant 0 : i32
    %c0_i32_0 = arith.constant 0 : i32
    %c0_i32_1 = arith.constant 0 : i32
    return %c0_i32, %c0_i32_0 : i32, i32
  }
  func.func @transform_3(%arg0: i32) -> (i32, i32) {
    %c0_i32 = arith.constant 0 : i32
    %c0_i32_0 = arith.constant 0 : i32
    %c0_i32_1 = arith.constant 0 : i32
    return %c0_i32, %c0_i32_0 : i32, i32
  }
  func.func @transform_4(%arg0: i32) -> (i32, i32) {
    %c0_i32 = arith.constant 0 : i32
    %c0_i32_0 = arith.constant 0 : i32
    return %arg0, %c0_i32 : i32, i32
  }
}

module attributes {stable_mosaic.version = 14 : i64} {
  func.func @_pool_head_body(%arg0: i32, %arg1: memref<2000x1xi32, #tpu.memory_space<vmem>>, %arg2: memref<2000x32xf32, #tpu.memory_space<vmem>>, %arg3: memref<2000x32xf32, #tpu.memory_space<vmem>>, %arg4: memref<2000x32xf32, #tpu.memory_space<vmem>>, %arg5: memref<2000x32xf32, #tpu.memory_space<vmem>>, %arg6: memref<2000x32xf32, #tpu.memory_space<vmem>>, %arg7: memref<160x32xf32, #tpu.memory_space<vmem>>, %arg8: memref<1x32xf32, #tpu.memory_space<vmem>>, %arg9: memref<32x2xf32, #tpu.memory_space<vmem>>, %arg10: memref<1x2xf32, #tpu.memory_space<vmem>>, %arg11: memref<128x2xf32, #tpu.memory_space<vmem>>, %arg12: memref<128x160xf32, #tpu.memory_space<vmem>>) attributes {dimension_semantics = [#tpu.dimension_semantics<arbitrary>], iteration_bounds = array<i64: 5>, scalar_prefetch = 0 : i64, scratch_operands = 1 : i64, tpu.core_type = #tpu.core_type<tc>, window_params = [{transform_indices = @transform_0, window_bounds = array<i64: 2000, 1>}, {transform_indices = @transform_1, window_bounds = array<i64: 2000, 32>}, {transform_indices = @transform_2, window_bounds = array<i64: 2000, 32>}, {transform_indices = @transform_3, window_bounds = array<i64: 2000, 32>}, {transform_indices = @transform_4, window_bounds = array<i64: 2000, 32>}, {transform_indices = @transform_5, window_bounds = array<i64: 2000, 32>}, {pipeline_mode = #tpu.pipeline_mode<synchronous>, transform_indices = @transform_6, window_bounds = array<i64: 160, 32>}, {pipeline_mode = #tpu.pipeline_mode<synchronous>, transform_indices = @transform_7, window_bounds = array<i64: 1, 32>}, {pipeline_mode = #tpu.pipeline_mode<synchronous>, transform_indices = @transform_8, window_bounds = array<i64: 32, 2>}, {pipeline_mode = #tpu.pipeline_mode<synchronous>, transform_indices = @transform_9, window_bounds = array<i64: 1, 2>}, {pipeline_mode = #tpu.pipeline_mode<synchronous>, transform_indices = @transform_10, window_bounds = array<i64: 128, 2>}]} {
    %eq3A = arith.constant 0 : i32
    %eq3A_0 = arith.cmpi eq, %arg0, %eq3A : i32
    %convert_element_type3A = arith.extui %eq3A_0 : i1 to i32
    %cond3A = arith.constant 0 : i32
    %cond3A_1 = arith.cmpi ne, %convert_element_type3A, %cond3A : i32
    scf.if %cond3A_1 {
      %broadcast_in_dim3A_70 = arith.constant 0.000000e+00 : f32
      %broadcast_in_dim3A_71 = vector.broadcast %broadcast_in_dim3A_70 : f32 to vector<128x160xf32>
      %swap3A_72 = arith.constant 0 : index
      %swap3A_73 = arith.constant 0 : index
      %swap3A_74 = vector.load %arg12[%swap3A_72, %swap3A_73] : memref<128x160xf32, #tpu.memory_space<vmem>>, vector<128x160xf32>
      tpu.vector_store %arg12[%swap3A_72, %swap3A_73], %broadcast_in_dim3A_71 {strides = array<i32>} : memref<128x160xf32, #tpu.memory_space<vmem>>, vector<128x160xf32>,
    } else {
    }
    %get3A = arith.constant 0 : index
    %get3A_2 = arith.constant 0 : index
    %get3A_3 = vector.load %arg1[%get3A, %get3A_2] : memref<2000x1xi32, #tpu.memory_space<vmem>>, vector<2000x1xi32>
    %iota3A = tpu.iota {dimensions = array<i32: 1>} : vector<2000x128xi32>
    %eq3A_4 = vector.broadcast %get3A_3 : vector<2000x1xi32> to vector<2000x128xi32>
    %eq3A_5 = arith.cmpi eq, %eq3A_4, %iota3A : vector<2000x128xi32>
    %jit3A = arith.constant 1.000000e+00 : f32
    %jit3A_6 = arith.constant 0.000000e+00 : f32
    %broadcast_in_dim3A = vector.broadcast %jit3A : f32 to vector<2000x128xf32>
    %broadcast_in_dim3A_7 = vector.broadcast %jit3A_6 : f32 to vector<2000x128xf32>
    %select_n3A = arith.select %eq3A_5, %broadcast_in_dim3A, %broadcast_in_dim3A_7 : vector<2000x128xi1>, vector<2000x128xf32>
    %get3A_8 = arith.constant 0 : index
    %get3A_9 = arith.constant 0 : index
    %get3A_10 = vector.load %arg2[%get3A_8, %get3A_9] : memref<2000x32xf32, #tpu.memory_space<vmem>>, vector<2000x32xf32>
    %dot_general3A = arith.constant dense<0.000000e+00> : vector<128x32xf32>
    %dot_general3A_11 = tpu.matmul %select_n3A, %get3A_10, %dot_general3A {dimension_numbers = #tpu.dot_dimension_numbers<[0], [0], [1], [1], [0, 1, 1, 1], [], []>, transpose_lhs_hint = false} : vector<2000x128xf32>, vector<2000x32xf32>, vector<128x32xf32> -> vector<128x32xf32>
    %get3A_12 = arith.constant 0 : index
    %get3A_13 = arith.constant 0 : index
    %get3A_14 = vector.load %arg12[%get3A_12, %get3A_13] : memref<128x160xf32, #tpu.memory_space<vmem>>, vector<128x32xf32>
    %add3A = arith.addf %get3A_14, %dot_general3A_11 : vector<128x32xf32>
    %swap3A = arith.constant 0 : index
    %swap3A_15 = arith.constant 0 : index
    %swap3A_16 = vector.load %arg12[%swap3A, %swap3A_15] : memref<128x160xf32, #tpu.memory_space<vmem>>, vector<128x32xf32>
    tpu.vector_store %arg12[%swap3A, %swap3A_15], %add3A {strides = array<i32>} : memref<128x160xf32, #tpu.memory_space<vmem>>, vector<128x32xf32>,
    %get3A_17 = arith.constant 0 : index
    %get3A_18 = arith.constant 0 : index
    %get3A_19 = vector.load %arg3[%get3A_17, %get3A_18] : memref<2000x32xf32, #tpu.memory_space<vmem>>, vector<2000x32xf32>
    %dot_general3A_20 = arith.constant dense<0.000000e+00> : vector<128x32xf32>
    %dot_general3A_21 = tpu.matmul %select_n3A, %get3A_19, %dot_general3A_20 {dimension_numbers = #tpu.dot_dimension_numbers<[0], [0], [1], [1], [0, 1, 1, 1], [], []>, transpose_lhs_hint = false} : vector<2000x128xf32>, vector<2000x32xf32>, vector<128x32xf32> -> vector<128x32xf32>
    %get3A_22 = arith.constant 0 : index
    %get3A_23 = arith.constant 32 : index
    %get3A_24 = vector.load %arg12[%get3A_22, %get3A_23] : memref<128x160xf32, #tpu.memory_space<vmem>>, vector<128x32xf32>
    %add3A_25 = arith.addf %get3A_24, %dot_general3A_21 : vector<128x32xf32>
    %swap3A_26 = arith.constant 0 : index
    %swap3A_27 = arith.constant 32 : index
    %swap3A_28 = vector.load %arg12[%swap3A_26, %swap3A_27] : memref<128x160xf32, #tpu.memory_space<vmem>>, vector<128x32xf32>
    tpu.vector_store %arg12[%swap3A_26, %swap3A_27], %add3A_25 {strides = array<i32>} : memref<128x160xf32, #tpu.memory_space<vmem>>, vector<128x32xf32>,
    %get3A_29 = arith.constant 0 : index
    %get3A_30 = arith.constant 0 : index
    %get3A_31 = vector.load %arg4[%get3A_29, %get3A_30] : memref<2000x32xf32, #tpu.memory_space<vmem>>, vector<2000x32xf32>
    %dot_general3A_32 = arith.constant dense<0.000000e+00> : vector<128x32xf32>
    %dot_general3A_33 = tpu.matmul %select_n3A, %get3A_31, %dot_general3A_32 {dimension_numbers = #tpu.dot_dimension_numbers<[0], [0], [1], [1], [0, 1, 1, 1], [], []>, transpose_lhs_hint = false} : vector<2000x128xf32>, vector<2000x32xf32>, vector<128x32xf32> -> vector<128x32xf32>
    %get3A_34 = arith.constant 0 : index
    %get3A_35 = arith.constant 64 : index
    %get3A_36 = vector.load %arg12[%get3A_34, %get3A_35] : memref<128x160xf32, #tpu.memory_space<vmem>>, vector<128x32xf32>
    %add3A_37 = arith.addf %get3A_36, %dot_general3A_33 : vector<128x32xf32>
    %swap3A_38 = arith.constant 0 : index
    %swap3A_39 = arith.constant 64 : index
    %swap3A_40 = vector.load %arg12[%swap3A_38, %swap3A_39] : memref<128x160xf32, #tpu.memory_space<vmem>>, vector<128x32xf32>
    tpu.vector_store %arg12[%swap3A_38, %swap3A_39], %add3A_37 {strides = array<i32>} : memref<128x160xf32, #tpu.memory_space<vmem>>, vector<128x32xf32>,
    %get3A_41 = arith.constant 0 : index
    %get3A_42 = arith.constant 0 : index
    %get3A_43 = vector.load %arg5[%get3A_41, %get3A_42] : memref<2000x32xf32, #tpu.memory_space<vmem>>, vector<2000x32xf32>
    %dot_general3A_44 = arith.constant dense<0.000000e+00> : vector<128x32xf32>
    %dot_general3A_45 = tpu.matmul %select_n3A, %get3A_43, %dot_general3A_44 {dimension_numbers = #tpu.dot_dimension_numbers<[0], [0], [1], [1], [0, 1, 1, 1], [], []>, transpose_lhs_hint = false} : vector<2000x128xf32>, vector<2000x32xf32>, vector<128x32xf32> -> vector<128x32xf32>
    %get3A_46 = arith.constant 0 : index
    %get3A_47 = arith.constant 96 : index
    %get3A_48 = vector.load %arg12[%get3A_46, %get3A_47] : memref<128x160xf32, #tpu.memory_space<vmem>>, vector<128x32xf32>
    %add3A_49 = arith.addf %get3A_48, %dot_general3A_45 : vector<128x32xf32>
    %swap3A_50 = arith.constant 0 : index
    %swap3A_51 = arith.constant 96 : index
    %swap3A_52 = vector.load %arg12[%swap3A_50, %swap3A_51] : memref<128x160xf32, #tpu.memory_space<vmem>>, vector<128x32xf32>
    tpu.vector_store %arg12[%swap3A_50, %swap3A_51], %add3A_49 {strides = array<i32>} : memref<128x160xf32, #tpu.memory_space<vmem>>, vector<128x32xf32>,
    %get3A_53 = arith.constant 0 : index
    %get3A_54 = arith.constant 0 : index
    %get3A_55 = vector.load %arg6[%get3A_53, %get3A_54] : memref<2000x32xf32, #tpu.memory_space<vmem>>, vector<2000x32xf32>
    %dot_general3A_56 = arith.constant dense<0.000000e+00> : vector<128x32xf32>
    %dot_general3A_57 = tpu.matmul %select_n3A, %get3A_55, %dot_general3A_56 {dimension_numbers = #tpu.dot_dimension_numbers<[0], [0], [1], [1], [0, 1, 1, 1], [], []>, transpose_lhs_hint = false} : vector<2000x128xf32>, vector<2000x32xf32>, vector<128x32xf32> -> vector<128x32xf32>
    %get3A_58 = arith.constant 0 : index
    %get3A_59 = arith.constant 128 : index
    %get3A_60 = vector.load %arg12[%get3A_58, %get3A_59] : memref<128x160xf32, #tpu.memory_space<vmem>>, vector<128x32xf32>
    %add3A_61 = arith.addf %get3A_60, %dot_general3A_57 : vector<128x32xf32>
    %swap3A_62 = arith.constant 0 : index
    %swap3A_63 = arith.constant 128 : index
    %swap3A_64 = vector.load %arg12[%swap3A_62, %swap3A_63] : memref<128x160xf32, #tpu.memory_space<vmem>>, vector<128x32xf32>
    tpu.vector_store %arg12[%swap3A_62, %swap3A_63], %add3A_61 {strides = array<i32>} : memref<128x160xf32, #tpu.memory_space<vmem>>, vector<128x32xf32>,
    %eq3A_65 = arith.constant 4 : i32
    %eq3A_66 = arith.cmpi eq, %arg0, %eq3A_65 : i32
    %convert_element_type3A_67 = arith.extui %eq3A_66 : i1 to i32
    %cond3A_68 = arith.constant 0 : i32
    %cond3A_69 = arith.cmpi ne, %convert_element_type3A_67, %cond3A_68 : i32
    scf.if %cond3A_69 {
      %get3A_70 = arith.constant 0 : index
      %get3A_71 = arith.constant 0 : index
      %get3A_72 = vector.load %arg12[%get3A_70, %get3A_71] : memref<128x160xf32, #tpu.memory_space<vmem>>, vector<128x160xf32>
      %get3A_73 = arith.constant 0 : index
      %get3A_74 = arith.constant 0 : index
      %get3A_75 = vector.load %arg7[%get3A_73, %get3A_74] : memref<160x32xf32, #tpu.memory_space<vmem>>, vector<160x32xf32>
      %dot_general3A_76 = arith.constant dense<0.000000e+00> : vector<128x32xf32>
      %dot_general3A_77 = tpu.matmul %get3A_72, %get3A_75, %dot_general3A_76 {dimension_numbers = #tpu.dot_dimension_numbers<[1], [0], [0], [1], [0, 0, 1, 1], [], []>, transpose_lhs_hint = false} : vector<128x160xf32>, vector<160x32xf32>, vector<128x32xf32> -> vector<128x32xf32>
      %get3A_78 = arith.constant 0 : index
      %get3A_79 = arith.constant 0 : index
      %get3A_80 = vector.load %arg8[%get3A_78, %get3A_79] : memref<1x32xf32, #tpu.memory_space<vmem>>, vector<1x32xf32>
      %add3A_81 = vector.broadcast %get3A_80 : vector<1x32xf32> to vector<128x32xf32>
      %add3A_82 = arith.addf %dot_general3A_77, %add3A_81 : vector<128x32xf32>
      %max3A = arith.constant 0.000000e+00 : f32
      %max3A_83 = vector.broadcast %max3A : f32 to vector<128x32xf32>
      %max3A_84 = arith.maximumf %add3A_82, %max3A_83 : vector<128x32xf32>
      %get3A_85 = arith.constant 0 : index
      %get3A_86 = arith.constant 0 : index
      %get3A_87 = vector.load %arg9[%get3A_85, %get3A_86] : memref<32x2xf32, #tpu.memory_space<vmem>>, vector<32x2xf32>
      %dot_general3A_88 = arith.constant dense<0.000000e+00> : vector<128x2xf32>
      %dot_general3A_89 = tpu.matmul %max3A_84, %get3A_87, %dot_general3A_88 {dimension_numbers = #tpu.dot_dimension_numbers<[1], [0], [0], [1], [0, 0, 1, 1], [], []>, transpose_lhs_hint = false} : vector<128x32xf32>, vector<32x2xf32>, vector<128x2xf32> -> vector<128x2xf32>
      %get3A_90 = arith.constant 0 : index
      %get3A_91 = arith.constant 0 : index
      %get3A_92 = vector.load %arg10[%get3A_90, %get3A_91] : memref<1x2xf32, #tpu.memory_space<vmem>>, vector<1x2xf32>
      %add3A_93 = vector.broadcast %get3A_92 : vector<1x2xf32> to vector<128x2xf32>
      %add3A_94 = arith.addf %dot_general3A_89, %add3A_93 : vector<128x2xf32>
      %reduce_max3A = arith.constant dense<0xFF800000> : vector<128xf32>
      %reduce_max3A_95 = vector.multi_reduction <maximumf>, %add3A_94, %reduce_max3A [1] : vector<128x2xf32> to vector<128xf32>
      %broadcast_in_dim3A_96 = vector.shape_cast %reduce_max3A_95 : vector<128xf32> to vector<128x1xf32>
      %sub3A = vector.broadcast %broadcast_in_dim3A_96 : vector<128x1xf32> to vector<128x2xf32>
      %sub3A_97 = arith.subf %add3A_94, %sub3A : vector<128x2xf32>
      %exp3A = math.exp %sub3A_97 : vector<128x2xf32>
      %reduce_sum3A = arith.constant dense<0.000000e+00> : vector<128xf32>
      %reduce_sum3A_98 = vector.multi_reduction <add>, %exp3A, %reduce_sum3A [1] : vector<128x2xf32> to vector<128xf32>
      %broadcast_in_dim3A_99 = vector.shape_cast %reduce_sum3A_98 : vector<128xf32> to vector<128x1xf32>
      %log3A = math.log %broadcast_in_dim3A_99 : vector<128x1xf32>
      %add3A_100 = arith.addf %broadcast_in_dim3A_96, %log3A : vector<128x1xf32>
      %sub3A_101 = vector.broadcast %add3A_100 : vector<128x1xf32> to vector<128x2xf32>
      %sub3A_102 = arith.subf %add3A_94, %sub3A_101 : vector<128x2xf32>
      %swap3A_103 = arith.constant 0 : index
      %swap3A_104 = arith.constant 0 : index
      %swap3A_105 = vector.load %arg11[%swap3A_103, %swap3A_104] : memref<128x2xf32, #tpu.memory_space<vmem>>, vector<128x2xf32>
      tpu.vector_store %arg11[%swap3A_103, %swap3A_104], %sub3A_102 {strides = array<i32>} : memref<128x2xf32, #tpu.memory_space<vmem>>, vector<128x2xf32>,
    } else {
    }
    return
  }
  func.func @transform_0(%arg0: i32) -> (i32, i32) {
    %c0_i32 = arith.constant 0 : i32
    %c0_i32_0 = arith.constant 0 : i32
    return %arg0, %c0_i32 : i32, i32
  }
  func.func @transform_1(%arg0: i32) -> (i32, i32) {
    %c0_i32 = arith.constant 0 : i32
    %c0_i32_0 = arith.constant 0 : i32
    return %arg0, %c0_i32 : i32, i32
  }
  func.func @transform_2(%arg0: i32) -> (i32, i32) {
    %c0_i32 = arith.constant 0 : i32
    %c0_i32_0 = arith.constant 0 : i32
    return %arg0, %c0_i32 : i32, i32
  }
  func.func @transform_3(%arg0: i32) -> (i32, i32) {
    %c0_i32 = arith.constant 0 : i32
    %c0_i32_0 = arith.constant 0 : i32
    return %arg0, %c0_i32 : i32, i32
  }
  func.func @transform_4(%arg0: i32) -> (i32, i32) {
    %c0_i32 = arith.constant 0 : i32
    %c0_i32_0 = arith.constant 0 : i32
    return %arg0, %c0_i32 : i32, i32
  }
  func.func @transform_5(%arg0: i32) -> (i32, i32) {
    %c0_i32 = arith.constant 0 : i32
    %c0_i32_0 = arith.constant 0 : i32
    return %arg0, %c0_i32 : i32, i32
  }
  func.func @transform_6(%arg0: i32) -> (i32, i32) {
    %c0_i32 = arith.constant 0 : i32
    %c0_i32_0 = arith.constant 0 : i32
    %c0_i32_1 = arith.constant 0 : i32
    return %c0_i32, %c0_i32_0 : i32, i32
  }
  func.func @transform_7(%arg0: i32) -> (i32, i32) {
    %c0_i32 = arith.constant 0 : i32
    %c0_i32_0 = arith.constant 0 : i32
    %c0_i32_1 = arith.constant 0 : i32
    return %c0_i32, %c0_i32_0 : i32, i32
  }
  func.func @transform_8(%arg0: i32) -> (i32, i32) {
    %c0_i32 = arith.constant 0 : i32
    %c0_i32_0 = arith.constant 0 : i32
    %c0_i32_1 = arith.constant 0 : i32
    return %c0_i32, %c0_i32_0 : i32, i32
  }
  func.func @transform_9(%arg0: i32) -> (i32, i32) {
    %c0_i32 = arith.constant 0 : i32
    %c0_i32_0 = arith.constant 0 : i32
    %c0_i32_1 = arith.constant 0 : i32
    return %c0_i32, %c0_i32_0 : i32, i32
  }
  func.func @transform_10(%arg0: i32) -> (i32, i32) {
    %c0_i32 = arith.constant 0 : i32
    %c0_i32_0 = arith.constant 0 : i32
    %c0_i32_1 = arith.constant 0 : i32
    return %c0_i32, %c0_i32_0 : i32, i32
  }
}

</mosaic_0001>

<sc_bundles>
// kernel: kernel.14.cloned.1.call-start
scs
__scs_entry_jumppad:
0x0: {  	(pc) =	sbr.rel $0x88, $3  }
0x1: {  	(tag) =	ssettag $0x0;
	lr =	simm.s32 $0x1  }
0x2: {  	[smem:$0x3F8A] =	sst lr;
	_ =	strace $0xD0000000  }
0x3: {  	_ = 	snop  }
0x4: {  	_ = 	snop  }
0x5: {  	_ = 	snop  }
0x6: {  	_ = 	snop  }
0x7: {  	_ = 	snop  }
__scs_overlays_trampoline_lowered:
0x8: {  	[smem:$0x3F99] =	sst s0  }
0x9: {  	[smem:$0x3F9A] =	sst s1  }
0xa: {  	[smem:$0x3F9B] =	sst s2  }
0xb: {  	[smem:$0x3F9C] =	sst s3  }
0xc: {  	[smem:$0x3F9D] =	sst s4  }
0xd: {  	[smem:$0x3F9E] =	sst s5  }
0xe: {  	[smem:$0x3F9F] =	sst s6  }
0xf: {  	[smem:$0x3FA0] =	sst s7  }
0x10: {  	[smem:$0x3FA1] =	sst s8  }
0x11: {  	[smem:$0x3FA2] =	sst s9;
	s0 =	simm.s32 @!p0 $0x0  }
0x12: {  	s1 =	sld [smem:$0x3F88];
	s0 =	simm.s32 @p0 $0x1  }
0x13: {  	[smem:$0x3FA3] =	sst s0;
	s0 =	simm.s32 @!p1 $0x0  }
0x14: {  	s2 =	sld [smem:$0x3F87];
	s0 =	simm.s32 @p1 $0x1  }
0x15: {  	[smem:$0x3FA4] =	sst s0;
	s0 =	simm.s32 @!p2 $0x0  }
0x16: {  	s3 =	sld [smem:$0x3FDB];
	s0 =	simm.s32 @p2 $0x1  }
0x17: {  	s4 =	simm.s32 $0x1BF5;
	[smem:$0x3FA6] =	sst s0  }
0x18: {  	s0 =	sld [smem:$0x3F89];
	_ =	swait.ge [sflag:s4], $0x0  }
0x19: {  	s7 =	sld [smem:$0x3F8A]  }
0x1a: {  	s8 =	sadd.s32 $0xFFFFE003, lr  }
0x1b: {  	s9 =	sadd.s32 $0xFFFFFEF7, lr;
	s5 =	simm.s32 $0xFFFFFFFF;
	p2 =	slt.u32 s8, $0xFFFFF086  }
0x1c: {  	p1 =	slt.u32 s9, $0xF7A;
	s5 =	simm.s32 @!p2 $0x0  }
0x1d: {  	s5 =	simm.s32 @p1 $0x1;
	p0 =	seq.s32 s7, s2  }
0x1e: {  	s7 =	smul.u32 @!p0 $0xF7A, s2;
	p2 =	seq.s32 @!p0 s5, $0x0  }
0x1f: {  	s9 =	smul.u32 $0xF7A, s1;
	s8 =	simm.s32 @!p0 $0x1BF5;
	p2 =	por !p2, p0  }
0x20: {  	[sflag:s8] =	ssyncset.s32 @!p0 $0xFFFFF086;
	s6 =	sadd.s32 @!p0 s3, s7;
	s7 =	simm.s32 @!p0 $0x108  }
0x21: {  	s3 =	sadd.s32 s3, s9;
	s6 =	sadd.s32 @!p0 $0x88, s6;
	s7 =	simm.s32 @p2 $0x1082  }
0x22: {  	[simem:s7], [sflag:s8] =	dma.local @!p0 [hbm:s6], $0xF7A  }
0x23: {  	s9 =	sor.u32 $0xD0000000, s2;
	s6 =	simm.s32 $0x108;
	_ =	swait.ge @!p0 [sflag:s8], $0x0  }
0x24: {  	s3 =	sadd.s32 $0x88, s3;
	s6 =	simm.s32 @!p1 $0x1082;
	[sflag:s4] =	ssyncset.s32 $0xFFFFF086  }
0x25: {  	[simem:s6], [sflag:s4] =	dma.local [hbm:s3], $0xF7A  }
0x26: {  	[smem:$0x3F8A] =	sst s1;
	(tag) =	ssettag s2;
	_ =	strace s9  }
0x27: {  	s1 =	sld [smem:$0x3F9A]  }
0x28: {  	s2 =	sld [smem:$0x3F9B]  }
0x29: {  	s4 =	sld [smem:$0x3F9D]  }
0x2a: {  	p0 =	seq.s32 s5, $0x0;
	s5 =	sld [smem:$0x3F9E]  }
0x2b: {  	s6 =	sld [smem:$0x3F9F]  }
0x2c: {  	s7 =	sld [smem:$0x3FA0]  }
0x2d: {  	s3 =	simm.s32 $0x108;
	s8 =	sld [smem:$0x3FA1]  }
0x2e: {  	s3 =	simm.s32 @!p0 $0x1082;
	s9 =	sld [smem:$0x3FA2]  }
0x2f: {  	lr =	sadd.s32 s0, s3;
	s0 =	sld [smem:$0x3F99]  }
0x30: {  	s3 =	sld [smem:$0x3F9C]  }
0x31: {  	[smem:$0x3FA5] =	sst s10  }
0x32: {  	s10 =	sld [smem:$0x3FA3];
	_ =	sdelay $0x3  }
0x33: {  	p0 =	seq.s32 s10, $0x1;
	s10 =	sld [smem:$0x3FA5];
	_ =	sdelay $0x3  }
0x34: {  	[smem:$0x3FA5] =	sst s10  }
0x35: {  	s10 =	sld [smem:$0x3FA4];
	_ =	sdelay $0x3  }
0x36: {  	p1 =	seq.s32 s10, $0x1;
	s10 =	sld [smem:$0x3FA5];
	_ =	sdelay $0x3  }
0x37: {  	[smem:$0x3FA5] =	sst s10  }
0x38: {  	s10 =	sld [smem:$0x3FA6]  }
0x39: {  	_ = 	snop;
	(pc) =	sbr.ind lr, $3  }
0x3a: {  	_ = 	snop  }
0x3b: {  	_ = 	snop  }
0x3c: {  	p2 =	seq.s32 s10, $0x1;
	s10 =	sld [smem:$0x3FA5]  }
0x3d: {  	_ =	shalt  }
0x3e: {  	_ =	shalt  }
0x3f: {  	_ =	shalt  }
0x40: {  	_ =	shalt  }
0x41: {  	_ =	shalt  }
0x42: {  	_ =	shalt  }
0x43: {  	_ =	shalt  }
0x44: {  	_ =	shalt  }
0x45: {  	_ =	shalt  }
0x46: {  	_ =	shalt  }
0x47: {  	_ =	shalt  }
0x48: {  	_ =	shalt  }
0x49: {  	_ =	shalt  }
0x4a: {  	_ =	shalt  }
0x4b: {  	_ =	shalt  }
0x4c: {  	_ =	shalt  }
0x4d: {  	_ =	shalt  }
0x4e: {  	_ =	shalt  }
0x4f: {  	_ =	shalt  }
0x50: {  	_ =	shalt  }
0x51: {  	_ =	shalt  }
0x52: {  	_ =	shalt  }
0x53: {  	_ =	shalt  }
0x54: {  	_ =	shalt  }
0x55: {  	_ =	shalt  }
0x56: {  	_ =	shalt  }
0x57: {  	_ =	shalt  }
0x58: {  	_ =	shalt  }
0x59: {  	_ =	shalt  }
0x5a: {  	_ =	shalt  }
0x5b: {  	_ =	shalt  }
0x5c: {  	_ =	shalt  }
0x5d: {  	_ =	shalt  }
0x5e: {  	_ =	shalt  }
0x5f: {  	_ =	shalt  }
0x60: {  	_ =	shalt  }
0x61: {  	_ =	shalt  }
0x62: {  	_ =	shalt  }
0x63: {  	_ =	shalt  }
0x64: {  	_ =	shalt  }
0x65: {  	_ =	shalt  }
0x66: {  	_ =	shalt  }
0x67: {  	_ =	shalt  }
0x68: {  	_ =	shalt  }
0x69: {  	_ =	shalt  }
0x6a: {  	_ =	shalt  }
0x6b: {  	_ =	shalt  }
0x6c: {  	_ =	shalt  }
0x6d: {  	_ =	shalt  }
0x6e: {  	_ =	shalt  }
0x6f: {  	_ =	shalt  }
0x70: {  	_ =	shalt  }
0x71: {  	_ =	shalt  }
0x72: {  	_ =	shalt  }
0x73: {  	_ =	shalt  }
0x74: {  	_ =	shalt  }
0x75: {  	_ =	shalt  }
0x76: {  	_ =	shalt  }
0x77: {  	_ =	shalt  }
0x78: {  	_ =	shalt  }
0x79: {  	_ =	shalt  }
0x7a: {  	_ =	shalt  }
0x7b: {  	_ =	shalt  }
0x7c: {  	_ =	shalt  }
0x7d: {  	_ =	shalt  }
0x7e: {  	_ =	shalt  }
0x7f: {  	_ =	shalt  }
0x80: {  	_ =	shalt  }
0x81: {  	_ =	shalt  }
0x82: {  	_ =	shalt  }
0x83: {  	_ =	shalt  }
0x84: {  	_ =	shalt  }
0x85: {  	_ =	shalt  }
0x86: {  	_ =	shalt  }
0x87: {  	_ =	shalt  }
.Lfunc_end0:
.L_simem_size_0:
called_computation_lowered:
.L_overlay_start_0:
0x88: {  	s2 =	sld [smem:$0x3FD9]  }
0x89: {  	s3 =	sld [smem:$0x3FFE];
	_ =	sdelay $0x1  }
0x8a: {  	s1 =	srdreg.scid  }
0x8b: {  	s0 =	sand.u32 $0x1, s1  }
0x8c: {  	s16 =	sshll.u32 s0, $0xA;
	s2 =	sadd.s32 s3, s2  }
0x8d: {  	s2 =	sadd.s32 s2, s16  }
0x8e: {  	[smem:$0x3FB1] =	sst s2  }
0x8f: {  	_ = 	snop  }
0x90: {  	(tm) =	ssettm $0x1  }
0x91: {  	s17 =	sld [smem:$0x3FFB];
	_ =	sdelay $0x3  }
0x92: {  	_ =	strace s17  }
0x93: {  	s2 =	sld [smem:$0x3FFC];
	_ =	sdelay $0x3  }
0x94: {  	_ =	strace s2  }
0x95: {  	s2 =	sld [smem:$0x3FFD];
	_ =	sdelay $0x3  }
0x96: {  	_ =	strace s2  }
0x97: {  	_ =	strace $0x8FFFFFFF  }
0x98: {  	s18 =	sld [smem:$0x3FDB];
	_ =	sdelay $0x1  }
0x99: {  	s19 =	simm.s32 $_scs_section_size  }
0x9a: {  	s4 =	simm.s32 $_size__tile_overlayer_lowered;
	s5 =	simm.s32 $_tile_overlayer_lowered  }
0x9b: {  	s22 =	simm.s32 $0x1BFF;
	s21 =	sshll.u32 s5, $0x1;
	s2 =	sadd.s32 s19, s18  }
0x9c: {  	s6 =	simm.s32 $0x0;
	s20 =	sshll.u32 s4, $0x1;
	s4 =	sadd.s32 s21, s2  }
0x9d: {  	[timem:s6], [sflag:s22] =	dma.local [hbm:s4], s20  }
0x9e: {  	_ =	swait.ge [sflag:s22], s20  }
0x9f: {  	s3 =	ssub.s32 $0x0, s20;
	[sflag:s22] =	ssyncset.done $0x0  }
0xa0: {  	[sflag:s22] =	ssyncadd.s32 s3;
	_ =	sdelay $0x1  }
0xa1: {  	s23 =	simm.s32 $0x1B8B  }
0xa2: {  	_ =	swait.ge [sflag:s23], $0x1  }
0xa3: {  	[sflag:s23] =	ssyncset.done $0x0  }
0xa4: {  	s25 =	simm.s32 $0x1B8E;
	s24 =	sld [smem:$0x3FFE];
	[sflag:s23] =	ssyncadd.s32 $0xFFFFFFFF  }
0xa5: {  	s26 =	simm.s32 $execute0_lowered;
	[smem:$0x3FD2] =	sst s25  }
0xa6: {  	s4 =	sshll.u32 s26, $0x1;
	_ =	strace $0x80000046;
	[dreg:$0x1] =	wrdreg $0xFFFFFFFF  }
0xa7: {  	s28 =	simm.s32 $_size_execute0_lowered;
	s2 =	sadd.s32 s2, s4;
	[dreg:$0x0] =	wrdreg $0x0  }
0xa8: {  	s4 =	sshll.u32 s28, $0x1;
	[dreg:$0x2] =	wrdreg s2  }
0xa9: {  	[dreg:$0x3] =	wrdreg s4  }
0xaa: {  	[dreg:$0x4] =	wrdreg $0xC0  }
0xab: {  	_ =	task [dreg:s6], $0x5FFFF  }
0xac: {  	[dreg:$0x1] =	wrdreg $0xFFFFFFFF  }
0xad: {  	[dreg:$0x0] =	wrdreg $0x60  }
0xae: {  	[dreg:$0x2] =	wrdreg s24  }
0xaf: {  	[dreg:$0x3] =	wrdreg $0x0  }
0xb0: {  	[dreg:$0x4] =	wrdreg $0x9  }
0xb1: {  	_ =	task.clear_ibuf [dreg:s6], $0x5FFFF;
	_ =	strace $0x90000046  }
0xb2: {  	s29 =	simm.s32 $0x9;
	_ =	strace $0x80000048  }
0xb3: {  	_ =	swait.ge [sflag:s29], $0x1  }
0xb4: {  	[sflag:s29] =	ssyncadd.s32 $0xFFFFFFFF  }
0xb5: {  	_ =	strace $0x90000048  }
0xb6: {  	_ =	sfence  }
0xb7: {  	s30 =	sld [smem:$0x0];
	_ =	sdelay $0x2  }
0xb8: {  	s31 =	sshll.u32 s1, $0xD;
	s1 =	sshrl.u32 s1, $0x2  }
0xb9: {  	s3 =	sand.u32 $0x4000, s31;
	s1 =	sadd.s32 s1, s30  }
0xba: {  	s0 =	sor.u32 s3, s0;
	s1 =	sshll.u32 s1, $0x11  }
0xbb: {  	s0 =	sor.u32 s1, s0  }
0xbc: {  	s0 =	sadd.s32 $0x8F2B, s0  }
0xbd: {  	[sflag:s0] =	ssyncadd.remote.s32 $0x1  }
0xbe: {  	_ =	sfence.sel $0xFFFF  }
0xbf: {  	[dreg:$0x0] =	wrdreg $0xFFFFFFFF;
	(pc) =	sbr.abs _section_cstart, $3  }
0xc0: {  	[dreg:$0x1] =	wrdreg $0xFFFFFFFF  }
0xc1: {  	_ =	task.clear_ibuf [dreg:s6], $0x2FFFF;
	_ =	strace $0x9FFFFFFF  }
0xc2: {  	(tm) =	ssettm $0x7FFFFFFF  }
0xc3: {  	_ =	shalt  }
tec
execute0_lowered:
.L_overlay_start_1:
0x0: {  	(tag) =	ssettag $0x1  }
0x1: {  	s5 =	rddreg [dreg:$0x0]  }
0x2: {  	s2 =	rddreg [dreg:$0x1]  }
0x3: {  	s0 =	rddreg [dreg:$0x2];
	s4 =	srdreg.scid  }
0x4: {  	s1 =	stileid.u32;
	s3 =	simm.s32 $0x0;
	s13 =	simm.s32 $0x7700  }
0x5: {  	s14 =	simm.s32 $0x9F00;
	s15 =	simm.s32 $0xD700;
	s16 =	simm.s32 $0x80  }
0x6: {  	s17 =	simm.s32 $0xC700;
	s18 =	simm.s32 $0x1;
	s19 =	simm.s32 $0x0  }
0x7: {  	s4 =	sand.u32 $0x1, s4;
	s8 =	smul.u32 $0x4F00, s1;
	[smem:$0x7FF] =	sst s3  }
0x8: {  	s6 =	sshll.u32 s4, $0x4;
	s7 =	smul.u32 $0x4F000, s4;
	_ =	strace $0x80000047  }
0x9: {  	s9 =	ssub.s32 $0x2, s4;
	s4 =	sadd.s32 $0x5200, s5;
	s6 =	sor.u32 s1, s6  }
0xa: {  	s10 =	sshrl.u32 s9, $0x1;
	s6 =	smul.u32 $0x500, s6;
	s7 =	sadd.s32 s8, s7  }
0xb: {  	s10 =	ssub.s32 s9, s10;
	s8 =	sadd.s32 s8, s2;
	s7 =	sshrl.u32 s7, $0x3  }
0xc: {  	s10 =	smax.u32 s10, $0x1;
	s11 =	sadd.s32 s6, s5;
	s12 =	sadd.s32 s7, s5  }
0xd: {  	s5 =	sadd.s32 $0x23000, s11;
	s6 =	sadd.s32 $0x19000, s11;
	s7 =	sadd.s32 $0xF000, s11  }
0xe: {  	v0 =	vimm.f32 $0.0e+00;
	s9 =	sadd.s32 $0x2D000, s12;
	s11 =	simm.s32 $0x4F00;
	s12 =	simm.s32 $0x2  }
.LBB2_1:
0xf: {  	[tilespmem:s11], [sflag:$0x2] =	stream.linear.gather [hbm4b:s5+s3], $0x2800, $0x38;
	[tilespmem:$0x12600] =	vst v63  }
0x10: {  	_ =	swait.ge [sflag:s12], $0x2800  }
0x11: {  	[sflag:s12] =	ssyncset.done $0x0  }
0x12: {  	[sflag:s12] =	ssyncadd.s32 $0xFFFFD800  }
0x13: {  	[tilespmem:s13], [sflag:$0x2] =	stream.linear.gather [hbm4b:s6+s3], $0x2800, $0x38;
	[tilespmem:$0x12600] =	vst v63  }
0x14: {  	_ =	swait.ge [sflag:s12], $0x2800  }
0x15: {  	[sflag:s12] =	ssyncset.done $0x0  }
0x16: {  	[sflag:s12] =	ssyncadd.s32 $0xFFFFD800  }
0x17: {  	[tilespmem:s14], [sflag:$0x2] =	stream.linear.gather [hbm4b:s7+s3], $0x2800, $0x38;
	[tilespmem:$0x12600] =	vst v63  }
0x18: {  	_ =	swait.ge [sflag:s12], $0x2800  }
0x19: {  	[sflag:s12] =	ssyncset.done $0x0  }
0x1a: {  	s20 =	simm.s32 $0x80;
	s21 =	simm.s32 $0x0;
	[sflag:s12] =	ssyncadd.s32 $0xFFFFD800  }
.LBB2_2:
0x1b: {  	p0 =	sne.s32 s20, $0x13B80;
	[tilespmem:s21+$0xD700] =	vst v0;
	s22 =	smov.u32 s20;
	s20 =	sadd.s32 $0x80, s20  }
.Ltmp0:
0x1c: {  	[tilespmem:s21+$0xD710] =	vst v0;
	(pc) =	sbr.rel @p0 .LBB2_2-.Ltmp0, $2  }
0x1d: {  	_ =	sdelay $0x2  }
0x1e: {  	s21 =	sshra.s32 s22, $0x2  }
0x1f: {  	[tilespmem:s21+$0xD700] =	vst v0  }
0x20: {  	[tilespmem:s21+$0xD710] =	vst v0  }
0x21: {  	[spmem:s8] =	stream.linear.scatter [tilespmem:s15], [sflag:$0x2], $0x4F00, $0x38;
	[tilespmem:$0x12600] =	vst v63  }
0x22: {  	_ =	swait.ge [sflag:s12], $0x4F00  }
0x23: {  	[sflag:s12] =	ssyncset.done $0x0  }
0x24: {  	[sflag:s12] =	ssyncadd.s32 $0xFFFFB100  }
0x25: {  	s20 =	simm.s32 $0x0;
	s21 =	simm.s32 $0x9F00;
	[bflag:$0x0] =	sbarrier.arrive $0xFFFF  }
.LBB2_4:
0x26: {  	s22 =	sshll.u32 s20, $0x7  }
0x27: {  	s23 =	sadd.s32 $0x4F00, s22  }
0x28: {  	[tilespmem:s17], [sflag:$0x1] =	stream.indirect.gather [hbm4b:s4+s16], $0x20, s23, s16, $0xb8;
	[tilespmem:$0x12600] =	vst v63  }
0x29: {  	_ =	swait.ge [sflag:s18], $0x1000  }
0x2a: {  	[sflag:s18] =	ssyncset.done $0x0  }
0x2b: {  	s23 =	simm.s32 $0xC800;
	[sflag:s18] =	ssyncadd.s32 $0xFFFFF000  }
0x2c: {  	v7 =	vld [tilespmem:s23+$0xFFFFFFA0]  }
0x2d: {  	v4 =	vld [tilespmem:s23+$0xFFFFFFF0]  }
0x2e: {  	v1 =	vld [tilespmem:s23+$0xFFFFFF60]  }
0x2f: {  	v5 =	vmov s21;
	v8 =	vld [tilespmem:s23+$0xFFFFFFD0]  }
0x30: {  	v9 =	vld [tilespmem:s23+$0x80]  }
0x31: {  	v12 =	vld [tilespmem:s23+$0xFFFFFF10]  }
0x32: {  	v16 =	vld [tilespmem:s23+$0xE0]  }
0x33: {  	s24 =	simm.s32 $0x0;
	v11 =	vld [tilespmem:s23+$0xFFFFFF40]  }
0x34: {  	v2 =	vld.idx.msk [tilespmem:v5+s24+$0x0 ss:$0x1], $0xffff  }
0x35: {  	v3 =	vld [tilespmem:s23+$0xFFFFFF90]  }
0x36: {  	v10 =	vld [tilespmem:s23+$0xFFFFFFC0]  }
0x37: {  	v13 =	vld [tilespmem:s23+$0xFFFFFF00]  }
0x38: {  	v14 =	vld [tilespmem:s23+$0xD0]  }
0x39: {  	v23 =	vld [tilespmem:s23+$0xC0]  }
0x3a: {  	v21 =	vld [tilespmem:s23+$0x90];
	v19 =	vbroadcast v2, $0x0;
	v6 =	vbroadcast v2, $0xF  }
0x3b: {  	v22 =	vld [tilespmem:s23+$0xFFFFFF50];
	v20 =	vbroadcast v2, $0x2;
	v18 =	vbroadcast v2, $0xE  }
0x3c: {  	v17 =	vld [tilespmem:s23+$0xB0];
	v15 =	vbroadcast v2, $0xC;
	v25 =	vmul.f32 v19, v13  }
0x3d: {  	s25 =	simm.s32 $0xC800;
	s24 =	simm.s32 $0x40;
	v13 =	vbroadcast v2, $0xD;
	v24 =	vmul.f32 v11, v20;
	v11 =	vld [tilespmem:s23+$0x60]  }
.LBB2_5:
0x3e: {  	p0 =	sne.s32 s24, $0x1C0  }
0x3f: {  	[tilespmem:s23+$0xFFFFFF00] =	vst v25;
	v25 =	vld [tilespmem:s23+$0xFFFFFFB0];
	v23 =	vmul.f32 v23, v18;
	v16 =	vmul.f32 v16, v6;
	s25 =	sadd.s32 $0x200, s25;
	s26 =	smov.u32 s24;
	s24 =	sadd.s32 $0x40, s24  }
0x40: {  	[tilespmem:s23+$0xFFFFFF40] =	vst v24;
	v24 =	vbroadcast v2, $0xA;
	v21 =	vmul.f32 v21, v15;
	v26 =	vld [tilespmem:s23+$0xA0]  }
0x41: {  	v12 =	vmul.f32 v12, v19;
	v19 =	vmul.f32 v22, v20;
	v20 =	vld [tilespmem:s23+$0x70];
	[tilespmem:s23+$0xE0] =	vst v16  }
0x42: {  	v16 =	vbroadcast v2, $0x5;
	v22 =	vld [tilespmem:s23+$0xFFFFFFE0];
	v17 =	vmul.f32 v17, v13;
	[tilespmem:s23+$0xC0] =	vst v23  }
0x43: {  	v14 =	vmul.f32 v14, v18;
	[tilespmem:s23+$0xFFFFFF10] =	vst v12;
	v12 =	vbroadcast v2, $0x6;
	v23 =	vld [tilespmem:s23+$0x40]  }
0x44: {  	v27 =	vbroadcast v2, $0xB;
	v7 =	vmul.f32 v7, v16;
	v18 =	vld [tilespmem:s23+$0xFFFFFF20];
	[tilespmem:s23+$0x90] =	vst v21  }
0x45: {  	[tilespmem:s23+$0xFFFFFF50] =	vst v19;
	v19 =	vbroadcast v2, $0x9;
	v21 =	vld [tilespmem:s23+$0x20];
	v13 =	vmul.f32 v26, v13  }
0x46: {  	v16 =	vmul.f32 v25, v16;
	v25 =	vld [tilespmem:s23+$0x50];
	v20 =	vmul.f32 v20, v27;
	[tilespmem:s23+$0xD0] =	vst v14  }
0x47: {  	v9 =	vmul.f32 v9, v15;
	v14 =	vbroadcast v2, $0x7;
	v26 =	vld [tilespmem:s23+$0x30];
	[tilespmem:s23+$0xA0] =	vst v13  }
0x48: {  	v10 =	vmul.f32 v10, v12;
	v13 =	vbroadcast v2, $0x3;
	v15 =	vld [tilespmem:s23+$0x0];
	[tilespmem:s23+$0x70] =	vst v20  }
0x49: {  	v11 =	vmul.f32 v11, v27;
	v8 =	vmul.f32 v8, v12;
	v12 =	vld [tilespmem:s23+$0x10];
	[tilespmem:s23+$0x80] =	vst v9  }
0x4a: {  	v20 =	vbroadcast v2, $0x8;
	v23 =	vmul.f32 v23, v24;
	v9 =	vld [tilespmem:s23+$0xFFFFFF30];
	[tilespmem:s23+$0xB0] =	vst v17  }
0x4b: {  	v17 =	vbroadcast v2, $0x1;
	v27 =	vld [tilespmem:s23+$0xFFFFFF70];
	[tilespmem:s23+$0xFFFFFFD0] =	vst v8;
	v24 =	vmul.f32 v25, v24  }
0x4c: {  	v4 =	vmul.f32 v4, v14;
	v8 =	vmul.f32 v22, v14;
	[tilespmem:s23+$0xFFFFFFC0] =	vst v10;
	v10 =	vld [tilespmem:s23+$0xF0]  }
0x4d: {  	v22 =	vmul.f32 v26, v19;
	v14 =	vld [tilespmem:s23+$0xFFFFFF80];
	[tilespmem:s23+$0xFFFFFFA0] =	vst v7;
	v15 =	vmul.f32 v15, v20  }
0x4e: {  	v7 =	vld [tilespmem:s25+$0xFFFFFFA0];
	[tilespmem:s23+$0xFFFFFFF0] =	vst v4;
	v20 =	vmul.f32 v12, v20;
	v12 =	vmul.f32 v21, v19  }
0x4f: {  	v4 =	vmul.f32 v18, v17;
	v17 =	vmul.f32 v9, v17;
	[tilespmem:s23+$0x60] =	vst v11  }
0x50: {  	v1 =	vmul.f32 v1, v13;
	v9 =	vmul.f32 v27, v13;
	[tilespmem:s23+$0xFFFFFFB0] =	vst v16  }
0x51: {  	v2 =	vbroadcast v2, $0x4;
	[tilespmem:s23+$0xFFFFFF20] =	vst v4;
	v4 =	vmul.f32 v10, v6  }
0x52: {  	[tilespmem:s23+$0xFFFFFF60] =	vst v1  }
0x53: {  	v6 =	vmul.f32 v14, v2;
	v1 =	vmul.f32 v3, v2;
	[tilespmem:s23+$0x40] =	vst v23  }
0x54: {  	[tilespmem:s23+$0xFFFFFFE0] =	vst v8  }
0x55: {  	[tilespmem:s23+$0xF0] =	vst v4  }
0x56: {  	[tilespmem:s23+$0xFFFFFF90] =	vst v1  }
0x57: {  	[tilespmem:s23+$0xFFFFFF70] =	vst v9  }
0x58: {  	v4 =	vld [tilespmem:s25+$0xFFFFFFF0];
	[tilespmem:s23+$0x20] =	vst v12  }
0x59: {  	v1 =	vld [tilespmem:s25+$0xFFFFFF60];
	[tilespmem:s23+$0x30] =	vst v22  }
0x5a: {  	v8 =	vld [tilespmem:s25+$0xFFFFFFD0];
	[tilespmem:s23+$0xFFFFFF80] =	vst v6  }
0x5b: {  	v9 =	vld [tilespmem:s25+$0x80];
	[tilespmem:s23+$0x50] =	vst v24  }
0x5c: {  	v12 =	vld [tilespmem:s25+$0xFFFFFF10];
	[tilespmem:s23+$0x0] =	vst v15  }
0x5d: {  	v16 =	vld [tilespmem:s25+$0xE0];
	[tilespmem:s23+$0xFFFFFF30] =	vst v17  }
0x5e: {  	s26 =	sshra.s32 s26, $0x2;
	v11 =	vld [tilespmem:s25+$0xFFFFFF40];
	[tilespmem:s23+$0x10] =	vst v20;
	s23 =	smov.u32 s25  }
0x5f: {  	v2 =	vld.idx.msk [tilespmem:v5+s26+$0x0 ss:$0x1], $0xffff  }
0x60: {  	v3 =	vld [tilespmem:s25+$0xFFFFFF90]  }
0x61: {  	v10 =	vld [tilespmem:s25+$0xFFFFFFC0]  }
0x62: {  	v13 =	vld [tilespmem:s25+$0xFFFFFF00]  }
0x63: {  	v14 =	vld [tilespmem:s25+$0xD0]  }
.Ltmp1:
0x64: {  	v23 =	vld [tilespmem:s25+$0xC0];
	(pc) =	sbr.rel @p0 .LBB2_5-.Ltmp1, $4  }
0x65: {  	v19 =	vbroadcast v2, $0x0;
	v6 =	vbroadcast v2, $0xF;
	v21 =	vld [tilespmem:s25+$0x90]  }
0x66: {  	v20 =	vbroadcast v2, $0x2;
	v18 =	vbroadcast v2, $0xE;
	v22 =	vld [tilespmem:s25+$0xFFFFFF50]  }
0x67: {  	v25 =	vmul.f32 v19, v13;
	v13 =	vbroadcast v2, $0xD;
	v17 =	vld [tilespmem:s25+$0xB0]  }
0x68: {  	v15 =	vbroadcast v2, $0xC;
	v24 =	vmul.f32 v11, v20;
	v11 =	vld [tilespmem:s25+$0x60]  }
0x69: {  	[tilespmem:s23+$0xFFFFFF00] =	vst v25;
	v5 =	vmul.f32 v16, v6  }
0x6a: {  	v30 =	vmul.f32 v23, v18;
	[tilespmem:s23+$0xFFFFFF40] =	vst v24  }
0x6b: {  	v12 =	vmul.f32 v12, v19;
	[tilespmem:s23+$0xE0] =	vst v5  }
0x6c: {  	v35 =	vmul.f32 v14, v18;
	[tilespmem:s23+$0xC0] =	vst v30  }
0x6d: {  	v33 =	vmul.f32 v21, v15;
	[tilespmem:s23+$0xFFFFFF10] =	vst v12  }
0x6e: {  	v41 =	vbroadcast v2, $0x6;
	v9 =	vmul.f32 v9, v15;
	[tilespmem:s23+$0xD0] =	vst v35  }
0x6f: {  	v20 =	vmul.f32 v22, v20;
	[tilespmem:s23+$0x90] =	vst v33  }
0x70: {  	v45 =	vbroadcast v2, $0x5;
	v8 =	vmul.f32 v8, v41;
	[tilespmem:s23+$0x80] =	vst v9  }
0x71: {  	v47 =	vbroadcast v2, $0x7;
	v10 =	vmul.f32 v10, v41;
	[tilespmem:s23+$0xFFFFFF50] =	vst v20  }
0x72: {  	v54 =	vbroadcast v2, $0x3;
	v7 =	vmul.f32 v7, v45;
	[tilespmem:s23+$0xFFFFFFD0] =	vst v8  }
0x73: {  	v31 =	vld [tilespmem:s23+$0xA0];
	v59 =	vbroadcast v2, $0x4;
	v4 =	vmul.f32 v4, v47;
	[tilespmem:s23+$0xFFFFFFC0] =	vst v10  }
0x74: {  	v32 =	vld [tilespmem:s23+$0x70];
	v1 =	vmul.f32 v1, v54;
	[tilespmem:s23+$0xFFFFFFA0] =	vst v7  }
0x75: {  	v34 =	vld [tilespmem:s23+$0xFFFFFFB0];
	v37 =	vbroadcast v2, $0xB;
	v3 =	vmul.f32 v3, v59;
	[tilespmem:s23+$0xFFFFFFF0] =	vst v4  }
0x76: {  	v36 =	vld [tilespmem:s23+$0xFFFFFF20];
	v43 =	vmul.f32 v17, v13;
	[tilespmem:s23+$0xFFFFFF60] =	vst v1  }
0x77: {  	v40 =	vld [tilespmem:s23+$0x40];
	v11 =	vmul.f32 v11, v37;
	[tilespmem:s23+$0xFFFFFF90] =	vst v3  }
0x78: {  	v38 =	vld [tilespmem:s23+$0xFFFFFFE0];
	v39 =	vmul.f32 v31, v13;
	[tilespmem:s23+$0xB0] =	vst v43  }
0x79: {  	v52 =	vbroadcast v2, $0x1;
	v55 =	vld [tilespmem:s23+$0xF0];
	v19 =	vmul.f32 v32, v37;
	[tilespmem:s23+$0x60] =	vst v11  }
0x7a: {  	v49 =	vld [tilespmem:s23+$0xFFFFFF70];
	v56 =	vbroadcast v2, $0xA;
	v53 =	vmul.f32 v34, v45;
	[tilespmem:s23+$0xA0] =	vst v39  }
0x7b: {  	v46 =	vld [tilespmem:s23+$0x30];
	v14 =	vmul.f32 v36, v52;
	[tilespmem:s23+$0x70] =	vst v19  }
0x7c: {  	v50 =	vld [tilespmem:s23+$0xFFFFFF80];
	v58 =	vmul.f32 v40, v56;
	[tilespmem:s23+$0xFFFFFFB0] =	vst v53  }
0x7d: {  	v44 =	vld [tilespmem:s23+$0x20];
	v5 =	vmul.f32 v38, v47;
	[tilespmem:s23+$0xFFFFFF20] =	vst v14  }
0x7e: {  	v57 =	vld [tilespmem:s23+$0xFFFFFF30];
	v60 =	vbroadcast v2, $0x9;
	v1 =	vmul.f32 v55, v6;
	[tilespmem:s23+$0x40] =	vst v58  }
0x7f: {  	v42 =	vld [tilespmem:s23+$0x50];
	v61 =	vmul.f32 v49, v54;
	[tilespmem:s23+$0xFFFFFFE0] =	vst v5  }
0x80: {  	v48 =	vld [tilespmem:s23+$0x0];
	v3 =	vmul.f32 v46, v60;
	[tilespmem:s23+$0xF0] =	vst v1  }
0x81: {  	v51 =	vld [tilespmem:s23+$0x10];
	v62 =	vmul.f32 v50, v59;
	[tilespmem:s23+$0xFFFFFF70] =	vst v61  }
0x82: {  	v1 =	vmul.f32 v44, v60;
	[tilespmem:s23+$0x30] =	vst v3  }
0x83: {  	v2 =	vbroadcast v2, $0x8;
	v63 =	vmul.f32 v57, v52;
	[tilespmem:s23+$0xFFFFFF80] =	vst v62  }
0x84: {  	[tilespmem:s23+$0x20] =	vst v1;
	v1 =	vmul.f32 v42, v56  }
0x85: {  	v3 =	vmul.f32 v48, v2;
	[tilespmem:s23+$0xFFFFFF30] =	vst v63  }
0x86: {  	s20 =	sadd.s32 $0x1, s20;
	[tilespmem:s23+$0x50] =	vst v1;
	v1 =	vmul.f32 v51, v2  }
0x87: {  	p0 =	sne.s32 s20, $0x50;
	[tilespmem:s23+$0x0] =	vst v3  }
.Ltmp2:
0x88: {  	s22 =	sadd.s32 $0x7700, s22;
	[tilespmem:s23+$0x10] =	vst v1;
	(pc) =	sbr.rel @p0 .LBB2_4-.Ltmp2, $4  }
0x89: {  	[spmem:s2] =	stream.indirect.scatter.add.f32 [tilespmem:s17], [sflag:$0x2], $0x20, s22, s16, $0xb8;
	[tilespmem:$0x12600] =	vst v63  }
0x8a: {  	_ =	swait.ge [sflag:s12], $0x1000  }
0x8b: {  	[sflag:s12] =	ssyncset.done $0x0  }
0x8c: {  	s21 =	sadd.s32 $0x80, s21;
	[sflag:s12] =	ssyncadd.s32 $0xFFFFF000  }
0x8d: {  	s19 =	sadd.s32 $0x1, s19  }
0x8e: {  	s20 =	sshll.u32 s1, $0x6;
	[bflag:$0x0] =	sbarrier.arrive $0xFFFF;
	p0 =	sne.s32 s19, s10  }
.Ltmp3:
0x8f: {  	s21 =	sshrl.u32 s8, $0x3;
	s20 =	sor.u32 $0x1C02, s20;
	(pc) =	sbr.rel @p0 .LBB2_1-.Ltmp3, $4  }
0x90: {  	[hbm:s9], [sflag:s20] =	dma.local [spmem:s21], $0x9E0  }
0x91: {  	_ =	swait.ge [sflag:s12], $0x9E0  }
0x92: {  	[sflag:s12] =	ssyncset.done $0x0  }
0x93: {  	[sflag:s12] =	ssyncadd.s32 $0xFFFFF620  }
0x94: {  	_ =	sfence.sel $0x180000  }
0x95: {  	[bflag:$0x0] =	sbarrier.arrive $0xFFFF  }
0x96: {  	p0 =	sne.s32 s1, $0x0;
	_ =	strace $0x90000047  }
0x97: {  	s0 =	sadd.s32 @!p0 $0x100000, s0;
	[bflag:$0x2] =	sbarrier.arrive $0xFFFF  }
0x98: {  	[sflag:s0] =	ssyncadd.tile.s32 @!p0 $0x1;
	_ =	shalt  }
.Lfunc_end2:
_tile_overlayer_lowered:
.L_overlay_start_2:
0x99: {  	(tag) =	ssettag $0x2  }
0x9a: {  	s0 =	rddreg [dreg:$0x0];
	s2 =	stileid.u32  }
0x9b: {  	s1 =	rddreg [dreg:$0x1];
	p0 =	sne.s32 s2, $0x0  }
0x9c: {  	s3 =	rddreg [dreg:$0x2];
	[bflag:$0x3] =	sbarrier.arrive $0xFFFF;
	s2 =	simm.s32 @!p0 $0x1C02  }
0x9d: {  	[timem:s3], [sflag:s2] =	dma.local @!p0 [hbm:s0], s1  }
0x9e: {  	s0 =	simm.s32 @!p0 $0x2  }
0x9f: {  	_ =	swait.ge @!p0 [sflag:s0], s1  }
0xa0: {  	s1 =	ssub.s32 @!p0 $0x0, s1;
	[sflag:s0] =	ssyncset.done @!p0 $0x0  }
0xa1: {  	[sflag:s0] =	ssyncadd.s32 @!p0 s1  }
0xa2: {  	[bflag:$0x3] =	sbarrier.arrive $0xFFFF  }
0xa3: {  	_ =	shalt  }

// kernel: kernel.17.cloned.1.call-start
scs
__scs_entry_jumppad:
0x0: {  	(pc) =	sbr.rel $0x88, $3  }
0x1: {  	(tag) =	ssettag $0x0;
	lr =	simm.s32 $0x1  }
0x2: {  	[smem:$0x3F8A] =	sst lr;
	_ =	strace $0xD0000000  }
0x3: {  	_ = 	snop  }
0x4: {  	_ = 	snop  }
0x5: {  	_ = 	snop  }
0x6: {  	_ = 	snop  }
0x7: {  	_ = 	snop  }
__scs_overlays_trampoline_lowered:
0x8: {  	[smem:$0x3F99] =	sst s0  }
0x9: {  	[smem:$0x3F9A] =	sst s1  }
0xa: {  	[smem:$0x3F9B] =	sst s2  }
0xb: {  	[smem:$0x3F9C] =	sst s3  }
0xc: {  	[smem:$0x3F9D] =	sst s4  }
0xd: {  	[smem:$0x3F9E] =	sst s5  }
0xe: {  	[smem:$0x3F9F] =	sst s6  }
0xf: {  	[smem:$0x3FA0] =	sst s7  }
0x10: {  	[smem:$0x3FA1] =	sst s8  }
0x11: {  	[smem:$0x3FA2] =	sst s9;
	s0 =	simm.s32 @!p0 $0x0  }
0x12: {  	s1 =	sld [smem:$0x3F88];
	s0 =	simm.s32 @p0 $0x1  }
0x13: {  	[smem:$0x3FA3] =	sst s0;
	s0 =	simm.s32 @!p1 $0x0  }
0x14: {  	s2 =	sld [smem:$0x3F87];
	s0 =	simm.s32 @p1 $0x1  }
0x15: {  	[smem:$0x3FA4] =	sst s0;
	s0 =	simm.s32 @!p2 $0x0  }
0x16: {  	s3 =	sld [smem:$0x3FDB];
	s0 =	simm.s32 @p2 $0x1  }
0x17: {  	s4 =	simm.s32 $0x1BF5;
	[smem:$0x3FA6] =	sst s0  }
0x18: {  	s0 =	sld [smem:$0x3F89];
	_ =	swait.ge [sflag:s4], $0x0  }
0x19: {  	s7 =	sld [smem:$0x3F8A]  }
0x1a: {  	s8 =	sadd.s32 $0xFFFFE003, lr  }
0x1b: {  	s9 =	sadd.s32 $0xFFFFFEF7, lr;
	s5 =	simm.s32 $0xFFFFFFFF;
	p2 =	slt.u32 s8, $0xFFFFF086  }
0x1c: {  	p1 =	slt.u32 s9, $0xF7A;
	s5 =	simm.s32 @!p2 $0x0  }
0x1d: {  	s5 =	simm.s32 @p1 $0x1;
	p0 =	seq.s32 s7, s2  }
0x1e: {  	s7 =	smul.u32 @!p0 $0xF7A, s2;
	p2 =	seq.s32 @!p0 s5, $0x0  }
0x1f: {  	s9 =	smul.u32 $0xF7A, s1;
	s8 =	simm.s32 @!p0 $0x1BF5;
	p2 =	por !p2, p0  }
0x20: {  	[sflag:s8] =	ssyncset.s32 @!p0 $0xFFFFF086;
	s6 =	sadd.s32 @!p0 s3, s7;
	s7 =	simm.s32 @!p0 $0x108  }
0x21: {  	s3 =	sadd.s32 s3, s9;
	s6 =	sadd.s32 @!p0 $0x88, s6;
	s7 =	simm.s32 @p2 $0x1082  }
0x22: {  	[simem:s7], [sflag:s8] =	dma.local @!p0 [hbm:s6], $0xF7A  }
0x23: {  	s9 =	sor.u32 $0xD0000000, s2;
	s6 =	simm.s32 $0x108;
	_ =	swait.ge @!p0 [sflag:s8], $0x0  }
0x24: {  	s3 =	sadd.s32 $0x88, s3;
	s6 =	simm.s32 @!p1 $0x1082;
	[sflag:s4] =	ssyncset.s32 $0xFFFFF086  }
0x25: {  	[simem:s6], [sflag:s4] =	dma.local [hbm:s3], $0xF7A  }
0x26: {  	[smem:$0x3F8A] =	sst s1;
	(tag) =	ssettag s2;
	_ =	strace s9  }
0x27: {  	s1 =	sld [smem:$0x3F9A]  }
0x28: {  	s2 =	sld [smem:$0x3F9B]  }
0x29: {  	s4 =	sld [smem:$0x3F9D]  }
0x2a: {  	p0 =	seq.s32 s5, $0x0;
	s5 =	sld [smem:$0x3F9E]  }
0x2b: {  	s6 =	sld [smem:$0x3F9F]  }
0x2c: {  	s7 =	sld [smem:$0x3FA0]  }
0x2d: {  	s3 =	simm.s32 $0x108;
	s8 =	sld [smem:$0x3FA1]  }
0x2e: {  	s3 =	simm.s32 @!p0 $0x1082;
	s9 =	sld [smem:$0x3FA2]  }
0x2f: {  	lr =	sadd.s32 s0, s3;
	s0 =	sld [smem:$0x3F99]  }
0x30: {  	s3 =	sld [smem:$0x3F9C]  }
0x31: {  	[smem:$0x3FA5] =	sst s10  }
0x32: {  	s10 =	sld [smem:$0x3FA3];
	_ =	sdelay $0x3  }
0x33: {  	p0 =	seq.s32 s10, $0x1;
	s10 =	sld [smem:$0x3FA5];
	_ =	sdelay $0x3  }
0x34: {  	[smem:$0x3FA5] =	sst s10  }
0x35: {  	s10 =	sld [smem:$0x3FA4];
	_ =	sdelay $0x3  }
0x36: {  	p1 =	seq.s32 s10, $0x1;
	s10 =	sld [smem:$0x3FA5];
	_ =	sdelay $0x3  }
0x37: {  	[smem:$0x3FA5] =	sst s10  }
0x38: {  	s10 =	sld [smem:$0x3FA6]  }
0x39: {  	_ = 	snop;
	(pc) =	sbr.ind lr, $3  }
0x3a: {  	_ = 	snop  }
0x3b: {  	_ = 	snop  }
0x3c: {  	p2 =	seq.s32 s10, $0x1;
	s10 =	sld [smem:$0x3FA5]  }
0x3d: {  	_ =	shalt  }
0x3e: {  	_ =	shalt  }
0x3f: {  	_ =	shalt  }
0x40: {  	_ =	shalt  }
0x41: {  	_ =	shalt  }
0x42: {  	_ =	shalt  }
0x43: {  	_ =	shalt  }
0x44: {  	_ =	shalt  }
0x45: {  	_ =	shalt  }
0x46: {  	_ =	shalt  }
0x47: {  	_ =	shalt  }
0x48: {  	_ =	shalt  }
0x49: {  	_ =	shalt  }
0x4a: {  	_ =	shalt  }
0x4b: {  	_ =	shalt  }
0x4c: {  	_ =	shalt  }
0x4d: {  	_ =	shalt  }
0x4e: {  	_ =	shalt  }
0x4f: {  	_ =	shalt  }
0x50: {  	_ =	shalt  }
0x51: {  	_ =	shalt  }
0x52: {  	_ =	shalt  }
0x53: {  	_ =	shalt  }
0x54: {  	_ =	shalt  }
0x55: {  	_ =	shalt  }
0x56: {  	_ =	shalt  }
0x57: {  	_ =	shalt  }
0x58: {  	_ =	shalt  }
0x59: {  	_ =	shalt  }
0x5a: {  	_ =	shalt  }
0x5b: {  	_ =	shalt  }
0x5c: {  	_ =	shalt  }
0x5d: {  	_ =	shalt  }
0x5e: {  	_ =	shalt  }
0x5f: {  	_ =	shalt  }
0x60: {  	_ =	shalt  }
0x61: {  	_ =	shalt  }
0x62: {  	_ =	shalt  }
0x63: {  	_ =	shalt  }
0x64: {  	_ =	shalt  }
0x65: {  	_ =	shalt  }
0x66: {  	_ =	shalt  }
0x67: {  	_ =	shalt  }
0x68: {  	_ =	shalt  }
0x69: {  	_ =	shalt  }
0x6a: {  	_ =	shalt  }
0x6b: {  	_ =	shalt  }
0x6c: {  	_ =	shalt  }
0x6d: {  	_ =	shalt  }
0x6e: {  	_ =	shalt  }
0x6f: {  	_ =	shalt  }
0x70: {  	_ =	shalt  }
0x71: {  	_ =	shalt  }
0x72: {  	_ =	shalt  }
0x73: {  	_ =	shalt  }
0x74: {  	_ =	shalt  }
0x75: {  	_ =	shalt  }
0x76: {  	_ =	shalt  }
0x77: {  	_ =	shalt  }
0x78: {  	_ =	shalt  }
0x79: {  	_ =	shalt  }
0x7a: {  	_ =	shalt  }
0x7b: {  	_ =	shalt  }
0x7c: {  	_ =	shalt  }
0x7d: {  	_ =	shalt  }
0x7e: {  	_ =	shalt  }
0x7f: {  	_ =	shalt  }
0x80: {  	_ =	shalt  }
0x81: {  	_ =	shalt  }
0x82: {  	_ =	shalt  }
0x83: {  	_ =	shalt  }
0x84: {  	_ =	shalt  }
0x85: {  	_ =	shalt  }
0x86: {  	_ =	shalt  }
0x87: {  	_ =	shalt  }
.Lfunc_end0:
.L_simem_size_0:
called_computation.1_lowered:
.L_overlay_start_0:
0x88: {  	s2 =	sld [smem:$0x3FD9]  }
0x89: {  	s3 =	sld [smem:$0x3FFE];
	_ =	sdelay $0x1  }
0x8a: {  	s1 =	srdreg.scid  }
0x8b: {  	s0 =	sand.u32 $0x1, s1  }
0x8c: {  	s16 =	sshll.u32 s0, $0xA;
	s2 =	sadd.s32 s3, s2  }
0x8d: {  	s2 =	sadd.s32 s2, s16  }
0x8e: {  	[smem:$0x3FB1] =	sst s2  }
0x8f: {  	_ = 	snop  }
0x90: {  	(tm) =	ssettm $0x1  }
0x91: {  	s17 =	sld [smem:$0x3FFB];
	_ =	sdelay $0x3  }
0x92: {  	_ =	strace s17  }
0x93: {  	s2 =	sld [smem:$0x3FFC];
	_ =	sdelay $0x3  }
0x94: {  	_ =	strace s2  }
0x95: {  	s2 =	sld [smem:$0x3FFD];
	_ =	sdelay $0x3  }
0x96: {  	_ =	strace s2  }
0x97: {  	_ =	strace $0x8FFFFFFF  }
0x98: {  	s18 =	sld [smem:$0x3FDB];
	_ =	sdelay $0x1  }
0x99: {  	s19 =	simm.s32 $_scs_section_size  }
0x9a: {  	s4 =	simm.s32 $_size__tile_overlayer_lowered;
	s5 =	simm.s32 $_tile_overlayer_lowered  }
0x9b: {  	s22 =	simm.s32 $0x1BFF;
	s21 =	sshll.u32 s5, $0x1;
	s2 =	sadd.s32 s19, s18  }
0x9c: {  	s6 =	simm.s32 $0x0;
	s20 =	sshll.u32 s4, $0x1;
	s4 =	sadd.s32 s21, s2  }
0x9d: {  	[timem:s6], [sflag:s22] =	dma.local [hbm:s4], s20  }
0x9e: {  	_ =	swait.ge [sflag:s22], s20  }
0x9f: {  	s3 =	ssub.s32 $0x0, s20;
	[sflag:s22] =	ssyncset.done $0x0  }
0xa0: {  	[sflag:s22] =	ssyncadd.s32 s3;
	_ =	sdelay $0x1  }
0xa1: {  	s23 =	simm.s32 $0x1B8B  }
0xa2: {  	_ =	swait.ge [sflag:s23], $0x1  }
0xa3: {  	[sflag:s23] =	ssyncset.done $0x0  }
0xa4: {  	s25 =	simm.s32 $0x1B8E;
	s24 =	sld [smem:$0x3FFE];
	[sflag:s23] =	ssyncadd.s32 $0xFFFFFFFF  }
0xa5: {  	s26 =	simm.s32 $execute0_lowered;
	[smem:$0x3FD2] =	sst s25  }
0xa6: {  	s4 =	sshll.u32 s26, $0x1;
	_ =	strace $0x80000049;
	[dreg:$0x1] =	wrdreg $0xFFFFFFFF  }
0xa7: {  	s28 =	simm.s32 $_size_execute0_lowered;
	s2 =	sadd.s32 s2, s4;
	[dreg:$0x0] =	wrdreg $0x0  }
0xa8: {  	s4 =	sshll.u32 s28, $0x1;
	[dreg:$0x2] =	wrdreg s2  }
0xa9: {  	[dreg:$0x3] =	wrdreg s4  }
0xaa: {  	[dreg:$0x4] =	wrdreg $0xC0  }
0xab: {  	_ =	task [dreg:s6], $0x5FFFF  }
0xac: {  	[dreg:$0x1] =	wrdreg $0xFFFFFFFF  }
0xad: {  	[dreg:$0x0] =	wrdreg $0x60  }
0xae: {  	[dreg:$0x2] =	wrdreg s24  }
0xaf: {  	[dreg:$0x3] =	wrdreg $0x0  }
0xb0: {  	[dreg:$0x4] =	wrdreg $0x9  }
0xb1: {  	_ =	task.clear_ibuf [dreg:s6], $0x5FFFF;
	_ =	strace $0x90000049  }
0xb2: {  	s29 =	simm.s32 $0x9;
	_ =	strace $0x8000004B  }
0xb3: {  	_ =	swait.ge [sflag:s29], $0x1  }
0xb4: {  	[sflag:s29] =	ssyncadd.s32 $0xFFFFFFFF  }
0xb5: {  	_ =	strace $0x9000004B  }
0xb6: {  	_ =	sfence  }
0xb7: {  	s30 =	sld [smem:$0x0];
	_ =	sdelay $0x2  }
0xb8: {  	s31 =	sshll.u32 s1, $0xD;
	s1 =	sshrl.u32 s1, $0x2  }
0xb9: {  	s3 =	sand.u32 $0x4000, s31;
	s1 =	sadd.s32 s1, s30  }
0xba: {  	s0 =	sor.u32 s3, s0;
	s1 =	sshll.u32 s1, $0x11  }
0xbb: {  	s0 =	sor.u32 s1, s0  }
0xbc: {  	s0 =	sadd.s32 $0x8F2B, s0  }
0xbd: {  	[sflag:s0] =	ssyncadd.remote.s32 $0x1  }
0xbe: {  	_ =	sfence.sel $0xFFFF  }
0xbf: {  	[dreg:$0x0] =	wrdreg $0xFFFFFFFF;
	(pc) =	sbr.abs _section_cstart, $3  }
0xc0: {  	[dreg:$0x1] =	wrdreg $0xFFFFFFFF  }
0xc1: {  	_ =	task.clear_ibuf [dreg:s6], $0x2FFFF;
	_ =	strace $0x9FFFFFFF  }
0xc2: {  	(tm) =	ssettm $0x7FFFFFFF  }
0xc3: {  	_ =	shalt  }
tec
execute0_lowered:
.L_overlay_start_1:
0x0: {  	(tag) =	ssettag $0x1  }
0x1: {  	s5 =	rddreg [dreg:$0x0]  }
0x2: {  	s2 =	rddreg [dreg:$0x1]  }
0x3: {  	s0 =	rddreg [dreg:$0x2];
	s4 =	srdreg.scid  }
0x4: {  	s1 =	stileid.u32;
	s3 =	simm.s32 $0x0;
	s13 =	simm.s32 $0x7700  }
0x5: {  	s14 =	simm.s32 $0x9F00;
	s15 =	simm.s32 $0xD700;
	s16 =	simm.s32 $0x80  }
0x6: {  	s17 =	simm.s32 $0xC700;
	s18 =	simm.s32 $0x1;
	s19 =	simm.s32 $0x0  }
0x7: {  	s4 =	sand.u32 $0x1, s4;
	s8 =	smul.u32 $0x4F00, s1;
	[smem:$0x7FF] =	sst s3  }
0x8: {  	s6 =	sshll.u32 s4, $0x4;
	s7 =	smul.u32 $0x4F000, s4;
	_ =	strace $0x8000004A  }
0x9: {  	s9 =	ssub.s32 $0x2, s4;
	s4 =	sadd.s32 $0x5200, s5;
	s6 =	sor.u32 s1, s6  }
0xa: {  	s10 =	sshrl.u32 s9, $0x1;
	s6 =	smul.u32 $0x500, s6;
	s7 =	sadd.s32 s8, s7  }
0xb: {  	s10 =	ssub.s32 s9, s10;
	s8 =	sadd.s32 s8, s2;
	s7 =	sshrl.u32 s7, $0x3  }
0xc: {  	s10 =	smax.u32 s10, $0x1;
	s11 =	sadd.s32 s6, s5;
	s12 =	sadd.s32 s7, s5  }
0xd: {  	s5 =	sadd.s32 $0x23000, s11;
	s6 =	sadd.s32 $0x19000, s11;
	s7 =	sadd.s32 $0xF000, s11  }
0xe: {  	v0 =	vimm.f32 $0.0e+00;
	s9 =	sadd.s32 $0x2D000, s12;
	s11 =	simm.s32 $0x4F00;
	s12 =	simm.s32 $0x2  }
.LBB2_1:
0xf: {  	[tilespmem:s11], [sflag:$0x2] =	stream.linear.gather [hbm4b:s5+s3], $0x2800, $0x38;
	[tilespmem:$0x12600] =	vst v63  }
0x10: {  	_ =	swait.ge [sflag:s12], $0x2800  }
0x11: {  	[sflag:s12] =	ssyncset.done $0x0  }
0x12: {  	[sflag:s12] =	ssyncadd.s32 $0xFFFFD800  }
0x13: {  	[tilespmem:s13], [sflag:$0x2] =	stream.linear.gather [hbm4b:s6+s3], $0x2800, $0x38;
	[tilespmem:$0x12600] =	vst v63  }
0x14: {  	_ =	swait.ge [sflag:s12], $0x2800  }
0x15: {  	[sflag:s12] =	ssyncset.done $0x0  }
0x16: {  	[sflag:s12] =	ssyncadd.s32 $0xFFFFD800  }
0x17: {  	[tilespmem:s14], [sflag:$0x2] =	stream.linear.gather [hbm4b:s7+s3], $0x2800, $0x38;
	[tilespmem:$0x12600] =	vst v63  }
0x18: {  	_ =	swait.ge [sflag:s12], $0x2800  }
0x19: {  	[sflag:s12] =	ssyncset.done $0x0  }
0x1a: {  	s20 =	simm.s32 $0x80;
	s21 =	simm.s32 $0x0;
	[sflag:s12] =	ssyncadd.s32 $0xFFFFD800  }
.LBB2_2:
0x1b: {  	p0 =	sne.s32 s20, $0x13B80;
	[tilespmem:s21+$0xD700] =	vst v0;
	s22 =	smov.u32 s20;
	s20 =	sadd.s32 $0x80, s20  }
.Ltmp0:
0x1c: {  	[tilespmem:s21+$0xD710] =	vst v0;
	(pc) =	sbr.rel @p0 .LBB2_2-.Ltmp0, $2  }
0x1d: {  	_ =	sdelay $0x2  }
0x1e: {  	s21 =	sshra.s32 s22, $0x2  }
0x1f: {  	[tilespmem:s21+$0xD700] =	vst v0  }
0x20: {  	[tilespmem:s21+$0xD710] =	vst v0  }
0x21: {  	[spmem:s8] =	stream.linear.scatter [tilespmem:s15], [sflag:$0x2], $0x4F00, $0x38;
	[tilespmem:$0x12600] =	vst v63  }
0x22: {  	_ =	swait.ge [sflag:s12], $0x4F00  }
0x23: {  	[sflag:s12] =	ssyncset.done $0x0  }
0x24: {  	[sflag:s12] =	ssyncadd.s32 $0xFFFFB100  }
0x25: {  	s20 =	simm.s32 $0x0;
	s21 =	simm.s32 $0x9F00;
	[bflag:$0x0] =	sbarrier.arrive $0xFFFF  }
.LBB2_4:
0x26: {  	s22 =	sshll.u32 s20, $0x7  }
0x27: {  	s23 =	sadd.s32 $0x4F00, s22  }
0x28: {  	[tilespmem:s17], [sflag:$0x1] =	stream.indirect.gather [hbm4b:s4+s16], $0x20, s23, s16, $0xb8;
	[tilespmem:$0x12600] =	vst v63  }
0x29: {  	_ =	swait.ge [sflag:s18], $0x1000  }
0x2a: {  	[sflag:s18] =	ssyncset.done $0x0  }
0x2b: {  	s23 =	simm.s32 $0xC800;
	[sflag:s18] =	ssyncadd.s32 $0xFFFFF000  }
0x2c: {  	v7 =	vld [tilespmem:s23+$0xFFFFFFA0]  }
0x2d: {  	v4 =	vld [tilespmem:s23+$0xFFFFFFF0]  }
0x2e: {  	v1 =	vld [tilespmem:s23+$0xFFFFFF60]  }
0x2f: {  	v5 =	vmov s21;
	v8 =	vld [tilespmem:s23+$0xFFFFFFD0]  }
0x30: {  	v9 =	vld [tilespmem:s23+$0x80]  }
0x31: {  	v12 =	vld [tilespmem:s23+$0xFFFFFF10]  }
0x32: {  	v16 =	vld [tilespmem:s23+$0xE0]  }
0x33: {  	s24 =	simm.s32 $0x0;
	v11 =	vld [tilespmem:s23+$0xFFFFFF40]  }
0x34: {  	v2 =	vld.idx.msk [tilespmem:v5+s24+$0x0 ss:$0x1], $0xffff  }
0x35: {  	v3 =	vld [tilespmem:s23+$0xFFFFFF90]  }
0x36: {  	v10 =	vld [tilespmem:s23+$0xFFFFFFC0]  }
0x37: {  	v13 =	vld [tilespmem:s23+$0xFFFFFF00]  }
0x38: {  	v14 =	vld [tilespmem:s23+$0xD0]  }
0x39: {  	v23 =	vld [tilespmem:s23+$0xC0]  }
0x3a: {  	v21 =	vld [tilespmem:s23+$0x90];
	v19 =	vbroadcast v2, $0x0;
	v6 =	vbroadcast v2, $0xF  }
0x3b: {  	v22 =	vld [tilespmem:s23+$0xFFFFFF50];
	v20 =	vbroadcast v2, $0x2;
	v18 =	vbroadcast v2, $0xE  }
0x3c: {  	v17 =	vld [tilespmem:s23+$0xB0];
	v15 =	vbroadcast v2, $0xC;
	v25 =	vmul.f32 v19, v13  }
0x3d: {  	s25 =	simm.s32 $0xC800;
	s24 =	simm.s32 $0x40;
	v13 =	vbroadcast v2, $0xD;
	v24 =	vmul.f32 v11, v20;
	v11 =	vld [tilespmem:s23+$0x60]  }
.LBB2_5:
0x3e: {  	p0 =	sne.s32 s24, $0x1C0  }
0x3f: {  	[tilespmem:s23+$0xFFFFFF00] =	vst v25;
	v25 =	vld [tilespmem:s23+$0xFFFFFFB0];
	v23 =	vmul.f32 v23, v18;
	v16 =	vmul.f32 v16, v6;
	s25 =	sadd.s32 $0x200, s25;
	s26 =	smov.u32 s24;
	s24 =	sadd.s32 $0x40, s24  }
0x40: {  	[tilespmem:s23+$0xFFFFFF40] =	vst v24;
	v24 =	vbroadcast v2, $0xA;
	v21 =	vmul.f32 v21, v15;
	v26 =	vld [tilespmem:s23+$0xA0]  }
0x41: {  	v12 =	vmul.f32 v12, v19;
	v19 =	vmul.f32 v22, v20;
	v20 =	vld [tilespmem:s23+$0x70];
	[tilespmem:s23+$0xE0] =	vst v16  }
0x42: {  	v16 =	vbroadcast v2, $0x5;
	v22 =	vld [tilespmem:s23+$0xFFFFFFE0];
	v17 =	vmul.f32 v17, v13;
	[tilespmem:s23+$0xC0] =	vst v23  }
0x43: {  	v14 =	vmul.f32 v14, v18;
	[tilespmem:s23+$0xFFFFFF10] =	vst v12;
	v12 =	vbroadcast v2, $0x6;
	v23 =	vld [tilespmem:s23+$0x40]  }
0x44: {  	v27 =	vbroadcast v2, $0xB;
	v7 =	vmul.f32 v7, v16;
	v18 =	vld [tilespmem:s23+$0xFFFFFF20];
	[tilespmem:s23+$0x90] =	vst v21  }
0x45: {  	[tilespmem:s23+$0xFFFFFF50] =	vst v19;
	v19 =	vbroadcast v2, $0x9;
	v21 =	vld [tilespmem:s23+$0x20];
	v13 =	vmul.f32 v26, v13  }
0x46: {  	v16 =	vmul.f32 v25, v16;
	v25 =	vld [tilespmem:s23+$0x50];
	v20 =	vmul.f32 v20, v27;
	[tilespmem:s23+$0xD0] =	vst v14  }
0x47: {  	v9 =	vmul.f32 v9, v15;
	v14 =	vbroadcast v2, $0x7;
	v26 =	vld [tilespmem:s23+$0x30];
	[tilespmem:s23+$0xA0] =	vst v13  }
0x48: {  	v10 =	vmul.f32 v10, v12;
	v13 =	vbroadcast v2, $0x3;
	v15 =	vld [tilespmem:s23+$0x0];
	[tilespmem:s23+$0x70] =	vst v20  }
0x49: {  	v11 =	vmul.f32 v11, v27;
	v8 =	vmul.f32 v8, v12;
	v12 =	vld [tilespmem:s23+$0x10];
	[tilespmem:s23+$0x80] =	vst v9  }
0x4a: {  	v20 =	vbroadcast v2, $0x8;
	v23 =	vmul.f32 v23, v24;
	v9 =	vld [tilespmem:s23+$0xFFFFFF30];
	[tilespmem:s23+$0xB0] =	vst v17  }
0x4b: {  	v17 =	vbroadcast v2, $0x1;
	v27 =	vld [tilespmem:s23+$0xFFFFFF70];
	[tilespmem:s23+$0xFFFFFFD0] =	vst v8;
	v24 =	vmul.f32 v25, v24  }
0x4c: {  	v4 =	vmul.f32 v4, v14;
	v8 =	vmul.f32 v22, v14;
	[tilespmem:s23+$0xFFFFFFC0] =	vst v10;
	v10 =	vld [tilespmem:s23+$0xF0]  }
0x4d: {  	v22 =	vmul.f32 v26, v19;
	v14 =	vld [tilespmem:s23+$0xFFFFFF80];
	[tilespmem:s23+$0xFFFFFFA0] =	vst v7;
	v15 =	vmul.f32 v15, v20  }
0x4e: {  	v7 =	vld [tilespmem:s25+$0xFFFFFFA0];
	[tilespmem:s23+$0xFFFFFFF0] =	vst v4;
	v20 =	vmul.f32 v12, v20;
	v12 =	vmul.f32 v21, v19  }
0x4f: {  	v4 =	vmul.f32 v18, v17;
	v17 =	vmul.f32 v9, v17;
	[tilespmem:s23+$0x60] =	vst v11  }
0x50: {  	v1 =	vmul.f32 v1, v13;
	v9 =	vmul.f32 v27, v13;
	[tilespmem:s23+$0xFFFFFFB0] =	vst v16  }
0x51: {  	v2 =	vbroadcast v2, $0x4;
	[tilespmem:s23+$0xFFFFFF20] =	vst v4;
	v4 =	vmul.f32 v10, v6  }
0x52: {  	[tilespmem:s23+$0xFFFFFF60] =	vst v1  }
0x53: {  	v6 =	vmul.f32 v14, v2;
	v1 =	vmul.f32 v3, v2;
	[tilespmem:s23+$0x40] =	vst v23  }
0x54: {  	[tilespmem:s23+$0xFFFFFFE0] =	vst v8  }
0x55: {  	[tilespmem:s23+$0xF0] =	vst v4  }
0x56: {  	[tilespmem:s23+$0xFFFFFF90] =	vst v1  }
0x57: {  	[tilespmem:s23+$0xFFFFFF70] =	vst v9  }
0x58: {  	v4 =	vld [tilespmem:s25+$0xFFFFFFF0];
	[tilespmem:s23+$0x20] =	vst v12  }
0x59: {  	v1 =	vld [tilespmem:s25+$0xFFFFFF60];
	[tilespmem:s23+$0x30] =	vst v22  }
0x5a: {  	v8 =	vld [tilespmem:s25+$0xFFFFFFD0];
	[tilespmem:s23+$0xFFFFFF80] =	vst v6  }
0x5b: {  	v9 =	vld [tilespmem:s25+$0x80];
	[tilespmem:s23+$0x50] =	vst v24  }
0x5c: {  	v12 =	vld [tilespmem:s25+$0xFFFFFF10];
	[tilespmem:s23+$0x0] =	vst v15  }
0x5d: {  	v16 =	vld [tilespmem:s25+$0xE0];
	[tilespmem:s23+$0xFFFFFF30] =	vst v17  }
0x5e: {  	s26 =	sshra.s32 s26, $0x2;
	v11 =	vld [tilespmem:s25+$0xFFFFFF40];
	[tilespmem:s23+$0x10] =	vst v20;
	s23 =	smov.u32 s25  }
0x5f: {  	v2 =	vld.idx.msk [tilespmem:v5+s26+$0x0 ss:$0x1], $0xffff  }
0x60: {  	v3 =	vld [tilespmem:s25+$0xFFFFFF90]  }
0x61: {  	v10 =	vld [tilespmem:s25+$0xFFFFFFC0]  }
0x62: {  	v13 =	vld [tilespmem:s25+$0xFFFFFF00]  }
0x63: {  	v14 =	vld [tilespmem:s25+$0xD0]  }
.Ltmp1:
0x64: {  	v23 =	vld [tilespmem:s25+$0xC0];
	(pc) =	sbr.rel @p0 .LBB2_5-.Ltmp1, $4  }
0x65: {  	v19 =	vbroadcast v2, $0x0;
	v6 =	vbroadcast v2, $0xF;
	v21 =	vld [tilespmem:s25+$0x90]  }
0x66: {  	v20 =	vbroadcast v2, $0x2;
	v18 =	vbroadcast v2, $0xE;
	v22 =	vld [tilespmem:s25+$0xFFFFFF50]  }
0x67: {  	v25 =	vmul.f32 v19, v13;
	v13 =	vbroadcast v2, $0xD;
	v17 =	vld [tilespmem:s25+$0xB0]  }
0x68: {  	v15 =	vbroadcast v2, $0xC;
	v24 =	vmul.f32 v11, v20;
	v11 =	vld [tilespmem:s25+$0x60]  }
0x69: {  	[tilespmem:s23+$0xFFFFFF00] =	vst v25;
	v5 =	vmul.f32 v16, v6  }
0x6a: {  	v30 =	vmul.f32 v23, v18;
	[tilespmem:s23+$0xFFFFFF40] =	vst v24  }
0x6b: {  	v12 =	vmul.f32 v12, v19;
	[tilespmem:s23+$0xE0] =	vst v5  }
0x6c: {  	v35 =	vmul.f32 v14, v18;
	[tilespmem:s23+$0xC0] =	vst v30  }
0x6d: {  	v33 =	vmul.f32 v21, v15;
	[tilespmem:s23+$0xFFFFFF10] =	vst v12  }
0x6e: {  	v41 =	vbroadcast v2, $0x6;
	v9 =	vmul.f32 v9, v15;
	[tilespmem:s23+$0xD0] =	vst v35  }
0x6f: {  	v20 =	vmul.f32 v22, v20;
	[tilespmem:s23+$0x90] =	vst v33  }
0x70: {  	v45 =	vbroadcast v2, $0x5;
	v8 =	vmul.f32 v8, v41;
	[tilespmem:s23+$0x80] =	vst v9  }
0x71: {  	v47 =	vbroadcast v2, $0x7;
	v10 =	vmul.f32 v10, v41;
	[tilespmem:s23+$0xFFFFFF50] =	vst v20  }
0x72: {  	v54 =	vbroadcast v2, $0x3;
	v7 =	vmul.f32 v7, v45;
	[tilespmem:s23+$0xFFFFFFD0] =	vst v8  }
0x73: {  	v31 =	vld [tilespmem:s23+$0xA0];
	v59 =	vbroadcast v2, $0x4;
	v4 =	vmul.f32 v4, v47;
	[tilespmem:s23+$0xFFFFFFC0] =	vst v10  }
0x74: {  	v32 =	vld [tilespmem:s23+$0x70];
	v1 =	vmul.f32 v1, v54;
	[tilespmem:s23+$0xFFFFFFA0] =	vst v7  }
0x75: {  	v34 =	vld [tilespmem:s23+$0xFFFFFFB0];
	v37 =	vbroadcast v2, $0xB;
	v3 =	vmul.f32 v3, v59;
	[tilespmem:s23+$0xFFFFFFF0] =	vst v4  }
0x76: {  	v36 =	vld [tilespmem:s23+$0xFFFFFF20];
	v43 =	vmul.f32 v17, v13;
	[tilespmem:s23+$0xFFFFFF60] =	vst v1  }
0x77: {  	v40 =	vld [tilespmem:s23+$0x40];
	v11 =	vmul.f32 v11, v37;
	[tilespmem:s23+$0xFFFFFF90] =	vst v3  }
0x78: {  	v38 =	vld [tilespmem:s23+$0xFFFFFFE0];
	v39 =	vmul.f32 v31, v13;
	[tilespmem:s23+$0xB0] =	vst v43  }
0x79: {  	v52 =	vbroadcast v2, $0x1;
	v55 =	vld [tilespmem:s23+$0xF0];
	v19 =	vmul.f32 v32, v37;
	[tilespmem:s23+$0x60] =	vst v11  }
0x7a: {  	v49 =	vld [tilespmem:s23+$0xFFFFFF70];
	v56 =	vbroadcast v2, $0xA;
	v53 =	vmul.f32 v34, v45;
	[tilespmem:s23+$0xA0] =	vst v39  }
0x7b: {  	v46 =	vld [tilespmem:s23+$0x30];
	v14 =	vmul.f32 v36, v52;
	[tilespmem:s23+$0x70] =	vst v19  }
0x7c: {  	v50 =	vld [tilespmem:s23+$0xFFFFFF80];
	v58 =	vmul.f32 v40, v56;
	[tilespmem:s23+$0xFFFFFFB0] =	vst v53  }
0x7d: {  	v44 =	vld [tilespmem:s23+$0x20];
	v5 =	vmul.f32 v38, v47;
	[tilespmem:s23+$0xFFFFFF20] =	vst v14  }
0x7e: {  	v57 =	vld [tilespmem:s23+$0xFFFFFF30];
	v60 =	vbroadcast v2, $0x9;
	v1 =	vmul.f32 v55, v6;
	[tilespmem:s23+$0x40] =	vst v58  }
0x7f: {  	v42 =	vld [tilespmem:s23+$0x50];
	v61 =	vmul.f32 v49, v54;
	[tilespmem:s23+$0xFFFFFFE0] =	vst v5  }
0x80: {  	v48 =	vld [tilespmem:s23+$0x0];
	v3 =	vmul.f32 v46, v60;
	[tilespmem:s23+$0xF0] =	vst v1  }
0x81: {  	v51 =	vld [tilespmem:s23+$0x10];
	v62 =	vmul.f32 v50, v59;
	[tilespmem:s23+$0xFFFFFF70] =	vst v61  }
0x82: {  	v1 =	vmul.f32 v44, v60;
	[tilespmem:s23+$0x30] =	vst v3  }
0x83: {  	v2 =	vbroadcast v2, $0x8;
	v63 =	vmul.f32 v57, v52;
	[tilespmem:s23+$0xFFFFFF80] =	vst v62  }
0x84: {  	[tilespmem:s23+$0x20] =	vst v1;
	v1 =	vmul.f32 v42, v56  }
0x85: {  	v3 =	vmul.f32 v48, v2;
	[tilespmem:s23+$0xFFFFFF30] =	vst v63  }
0x86: {  	s20 =	sadd.s32 $0x1, s20;
	[tilespmem:s23+$0x50] =	vst v1;
	v1 =	vmul.f32 v51, v2  }
0x87: {  	p0 =	sne.s32 s20, $0x50;
	[tilespmem:s23+$0x0] =	vst v3  }
.Ltmp2:
0x88: {  	s22 =	sadd.s32 $0x7700, s22;
	[tilespmem:s23+$0x10] =	vst v1;
	(pc) =	sbr.rel @p0 .LBB2_4-.Ltmp2, $4  }
0x89: {  	[spmem:s2] =	stream.indirect.scatter.add.f32 [tilespmem:s17], [sflag:$0x2], $0x20, s22, s16, $0xb8;
	[tilespmem:$0x12600] =	vst v63  }
0x8a: {  	_ =	swait.ge [sflag:s12], $0x1000  }
0x8b: {  	[sflag:s12] =	ssyncset.done $0x0  }
0x8c: {  	s21 =	sadd.s32 $0x80, s21;
	[sflag:s12] =	ssyncadd.s32 $0xFFFFF000  }
0x8d: {  	s19 =	sadd.s32 $0x1, s19  }
0x8e: {  	s20 =	sshll.u32 s1, $0x6;
	[bflag:$0x0] =	sbarrier.arrive $0xFFFF;
	p0 =	sne.s32 s19, s10  }
.Ltmp3:
0x8f: {  	s21 =	sshrl.u32 s8, $0x3;
	s20 =	sor.u32 $0x1C02, s20;
	(pc) =	sbr.rel @p0 .LBB2_1-.Ltmp3, $4  }
0x90: {  	[hbm:s9], [sflag:s20] =	dma.local [spmem:s21], $0x9E0  }
0x91: {  	_ =	swait.ge [sflag:s12], $0x9E0  }
0x92: {  	[sflag:s12] =	ssyncset.done $0x0  }
0x93: {  	[sflag:s12] =	ssyncadd.s32 $0xFFFFF620  }
0x94: {  	_ =	sfence.sel $0x180000  }
0x95: {  	[bflag:$0x0] =	sbarrier.arrive $0xFFFF  }
0x96: {  	p0 =	sne.s32 s1, $0x0;
	_ =	strace $0x9000004A  }
0x97: {  	s0 =	sadd.s32 @!p0 $0x100000, s0;
	[bflag:$0x2] =	sbarrier.arrive $0xFFFF  }
0x98: {  	[sflag:s0] =	ssyncadd.tile.s32 @!p0 $0x1;
	_ =	shalt  }
.Lfunc_end2:
_tile_overlayer_lowered:
.L_overlay_start_2:
0x99: {  	(tag) =	ssettag $0x2  }
0x9a: {  	s0 =	rddreg [dreg:$0x0];
	s2 =	stileid.u32  }
0x9b: {  	s1 =	rddreg [dreg:$0x1];
	p0 =	sne.s32 s2, $0x0  }
0x9c: {  	s3 =	rddreg [dreg:$0x2];
	[bflag:$0x3] =	sbarrier.arrive $0xFFFF;
	s2 =	simm.s32 @!p0 $0x1C02  }
0x9d: {  	[timem:s3], [sflag:s2] =	dma.local @!p0 [hbm:s0], s1  }
0x9e: {  	s0 =	simm.s32 @!p0 $0x2  }
0x9f: {  	_ =	swait.ge @!p0 [sflag:s0], s1  }
0xa0: {  	s1 =	ssub.s32 @!p0 $0x0, s1;
	[sflag:s0] =	ssyncset.done @!p0 $0x0  }
0xa1: {  	[sflag:s0] =	ssyncadd.s32 @!p0 s1  }
0xa2: {  	[bflag:$0x3] =	sbarrier.arrive $0xFFFF  }
0xa3: {  	_ =	shalt  }

// kernel: kernel.20.cloned.1.call-start
scs
__scs_entry_jumppad:
0x0: {  	(pc) =	sbr.rel $0x88, $3  }
0x1: {  	(tag) =	ssettag $0x0;
	lr =	simm.s32 $0x1  }
0x2: {  	[smem:$0x3F8A] =	sst lr;
	_ =	strace $0xD0000000  }
0x3: {  	_ = 	snop  }
0x4: {  	_ = 	snop  }
0x5: {  	_ = 	snop  }
0x6: {  	_ = 	snop  }
0x7: {  	_ = 	snop  }
__scs_overlays_trampoline_lowered:
0x8: {  	[smem:$0x3F99] =	sst s0  }
0x9: {  	[smem:$0x3F9A] =	sst s1  }
0xa: {  	[smem:$0x3F9B] =	sst s2  }
0xb: {  	[smem:$0x3F9C] =	sst s3  }
0xc: {  	[smem:$0x3F9D] =	sst s4  }
0xd: {  	[smem:$0x3F9E] =	sst s5  }
0xe: {  	[smem:$0x3F9F] =	sst s6  }
0xf: {  	[smem:$0x3FA0] =	sst s7  }
0x10: {  	[smem:$0x3FA1] =	sst s8  }
0x11: {  	[smem:$0x3FA2] =	sst s9;
	s0 =	simm.s32 @!p0 $0x0  }
0x12: {  	s1 =	sld [smem:$0x3F88];
	s0 =	simm.s32 @p0 $0x1  }
0x13: {  	[smem:$0x3FA3] =	sst s0;
	s0 =	simm.s32 @!p1 $0x0  }
0x14: {  	s2 =	sld [smem:$0x3F87];
	s0 =	simm.s32 @p1 $0x1  }
0x15: {  	[smem:$0x3FA4] =	sst s0;
	s0 =	simm.s32 @!p2 $0x0  }
0x16: {  	s3 =	sld [smem:$0x3FDB];
	s0 =	simm.s32 @p2 $0x1  }
0x17: {  	s4 =	simm.s32 $0x1BF5;
	[smem:$0x3FA6] =	sst s0  }
0x18: {  	s0 =	sld [smem:$0x3F89];
	_ =	swait.ge [sflag:s4], $0x0  }
0x19: {  	s7 =	sld [smem:$0x3F8A]  }
0x1a: {  	s8 =	sadd.s32 $0xFFFFE003, lr  }
0x1b: {  	s9 =	sadd.s32 $0xFFFFFEF7, lr;
	s5 =	simm.s32 $0xFFFFFFFF;
	p2 =	slt.u32 s8, $0xFFFFF086  }
0x1c: {  	p1 =	slt.u32 s9, $0xF7A;
	s5 =	simm.s32 @!p2 $0x0  }
0x1d: {  	s5 =	simm.s32 @p1 $0x1;
	p0 =	seq.s32 s7, s2  }
0x1e: {  	s7 =	smul.u32 @!p0 $0xF7A, s2;
	p2 =	seq.s32 @!p0 s5, $0x0  }
0x1f: {  	s9 =	smul.u32 $0xF7A, s1;
	s8 =	simm.s32 @!p0 $0x1BF5;
	p2 =	por !p2, p0  }
0x20: {  	[sflag:s8] =	ssyncset.s32 @!p0 $0xFFFFF086;
	s6 =	sadd.s32 @!p0 s3, s7;
	s7 =	simm.s32 @!p0 $0x108  }
0x21: {  	s3 =	sadd.s32 s3, s9;
	s6 =	sadd.s32 @!p0 $0x88, s6;
	s7 =	simm.s32 @p2 $0x1082  }
0x22: {  	[simem:s7], [sflag:s8] =	dma.local @!p0 [hbm:s6], $0xF7A  }
0x23: {  	s9 =	sor.u32 $0xD0000000, s2;
	s6 =	simm.s32 $0x108;
	_ =	swait.ge @!p0 [sflag:s8], $0x0  }
0x24: {  	s3 =	sadd.s32 $0x88, s3;
	s6 =	simm.s32 @!p1 $0x1082;
	[sflag:s4] =	ssyncset.s32 $0xFFFFF086  }
0x25: {  	[simem:s6], [sflag:s4] =	dma.local [hbm:s3], $0xF7A  }
0x26: {  	[smem:$0x3F8A] =	sst s1;
	(tag) =	ssettag s2;
	_ =	strace s9  }
0x27: {  	s1 =	sld [smem:$0x3F9A]  }
0x28: {  	s2 =	sld [smem:$0x3F9B]  }
0x29: {  	s4 =	sld [smem:$0x3F9D]  }
0x2a: {  	p0 =	seq.s32 s5, $0x0;
	s5 =	sld [smem:$0x3F9E]  }
0x2b: {  	s6 =	sld [smem:$0x3F9F]  }
0x2c: {  	s7 =	sld [smem:$0x3FA0]  }
0x2d: {  	s3 =	simm.s32 $0x108;
	s8 =	sld [smem:$0x3FA1]  }
0x2e: {  	s3 =	simm.s32 @!p0 $0x1082;
	s9 =	sld [smem:$0x3FA2]  }
0x2f: {  	lr =	sadd.s32 s0, s3;
	s0 =	sld [smem:$0x3F99]  }
0x30: {  	s3 =	sld [smem:$0x3F9C]  }
0x31: {  	[smem:$0x3FA5] =	sst s10  }
0x32: {  	s10 =	sld [smem:$0x3FA3];
	_ =	sdelay $0x3  }
0x33: {  	p0 =	seq.s32 s10, $0x1;
	s10 =	sld [smem:$0x3FA5];
	_ =	sdelay $0x3  }
0x34: {  	[smem:$0x3FA5] =	sst s10  }
0x35: {  	s10 =	sld [smem:$0x3FA4];
	_ =	sdelay $0x3  }
0x36: {  	p1 =	seq.s32 s10, $0x1;
	s10 =	sld [smem:$0x3FA5];
	_ =	sdelay $0x3  }
0x37: {  	[smem:$0x3FA5] =	sst s10  }
0x38: {  	s10 =	sld [smem:$0x3FA6]  }
0x39: {  	_ = 	snop;
	(pc) =	sbr.ind lr, $3  }
0x3a: {  	_ = 	snop  }
0x3b: {  	_ = 	snop  }
0x3c: {  	p2 =	seq.s32 s10, $0x1;
	s10 =	sld [smem:$0x3FA5]  }
0x3d: {  	_ =	shalt  }
0x3e: {  	_ =	shalt  }
0x3f: {  	_ =	shalt  }
0x40: {  	_ =	shalt  }
0x41: {  	_ =	shalt  }
0x42: {  	_ =	shalt  }
0x43: {  	_ =	shalt  }
0x44: {  	_ =	shalt  }
0x45: {  	_ =	shalt  }
0x46: {  	_ =	shalt  }
0x47: {  	_ =	shalt  }
0x48: {  	_ =	shalt  }
0x49: {  	_ =	shalt  }
0x4a: {  	_ =	shalt  }
0x4b: {  	_ =	shalt  }
0x4c: {  	_ =	shalt  }
0x4d: {  	_ =	shalt  }
0x4e: {  	_ =	shalt  }
0x4f: {  	_ =	shalt  }
0x50: {  	_ =	shalt  }
0x51: {  	_ =	shalt  }
0x52: {  	_ =	shalt  }
0x53: {  	_ =	shalt  }
0x54: {  	_ =	shalt  }
0x55: {  	_ =	shalt  }
0x56: {  	_ =	shalt  }
0x57: {  	_ =	shalt  }
0x58: {  	_ =	shalt  }
0x59: {  	_ =	shalt  }
0x5a: {  	_ =	shalt  }
0x5b: {  	_ =	shalt  }
0x5c: {  	_ =	shalt  }
0x5d: {  	_ =	shalt  }
0x5e: {  	_ =	shalt  }
0x5f: {  	_ =	shalt  }
0x60: {  	_ =	shalt  }
0x61: {  	_ =	shalt  }
0x62: {  	_ =	shalt  }
0x63: {  	_ =	shalt  }
0x64: {  	_ =	shalt  }
0x65: {  	_ =	shalt  }
0x66: {  	_ =	shalt  }
0x67: {  	_ =	shalt  }
0x68: {  	_ =	shalt  }
0x69: {  	_ =	shalt  }
0x6a: {  	_ =	shalt  }
0x6b: {  	_ =	shalt  }
0x6c: {  	_ =	shalt  }
0x6d: {  	_ =	shalt  }
0x6e: {  	_ =	shalt  }
0x6f: {  	_ =	shalt  }
0x70: {  	_ =	shalt  }
0x71: {  	_ =	shalt  }
0x72: {  	_ =	shalt  }
0x73: {  	_ =	shalt  }
0x74: {  	_ =	shalt  }
0x75: {  	_ =	shalt  }
0x76: {  	_ =	shalt  }
0x77: {  	_ =	shalt  }
0x78: {  	_ =	shalt  }
0x79: {  	_ =	shalt  }
0x7a: {  	_ =	shalt  }
0x7b: {  	_ =	shalt  }
0x7c: {  	_ =	shalt  }
0x7d: {  	_ =	shalt  }
0x7e: {  	_ =	shalt  }
0x7f: {  	_ =	shalt  }
0x80: {  	_ =	shalt  }
0x81: {  	_ =	shalt  }
0x82: {  	_ =	shalt  }
0x83: {  	_ =	shalt  }
0x84: {  	_ =	shalt  }
0x85: {  	_ =	shalt  }
0x86: {  	_ =	shalt  }
0x87: {  	_ =	shalt  }
.Lfunc_end0:
.L_simem_size_0:
called_computation.2_lowered:
.L_overlay_start_0:
0x88: {  	s2 =	sld [smem:$0x3FD9]  }
0x89: {  	s3 =	sld [smem:$0x3FFE];
	_ =	sdelay $0x1  }
0x8a: {  	s1 =	srdreg.scid  }
0x8b: {  	s0 =	sand.u32 $0x1, s1  }
0x8c: {  	s16 =	sshll.u32 s0, $0xA;
	s2 =	sadd.s32 s3, s2  }
0x8d: {  	s2 =	sadd.s32 s2, s16  }
0x8e: {  	[smem:$0x3FB1] =	sst s2  }
0x8f: {  	_ = 	snop  }
0x90: {  	(tm) =	ssettm $0x1  }
0x91: {  	s17 =	sld [smem:$0x3FFB];
	_ =	sdelay $0x3  }
0x92: {  	_ =	strace s17  }
0x93: {  	s2 =	sld [smem:$0x3FFC];
	_ =	sdelay $0x3  }
0x94: {  	_ =	strace s2  }
0x95: {  	s2 =	sld [smem:$0x3FFD];
	_ =	sdelay $0x3  }
0x96: {  	_ =	strace s2  }
0x97: {  	_ =	strace $0x8FFFFFFF  }
0x98: {  	s18 =	sld [smem:$0x3FDB];
	_ =	sdelay $0x1  }
0x99: {  	s19 =	simm.s32 $_scs_section_size  }
0x9a: {  	s4 =	simm.s32 $_size__tile_overlayer_lowered;
	s5 =	simm.s32 $_tile_overlayer_lowered  }
0x9b: {  	s22 =	simm.s32 $0x1BFF;
	s21 =	sshll.u32 s5, $0x1;
	s2 =	sadd.s32 s19, s18  }
0x9c: {  	s6 =	simm.s32 $0x0;
	s20 =	sshll.u32 s4, $0x1;
	s4 =	sadd.s32 s21, s2  }
0x9d: {  	[timem:s6], [sflag:s22] =	dma.local [hbm:s4], s20  }
0x9e: {  	_ =	swait.ge [sflag:s22], s20  }
0x9f: {  	s3 =	ssub.s32 $0x0, s20;
	[sflag:s22] =	ssyncset.done $0x0  }
0xa0: {  	[sflag:s22] =	ssyncadd.s32 s3;
	_ =	sdelay $0x1  }
0xa1: {  	s23 =	simm.s32 $0x1B8B  }
0xa2: {  	_ =	swait.ge [sflag:s23], $0x1  }
0xa3: {  	[sflag:s23] =	ssyncset.done $0x0  }
0xa4: {  	s25 =	simm.s32 $0x1B8E;
	s24 =	sld [smem:$0x3FFE];
	[sflag:s23] =	ssyncadd.s32 $0xFFFFFFFF  }
0xa5: {  	s26 =	simm.s32 $execute0_lowered;
	[smem:$0x3FD2] =	sst s25  }
0xa6: {  	s4 =	sshll.u32 s26, $0x1;
	_ =	strace $0x8000004C;
	[dreg:$0x1] =	wrdreg $0xFFFFFFFF  }
0xa7: {  	s28 =	simm.s32 $_size_execute0_lowered;
	s2 =	sadd.s32 s2, s4;
	[dreg:$0x0] =	wrdreg $0x0  }
0xa8: {  	s4 =	sshll.u32 s28, $0x1;
	[dreg:$0x2] =	wrdreg s2  }
0xa9: {  	[dreg:$0x3] =	wrdreg s4  }
0xaa: {  	[dreg:$0x4] =	wrdreg $0xC0  }
0xab: {  	_ =	task [dreg:s6], $0x5FFFF  }
0xac: {  	[dreg:$0x1] =	wrdreg $0xFFFFFFFF  }
0xad: {  	[dreg:$0x0] =	wrdreg $0x60  }
0xae: {  	[dreg:$0x2] =	wrdreg s24  }
0xaf: {  	[dreg:$0x3] =	wrdreg $0x0  }
0xb0: {  	[dreg:$0x4] =	wrdreg $0x9  }
0xb1: {  	_ =	task.clear_ibuf [dreg:s6], $0x5FFFF;
	_ =	strace $0x9000004C  }
0xb2: {  	s29 =	simm.s32 $0x9;
	_ =	strace $0x8000004E  }
0xb3: {  	_ =	swait.ge [sflag:s29], $0x1  }
0xb4: {  	[sflag:s29] =	ssyncadd.s32 $0xFFFFFFFF  }
0xb5: {  	_ =	strace $0x9000004E  }
0xb6: {  	_ =	sfence  }
0xb7: {  	s30 =	sld [smem:$0x0];
	_ =	sdelay $0x2  }
0xb8: {  	s31 =	sshll.u32 s1, $0xD;
	s1 =	sshrl.u32 s1, $0x2  }
0xb9: {  	s3 =	sand.u32 $0x4000, s31;
	s1 =	sadd.s32 s1, s30  }
0xba: {  	s0 =	sor.u32 s3, s0;
	s1 =	sshll.u32 s1, $0x11  }
0xbb: {  	s0 =	sor.u32 s1, s0  }
0xbc: {  	s0 =	sadd.s32 $0x8F2B, s0  }
0xbd: {  	[sflag:s0] =	ssyncadd.remote.s32 $0x1  }
0xbe: {  	_ =	sfence.sel $0xFFFF  }
0xbf: {  	[dreg:$0x0] =	wrdreg $0xFFFFFFFF;
	(pc) =	sbr.abs _section_cstart, $3  }
0xc0: {  	[dreg:$0x1] =	wrdreg $0xFFFFFFFF  }
0xc1: {  	_ =	task.clear_ibuf [dreg:s6], $0x2FFFF;
	_ =	strace $0x9FFFFFFF  }
0xc2: {  	(tm) =	ssettm $0x7FFFFFFF  }
0xc3: {  	_ =	shalt  }
tec
execute0_lowered:
.L_overlay_start_1:
0x0: {  	(tag) =	ssettag $0x1  }
0x1: {  	s5 =	rddreg [dreg:$0x0]  }
0x2: {  	s2 =	rddreg [dreg:$0x1]  }
0x3: {  	s0 =	rddreg [dreg:$0x2];
	s4 =	srdreg.scid  }
0x4: {  	s1 =	stileid.u32;
	s3 =	simm.s32 $0x0;
	s13 =	simm.s32 $0x7700  }
0x5: {  	s14 =	simm.s32 $0x9F00;
	s15 =	simm.s32 $0xD700;
	s16 =	simm.s32 $0x80  }
0x6: {  	s17 =	simm.s32 $0xC700;
	s18 =	simm.s32 $0x1;
	s19 =	simm.s32 $0x0  }
0x7: {  	s4 =	sand.u32 $0x1, s4;
	s8 =	smul.u32 $0x4F00, s1;
	[smem:$0x7FF] =	sst s3  }
0x8: {  	s6 =	sshll.u32 s4, $0x4;
	s7 =	smul.u32 $0x4F000, s4;
	_ =	strace $0x8000004D  }
0x9: {  	s9 =	ssub.s32 $0x2, s4;
	s4 =	sadd.s32 $0x5200, s5;
	s6 =	sor.u32 s1, s6  }
0xa: {  	s10 =	sshrl.u32 s9, $0x1;
	s6 =	smul.u32 $0x500, s6;
	s7 =	sadd.s32 s8, s7  }
0xb: {  	s10 =	ssub.s32 s9, s10;
	s8 =	sadd.s32 s8, s2;
	s7 =	sshrl.u32 s7, $0x3  }
0xc: {  	s10 =	smax.u32 s10, $0x1;
	s11 =	sadd.s32 s6, s5;
	s12 =	sadd.s32 s7, s5  }
0xd: {  	s5 =	sadd.s32 $0x23000, s11;
	s6 =	sadd.s32 $0x19000, s11;
	s7 =	sadd.s32 $0xF000, s11  }
0xe: {  	v0 =	vimm.f32 $0.0e+00;
	s9 =	sadd.s32 $0x2D000, s12;
	s11 =	simm.s32 $0x4F00;
	s12 =	simm.s32 $0x2  }
.LBB2_1:
0xf: {  	[tilespmem:s11], [sflag:$0x2] =	stream.linear.gather [hbm4b:s5+s3], $0x2800, $0x38;
	[tilespmem:$0x12600] =	vst v63  }
0x10: {  	_ =	swait.ge [sflag:s12], $0x2800  }
0x11: {  	[sflag:s12] =	ssyncset.done $0x0  }
0x12: {  	[sflag:s12] =	ssyncadd.s32 $0xFFFFD800  }
0x13: {  	[tilespmem:s13], [sflag:$0x2] =	stream.linear.gather [hbm4b:s6+s3], $0x2800, $0x38;
	[tilespmem:$0x12600] =	vst v63  }
0x14: {  	_ =	swait.ge [sflag:s12], $0x2800  }
0x15: {  	[sflag:s12] =	ssyncset.done $0x0  }
0x16: {  	[sflag:s12] =	ssyncadd.s32 $0xFFFFD800  }
0x17: {  	[tilespmem:s14], [sflag:$0x2] =	stream.linear.gather [hbm4b:s7+s3], $0x2800, $0x38;
	[tilespmem:$0x12600] =	vst v63  }
0x18: {  	_ =	swait.ge [sflag:s12], $0x2800  }
0x19: {  	[sflag:s12] =	ssyncset.done $0x0  }
0x1a: {  	s20 =	simm.s32 $0x80;
	s21 =	simm.s32 $0x0;
	[sflag:s12] =	ssyncadd.s32 $0xFFFFD800  }
.LBB2_2:
0x1b: {  	p0 =	sne.s32 s20, $0x13B80;
	[tilespmem:s21+$0xD700] =	vst v0;
	s22 =	smov.u32 s20;
	s20 =	sadd.s32 $0x80, s20  }
.Ltmp0:
0x1c: {  	[tilespmem:s21+$0xD710] =	vst v0;
	(pc) =	sbr.rel @p0 .LBB2_2-.Ltmp0, $2  }
0x1d: {  	_ =	sdelay $0x2  }
0x1e: {  	s21 =	sshra.s32 s22, $0x2  }
0x1f: {  	[tilespmem:s21+$0xD700] =	vst v0  }
0x20: {  	[tilespmem:s21+$0xD710] =	vst v0  }
0x21: {  	[spmem:s8] =	stream.linear.scatter [tilespmem:s15], [sflag:$0x2], $0x4F00, $0x38;
	[tilespmem:$0x12600] =	vst v63  }
0x22: {  	_ =	swait.ge [sflag:s12], $0x4F00  }
0x23: {  	[sflag:s12] =	ssyncset.done $0x0  }
0x24: {  	[sflag:s12] =	ssyncadd.s32 $0xFFFFB100  }
0x25: {  	s20 =	simm.s32 $0x0;
	s21 =	simm.s32 $0x9F00;
	[bflag:$0x0] =	sbarrier.arrive $0xFFFF  }
.LBB2_4:
0x26: {  	s22 =	sshll.u32 s20, $0x7  }
0x27: {  	s23 =	sadd.s32 $0x4F00, s22  }
0x28: {  	[tilespmem:s17], [sflag:$0x1] =	stream.indirect.gather [hbm4b:s4+s16], $0x20, s23, s16, $0xb8;
	[tilespmem:$0x12600] =	vst v63  }
0x29: {  	_ =	swait.ge [sflag:s18], $0x1000  }
0x2a: {  	[sflag:s18] =	ssyncset.done $0x0  }
0x2b: {  	s23 =	simm.s32 $0xC800;
	[sflag:s18] =	ssyncadd.s32 $0xFFFFF000  }
0x2c: {  	v7 =	vld [tilespmem:s23+$0xFFFFFFA0]  }
0x2d: {  	v4 =	vld [tilespmem:s23+$0xFFFFFFF0]  }
0x2e: {  	v1 =	vld [tilespmem:s23+$0xFFFFFF60]  }
0x2f: {  	v5 =	vmov s21;
	v8 =	vld [tilespmem:s23+$0xFFFFFFD0]  }
0x30: {  	v9 =	vld [tilespmem:s23+$0x80]  }
0x31: {  	v12 =	vld [tilespmem:s23+$0xFFFFFF10]  }
0x32: {  	v16 =	vld [tilespmem:s23+$0xE0]  }
0x33: {  	s24 =	simm.s32 $0x0;
	v11 =	vld [tilespmem:s23+$0xFFFFFF40]  }
0x34: {  	v2 =	vld.idx.msk [tilespmem:v5+s24+$0x0 ss:$0x1], $0xffff  }
0x35: {  	v3 =	vld [tilespmem:s23+$0xFFFFFF90]  }
0x36: {  	v10 =	vld [tilespmem:s23+$0xFFFFFFC0]  }
0x37: {  	v13 =	vld [tilespmem:s23+$0xFFFFFF00]  }
0x38: {  	v14 =	vld [tilespmem:s23+$0xD0]  }
0x39: {  	v23 =	vld [tilespmem:s23+$0xC0]  }
0x3a: {  	v21 =	vld [tilespmem:s23+$0x90];
	v19 =	vbroadcast v2, $0x0;
	v6 =	vbroadcast v2, $0xF  }
0x3b: {  	v22 =	vld [tilespmem:s23+$0xFFFFFF50];
	v20 =	vbroadcast v2, $0x2;
	v18 =	vbroadcast v2, $0xE  }
0x3c: {  	v17 =	vld [tilespmem:s23+$0xB0];
	v15 =	vbroadcast v2, $0xC;
	v25 =	vmul.f32 v19, v13  }
0x3d: {  	s25 =	simm.s32 $0xC800;
	s24 =	simm.s32 $0x40;
	v13 =	vbroadcast v2, $0xD;
	v24 =	vmul.f32 v11, v20;
	v11 =	vld [tilespmem:s23+$0x60]  }
.LBB2_5:
0x3e: {  	p0 =	sne.s32 s24, $0x1C0  }
0x3f: {  	[tilespmem:s23+$0xFFFFFF00] =	vst v25;
	v25 =	vld [tilespmem:s23+$0xFFFFFFB0];
	v23 =	vmul.f32 v23, v18;
	v16 =	vmul.f32 v16, v6;
	s25 =	sadd.s32 $0x200, s25;
	s26 =	smov.u32 s24;
	s24 =	sadd.s32 $0x40, s24  }
0x40: {  	[tilespmem:s23+$0xFFFFFF40] =	vst v24;
	v24 =	vbroadcast v2, $0xA;
	v21 =	vmul.f32 v21, v15;
	v26 =	vld [tilespmem:s23+$0xA0]  }
0x41: {  	v12 =	vmul.f32 v12, v19;
	v19 =	vmul.f32 v22, v20;
	v20 =	vld [tilespmem:s23+$0x70];
	[tilespmem:s23+$0xE0] =	vst v16  }
0x42: {  	v16 =	vbroadcast v2, $0x5;
	v22 =	vld [tilespmem:s23+$0xFFFFFFE0];
	v17 =	vmul.f32 v17, v13;
	[tilespmem:s23+$0xC0] =	vst v23  }
0x43: {  	v14 =	vmul.f32 v14, v18;
	[tilespmem:s23+$0xFFFFFF10] =	vst v12;
	v12 =	vbroadcast v2, $0x6;
	v23 =	vld [tilespmem:s23+$0x40]  }
0x44: {  	v27 =	vbroadcast v2, $0xB;
	v7 =	vmul.f32 v7, v16;
	v18 =	vld [tilespmem:s23+$0xFFFFFF20];
	[tilespmem:s23+$0x90] =	vst v21  }
0x45: {  	[tilespmem:s23+$0xFFFFFF50] =	vst v19;
	v19 =	vbroadcast v2, $0x9;
	v21 =	vld [tilespmem:s23+$0x20];
	v13 =	vmul.f32 v26, v13  }
0x46: {  	v16 =	vmul.f32 v25, v16;
	v25 =	vld [tilespmem:s23+$0x50];
	v20 =	vmul.f32 v20, v27;
	[tilespmem:s23+$0xD0] =	vst v14  }
0x47: {  	v9 =	vmul.f32 v9, v15;
	v14 =	vbroadcast v2, $0x7;
	v26 =	vld [tilespmem:s23+$0x30];
	[tilespmem:s23+$0xA0] =	vst v13  }
0x48: {  	v10 =	vmul.f32 v10, v12;
	v13 =	vbroadcast v2, $0x3;
	v15 =	vld [tilespmem:s23+$0x0];
	[tilespmem:s23+$0x70] =	vst v20  }
0x49: {  	v11 =	vmul.f32 v11, v27;
	v8 =	vmul.f32 v8, v12;
	v12 =	vld [tilespmem:s23+$0x10];
	[tilespmem:s23+$0x80] =	vst v9  }
0x4a: {  	v20 =	vbroadcast v2, $0x8;
	v23 =	vmul.f32 v23, v24;
	v9 =	vld [tilespmem:s23+$0xFFFFFF30];
	[tilespmem:s23+$0xB0] =	vst v17  }
0x4b: {  	v17 =	vbroadcast v2, $0x1;
	v27 =	vld [tilespmem:s23+$0xFFFFFF70];
	[tilespmem:s23+$0xFFFFFFD0] =	vst v8;
	v24 =	vmul.f32 v25, v24  }
0x4c: {  	v4 =	vmul.f32 v4, v14;
	v8 =	vmul.f32 v22, v14;
	[tilespmem:s23+$0xFFFFFFC0] =	vst v10;
	v10 =	vld [tilespmem:s23+$0xF0]  }
0x4d: {  	v22 =	vmul.f32 v26, v19;
	v14 =	vld [tilespmem:s23+$0xFFFFFF80];
	[tilespmem:s23+$0xFFFFFFA0] =	vst v7;
	v15 =	vmul.f32 v15, v20  }
0x4e: {  	v7 =	vld [tilespmem:s25+$0xFFFFFFA0];
	[tilespmem:s23+$0xFFFFFFF0] =	vst v4;
	v20 =	vmul.f32 v12, v20;
	v12 =	vmul.f32 v21, v19  }
0x4f: {  	v4 =	vmul.f32 v18, v17;
	v17 =	vmul.f32 v9, v17;
	[tilespmem:s23+$0x60] =	vst v11  }
0x50: {  	v1 =	vmul.f32 v1, v13;
	v9 =	vmul.f32 v27, v13;
	[tilespmem:s23+$0xFFFFFFB0] =	vst v16  }
0x51: {  	v2 =	vbroadcast v2, $0x4;
	[tilespmem:s23+$0xFFFFFF20] =	vst v4;
	v4 =	vmul.f32 v10, v6  }
0x52: {  	[tilespmem:s23+$0xFFFFFF60] =	vst v1  }
0x53: {  	v6 =	vmul.f32 v14, v2;
	v1 =	vmul.f32 v3, v2;
	[tilespmem:s23+$0x40] =	vst v23  }
0x54: {  	[tilespmem:s23+$0xFFFFFFE0] =	vst v8  }
0x55: {  	[tilespmem:s23+$0xF0] =	vst v4  }
0x56: {  	[tilespmem:s23+$0xFFFFFF90] =	vst v1  }
0x57: {  	[tilespmem:s23+$0xFFFFFF70] =	vst v9  }
0x58: {  	v4 =	vld [tilespmem:s25+$0xFFFFFFF0];
	[tilespmem:s23+$0x20] =	vst v12  }
0x59: {  	v1 =	vld [tilespmem:s25+$0xFFFFFF60];
	[tilespmem:s23+$0x30] =	vst v22  }
0x5a: {  	v8 =	vld [tilespmem:s25+$0xFFFFFFD0];
	[tilespmem:s23+$0xFFFFFF80] =	vst v6  }
0x5b: {  	v9 =	vld [tilespmem:s25+$0x80];
	[tilespmem:s23+$0x50] =	vst v24  }
0x5c: {  	v12 =	vld [tilespmem:s25+$0xFFFFFF10];
	[tilespmem:s23+$0x0] =	vst v15  }
0x5d: {  	v16 =	vld [tilespmem:s25+$0xE0];
	[tilespmem:s23+$0xFFFFFF30] =	vst v17  }
0x5e: {  	s26 =	sshra.s32 s26, $0x2;
	v11 =	vld [tilespmem:s25+$0xFFFFFF40];
	[tilespmem:s23+$0x10] =	vst v20;
	s23 =	smov.u32 s25  }
0x5f: {  	v2 =	vld.idx.msk [tilespmem:v5+s26+$0x0 ss:$0x1], $0xffff  }
0x60: {  	v3 =	vld [tilespmem:s25+$0xFFFFFF90]  }
0x61: {  	v10 =	vld [tilespmem:s25+$0xFFFFFFC0]  }
0x62: {  	v13 =	vld [tilespmem:s25+$0xFFFFFF00]  }
0x63: {  	v14 =	vld [tilespmem:s25+$0xD0]  }
.Ltmp1:
0x64: {  	v23 =	vld [tilespmem:s25+$0xC0];
	(pc) =	sbr.rel @p0 .LBB2_5-.Ltmp1, $4  }
0x65: {  	v19 =	vbroadcast v2, $0x0;
	v6 =	vbroadcast v2, $0xF;
	v21 =	vld [tilespmem:s25+$0x90]  }
0x66: {  	v20 =	vbroadcast v2, $0x2;
	v18 =	vbroadcast v2, $0xE;
	v22 =	vld [tilespmem:s25+$0xFFFFFF50]  }
0x67: {  	v25 =	vmul.f32 v19, v13;
	v13 =	vbroadcast v2, $0xD;
	v17 =	vld [tilespmem:s25+$0xB0]  }
0x68: {  	v15 =	vbroadcast v2, $0xC;
	v24 =	vmul.f32 v11, v20;
	v11 =	vld [tilespmem:s25+$0x60]  }
0x69: {  	[tilespmem:s23+$0xFFFFFF00] =	vst v25;
	v5 =	vmul.f32 v16, v6  }
0x6a: {  	v30 =	vmul.f32 v23, v18;
	[tilespmem:s23+$0xFFFFFF40] =	vst v24  }
0x6b: {  	v12 =	vmul.f32 v12, v19;
	[tilespmem:s23+$0xE0] =	vst v5  }
0x6c: {  	v35 =	vmul.f32 v14, v18;
	[tilespmem:s23+$0xC0] =	vst v30  }
0x6d: {  	v33 =	vmul.f32 v21, v15;
	[tilespmem:s23+$0xFFFFFF10] =	vst v12  }
0x6e: {  	v41 =	vbroadcast v2, $0x6;
	v9 =	vmul.f32 v9, v15;
	[tilespmem:s23+$0xD0] =	vst v35  }
0x6f: {  	v20 =	vmul.f32 v22, v20;
	[tilespmem:s23+$0x90] =	vst v33  }
0x70: {  	v45 =	vbroadcast v2, $0x5;
	v8 =	vmul.f32 v8, v41;
	[tilespmem:s23+$0x80] =	vst v9  }
0x71: {  	v47 =	vbroadcast v2, $0x7;
	v10 =	vmul.f32 v10, v41;
	[tilespmem:s23+$0xFFFFFF50] =	vst v20  }
0x72: {  	v54 =	vbroadcast v2, $0x3;
	v7 =	vmul.f32 v7, v45;
	[tilespmem:s23+$0xFFFFFFD0] =	vst v8  }
0x73: {  	v31 =	vld [tilespmem:s23+$0xA0];
	v59 =	vbroadcast v2, $0x4;
	v4 =	vmul.f32 v4, v47;
	[tilespmem:s23+$0xFFFFFFC0] =	vst v10  }
0x74: {  	v32 =	vld [tilespmem:s23+$0x70];
	v1 =	vmul.f32 v1, v54;
	[tilespmem:s23+$0xFFFFFFA0] =	vst v7  }
0x75: {  	v34 =	vld [tilespmem:s23+$0xFFFFFFB0];
	v37 =	vbroadcast v2, $0xB;
	v3 =	vmul.f32 v3, v59;
	[tilespmem:s23+$0xFFFFFFF0] =	vst v4  }
0x76: {  	v36 =	vld [tilespmem:s23+$0xFFFFFF20];
	v43 =	vmul.f32 v17, v13;
	[tilespmem:s23+$0xFFFFFF60] =	vst v1  }
0x77: {  	v40 =	vld [tilespmem:s23+$0x40];
	v11 =	vmul.f32 v11, v37;
	[tilespmem:s23+$0xFFFFFF90] =	vst v3  }
0x78: {  	v38 =	vld [tilespmem:s23+$0xFFFFFFE0];
	v39 =	vmul.f32 v31, v13;
	[tilespmem:s23+$0xB0] =	vst v43  }
0x79: {  	v52 =	vbroadcast v2, $0x1;
	v55 =	vld [tilespmem:s23+$0xF0];
	v19 =	vmul.f32 v32, v37;
	[tilespmem:s23+$0x60] =	vst v11  }
0x7a: {  	v49 =	vld [tilespmem:s23+$0xFFFFFF70];
	v56 =	vbroadcast v2, $0xA;
	v53 =	vmul.f32 v34, v45;
	[tilespmem:s23+$0xA0] =	vst v39  }
0x7b: {  	v46 =	vld [tilespmem:s23+$0x30];
	v14 =	vmul.f32 v36, v52;
	[tilespmem:s23+$0x70] =	vst v19  }
0x7c: {  	v50 =	vld [tilespmem:s23+$0xFFFFFF80];
	v58 =	vmul.f32 v40, v56;
	[tilespmem:s23+$0xFFFFFFB0] =	vst v53  }
0x7d: {  	v44 =	vld [tilespmem:s23+$0x20];
	v5 =	vmul.f32 v38, v47;
	[tilespmem:s23+$0xFFFFFF20] =	vst v14  }
0x7e: {  	v57 =	vld [tilespmem:s23+$0xFFFFFF30];
	v60 =	vbroadcast v2, $0x9;
	v1 =	vmul.f32 v55, v6;
	[tilespmem:s23+$0x40] =	vst v58  }
0x7f: {  	v42 =	vld [tilespmem:s23+$0x50];
	v61 =	vmul.f32 v49, v54;
	[tilespmem:s23+$0xFFFFFFE0] =	vst v5  }
0x80: {  	v48 =	vld [tilespmem:s23+$0x0];
	v3 =	vmul.f32 v46, v60;
	[tilespmem:s23+$0xF0] =	vst v1  }
0x81: {  	v51 =	vld [tilespmem:s23+$0x10];
	v62 =	vmul.f32 v50, v59;
	[tilespmem:s23+$0xFFFFFF70] =	vst v61  }
0x82: {  	v1 =	vmul.f32 v44, v60;
	[tilespmem:s23+$0x30] =	vst v3  }
0x83: {  	v2 =	vbroadcast v2, $0x8;
	v63 =	vmul.f32 v57, v52;
	[tilespmem:s23+$0xFFFFFF80] =	vst v62  }
0x84: {  	[tilespmem:s23+$0x20] =	vst v1;
	v1 =	vmul.f32 v42, v56  }
0x85: {  	v3 =	vmul.f32 v48, v2;
	[tilespmem:s23+$0xFFFFFF30] =	vst v63  }
0x86: {  	s20 =	sadd.s32 $0x1, s20;
	[tilespmem:s23+$0x50] =	vst v1;
	v1 =	vmul.f32 v51, v2  }
0x87: {  	p0 =	sne.s32 s20, $0x50;
	[tilespmem:s23+$0x0] =	vst v3  }
.Ltmp2:
0x88: {  	s22 =	sadd.s32 $0x7700, s22;
	[tilespmem:s23+$0x10] =	vst v1;
	(pc) =	sbr.rel @p0 .LBB2_4-.Ltmp2, $4  }
0x89: {  	[spmem:s2] =	stream.indirect.scatter.add.f32 [tilespmem:s17], [sflag:$0x2], $0x20, s22, s16, $0xb8;
	[tilespmem:$0x12600] =	vst v63  }
0x8a: {  	_ =	swait.ge [sflag:s12], $0x1000  }
0x8b: {  	[sflag:s12] =	ssyncset.done $0x0  }
0x8c: {  	s21 =	sadd.s32 $0x80, s21;
	[sflag:s12] =	ssyncadd.s32 $0xFFFFF000  }
0x8d: {  	s19 =	sadd.s32 $0x1, s19  }
0x8e: {  	s20 =	sshll.u32 s1, $0x6;
	[bflag:$0x0] =	sbarrier.arrive $0xFFFF;
	p0 =	sne.s32 s19, s10  }
.Ltmp3:
0x8f: {  	s21 =	sshrl.u32 s8, $0x3;
	s20 =	sor.u32 $0x1C02, s20;
	(pc) =	sbr.rel @p0 .LBB2_1-.Ltmp3, $4  }
0x90: {  	[hbm:s9], [sflag:s20] =	dma.local [spmem:s21], $0x9E0  }
0x91: {  	_ =	swait.ge [sflag:s12], $0x9E0  }
0x92: {  	[sflag:s12] =	ssyncset.done $0x0  }
0x93: {  	[sflag:s12] =	ssyncadd.s32 $0xFFFFF620  }
0x94: {  	_ =	sfence.sel $0x180000  }
0x95: {  	[bflag:$0x0] =	sbarrier.arrive $0xFFFF  }
0x96: {  	p0 =	sne.s32 s1, $0x0;
	_ =	strace $0x9000004D  }
0x97: {  	s0 =	sadd.s32 @!p0 $0x100000, s0;
	[bflag:$0x2] =	sbarrier.arrive $0xFFFF  }
0x98: {  	[sflag:s0] =	ssyncadd.tile.s32 @!p0 $0x1;
	_ =	shalt  }
.Lfunc_end2:
_tile_overlayer_lowered:
.L_overlay_start_2:
0x99: {  	(tag) =	ssettag $0x2  }
0x9a: {  	s0 =	rddreg [dreg:$0x0];
	s2 =	stileid.u32  }
0x9b: {  	s1 =	rddreg [dreg:$0x1];
	p0 =	sne.s32 s2, $0x0  }
0x9c: {  	s3 =	rddreg [dreg:$0x2];
	[bflag:$0x3] =	sbarrier.arrive $0xFFFF;
	s2 =	simm.s32 @!p0 $0x1C02  }
0x9d: {  	[timem:s3], [sflag:s2] =	dma.local @!p0 [hbm:s0], s1  }
0x9e: {  	s0 =	simm.s32 @!p0 $0x2  }
0x9f: {  	_ =	swait.ge @!p0 [sflag:s0], s1  }
0xa0: {  	s1 =	ssub.s32 @!p0 $0x0, s1;
	[sflag:s0] =	ssyncset.done @!p0 $0x0  }
0xa1: {  	[sflag:s0] =	ssyncadd.s32 @!p0 s1  }
0xa2: {  	[bflag:$0x3] =	sbarrier.arrive $0xFFFF  }
0xa3: {  	_ =	shalt  }

// kernel: kernel.23.cloned.1.call-start
scs
__scs_entry_jumppad:
0x0: {  	(pc) =	sbr.rel $0x88, $3  }
0x1: {  	(tag) =	ssettag $0x0;
	lr =	simm.s32 $0x1  }
0x2: {  	[smem:$0x3F8A] =	sst lr;
	_ =	strace $0xD0000000  }
0x3: {  	_ = 	snop  }
0x4: {  	_ = 	snop  }
0x5: {  	_ = 	snop  }
0x6: {  	_ = 	snop  }
0x7: {  	_ = 	snop  }
__scs_overlays_trampoline_lowered:
0x8: {  	[smem:$0x3F99] =	sst s0  }
0x9: {  	[smem:$0x3F9A] =	sst s1  }
0xa: {  	[smem:$0x3F9B] =	sst s2  }
0xb: {  	[smem:$0x3F9C] =	sst s3  }
0xc: {  	[smem:$0x3F9D] =	sst s4  }
0xd: {  	[smem:$0x3F9E] =	sst s5  }
0xe: {  	[smem:$0x3F9F] =	sst s6  }
0xf: {  	[smem:$0x3FA0] =	sst s7  }
0x10: {  	[smem:$0x3FA1] =	sst s8  }
0x11: {  	[smem:$0x3FA2] =	sst s9;
	s0 =	simm.s32 @!p0 $0x0  }
0x12: {  	s1 =	sld [smem:$0x3F88];
	s0 =	simm.s32 @p0 $0x1  }
0x13: {  	[smem:$0x3FA3] =	sst s0;
	s0 =	simm.s32 @!p1 $0x0  }
0x14: {  	s2 =	sld [smem:$0x3F87];
	s0 =	simm.s32 @p1 $0x1  }
0x15: {  	[smem:$0x3FA4] =	sst s0;
	s0 =	simm.s32 @!p2 $0x0  }
0x16: {  	s3 =	sld [smem:$0x3FDB];
	s0 =	simm.s32 @p2 $0x1  }
0x17: {  	s4 =	simm.s32 $0x1BF5;
	[smem:$0x3FA6] =	sst s0  }
0x18: {  	s0 =	sld [smem:$0x3F89];
	_ =	swait.ge [sflag:s4], $0x0  }
0x19: {  	s7 =	sld [smem:$0x3F8A]  }
0x1a: {  	s8 =	sadd.s32 $0xFFFFE003, lr  }
0x1b: {  	s9 =	sadd.s32 $0xFFFFFEF7, lr;
	s5 =	simm.s32 $0xFFFFFFFF;
	p2 =	slt.u32 s8, $0xFFFFF086  }
0x1c: {  	p1 =	slt.u32 s9, $0xF7A;
	s5 =	simm.s32 @!p2 $0x0  }
0x1d: {  	s5 =	simm.s32 @p1 $0x1;
	p0 =	seq.s32 s7, s2  }
0x1e: {  	s7 =	smul.u32 @!p0 $0xF7A, s2;
	p2 =	seq.s32 @!p0 s5, $0x0  }
0x1f: {  	s9 =	smul.u32 $0xF7A, s1;
	s8 =	simm.s32 @!p0 $0x1BF5;
	p2 =	por !p2, p0  }
0x20: {  	[sflag:s8] =	ssyncset.s32 @!p0 $0xFFFFF086;
	s6 =	sadd.s32 @!p0 s3, s7;
	s7 =	simm.s32 @!p0 $0x108  }
0x21: {  	s3 =	sadd.s32 s3, s9;
	s6 =	sadd.s32 @!p0 $0x88, s6;
	s7 =	simm.s32 @p2 $0x1082  }
0x22: {  	[simem:s7], [sflag:s8] =	dma.local @!p0 [hbm:s6], $0xF7A  }
0x23: {  	s9 =	sor.u32 $0xD0000000, s2;
	s6 =	simm.s32 $0x108;
	_ =	swait.ge @!p0 [sflag:s8], $0x0  }
0x24: {  	s3 =	sadd.s32 $0x88, s3;
	s6 =	simm.s32 @!p1 $0x1082;
	[sflag:s4] =	ssyncset.s32 $0xFFFFF086  }
0x25: {  	[simem:s6], [sflag:s4] =	dma.local [hbm:s3], $0xF7A  }
0x26: {  	[smem:$0x3F8A] =	sst s1;
	(tag) =	ssettag s2;
	_ =	strace s9  }
0x27: {  	s1 =	sld [smem:$0x3F9A]  }
0x28: {  	s2 =	sld [smem:$0x3F9B]  }
0x29: {  	s4 =	sld [smem:$0x3F9D]  }
0x2a: {  	p0 =	seq.s32 s5, $0x0;
	s5 =	sld [smem:$0x3F9E]  }
0x2b: {  	s6 =	sld [smem:$0x3F9F]  }
0x2c: {  	s7 =	sld [smem:$0x3FA0]  }
0x2d: {  	s3 =	simm.s32 $0x108;
	s8 =	sld [smem:$0x3FA1]  }
0x2e: {  	s3 =	simm.s32 @!p0 $0x1082;
	s9 =	sld [smem:$0x3FA2]  }
0x2f: {  	lr =	sadd.s32 s0, s3;
	s0 =	sld [smem:$0x3F99]  }
0x30: {  	s3 =	sld [smem:$0x3F9C]  }
0x31: {  	[smem:$0x3FA5] =	sst s10  }
0x32: {  	s10 =	sld [smem:$0x3FA3];
	_ =	sdelay $0x3  }
0x33: {  	p0 =	seq.s32 s10, $0x1;
	s10 =	sld [smem:$0x3FA5];
	_ =	sdelay $0x3  }
0x34: {  	[smem:$0x3FA5] =	sst s10  }
0x35: {  	s10 =	sld [smem:$0x3FA4];
	_ =	sdelay $0x3  }
0x36: {  	p1 =	seq.s32 s10, $0x1;
	s10 =	sld [smem:$0x3FA5];
	_ =	sdelay $0x3  }
0x37: {  	[smem:$0x3FA5] =	sst s10  }
0x38: {  	s10 =	sld [smem:$0x3FA6]  }
0x39: {  	_ = 	snop;
	(pc) =	sbr.ind lr, $3  }
0x3a: {  	_ = 	snop  }
0x3b: {  	_ = 	snop  }
0x3c: {  	p2 =	seq.s32 s10, $0x1;
	s10 =	sld [smem:$0x3FA5]  }
0x3d: {  	_ =	shalt  }
0x3e: {  	_ =	shalt  }
0x3f: {  	_ =	shalt  }
0x40: {  	_ =	shalt  }
0x41: {  	_ =	shalt  }
0x42: {  	_ =	shalt  }
0x43: {  	_ =	shalt  }
0x44: {  	_ =	shalt  }
0x45: {  	_ =	shalt  }
0x46: {  	_ =	shalt  }
0x47: {  	_ =	shalt  }
0x48: {  	_ =	shalt  }
0x49: {  	_ =	shalt  }
0x4a: {  	_ =	shalt  }
0x4b: {  	_ =	shalt  }
0x4c: {  	_ =	shalt  }
0x4d: {  	_ =	shalt  }
0x4e: {  	_ =	shalt  }
0x4f: {  	_ =	shalt  }
0x50: {  	_ =	shalt  }
0x51: {  	_ =	shalt  }
0x52: {  	_ =	shalt  }
0x53: {  	_ =	shalt  }
0x54: {  	_ =	shalt  }
0x55: {  	_ =	shalt  }
0x56: {  	_ =	shalt  }
0x57: {  	_ =	shalt  }
0x58: {  	_ =	shalt  }
0x59: {  	_ =	shalt  }
0x5a: {  	_ =	shalt  }
0x5b: {  	_ =	shalt  }
0x5c: {  	_ =	shalt  }
0x5d: {  	_ =	shalt  }
0x5e: {  	_ =	shalt  }
0x5f: {  	_ =	shalt  }
0x60: {  	_ =	shalt  }
0x61: {  	_ =	shalt  }
0x62: {  	_ =	shalt  }
0x63: {  	_ =	shalt  }
0x64: {  	_ =	shalt  }
0x65: {  	_ =	shalt  }
0x66: {  	_ =	shalt  }
0x67: {  	_ =	shalt  }
0x68: {  	_ =	shalt  }
0x69: {  	_ =	shalt  }
0x6a: {  	_ =	shalt  }
0x6b: {  	_ =	shalt  }
0x6c: {  	_ =	shalt  }
0x6d: {  	_ =	shalt  }
0x6e: {  	_ =	shalt  }
0x6f: {  	_ =	shalt  }
0x70: {  	_ =	shalt  }
0x71: {  	_ =	shalt  }
0x72: {  	_ =	shalt  }
0x73: {  	_ =	shalt  }
0x74: {  	_ =	shalt  }
0x75: {  	_ =	shalt  }
0x76: {  	_ =	shalt  }
0x77: {  	_ =	shalt  }
0x78: {  	_ =	shalt  }
0x79: {  	_ =	shalt  }
0x7a: {  	_ =	shalt  }
0x7b: {  	_ =	shalt  }
0x7c: {  	_ =	shalt  }
0x7d: {  	_ =	shalt  }
0x7e: {  	_ =	shalt  }
0x7f: {  	_ =	shalt  }
0x80: {  	_ =	shalt  }
0x81: {  	_ =	shalt  }
0x82: {  	_ =	shalt  }
0x83: {  	_ =	shalt  }
0x84: {  	_ =	shalt  }
0x85: {  	_ =	shalt  }
0x86: {  	_ =	shalt  }
0x87: {  	_ =	shalt  }
.Lfunc_end0:
.L_simem_size_0:
called_computation.3_lowered:
.L_overlay_start_0:
0x88: {  	s2 =	sld [smem:$0x3FD9]  }
0x89: {  	s3 =	sld [smem:$0x3FFE];
	_ =	sdelay $0x1  }
0x8a: {  	s1 =	srdreg.scid  }
0x8b: {  	s0 =	sand.u32 $0x1, s1  }
0x8c: {  	s16 =	sshll.u32 s0, $0xA;
	s2 =	sadd.s32 s3, s2  }
0x8d: {  	s2 =	sadd.s32 s2, s16  }
0x8e: {  	[smem:$0x3FB1] =	sst s2  }
0x8f: {  	_ = 	snop  }
0x90: {  	(tm) =	ssettm $0x1  }
0x91: {  	s17 =	sld [smem:$0x3FFB];
	_ =	sdelay $0x3  }
0x92: {  	_ =	strace s17  }
0x93: {  	s2 =	sld [smem:$0x3FFC];
	_ =	sdelay $0x3  }
0x94: {  	_ =	strace s2  }
0x95: {  	s2 =	sld [smem:$0x3FFD];
	_ =	sdelay $0x3  }
0x96: {  	_ =	strace s2  }
0x97: {  	_ =	strace $0x8FFFFFFF  }
0x98: {  	s18 =	sld [smem:$0x3FDB];
	_ =	sdelay $0x1  }
0x99: {  	s19 =	simm.s32 $_scs_section_size  }
0x9a: {  	s4 =	simm.s32 $_size__tile_overlayer_lowered;
	s5 =	simm.s32 $_tile_overlayer_lowered  }
0x9b: {  	s22 =	simm.s32 $0x1BFF;
	s21 =	sshll.u32 s5, $0x1;
	s2 =	sadd.s32 s19, s18  }
0x9c: {  	s6 =	simm.s32 $0x0;
	s20 =	sshll.u32 s4, $0x1;
	s4 =	sadd.s32 s21, s2  }
0x9d: {  	[timem:s6], [sflag:s22] =	dma.local [hbm:s4], s20  }
0x9e: {  	_ =	swait.ge [sflag:s22], s20  }
0x9f: {  	s3 =	ssub.s32 $0x0, s20;
	[sflag:s22] =	ssyncset.done $0x0  }
0xa0: {  	[sflag:s22] =	ssyncadd.s32 s3;
	_ =	sdelay $0x1  }
0xa1: {  	s23 =	simm.s32 $0x1B8B  }
0xa2: {  	_ =	swait.ge [sflag:s23], $0x1  }
0xa3: {  	[sflag:s23] =	ssyncset.done $0x0  }
0xa4: {  	s25 =	simm.s32 $0x1B8E;
	s24 =	sld [smem:$0x3FFE];
	[sflag:s23] =	ssyncadd.s32 $0xFFFFFFFF  }
0xa5: {  	s26 =	simm.s32 $execute0_lowered;
	[smem:$0x3FD2] =	sst s25  }
0xa6: {  	s4 =	sshll.u32 s26, $0x1;
	_ =	strace $0x8000004F;
	[dreg:$0x1] =	wrdreg $0xFFFFFFFF  }
0xa7: {  	s28 =	simm.s32 $_size_execute0_lowered;
	s2 =	sadd.s32 s2, s4;
	[dreg:$0x0] =	wrdreg $0x0  }
0xa8: {  	s4 =	sshll.u32 s28, $0x1;
	[dreg:$0x2] =	wrdreg s2  }
0xa9: {  	[dreg:$0x3] =	wrdreg s4  }
0xaa: {  	[dreg:$0x4] =	wrdreg $0xC0  }
0xab: {  	_ =	task [dreg:s6], $0x5FFFF  }
0xac: {  	[dreg:$0x1] =	wrdreg $0xFFFFFFFF  }
0xad: {  	[dreg:$0x0] =	wrdreg $0x60  }
0xae: {  	[dreg:$0x2] =	wrdreg s24  }
0xaf: {  	[dreg:$0x3] =	wrdreg $0x0  }
0xb0: {  	[dreg:$0x4] =	wrdreg $0x9  }
0xb1: {  	_ =	task.clear_ibuf [dreg:s6], $0x5FFFF;
	_ =	strace $0x9000004F  }
0xb2: {  	s29 =	simm.s32 $0x9;
	_ =	strace $0x80000051  }
0xb3: {  	_ =	swait.ge [sflag:s29], $0x1  }
0xb4: {  	[sflag:s29] =	ssyncadd.s32 $0xFFFFFFFF  }
0xb5: {  	_ =	strace $0x90000051  }
0xb6: {  	_ =	sfence  }
0xb7: {  	s30 =	sld [smem:$0x0];
	_ =	sdelay $0x2  }
0xb8: {  	s31 =	sshll.u32 s1, $0xD;
	s1 =	sshrl.u32 s1, $0x2  }
0xb9: {  	s3 =	sand.u32 $0x4000, s31;
	s1 =	sadd.s32 s1, s30  }
0xba: {  	s0 =	sor.u32 s3, s0;
	s1 =	sshll.u32 s1, $0x11  }
0xbb: {  	s0 =	sor.u32 s1, s0  }
0xbc: {  	s0 =	sadd.s32 $0x8F2B, s0  }
0xbd: {  	[sflag:s0] =	ssyncadd.remote.s32 $0x1  }
0xbe: {  	_ =	sfence.sel $0xFFFF  }
0xbf: {  	[dreg:$0x0] =	wrdreg $0xFFFFFFFF;
	(pc) =	sbr.abs _section_cstart, $3  }
0xc0: {  	[dreg:$0x1] =	wrdreg $0xFFFFFFFF  }
0xc1: {  	_ =	task.clear_ibuf [dreg:s6], $0x2FFFF;
	_ =	strace $0x9FFFFFFF  }
0xc2: {  	(tm) =	ssettm $0x7FFFFFFF  }
0xc3: {  	_ =	shalt  }
tec
execute0_lowered:
.L_overlay_start_1:
0x0: {  	(tag) =	ssettag $0x1  }
0x1: {  	s5 =	rddreg [dreg:$0x0]  }
0x2: {  	s2 =	rddreg [dreg:$0x1]  }
0x3: {  	s0 =	rddreg [dreg:$0x2];
	s4 =	srdreg.scid  }
0x4: {  	s1 =	stileid.u32;
	s3 =	simm.s32 $0x0;
	s13 =	simm.s32 $0x7700  }
0x5: {  	s14 =	simm.s32 $0x9F00;
	s15 =	simm.s32 $0xD700;
	s16 =	simm.s32 $0x80  }
0x6: {  	s17 =	simm.s32 $0xC700;
	s18 =	simm.s32 $0x1;
	s19 =	simm.s32 $0x0  }
0x7: {  	s4 =	sand.u32 $0x1, s4;
	s8 =	smul.u32 $0x4F00, s1;
	[smem:$0x7FF] =	sst s3  }
0x8: {  	s6 =	sshll.u32 s4, $0x4;
	s7 =	smul.u32 $0x4F000, s4;
	_ =	strace $0x80000050  }
0x9: {  	s9 =	ssub.s32 $0x2, s4;
	s4 =	sadd.s32 $0x5200, s5;
	s6 =	sor.u32 s1, s6  }
0xa: {  	s10 =	sshrl.u32 s9, $0x1;
	s6 =	smul.u32 $0x500, s6;
	s7 =	sadd.s32 s8, s7  }
0xb: {  	s10 =	ssub.s32 s9, s10;
	s8 =	sadd.s32 s8, s2;
	s7 =	sshrl.u32 s7, $0x3  }
0xc: {  	s10 =	smax.u32 s10, $0x1;
	s11 =	sadd.s32 s6, s5;
	s12 =	sadd.s32 s7, s5  }
0xd: {  	s5 =	sadd.s32 $0x23000, s11;
	s6 =	sadd.s32 $0x19000, s11;
	s7 =	sadd.s32 $0xF000, s11  }
0xe: {  	v0 =	vimm.f32 $0.0e+00;
	s9 =	sadd.s32 $0x54200, s12;
	s11 =	simm.s32 $0x4F00;
	s12 =	simm.s32 $0x2  }
.LBB2_1:
0xf: {  	[tilespmem:s11], [sflag:$0x2] =	stream.linear.gather [hbm4b:s5+s3], $0x2800, $0x38;
	[tilespmem:$0x12600] =	vst v63  }
0x10: {  	_ =	swait.ge [sflag:s12], $0x2800  }
0x11: {  	[sflag:s12] =	ssyncset.done $0x0  }
0x12: {  	[sflag:s12] =	ssyncadd.s32 $0xFFFFD800  }
0x13: {  	[tilespmem:s13], [sflag:$0x2] =	stream.linear.gather [hbm4b:s6+s3], $0x2800, $0x38;
	[tilespmem:$0x12600] =	vst v63  }
0x14: {  	_ =	swait.ge [sflag:s12], $0x2800  }
0x15: {  	[sflag:s12] =	ssyncset.done $0x0  }
0x16: {  	[sflag:s12] =	ssyncadd.s32 $0xFFFFD800  }
0x17: {  	[tilespmem:s14], [sflag:$0x2] =	stream.linear.gather [hbm4b:s7+s3], $0x2800, $0x38;
	[tilespmem:$0x12600] =	vst v63  }
0x18: {  	_ =	swait.ge [sflag:s12], $0x2800  }
0x19: {  	[sflag:s12] =	ssyncset.done $0x0  }
0x1a: {  	s20 =	simm.s32 $0x80;
	s21 =	simm.s32 $0x0;
	[sflag:s12] =	ssyncadd.s32 $0xFFFFD800  }
.LBB2_2:
0x1b: {  	p0 =	sne.s32 s20, $0x13B80;
	[tilespmem:s21+$0xD700] =	vst v0;
	s22 =	smov.u32 s20;
	s20 =	sadd.s32 $0x80, s20  }
.Ltmp0:
0x1c: {  	[tilespmem:s21+$0xD710] =	vst v0;
	(pc) =	sbr.rel @p0 .LBB2_2-.Ltmp0, $2  }
0x1d: {  	_ =	sdelay $0x2  }
0x1e: {  	s21 =	sshra.s32 s22, $0x2  }
0x1f: {  	[tilespmem:s21+$0xD700] =	vst v0  }
0x20: {  	[tilespmem:s21+$0xD710] =	vst v0  }
0x21: {  	[spmem:s8] =	stream.linear.scatter [tilespmem:s15], [sflag:$0x2], $0x4F00, $0x38;
	[tilespmem:$0x12600] =	vst v63  }
0x22: {  	_ =	swait.ge [sflag:s12], $0x4F00  }
0x23: {  	[sflag:s12] =	ssyncset.done $0x0  }
0x24: {  	[sflag:s12] =	ssyncadd.s32 $0xFFFFB100  }
0x25: {  	s20 =	simm.s32 $0x0;
	s21 =	simm.s32 $0x9F00;
	[bflag:$0x0] =	sbarrier.arrive $0xFFFF  }
.LBB2_4:
0x26: {  	s22 =	sshll.u32 s20, $0x7  }
0x27: {  	s23 =	sadd.s32 $0x4F00, s22  }
0x28: {  	[tilespmem:s17], [sflag:$0x1] =	stream.indirect.gather [hbm4b:s4+s16], $0x20, s23, s16, $0xb8;
	[tilespmem:$0x12600] =	vst v63  }
0x29: {  	_ =	swait.ge [sflag:s18], $0x1000  }
0x2a: {  	[sflag:s18] =	ssyncset.done $0x0  }
0x2b: {  	s23 =	simm.s32 $0xC800;
	[sflag:s18] =	ssyncadd.s32 $0xFFFFF000  }
0x2c: {  	v7 =	vld [tilespmem:s23+$0xFFFFFFA0]  }
0x2d: {  	v4 =	vld [tilespmem:s23+$0xFFFFFFF0]  }
0x2e: {  	v1 =	vld [tilespmem:s23+$0xFFFFFF60]  }
0x2f: {  	v5 =	vmov s21;
	v8 =	vld [tilespmem:s23+$0xFFFFFFD0]  }
0x30: {  	v9 =	vld [tilespmem:s23+$0x80]  }
0x31: {  	v12 =	vld [tilespmem:s23+$0xFFFFFF10]  }
0x32: {  	v16 =	vld [tilespmem:s23+$0xE0]  }
0x33: {  	s24 =	simm.s32 $0x0;
	v11 =	vld [tilespmem:s23+$0xFFFFFF40]  }
0x34: {  	v2 =	vld.idx.msk [tilespmem:v5+s24+$0x0 ss:$0x1], $0xffff  }
0x35: {  	v3 =	vld [tilespmem:s23+$0xFFFFFF90]  }
0x36: {  	v10 =	vld [tilespmem:s23+$0xFFFFFFC0]  }
0x37: {  	v13 =	vld [tilespmem:s23+$0xFFFFFF00]  }
0x38: {  	v14 =	vld [tilespmem:s23+$0xD0]  }
0x39: {  	v23 =	vld [tilespmem:s23+$0xC0]  }
0x3a: {  	v21 =	vld [tilespmem:s23+$0x90];
	v19 =	vbroadcast v2, $0x0;
	v6 =	vbroadcast v2, $0xF  }
0x3b: {  	v22 =	vld [tilespmem:s23+$0xFFFFFF50];
	v20 =	vbroadcast v2, $0x2;
	v18 =	vbroadcast v2, $0xE  }
0x3c: {  	v17 =	vld [tilespmem:s23+$0xB0];
	v15 =	vbroadcast v2, $0xC;
	v25 =	vmul.f32 v19, v13  }
0x3d: {  	s25 =	simm.s32 $0xC800;
	s24 =	simm.s32 $0x40;
	v13 =	vbroadcast v2, $0xD;
	v24 =	vmul.f32 v11, v20;
	v11 =	vld [tilespmem:s23+$0x60]  }
.LBB2_5:
0x3e: {  	p0 =	sne.s32 s24, $0x1C0  }
0x3f: {  	[tilespmem:s23+$0xFFFFFF00] =	vst v25;
	v25 =	vld [tilespmem:s23+$0xFFFFFFB0];
	v23 =	vmul.f32 v23, v18;
	v16 =	vmul.f32 v16, v6;
	s25 =	sadd.s32 $0x200, s25;
	s26 =	smov.u32 s24;
	s24 =	sadd.s32 $0x40, s24  }
0x40: {  	[tilespmem:s23+$0xFFFFFF40] =	vst v24;
	v24 =	vbroadcast v2, $0xA;
	v21 =	vmul.f32 v21, v15;
	v26 =	vld [tilespmem:s23+$0xA0]  }
0x41: {  	v12 =	vmul.f32 v12, v19;
	v19 =	vmul.f32 v22, v20;
	v20 =	vld [tilespmem:s23+$0x70];
	[tilespmem:s23+$0xE0] =	vst v16  }
0x42: {  	v16 =	vbroadcast v2, $0x5;
	v22 =	vld [tilespmem:s23+$0xFFFFFFE0];
	v17 =	vmul.f32 v17, v13;
	[tilespmem:s23+$0xC0] =	vst v23  }
0x43: {  	v14 =	vmul.f32 v14, v18;
	[tilespmem:s23+$0xFFFFFF10] =	vst v12;
	v12 =	vbroadcast v2, $0x6;
	v23 =	vld [tilespmem:s23+$0x40]  }
0x44: {  	v27 =	vbroadcast v2, $0xB;
	v7 =	vmul.f32 v7, v16;
	v18 =	vld [tilespmem:s23+$0xFFFFFF20];
	[tilespmem:s23+$0x90] =	vst v21  }
0x45: {  	[tilespmem:s23+$0xFFFFFF50] =	vst v19;
	v19 =	vbroadcast v2, $0x9;
	v21 =	vld [tilespmem:s23+$0x20];
	v13 =	vmul.f32 v26, v13  }
0x46: {  	v16 =	vmul.f32 v25, v16;
	v25 =	vld [tilespmem:s23+$0x50];
	v20 =	vmul.f32 v20, v27;
	[tilespmem:s23+$0xD0] =	vst v14  }
0x47: {  	v9 =	vmul.f32 v9, v15;
	v14 =	vbroadcast v2, $0x7;
	v26 =	vld [tilespmem:s23+$0x30];
	[tilespmem:s23+$0xA0] =	vst v13  }
0x48: {  	v10 =	vmul.f32 v10, v12;
	v13 =	vbroadcast v2, $0x3;
	v15 =	vld [tilespmem:s23+$0x0];
	[tilespmem:s23+$0x70] =	vst v20  }
0x49: {  	v11 =	vmul.f32 v11, v27;
	v8 =	vmul.f32 v8, v12;
	v12 =	vld [tilespmem:s23+$0x10];
	[tilespmem:s23+$0x80] =	vst v9  }
0x4a: {  	v20 =	vbroadcast v2, $0x8;
	v23 =	vmul.f32 v23, v24;
	v9 =	vld [tilespmem:s23+$0xFFFFFF30];
	[tilespmem:s23+$0xB0] =	vst v17  }
0x4b: {  	v17 =	vbroadcast v2, $0x1;
	v27 =	vld [tilespmem:s23+$0xFFFFFF70];
	[tilespmem:s23+$0xFFFFFFD0] =	vst v8;
	v24 =	vmul.f32 v25, v24  }
0x4c: {  	v4 =	vmul.f32 v4, v14;
	v8 =	vmul.f32 v22, v14;
	[tilespmem:s23+$0xFFFFFFC0] =	vst v10;
	v10 =	vld [tilespmem:s23+$0xF0]  }
0x4d: {  	v22 =	vmul.f32 v26, v19;
	v14 =	vld [tilespmem:s23+$0xFFFFFF80];
	[tilespmem:s23+$0xFFFFFFA0] =	vst v7;
	v15 =	vmul.f32 v15, v20  }
0x4e: {  	v7 =	vld [tilespmem:s25+$0xFFFFFFA0];
	[tilespmem:s23+$0xFFFFFFF0] =	vst v4;
	v20 =	vmul.f32 v12, v20;
	v12 =	vmul.f32 v21, v19  }
0x4f: {  	v4 =	vmul.f32 v18, v17;
	v17 =	vmul.f32 v9, v17;
	[tilespmem:s23+$0x60] =	vst v11  }
0x50: {  	v1 =	vmul.f32 v1, v13;
	v9 =	vmul.f32 v27, v13;
	[tilespmem:s23+$0xFFFFFFB0] =	vst v16  }
0x51: {  	v2 =	vbroadcast v2, $0x4;
	[tilespmem:s23+$0xFFFFFF20] =	vst v4;
	v4 =	vmul.f32 v10, v6  }
0x52: {  	[tilespmem:s23+$0xFFFFFF60] =	vst v1  }
0x53: {  	v6 =	vmul.f32 v14, v2;
	v1 =	vmul.f32 v3, v2;
	[tilespmem:s23+$0x40] =	vst v23  }
0x54: {  	[tilespmem:s23+$0xFFFFFFE0] =	vst v8  }
0x55: {  	[tilespmem:s23+$0xF0] =	vst v4  }
0x56: {  	[tilespmem:s23+$0xFFFFFF90] =	vst v1  }
0x57: {  	[tilespmem:s23+$0xFFFFFF70] =	vst v9  }
0x58: {  	v4 =	vld [tilespmem:s25+$0xFFFFFFF0];
	[tilespmem:s23+$0x20] =	vst v12  }
0x59: {  	v1 =	vld [tilespmem:s25+$0xFFFFFF60];
	[tilespmem:s23+$0x30] =	vst v22  }
0x5a: {  	v8 =	vld [tilespmem:s25+$0xFFFFFFD0];
	[tilespmem:s23+$0xFFFFFF80] =	vst v6  }
0x5b: {  	v9 =	vld [tilespmem:s25+$0x80];
	[tilespmem:s23+$0x50] =	vst v24  }
0x5c: {  	v12 =	vld [tilespmem:s25+$0xFFFFFF10];
	[tilespmem:s23+$0x0] =	vst v15  }
0x5d: {  	v16 =	vld [tilespmem:s25+$0xE0];
	[tilespmem:s23+$0xFFFFFF30] =	vst v17  }
0x5e: {  	s26 =	sshra.s32 s26, $0x2;
	v11 =	vld [tilespmem:s25+$0xFFFFFF40];
	[tilespmem:s23+$0x10] =	vst v20;
	s23 =	smov.u32 s25  }
0x5f: {  	v2 =	vld.idx.msk [tilespmem:v5+s26+$0x0 ss:$0x1], $0xffff  }
0x60: {  	v3 =	vld [tilespmem:s25+$0xFFFFFF90]  }
0x61: {  	v10 =	vld [tilespmem:s25+$0xFFFFFFC0]  }
0x62: {  	v13 =	vld [tilespmem:s25+$0xFFFFFF00]  }
0x63: {  	v14 =	vld [tilespmem:s25+$0xD0]  }
.Ltmp1:
0x64: {  	v23 =	vld [tilespmem:s25+$0xC0];
	(pc) =	sbr.rel @p0 .LBB2_5-.Ltmp1, $4  }
0x65: {  	v19 =	vbroadcast v2, $0x0;
	v6 =	vbroadcast v2, $0xF;
	v21 =	vld [tilespmem:s25+$0x90]  }
0x66: {  	v20 =	vbroadcast v2, $0x2;
	v18 =	vbroadcast v2, $0xE;
	v22 =	vld [tilespmem:s25+$0xFFFFFF50]  }
0x67: {  	v25 =	vmul.f32 v19, v13;
	v13 =	vbroadcast v2, $0xD;
	v17 =	vld [tilespmem:s25+$0xB0]  }
0x68: {  	v15 =	vbroadcast v2, $0xC;
	v24 =	vmul.f32 v11, v20;
	v11 =	vld [tilespmem:s25+$0x60]  }
0x69: {  	[tilespmem:s23+$0xFFFFFF00] =	vst v25;
	v5 =	vmul.f32 v16, v6  }
0x6a: {  	v30 =	vmul.f32 v23, v18;
	[tilespmem:s23+$0xFFFFFF40] =	vst v24  }
0x6b: {  	v12 =	vmul.f32 v12, v19;
	[tilespmem:s23+$0xE0] =	vst v5  }
0x6c: {  	v35 =	vmul.f32 v14, v18;
	[tilespmem:s23+$0xC0] =	vst v30  }
0x6d: {  	v33 =	vmul.f32 v21, v15;
	[tilespmem:s23+$0xFFFFFF10] =	vst v12  }
0x6e: {  	v41 =	vbroadcast v2, $0x6;
	v9 =	vmul.f32 v9, v15;
	[tilespmem:s23+$0xD0] =	vst v35  }
0x6f: {  	v20 =	vmul.f32 v22, v20;
	[tilespmem:s23+$0x90] =	vst v33  }
0x70: {  	v45 =	vbroadcast v2, $0x5;
	v8 =	vmul.f32 v8, v41;
	[tilespmem:s23+$0x80] =	vst v9  }
0x71: {  	v47 =	vbroadcast v2, $0x7;
	v10 =	vmul.f32 v10, v41;
	[tilespmem:s23+$0xFFFFFF50] =	vst v20  }
0x72: {  	v54 =	vbroadcast v2, $0x3;
	v7 =	vmul.f32 v7, v45;
	[tilespmem:s23+$0xFFFFFFD0] =	vst v8  }
0x73: {  	v31 =	vld [tilespmem:s23+$0xA0];
	v59 =	vbroadcast v2, $0x4;
	v4 =	vmul.f32 v4, v47;
	[tilespmem:s23+$0xFFFFFFC0] =	vst v10  }
0x74: {  	v32 =	vld [tilespmem:s23+$0x70];
	v1 =	vmul.f32 v1, v54;
	[tilespmem:s23+$0xFFFFFFA0] =	vst v7  }
0x75: {  	v34 =	vld [tilespmem:s23+$0xFFFFFFB0];
	v37 =	vbroadcast v2, $0xB;
	v3 =	vmul.f32 v3, v59;
	[tilespmem:s23+$0xFFFFFFF0] =	vst v4  }
0x76: {  	v36 =	vld [tilespmem:s23+$0xFFFFFF20];
	v43 =	vmul.f32 v17, v13;
	[tilespmem:s23+$0xFFFFFF60] =	vst v1  }
0x77: {  	v40 =	vld [tilespmem:s23+$0x40];
	v11 =	vmul.f32 v11, v37;
	[tilespmem:s23+$0xFFFFFF90] =	vst v3  }
0x78: {  	v38 =	vld [tilespmem:s23+$0xFFFFFFE0];
	v39 =	vmul.f32 v31, v13;
	[tilespmem:s23+$0xB0] =	vst v43  }
0x79: {  	v52 =	vbroadcast v2, $0x1;
	v55 =	vld [tilespmem:s23+$0xF0];
	v19 =	vmul.f32 v32, v37;
	[tilespmem:s23+$0x60] =	vst v11  }
0x7a: {  	v49 =	vld [tilespmem:s23+$0xFFFFFF70];
	v56 =	vbroadcast v2, $0xA;
	v53 =	vmul.f32 v34, v45;
	[tilespmem:s23+$0xA0] =	vst v39  }
0x7b: {  	v46 =	vld [tilespmem:s23+$0x30];
	v14 =	vmul.f32 v36, v52;
	[tilespmem:s23+$0x70] =	vst v19  }
0x7c: {  	v50 =	vld [tilespmem:s23+$0xFFFFFF80];
	v58 =	vmul.f32 v40, v56;
	[tilespmem:s23+$0xFFFFFFB0] =	vst v53  }
0x7d: {  	v44 =	vld [tilespmem:s23+$0x20];
	v5 =	vmul.f32 v38, v47;
	[tilespmem:s23+$0xFFFFFF20] =	vst v14  }
0x7e: {  	v57 =	vld [tilespmem:s23+$0xFFFFFF30];
	v60 =	vbroadcast v2, $0x9;
	v1 =	vmul.f32 v55, v6;
	[tilespmem:s23+$0x40] =	vst v58  }
0x7f: {  	v42 =	vld [tilespmem:s23+$0x50];
	v61 =	vmul.f32 v49, v54;
	[tilespmem:s23+$0xFFFFFFE0] =	vst v5  }
0x80: {  	v48 =	vld [tilespmem:s23+$0x0];
	v3 =	vmul.f32 v46, v60;
	[tilespmem:s23+$0xF0] =	vst v1  }
0x81: {  	v51 =	vld [tilespmem:s23+$0x10];
	v62 =	vmul.f32 v50, v59;
	[tilespmem:s23+$0xFFFFFF70] =	vst v61  }
0x82: {  	v1 =	vmul.f32 v44, v60;
	[tilespmem:s23+$0x30] =	vst v3  }
0x83: {  	v2 =	vbroadcast v2, $0x8;
	v63 =	vmul.f32 v57, v52;
	[tilespmem:s23+$0xFFFFFF80] =	vst v62  }
0x84: {  	[tilespmem:s23+$0x20] =	vst v1;
	v1 =	vmul.f32 v42, v56  }
0x85: {  	v3 =	vmul.f32 v48, v2;
	[tilespmem:s23+$0xFFFFFF30] =	vst v63  }
0x86: {  	s20 =	sadd.s32 $0x1, s20;
	[tilespmem:s23+$0x50] =	vst v1;
	v1 =	vmul.f32 v51, v2  }
0x87: {  	p0 =	sne.s32 s20, $0x50;
	[tilespmem:s23+$0x0] =	vst v3  }
.Ltmp2:
0x88: {  	s22 =	sadd.s32 $0x7700, s22;
	[tilespmem:s23+$0x10] =	vst v1;
	(pc) =	sbr.rel @p0 .LBB2_4-.Ltmp2, $4  }
0x89: {  	[spmem:s2] =	stream.indirect.scatter.add.f32 [tilespmem:s17], [sflag:$0x2], $0x20, s22, s16, $0xb8;
	[tilespmem:$0x12600] =	vst v63  }
0x8a: {  	_ =	swait.ge [sflag:s12], $0x1000  }
0x8b: {  	[sflag:s12] =	ssyncset.done $0x0  }
0x8c: {  	s21 =	sadd.s32 $0x80, s21;
	[sflag:s12] =	ssyncadd.s32 $0xFFFFF000  }
0x8d: {  	s19 =	sadd.s32 $0x1, s19  }
0x8e: {  	s20 =	sshll.u32 s1, $0x6;
	[bflag:$0x0] =	sbarrier.arrive $0xFFFF;
	p0 =	sne.s32 s19, s10  }
.Ltmp3:
0x8f: {  	s21 =	sshrl.u32 s8, $0x3;
	s20 =	sor.u32 $0x1C02, s20;
	(pc) =	sbr.rel @p0 .LBB2_1-.Ltmp3, $4  }
0x90: {  	[hbm:s9], [sflag:s20] =	dma.local [spmem:s21], $0x9E0  }
0x91: {  	_ =	swait.ge [sflag:s12], $0x9E0  }
0x92: {  	[sflag:s12] =	ssyncset.done $0x0  }
0x93: {  	[sflag:s12] =	ssyncadd.s32 $0xFFFFF620  }
0x94: {  	_ =	sfence.sel $0x180000  }
0x95: {  	[bflag:$0x0] =	sbarrier.arrive $0xFFFF  }
0x96: {  	p0 =	sne.s32 s1, $0x0;
	_ =	strace $0x90000050  }
0x97: {  	s0 =	sadd.s32 @!p0 $0x100000, s0;
	[bflag:$0x2] =	sbarrier.arrive $0xFFFF  }
0x98: {  	[sflag:s0] =	ssyncadd.tile.s32 @!p0 $0x1;
	_ =	shalt  }
.Lfunc_end2:
_tile_overlayer_lowered:
.L_overlay_start_2:
0x99: {  	(tag) =	ssettag $0x2  }
0x9a: {  	s0 =	rddreg [dreg:$0x0];
	s2 =	stileid.u32  }
0x9b: {  	s1 =	rddreg [dreg:$0x1];
	p0 =	sne.s32 s2, $0x0  }
0x9c: {  	s3 =	rddreg [dreg:$0x2];
	[bflag:$0x3] =	sbarrier.arrive $0xFFFF;
	s2 =	simm.s32 @!p0 $0x1C02  }
0x9d: {  	[timem:s3], [sflag:s2] =	dma.local @!p0 [hbm:s0], s1  }
0x9e: {  	s0 =	simm.s32 @!p0 $0x2  }
0x9f: {  	_ =	swait.ge @!p0 [sflag:s0], s1  }
0xa0: {  	s1 =	ssub.s32 @!p0 $0x0, s1;
	[sflag:s0] =	ssyncset.done @!p0 $0x0  }
0xa1: {  	[sflag:s0] =	ssyncadd.s32 @!p0 s1  }
0xa2: {  	[bflag:$0x3] =	sbarrier.arrive $0xFFFF  }
0xa3: {  	_ =	shalt  }

// kernel: kernel.26.cloned.1.call-start
scs
__scs_entry_jumppad:
0x0: {  	(pc) =	sbr.rel $0x88, $3  }
0x1: {  	(tag) =	ssettag $0x0;
	lr =	simm.s32 $0x1  }
0x2: {  	[smem:$0x3F8A] =	sst lr;
	_ =	strace $0xD0000000  }
0x3: {  	_ = 	snop  }
0x4: {  	_ = 	snop  }
0x5: {  	_ = 	snop  }
0x6: {  	_ = 	snop  }
0x7: {  	_ = 	snop  }
__scs_overlays_trampoline_lowered:
0x8: {  	[smem:$0x3F99] =	sst s0  }
0x9: {  	[smem:$0x3F9A] =	sst s1  }
0xa: {  	[smem:$0x3F9B] =	sst s2  }
0xb: {  	[smem:$0x3F9C] =	sst s3  }
0xc: {  	[smem:$0x3F9D] =	sst s4  }
0xd: {  	[smem:$0x3F9E] =	sst s5  }
0xe: {  	[smem:$0x3F9F] =	sst s6  }
0xf: {  	[smem:$0x3FA0] =	sst s7  }
0x10: {  	[smem:$0x3FA1] =	sst s8  }
0x11: {  	[smem:$0x3FA2] =	sst s9;
	s0 =	simm.s32 @!p0 $0x0  }
0x12: {  	s1 =	sld [smem:$0x3F88];
	s0 =	simm.s32 @p0 $0x1  }
0x13: {  	[smem:$0x3FA3] =	sst s0;
	s0 =	simm.s32 @!p1 $0x0  }
0x14: {  	s2 =	sld [smem:$0x3F87];
	s0 =	simm.s32 @p1 $0x1  }
0x15: {  	[smem:$0x3FA4] =	sst s0;
	s0 =	simm.s32 @!p2 $0x0  }
0x16: {  	s3 =	sld [smem:$0x3FDB];
	s0 =	simm.s32 @p2 $0x1  }
0x17: {  	s4 =	simm.s32 $0x1BF5;
	[smem:$0x3FA6] =	sst s0  }
0x18: {  	s0 =	sld [smem:$0x3F89];
	_ =	swait.ge [sflag:s4], $0x0  }
0x19: {  	s7 =	sld [smem:$0x3F8A]  }
0x1a: {  	s8 =	sadd.s32 $0xFFFFE003, lr  }
0x1b: {  	s9 =	sadd.s32 $0xFFFFFEF7, lr;
	s5 =	simm.s32 $0xFFFFFFFF;
	p2 =	slt.u32 s8, $0xFFFFF086  }
0x1c: {  	p1 =	slt.u32 s9, $0xF7A;
	s5 =	simm.s32 @!p2 $0x0  }
0x1d: {  	s5 =	simm.s32 @p1 $0x1;
	p0 =	seq.s32 s7, s2  }
0x1e: {  	s7 =	smul.u32 @!p0 $0xF7A, s2;
	p2 =	seq.s32 @!p0 s5, $0x0  }
0x1f: {  	s9 =	smul.u32 $0xF7A, s1;
	s8 =	simm.s32 @!p0 $0x1BF5;
	p2 =	por !p2, p0  }
0x20: {  	[sflag:s8] =	ssyncset.s32 @!p0 $0xFFFFF086;
	s6 =	sadd.s32 @!p0 s3, s7;
	s7 =	simm.s32 @!p0 $0x108  }
0x21: {  	s3 =	sadd.s32 s3, s9;
	s6 =	sadd.s32 @!p0 $0x88, s6;
	s7 =	simm.s32 @p2 $0x1082  }
0x22: {  	[simem:s7], [sflag:s8] =	dma.local @!p0 [hbm:s6], $0xF7A  }
0x23: {  	s9 =	sor.u32 $0xD0000000, s2;
	s6 =	simm.s32 $0x108;
	_ =	swait.ge @!p0 [sflag:s8], $0x0  }
0x24: {  	s3 =	sadd.s32 $0x88, s3;
	s6 =	simm.s32 @!p1 $0x1082;
	[sflag:s4] =	ssyncset.s32 $0xFFFFF086  }
0x25: {  	[simem:s6], [sflag:s4] =	dma.local [hbm:s3], $0xF7A  }
0x26: {  	[smem:$0x3F8A] =	sst s1;
	(tag) =	ssettag s2;
	_ =	strace s9  }
0x27: {  	s1 =	sld [smem:$0x3F9A]  }
0x28: {  	s2 =	sld [smem:$0x3F9B]  }
0x29: {  	s4 =	sld [smem:$0x3F9D]  }
0x2a: {  	p0 =	seq.s32 s5, $0x0;
	s5 =	sld [smem:$0x3F9E]  }
0x2b: {  	s6 =	sld [smem:$0x3F9F]  }
0x2c: {  	s7 =	sld [smem:$0x3FA0]  }
0x2d: {  	s3 =	simm.s32 $0x108;
	s8 =	sld [smem:$0x3FA1]  }
0x2e: {  	s3 =	simm.s32 @!p0 $0x1082;
	s9 =	sld [smem:$0x3FA2]  }
0x2f: {  	lr =	sadd.s32 s0, s3;
	s0 =	sld [smem:$0x3F99]  }
0x30: {  	s3 =	sld [smem:$0x3F9C]  }
0x31: {  	[smem:$0x3FA5] =	sst s10  }
0x32: {  	s10 =	sld [smem:$0x3FA3];
	_ =	sdelay $0x3  }
0x33: {  	p0 =	seq.s32 s10, $0x1;
	s10 =	sld [smem:$0x3FA5];
	_ =	sdelay $0x3  }
0x34: {  	[smem:$0x3FA5] =	sst s10  }
0x35: {  	s10 =	sld [smem:$0x3FA4];
	_ =	sdelay $0x3  }
0x36: {  	p1 =	seq.s32 s10, $0x1;
	s10 =	sld [smem:$0x3FA5];
	_ =	sdelay $0x3  }
0x37: {  	[smem:$0x3FA5] =	sst s10  }
0x38: {  	s10 =	sld [smem:$0x3FA6]  }
0x39: {  	_ = 	snop;
	(pc) =	sbr.ind lr, $3  }
0x3a: {  	_ = 	snop  }
0x3b: {  	_ = 	snop  }
0x3c: {  	p2 =	seq.s32 s10, $0x1;
	s10 =	sld [smem:$0x3FA5]  }
0x3d: {  	_ =	shalt  }
0x3e: {  	_ =	shalt  }
0x3f: {  	_ =	shalt  }
0x40: {  	_ =	shalt  }
0x41: {  	_ =	shalt  }
0x42: {  	_ =	shalt  }
0x43: {  	_ =	shalt  }
0x44: {  	_ =	shalt  }
0x45: {  	_ =	shalt  }
0x46: {  	_ =	shalt  }
0x47: {  	_ =	shalt  }
0x48: {  	_ =	shalt  }
0x49: {  	_ =	shalt  }
0x4a: {  	_ =	shalt  }
0x4b: {  	_ =	shalt  }
0x4c: {  	_ =	shalt  }
0x4d: {  	_ =	shalt  }
0x4e: {  	_ =	shalt  }
0x4f: {  	_ =	shalt  }
0x50: {  	_ =	shalt  }
0x51: {  	_ =	shalt  }
0x52: {  	_ =	shalt  }
0x53: {  	_ =	shalt  }
0x54: {  	_ =	shalt  }
0x55: {  	_ =	shalt  }
0x56: {  	_ =	shalt  }
0x57: {  	_ =	shalt  }
0x58: {  	_ =	shalt  }
0x59: {  	_ =	shalt  }
0x5a: {  	_ =	shalt  }
0x5b: {  	_ =	shalt  }
0x5c: {  	_ =	shalt  }
0x5d: {  	_ =	shalt  }
0x5e: {  	_ =	shalt  }
0x5f: {  	_ =	shalt  }
0x60: {  	_ =	shalt  }
0x61: {  	_ =	shalt  }
0x62: {  	_ =	shalt  }
0x63: {  	_ =	shalt  }
0x64: {  	_ =	shalt  }
0x65: {  	_ =	shalt  }
0x66: {  	_ =	shalt  }
0x67: {  	_ =	shalt  }
0x68: {  	_ =	shalt  }
0x69: {  	_ =	shalt  }
0x6a: {  	_ =	shalt  }
0x6b: {  	_ =	shalt  }
0x6c: {  	_ =	shalt  }
0x6d: {  	_ =	shalt  }
0x6e: {  	_ =	shalt  }
0x6f: {  	_ =	shalt  }
0x70: {  	_ =	shalt  }
0x71: {  	_ =	shalt  }
0x72: {  	_ =	shalt  }
0x73: {  	_ =	shalt  }
0x74: {  	_ =	shalt  }
0x75: {  	_ =	shalt  }
0x76: {  	_ =	shalt  }
0x77: {  	_ =	shalt  }
0x78: {  	_ =	shalt  }
0x79: {  	_ =	shalt  }
0x7a: {  	_ =	shalt  }
0x7b: {  	_ =	shalt  }
0x7c: {  	_ =	shalt  }
0x7d: {  	_ =	shalt  }
0x7e: {  	_ =	shalt  }
0x7f: {  	_ =	shalt  }
0x80: {  	_ =	shalt  }
0x81: {  	_ =	shalt  }
0x82: {  	_ =	shalt  }
0x83: {  	_ =	shalt  }
0x84: {  	_ =	shalt  }
0x85: {  	_ =	shalt  }
0x86: {  	_ =	shalt  }
0x87: {  	_ =	shalt  }
.Lfunc_end0:
.L_simem_size_0:
called_computation.4_lowered:
.L_overlay_start_0:
0x88: {  	s2 =	sld [smem:$0x3FD9]  }
0x89: {  	s3 =	sld [smem:$0x3FFE];
	_ =	sdelay $0x1  }
0x8a: {  	s1 =	srdreg.scid  }
0x8b: {  	s0 =	sand.u32 $0x1, s1  }
0x8c: {  	s16 =	sshll.u32 s0, $0xA;
	s2 =	sadd.s32 s3, s2  }
0x8d: {  	s2 =	sadd.s32 s2, s16  }
0x8e: {  	[smem:$0x3FB1] =	sst s2  }
0x8f: {  	_ = 	snop  }
0x90: {  	(tm) =	ssettm $0x1  }
0x91: {  	s17 =	sld [smem:$0x3FFB];
	_ =	sdelay $0x3  }
0x92: {  	_ =	strace s17  }
0x93: {  	s2 =	sld [smem:$0x3FFC];
	_ =	sdelay $0x3  }
0x94: {  	_ =	strace s2  }
0x95: {  	s2 =	sld [smem:$0x3FFD];
	_ =	sdelay $0x3  }
0x96: {  	_ =	strace s2  }
0x97: {  	_ =	strace $0x8FFFFFFF  }
0x98: {  	s18 =	sld [smem:$0x3FDB];
	_ =	sdelay $0x1  }
0x99: {  	s19 =	simm.s32 $_scs_section_size  }
0x9a: {  	s4 =	simm.s32 $_size__tile_overlayer_lowered;
	s5 =	simm.s32 $_tile_overlayer_lowered  }
0x9b: {  	s22 =	simm.s32 $0x1BFF;
	s21 =	sshll.u32 s5, $0x1;
	s2 =	sadd.s32 s19, s18  }
0x9c: {  	s6 =	simm.s32 $0x0;
	s20 =	sshll.u32 s4, $0x1;
	s4 =	sadd.s32 s21, s2  }
0x9d: {  	[timem:s6], [sflag:s22] =	dma.local [hbm:s4], s20  }
0x9e: {  	_ =	swait.ge [sflag:s22], s20  }
0x9f: {  	s3 =	ssub.s32 $0x0, s20;
	[sflag:s22] =	ssyncset.done $0x0  }
0xa0: {  	[sflag:s22] =	ssyncadd.s32 s3;
	_ =	sdelay $0x1  }
0xa1: {  	s23 =	simm.s32 $0x1B8B  }
0xa2: {  	_ =	swait.ge [sflag:s23], $0x1  }
0xa3: {  	[sflag:s23] =	ssyncset.done $0x0  }
0xa4: {  	s25 =	simm.s32 $0x1B8E;
	s24 =	sld [smem:$0x3FFE];
	[sflag:s23] =	ssyncadd.s32 $0xFFFFFFFF  }
0xa5: {  	s26 =	simm.s32 $execute0_lowered;
	[smem:$0x3FD2] =	sst s25  }
0xa6: {  	s4 =	sshll.u32 s26, $0x1;
	_ =	strace $0x80000052;
	[dreg:$0x1] =	wrdreg $0xFFFFFFFF  }
0xa7: {  	s28 =	simm.s32 $_size_execute0_lowered;
	s2 =	sadd.s32 s2, s4;
	[dreg:$0x0] =	wrdreg $0x0  }
0xa8: {  	s4 =	sshll.u32 s28, $0x1;
	[dreg:$0x2] =	wrdreg s2  }
0xa9: {  	[dreg:$0x3] =	wrdreg s4  }
0xaa: {  	[dreg:$0x4] =	wrdreg $0xC0  }
0xab: {  	_ =	task [dreg:s6], $0x5FFFF  }
0xac: {  	[dreg:$0x1] =	wrdreg $0xFFFFFFFF  }
0xad: {  	[dreg:$0x0] =	wrdreg $0x60  }
0xae: {  	[dreg:$0x2] =	wrdreg s24  }
0xaf: {  	[dreg:$0x3] =	wrdreg $0x0  }
0xb0: {  	[dreg:$0x4] =	wrdreg $0x9  }
0xb1: {  	_ =	task.clear_ibuf [dreg:s6], $0x5FFFF;
	_ =	strace $0x90000052  }
0xb2: {  	s29 =	simm.s32 $0x9;
	_ =	strace $0x80000054  }
0xb3: {  	_ =	swait.ge [sflag:s29], $0x1  }
0xb4: {  	[sflag:s29] =	ssyncadd.s32 $0xFFFFFFFF  }
0xb5: {  	_ =	strace $0x90000054  }
0xb6: {  	_ =	sfence  }
0xb7: {  	s30 =	sld [smem:$0x0];
	_ =	sdelay $0x2  }
0xb8: {  	s31 =	sshll.u32 s1, $0xD;
	s1 =	sshrl.u32 s1, $0x2  }
0xb9: {  	s3 =	sand.u32 $0x4000, s31;
	s1 =	sadd.s32 s1, s30  }
0xba: {  	s0 =	sor.u32 s3, s0;
	s1 =	sshll.u32 s1, $0x11  }
0xbb: {  	s0 =	sor.u32 s1, s0  }
0xbc: {  	s0 =	sadd.s32 $0x8F2B, s0  }
0xbd: {  	[sflag:s0] =	ssyncadd.remote.s32 $0x1  }
0xbe: {  	_ =	sfence.sel $0xFFFF  }
0xbf: {  	[dreg:$0x0] =	wrdreg $0xFFFFFFFF;
	(pc) =	sbr.abs _section_cstart, $3  }
0xc0: {  	[dreg:$0x1] =	wrdreg $0xFFFFFFFF  }
0xc1: {  	_ =	task.clear_ibuf [dreg:s6], $0x2FFFF;
	_ =	strace $0x9FFFFFFF  }
0xc2: {  	(tm) =	ssettm $0x7FFFFFFF  }
0xc3: {  	_ =	shalt  }
tec
execute0_lowered:
.L_overlay_start_1:
0x0: {  	(tag) =	ssettag $0x1  }
0x1: {  	s5 =	rddreg [dreg:$0x0]  }
0x2: {  	s2 =	rddreg [dreg:$0x1]  }
0x3: {  	s0 =	rddreg [dreg:$0x2];
	s4 =	srdreg.scid  }
0x4: {  	s1 =	stileid.u32;
	s3 =	simm.s32 $0x0;
	s13 =	simm.s32 $0x7700  }
0x5: {  	s14 =	simm.s32 $0x9F00;
	s15 =	simm.s32 $0xD700;
	s16 =	simm.s32 $0x80  }
0x6: {  	s17 =	simm.s32 $0xC700;
	s18 =	simm.s32 $0x1;
	s19 =	simm.s32 $0x0  }
0x7: {  	s4 =	sand.u32 $0x1, s4;
	s8 =	smul.u32 $0x4F00, s1;
	[smem:$0x7FF] =	sst s3  }
0x8: {  	s6 =	sshll.u32 s4, $0x4;
	s7 =	smul.u32 $0x4F000, s4;
	_ =	strace $0x80000053  }
0x9: {  	s9 =	ssub.s32 $0x2, s4;
	s4 =	sadd.s32 $0x5200, s5;
	s6 =	sor.u32 s1, s6  }
0xa: {  	s10 =	sshrl.u32 s9, $0x1;
	s6 =	smul.u32 $0x500, s6;
	s7 =	sadd.s32 s8, s7  }
0xb: {  	s10 =	ssub.s32 s9, s10;
	s8 =	sadd.s32 s8, s2;
	s7 =	sshrl.u32 s7, $0x3  }
0xc: {  	s10 =	smax.u32 s10, $0x1;
	s11 =	sadd.s32 s6, s5;
	s12 =	sadd.s32 s7, s5  }
0xd: {  	s5 =	sadd.s32 $0x23000, s11;
	s6 =	sadd.s32 $0x19000, s11;
	s7 =	sadd.s32 $0xF000, s11  }
0xe: {  	v0 =	vimm.f32 $0.0e+00;
	s9 =	sadd.s32 $0x7B400, s12;
	s11 =	simm.s32 $0x4F00;
	s12 =	simm.s32 $0x2  }
.LBB2_1:
0xf: {  	[tilespmem:s11], [sflag:$0x2] =	stream.linear.gather [hbm4b:s5+s3], $0x2800, $0x38;
	[tilespmem:$0x12600] =	vst v63  }
0x10: {  	_ =	swait.ge [sflag:s12], $0x2800  }
0x11: {  	[sflag:s12] =	ssyncset.done $0x0  }
0x12: {  	[sflag:s12] =	ssyncadd.s32 $0xFFFFD800  }
0x13: {  	[tilespmem:s13], [sflag:$0x2] =	stream.linear.gather [hbm4b:s6+s3], $0x2800, $0x38;
	[tilespmem:$0x12600] =	vst v63  }
0x14: {  	_ =	swait.ge [sflag:s12], $0x2800  }
0x15: {  	[sflag:s12] =	ssyncset.done $0x0  }
0x16: {  	[sflag:s12] =	ssyncadd.s32 $0xFFFFD800  }
0x17: {  	[tilespmem:s14], [sflag:$0x2] =	stream.linear.gather [hbm4b:s7+s3], $0x2800, $0x38;
	[tilespmem:$0x12600] =	vst v63  }
0x18: {  	_ =	swait.ge [sflag:s12], $0x2800  }
0x19: {  	[sflag:s12] =	ssyncset.done $0x0  }
0x1a: {  	s20 =	simm.s32 $0x80;
	s21 =	simm.s32 $0x0;
	[sflag:s12] =	ssyncadd.s32 $0xFFFFD800  }
.LBB2_2:
0x1b: {  	p0 =	sne.s32 s20, $0x13B80;
	[tilespmem:s21+$0xD700] =	vst v0;
	s22 =	smov.u32 s20;
	s20 =	sadd.s32 $0x80, s20  }
.Ltmp0:
0x1c: {  	[tilespmem:s21+$0xD710] =	vst v0;
	(pc) =	sbr.rel @p0 .LBB2_2-.Ltmp0, $2  }
0x1d: {  	_ =	sdelay $0x2  }
0x1e: {  	s21 =	sshra.s32 s22, $0x2  }
0x1f: {  	[tilespmem:s21+$0xD700] =	vst v0  }
0x20: {  	[tilespmem:s21+$0xD710] =	vst v0  }
0x21: {  	[spmem:s8] =	stream.linear.scatter [tilespmem:s15], [sflag:$0x2], $0x4F00, $0x38;
	[tilespmem:$0x12600] =	vst v63  }
0x22: {  	_ =	swait.ge [sflag:s12], $0x4F00  }
0x23: {  	[sflag:s12] =	ssyncset.done $0x0  }
0x24: {  	[sflag:s12] =	ssyncadd.s32 $0xFFFFB100  }
0x25: {  	s20 =	simm.s32 $0x0;
	s21 =	simm.s32 $0x9F00;
	[bflag:$0x0] =	sbarrier.arrive $0xFFFF  }
.LBB2_4:
0x26: {  	s22 =	sshll.u32 s20, $0x7  }
0x27: {  	s23 =	sadd.s32 $0x4F00, s22  }
0x28: {  	[tilespmem:s17], [sflag:$0x1] =	stream.indirect.gather [hbm4b:s4+s16], $0x20, s23, s16, $0xb8;
	[tilespmem:$0x12600] =	vst v63  }
0x29: {  	_ =	swait.ge [sflag:s18], $0x1000  }
0x2a: {  	[sflag:s18] =	ssyncset.done $0x0  }
0x2b: {  	s23 =	simm.s32 $0xC800;
	[sflag:s18] =	ssyncadd.s32 $0xFFFFF000  }
0x2c: {  	v7 =	vld [tilespmem:s23+$0xFFFFFFA0]  }
0x2d: {  	v4 =	vld [tilespmem:s23+$0xFFFFFFF0]  }
0x2e: {  	v1 =	vld [tilespmem:s23+$0xFFFFFF60]  }
0x2f: {  	v5 =	vmov s21;
	v8 =	vld [tilespmem:s23+$0xFFFFFFD0]  }
0x30: {  	v9 =	vld [tilespmem:s23+$0x80]  }
0x31: {  	v12 =	vld [tilespmem:s23+$0xFFFFFF10]  }
0x32: {  	v16 =	vld [tilespmem:s23+$0xE0]  }
0x33: {  	s24 =	simm.s32 $0x0;
	v11 =	vld [tilespmem:s23+$0xFFFFFF40]  }
0x34: {  	v2 =	vld.idx.msk [tilespmem:v5+s24+$0x0 ss:$0x1], $0xffff  }
0x35: {  	v3 =	vld [tilespmem:s23+$0xFFFFFF90]  }
0x36: {  	v10 =	vld [tilespmem:s23+$0xFFFFFFC0]  }
0x37: {  	v13 =	vld [tilespmem:s23+$0xFFFFFF00]  }
0x38: {  	v14 =	vld [tilespmem:s23+$0xD0]  }
0x39: {  	v23 =	vld [tilespmem:s23+$0xC0]  }
0x3a: {  	v21 =	vld [tilespmem:s23+$0x90];
	v19 =	vbroadcast v2, $0x0;
	v6 =	vbroadcast v2, $0xF  }
0x3b: {  	v22 =	vld [tilespmem:s23+$0xFFFFFF50];
	v20 =	vbroadcast v2, $0x2;
	v18 =	vbroadcast v2, $0xE  }
0x3c: {  	v17 =	vld [tilespmem:s23+$0xB0];
	v15 =	vbroadcast v2, $0xC;
	v25 =	vmul.f32 v19, v13  }
0x3d: {  	s25 =	simm.s32 $0xC800;
	s24 =	simm.s32 $0x40;
	v13 =	vbroadcast v2, $0xD;
	v24 =	vmul.f32 v11, v20;
	v11 =	vld [tilespmem:s23+$0x60]  }
.LBB2_5:
0x3e: {  	p0 =	sne.s32 s24, $0x1C0  }
0x3f: {  	[tilespmem:s23+$0xFFFFFF00] =	vst v25;
	v25 =	vld [tilespmem:s23+$0xFFFFFFB0];
	v23 =	vmul.f32 v23, v18;
	v16 =	vmul.f32 v16, v6;
	s25 =	sadd.s32 $0x200, s25;
	s26 =	smov.u32 s24;
	s24 =	sadd.s32 $0x40, s24  }
0x40: {  	[tilespmem:s23+$0xFFFFFF40] =	vst v24;
	v24 =	vbroadcast v2, $0xA;
	v21 =	vmul.f32 v21, v15;
	v26 =	vld [tilespmem:s23+$0xA0]  }
0x41: {  	v12 =	vmul.f32 v12, v19;
	v19 =	vmul.f32 v22, v20;
	v20 =	vld [tilespmem:s23+$0x70];
	[tilespmem:s23+$0xE0] =	vst v16  }
0x42: {  	v16 =	vbroadcast v2, $0x5;
	v22 =	vld [tilespmem:s23+$0xFFFFFFE0];
	v17 =	vmul.f32 v17, v13;
	[tilespmem:s23+$0xC0] =	vst v23  }
0x43: {  	v14 =	vmul.f32 v14, v18;
	[tilespmem:s23+$0xFFFFFF10] =	vst v12;
	v12 =	vbroadcast v2, $0x6;
	v23 =	vld [tilespmem:s23+$0x40]  }
0x44: {  	v27 =	vbroadcast v2, $0xB;
	v7 =	vmul.f32 v7, v16;
	v18 =	vld [tilespmem:s23+$0xFFFFFF20];
	[tilespmem:s23+$0x90] =	vst v21  }
0x45: {  	[tilespmem:s23+$0xFFFFFF50] =	vst v19;
	v19 =	vbroadcast v2, $0x9;
	v21 =	vld [tilespmem:s23+$0x20];
	v13 =	vmul.f32 v26, v13  }
0x46: {  	v16 =	vmul.f32 v25, v16;
	v25 =	vld [tilespmem:s23+$0x50];
	v20 =	vmul.f32 v20, v27;
	[tilespmem:s23+$0xD0] =	vst v14  }
0x47: {  	v9 =	vmul.f32 v9, v15;
	v14 =	vbroadcast v2, $0x7;
	v26 =	vld [tilespmem:s23+$0x30];
	[tilespmem:s23+$0xA0] =	vst v13  }
0x48: {  	v10 =	vmul.f32 v10, v12;
	v13 =	vbroadcast v2, $0x3;
	v15 =	vld [tilespmem:s23+$0x0];
	[tilespmem:s23+$0x70] =	vst v20  }
0x49: {  	v11 =	vmul.f32 v11, v27;
	v8 =	vmul.f32 v8, v12;
	v12 =	vld [tilespmem:s23+$0x10];
	[tilespmem:s23+$0x80] =	vst v9  }
0x4a: {  	v20 =	vbroadcast v2, $0x8;
	v23 =	vmul.f32 v23, v24;
	v9 =	vld [tilespmem:s23+$0xFFFFFF30];
	[tilespmem:s23+$0xB0] =	vst v17  }
0x4b: {  	v17 =	vbroadcast v2, $0x1;
	v27 =	vld [tilespmem:s23+$0xFFFFFF70];
	[tilespmem:s23+$0xFFFFFFD0] =	vst v8;
	v24 =	vmul.f32 v25, v24  }
0x4c: {  	v4 =	vmul.f32 v4, v14;
	v8 =	vmul.f32 v22, v14;
	[tilespmem:s23+$0xFFFFFFC0] =	vst v10;
	v10 =	vld [tilespmem:s23+$0xF0]  }
0x4d: {  	v22 =	vmul.f32 v26, v19;
	v14 =	vld [tilespmem:s23+$0xFFFFFF80];
	[tilespmem:s23+$0xFFFFFFA0] =	vst v7;
	v15 =	vmul.f32 v15, v20  }
0x4e: {  	v7 =	vld [tilespmem:s25+$0xFFFFFFA0];
	[tilespmem:s23+$0xFFFFFFF0] =	vst v4;
	v20 =	vmul.f32 v12, v20;
	v12 =	vmul.f32 v21, v19  }
0x4f: {  	v4 =	vmul.f32 v18, v17;
	v17 =	vmul.f32 v9, v17;
	[tilespmem:s23+$0x60] =	vst v11  }
0x50: {  	v1 =	vmul.f32 v1, v13;
	v9 =	vmul.f32 v27, v13;
	[tilespmem:s23+$0xFFFFFFB0] =	vst v16  }
0x51: {  	v2 =	vbroadcast v2, $0x4;
	[tilespmem:s23+$0xFFFFFF20] =	vst v4;
	v4 =	vmul.f32 v10, v6  }
0x52: {  	[tilespmem:s23+$0xFFFFFF60] =	vst v1  }
0x53: {  	v6 =	vmul.f32 v14, v2;
	v1 =	vmul.f32 v3, v2;
	[tilespmem:s23+$0x40] =	vst v23  }
0x54: {  	[tilespmem:s23+$0xFFFFFFE0] =	vst v8  }
0x55: {  	[tilespmem:s23+$0xF0] =	vst v4  }
0x56: {  	[tilespmem:s23+$0xFFFFFF90] =	vst v1  }
0x57: {  	[tilespmem:s23+$0xFFFFFF70] =	vst v9  }
0x58: {  	v4 =	vld [tilespmem:s25+$0xFFFFFFF0];
	[tilespmem:s23+$0x20] =	vst v12  }
0x59: {  	v1 =	vld [tilespmem:s25+$0xFFFFFF60];
	[tilespmem:s23+$0x30] =	vst v22  }
0x5a: {  	v8 =	vld [tilespmem:s25+$0xFFFFFFD0];
	[tilespmem:s23+$0xFFFFFF80] =	vst v6  }
0x5b: {  	v9 =	vld [tilespmem:s25+$0x80];
	[tilespmem:s23+$0x50] =	vst v24  }
0x5c: {  	v12 =	vld [tilespmem:s25+$0xFFFFFF10];
	[tilespmem:s23+$0x0] =	vst v15  }
0x5d: {  	v16 =	vld [tilespmem:s25+$0xE0];
	[tilespmem:s23+$0xFFFFFF30] =	vst v17  }
0x5e: {  	s26 =	sshra.s32 s26, $0x2;
	v11 =	vld [tilespmem:s25+$0xFFFFFF40];
	[tilespmem:s23+$0x10] =	vst v20;
	s23 =	smov.u32 s25  }
0x5f: {  	v2 =	vld.idx.msk [tilespmem:v5+s26+$0x0 ss:$0x1], $0xffff  }
0x60: {  	v3 =	vld [tilespmem:s25+$0xFFFFFF90]  }
0x61: {  	v10 =	vld [tilespmem:s25+$0xFFFFFFC0]  }
0x62: {  	v13 =	vld [tilespmem:s25+$0xFFFFFF00]  }
0x63: {  	v14 =	vld [tilespmem:s25+$0xD0]  }
.Ltmp1:
0x64: {  	v23 =	vld [tilespmem:s25+$0xC0];
	(pc) =	sbr.rel @p0 .LBB2_5-.Ltmp1, $4  }
0x65: {  	v19 =	vbroadcast v2, $0x0;
	v6 =	vbroadcast v2, $0xF;
	v21 =	vld [tilespmem:s25+$0x90]  }
0x66: {  	v20 =	vbroadcast v2, $0x2;
	v18 =	vbroadcast v2, $0xE;
	v22 =	vld [tilespmem:s25+$0xFFFFFF50]  }
0x67: {  	v25 =	vmul.f32 v19, v13;
	v13 =	vbroadcast v2, $0xD;
	v17 =	vld [tilespmem:s25+$0xB0]  }
0x68: {  	v15 =	vbroadcast v2, $0xC;
	v24 =	vmul.f32 v11, v20;
	v11 =	vld [tilespmem:s25+$0x60]  }
0x69: {  	[tilespmem:s23+$0xFFFFFF00] =	vst v25;
	v5 =	vmul.f32 v16, v6  }
0x6a: {  	v30 =	vmul.f32 v23, v18;
	[tilespmem:s23+$0xFFFFFF40] =	vst v24  }
0x6b: {  	v12 =	vmul.f32 v12, v19;
	[tilespmem:s23+$0xE0] =	vst v5  }
0x6c: {  	v35 =	vmul.f32 v14, v18;
	[tilespmem:s23+$0xC0] =	vst v30  }
0x6d: {  	v33 =	vmul.f32 v21, v15;
	[tilespmem:s23+$0xFFFFFF10] =	vst v12  }
0x6e: {  	v41 =	vbroadcast v2, $0x6;
	v9 =	vmul.f32 v9, v15;
	[tilespmem:s23+$0xD0] =	vst v35  }
0x6f: {  	v20 =	vmul.f32 v22, v20;
	[tilespmem:s23+$0x90] =	vst v33  }
0x70: {  	v45 =	vbroadcast v2, $0x5;
	v8 =	vmul.f32 v8, v41;
	[tilespmem:s23+$0x80] =	vst v9  }
0x71: {  	v47 =	vbroadcast v2, $0x7;
	v10 =	vmul.f32 v10, v41;
	[tilespmem:s23+$0xFFFFFF50] =	vst v20  }
0x72: {  	v54 =	vbroadcast v2, $0x3;
	v7 =	vmul.f32 v7, v45;
	[tilespmem:s23+$0xFFFFFFD0] =	vst v8  }
0x73: {  	v31 =	vld [tilespmem:s23+$0xA0];
	v59 =	vbroadcast v2, $0x4;
	v4 =	vmul.f32 v4, v47;
	[tilespmem:s23+$0xFFFFFFC0] =	vst v10  }
0x74: {  	v32 =	vld [tilespmem:s23+$0x70];
	v1 =	vmul.f32 v1, v54;
	[tilespmem:s23+$0xFFFFFFA0] =	vst v7  }
0x75: {  	v34 =	vld [tilespmem:s23+$0xFFFFFFB0];
	v37 =	vbroadcast v2, $0xB;
	v3 =	vmul.f32 v3, v59;
	[tilespmem:s23+$0xFFFFFFF0] =	vst v4  }
0x76: {  	v36 =	vld [tilespmem:s23+$0xFFFFFF20];
	v43 =	vmul.f32 v17, v13;
	[tilespmem:s23+$0xFFFFFF60] =	vst v1  }
0x77: {  	v40 =	vld [tilespmem:s23+$0x40];
	v11 =	vmul.f32 v11, v37;
	[tilespmem:s23+$0xFFFFFF90] =	vst v3  }
0x78: {  	v38 =	vld [tilespmem:s23+$0xFFFFFFE0];
	v39 =	vmul.f32 v31, v13;
	[tilespmem:s23+$0xB0] =	vst v43  }
0x79: {  	v52 =	vbroadcast v2, $0x1;
	v55 =	vld [tilespmem:s23+$0xF0];
	v19 =	vmul.f32 v32, v37;
	[tilespmem:s23+$0x60] =	vst v11  }
0x7a: {  	v49 =	vld [tilespmem:s23+$0xFFFFFF70];
	v56 =	vbroadcast v2, $0xA;
	v53 =	vmul.f32 v34, v45;
	[tilespmem:s23+$0xA0] =	vst v39  }
0x7b: {  	v46 =	vld [tilespmem:s23+$0x30];
	v14 =	vmul.f32 v36, v52;
	[tilespmem:s23+$0x70] =	vst v19  }
0x7c: {  	v50 =	vld [tilespmem:s23+$0xFFFFFF80];
	v58 =	vmul.f32 v40, v56;
	[tilespmem:s23+$0xFFFFFFB0] =	vst v53  }
0x7d: {  	v44 =	vld [tilespmem:s23+$0x20];
	v5 =	vmul.f32 v38, v47;
	[tilespmem:s23+$0xFFFFFF20] =	vst v14  }
0x7e: {  	v57 =	vld [tilespmem:s23+$0xFFFFFF30];
	v60 =	vbroadcast v2, $0x9;
	v1 =	vmul.f32 v55, v6;
	[tilespmem:s23+$0x40] =	vst v58  }
0x7f: {  	v42 =	vld [tilespmem:s23+$0x50];
	v61 =	vmul.f32 v49, v54;
	[tilespmem:s23+$0xFFFFFFE0] =	vst v5  }
0x80: {  	v48 =	vld [tilespmem:s23+$0x0];
	v3 =	vmul.f32 v46, v60;
	[tilespmem:s23+$0xF0] =	vst v1  }
0x81: {  	v51 =	vld [tilespmem:s23+$0x10];
	v62 =	vmul.f32 v50, v59;
	[tilespmem:s23+$0xFFFFFF70] =	vst v61  }
0x82: {  	v1 =	vmul.f32 v44, v60;
	[tilespmem:s23+$0x30] =	vst v3  }
0x83: {  	v2 =	vbroadcast v2, $0x8;
	v63 =	vmul.f32 v57, v52;
	[tilespmem:s23+$0xFFFFFF80] =	vst v62  }
0x84: {  	[tilespmem:s23+$0x20] =	vst v1;
	v1 =	vmul.f32 v42, v56  }
0x85: {  	v3 =	vmul.f32 v48, v2;
	[tilespmem:s23+$0xFFFFFF30] =	vst v63  }
0x86: {  	s20 =	sadd.s32 $0x1, s20;
	[tilespmem:s23+$0x50] =	vst v1;
	v1 =	vmul.f32 v51, v2  }
0x87: {  	p0 =	sne.s32 s20, $0x50;
	[tilespmem:s23+$0x0] =	vst v3  }
.Ltmp2:
0x88: {  	s22 =	sadd.s32 $0x7700, s22;
	[tilespmem:s23+$0x10] =	vst v1;
	(pc) =	sbr.rel @p0 .LBB2_4-.Ltmp2, $4  }
0x89: {  	[spmem:s2] =	stream.indirect.scatter.add.f32 [tilespmem:s17], [sflag:$0x2], $0x20, s22, s16, $0xb8;
	[tilespmem:$0x12600] =	vst v63  }
0x8a: {  	_ =	swait.ge [sflag:s12], $0x1000  }
0x8b: {  	[sflag:s12] =	ssyncset.done $0x0  }
0x8c: {  	s21 =	sadd.s32 $0x80, s21;
	[sflag:s12] =	ssyncadd.s32 $0xFFFFF000  }
0x8d: {  	s19 =	sadd.s32 $0x1, s19  }
0x8e: {  	s20 =	sshll.u32 s1, $0x6;
	[bflag:$0x0] =	sbarrier.arrive $0xFFFF;
	p0 =	sne.s32 s19, s10  }
.Ltmp3:
0x8f: {  	s21 =	sshrl.u32 s8, $0x3;
	s20 =	sor.u32 $0x1C02, s20;
	(pc) =	sbr.rel @p0 .LBB2_1-.Ltmp3, $4  }
0x90: {  	[hbm:s9], [sflag:s20] =	dma.local [spmem:s21], $0x9E0  }
0x91: {  	_ =	swait.ge [sflag:s12], $0x9E0  }
0x92: {  	[sflag:s12] =	ssyncset.done $0x0  }
0x93: {  	[sflag:s12] =	ssyncadd.s32 $0xFFFFF620  }
0x94: {  	_ =	sfence.sel $0x180000  }
0x95: {  	[bflag:$0x0] =	sbarrier.arrive $0xFFFF  }
0x96: {  	p0 =	sne.s32 s1, $0x0;
	_ =	strace $0x90000053  }
0x97: {  	s0 =	sadd.s32 @!p0 $0x100000, s0;
	[bflag:$0x2] =	sbarrier.arrive $0xFFFF  }
0x98: {  	[sflag:s0] =	ssyncadd.tile.s32 @!p0 $0x1;
	_ =	shalt  }
.Lfunc_end2:
_tile_overlayer_lowered:
.L_overlay_start_2:
0x99: {  	(tag) =	ssettag $0x2  }
0x9a: {  	s0 =	rddreg [dreg:$0x0];
	s2 =	stileid.u32  }
0x9b: {  	s1 =	rddreg [dreg:$0x1];
	p0 =	sne.s32 s2, $0x0  }
0x9c: {  	s3 =	rddreg [dreg:$0x2];
	[bflag:$0x3] =	sbarrier.arrive $0xFFFF;
	s2 =	simm.s32 @!p0 $0x1C02  }
0x9d: {  	[timem:s3], [sflag:s2] =	dma.local @!p0 [hbm:s0], s1  }
0x9e: {  	s0 =	simm.s32 @!p0 $0x2  }
0x9f: {  	_ =	swait.ge @!p0 [sflag:s0], s1  }
0xa0: {  	s1 =	ssub.s32 @!p0 $0x0, s1;
	[sflag:s0] =	ssyncset.done @!p0 $0x0  }
0xa1: {  	[sflag:s0] =	ssyncadd.s32 @!p0 s1  }
0xa2: {  	[bflag:$0x3] =	sbarrier.arrive $0xFFFF  }
0xa3: {  	_ =	shalt  }

</sc_bundles>
